<compile_context>
chip_gen: v7x
topology: tpu7x:2x2x1
jax: 0.10.2.dev20260603
libtpu: 0.0.44.dev20260713+nightly
codegen_flags: <defaults>
</compile_context>

<pallas_src>
import functools

import jax
import jax.numpy as jnp
from jax import lax
from jax.experimental import pallas as pl
from jax.experimental.pallas import tpu as pltpu
from jax.experimental.pallas import tpu_sc as plsc

B = 16384
D = 64
NC = 2
NS = 16
NW = NC * NS
BPW = B // NW
P = 8
PB = B // P
BPWP = PB // NW


def _sc_gather2(uid, iid, ue, ie):
    mesh = plsc.VectorSubcoreMesh(core_axis_name="c", subcore_axis_name="s")

    @functools.partial(
        pl.kernel,
        mesh=mesh,
        out_type=[jax.ShapeDtypeStruct((B, D), jnp.float32) for _ in range(2)],
        scratch_types=[
            pltpu.VMEM((BPW,), jnp.int32),
            pltpu.VMEM((BPW, D), jnp.float32),
            [pltpu.SemaphoreType.DMA for _ in range(8)],
        ],
        compiler_params=pltpu.CompilerParams(
            use_tc_tiling_on_sc=True, needs_layout_passes=False),
        cost_estimate=pl.CostEstimate(
            flops=1_000_000, transcendentals=0, bytes_accessed=2_000_000_000),
    )
    def k(uid_h, iid_h, ue_h, ie_h, u_o, i_o, idx_v, rows_v, sems):
        wid = lax.axis_index("s") * NC + lax.axis_index("c")
        base = wid * BPW
        lane16 = lax.iota(jnp.int32, 16)

        for ids_h, tab_h, out_h in ((uid_h, ue_h, u_o), (iid_h, ie_h, i_o)):
            pltpu.sync_copy(ids_h.at[pl.ds(base, BPW)], idx_v)

            def fire(g):
                v = idx_v[pl.ds(g * 16, 16)]
                for j in range(16):
                    row = jnp.sum(jnp.where(lane16 == j, v, 0))
                    pltpu.async_copy(
                        tab_h.at[row], rows_v.at[g * 16 + j], sems[j % 8])

            def drain(g):
                for k8 in range(8):
                    pltpu.make_async_copy(
                        tab_h.at[pl.ds(0, 2)],
                        rows_v.at[pl.ds(g * 16 + 2 * k8, 2)], sems[k8]).wait()

            fire(0)

            def group_body(g):
                @pl.when(g + 1 < BPW // 16)
                def _():
                    fire(g + 1)
                drain(g)

            pl.loop(0, BPW // 16)(group_body)
            pltpu.sync_copy(rows_v, out_h.at[pl.ds(base, BPW)])

    return k(uid, iid, ue, ie)


TCC = 2048
FIRE = 256


def _tc_d0_body(uid_r, iid_r, ue_r, ie_r, s_r, o_r,
                uids_s, iids_s, urows_v, irows_v, sem_i, sem_u, sem_v):
    pltpu.make_async_copy(uid_r.at[pl.ds(0, TCC)], uids_s, sem_i).start()
    pltpu.make_async_copy(iid_r.at[pl.ds(0, TCC)], iids_s, sem_i).start()
    pltpu.make_async_copy(uid_r.at[pl.ds(0, TCC)], uids_s, sem_i).wait()
    pltpu.make_async_copy(iid_r.at[pl.ds(0, TCC)], iids_s, sem_i).wait()

    def burst(b):
        def fire(j):
            k = b * FIRE + j
            pltpu.make_async_copy(
                ue_r.at[uids_s[k]], urows_v.at[k], sem_u).start()
            pltpu.make_async_copy(
                ie_r.at[iids_s[k]], irows_v.at[k], sem_v).start()
        pl.loop(0, FIRE, unroll=8)(fire)

        def drain(j):
            k = b * FIRE + j
            pltpu.make_async_copy(ue_r.at[0], urows_v.at[k], sem_u).wait()
            pltpu.make_async_copy(ie_r.at[0], irows_v.at[k], sem_v).wait()
        pl.loop(0, FIRE, unroll=8)(drain)

    pl.loop(0, TCC // FIRE)(burst)

    p = jnp.dot(urows_v[...], s_r[...], preferred_element_type=jnp.float32)
    o_r[...] = jnp.sum(p * irows_v[...], axis=1, keepdims=True)


def _tc_domain0(uid0, iid0, ue0, ie0, s_0):
    nb = PB // TCC
    return pl.pallas_call(
        _tc_d0_body,
        grid=(nb,),
        in_specs=[
            pl.BlockSpec(memory_space=pl.ANY),
            pl.BlockSpec(memory_space=pl.ANY),
            pl.BlockSpec(memory_space=pl.ANY),
            pl.BlockSpec(memory_space=pl.ANY),
            pl.BlockSpec((D, D), lambda i: (0, 0)),
        ],
        out_specs=pl.BlockSpec((TCC, 1), lambda i: (i, 0)),
        out_shape=jax.ShapeDtypeStruct((PB, 1), jnp.float32),
        scratch_shapes=[
            pltpu.SMEM((TCC,), jnp.int32),
            pltpu.SMEM((TCC,), jnp.int32),
            pltpu.VMEM((TCC, D), jnp.float32),
            pltpu.VMEM((TCC, D), jnp.float32),
            pltpu.SemaphoreType.DMA,
            pltpu.SemaphoreType.DMA,
            pltpu.SemaphoreType.DMA,
        ],
    )(uid0, iid0, ue0, ie0, s_0)


def _tc_body(u0_r, i0_r, u1_r, i1_r, s0_r, s1_r, o0_r, o1_r):
    p0 = jnp.dot(u0_r[...], s0_r[...], preferred_element_type=jnp.float32)
    o0_r[...] = jnp.sum(p0 * i0_r[...], axis=1, keepdims=True)
    p1 = jnp.dot(u1_r[...], s1_r[...], preferred_element_type=jnp.float32)
    o1_r[...] = jnp.sum(p1 * i1_r[...], axis=1, keepdims=True)


def _tc_dense(u0, i0, u1, i1, s_0, s_1):
    R = 2048
    nb = B // R
    row_spec = pl.BlockSpec((R, D), lambda i: (i, 0))
    s_spec = pl.BlockSpec((D, D), lambda i: (0, 0))
    out_spec = pl.BlockSpec((R, 1), lambda i: (i, 0))
    return pl.pallas_call(
        _tc_body,
        grid=(nb,),
        in_specs=[row_spec, row_spec, row_spec, row_spec, s_spec, s_spec],
        out_specs=[out_spec, out_spec],
        out_shape=[jax.ShapeDtypeStruct((B, 1), jnp.float32) for _ in range(2)],
    )(u0, i0, u1, i1, s_0, s_1)


def _tc_d1_body(u1_r, i1_r, s1_r, o1_r):
    p1 = jnp.dot(u1_r[...], s1_r[...], preferred_element_type=jnp.float32)
    o1_r[...] = jnp.sum(p1 * i1_r[...], axis=1, keepdims=True)


def _tc_dense1(u1, i1, s_1):
    R = 2048
    nb = B // R
    row_spec = pl.BlockSpec((R, D), lambda i: (i, 0))
    return pl.pallas_call(
        _tc_d1_body,
        grid=(nb,),
        in_specs=[row_spec, row_spec, pl.BlockSpec((D, D), lambda i: (0, 0))],
        out_specs=pl.BlockSpec((R, 1), lambda i: (i, 0)),
        out_shape=jax.ShapeDtypeStruct((B, 1), jnp.float32),
    )(u1, i1, s_1)


def kernel(user_ids_0, item_ids_0, user_ids_1, item_ids_1,
           user_emb_0, user_emb_1, item_emb_0, item_emb_1,
           S0, St_0, St_1):
    s_0 = jnp.concatenate([S0, St_0], axis=1)
    s_1 = jnp.concatenate([S0, St_1], axis=1)
    u0, i0 = _sc_gather2(user_ids_0, item_ids_0, user_emb_0, item_emb_0)
    u1, i1 = _sc_gather2(user_ids_1, item_ids_1, user_emb_1, item_emb_1)
    o0, o1 = _tc_dense(u0, i0, u1, i1, s_0, s_1)
    return jnp.concatenate([o0.reshape(1, B), o1.reshape(1, B)], axis=0)

# --- scband reference (transcript-rebuilt; emitter-appended) ---
"""Pipeline reference for scband-clfm-sgd-11553462026466 (READ-ONLY COPY).

The authoritative reference and input builder live on the scoring server;
editing this copy changes nothing except your own understanding.
"""

import jax, jax.numpy as jnp
import numpy as np

USER_CNT = [1000000, 1000000]
ITEM_CNT = [1000000, 1000000]
USER_K = 64
ITEM_K = [64, 64]
COMMON_K = 32
BATCH = 16384


def setup_inputs(seed: int = 0) -> dict:
    key = jax.random.key(seed)
    ks = jax.random.split(key, 16)
    inp = {}
    inp['user_ids_0'] = jax.random.randint(ks[0], (BATCH,), 0, USER_CNT[0], dtype=jnp.int64 if jax.config.jax_enable_x64 else jnp.int32)
    inp['item_ids_0'] = jax.random.randint(ks[1], (BATCH,), 0, ITEM_CNT[0], dtype=jnp.int64 if jax.config.jax_enable_x64 else jnp.int32)
    inp['user_ids_1'] = jax.random.randint(ks[2], (BATCH,), 0, USER_CNT[1], dtype=jnp.int64 if jax.config.jax_enable_x64 else jnp.int32)
    inp['item_ids_1'] = jax.random.randint(ks[3], (BATCH,), 0, ITEM_CNT[1], dtype=jnp.int64 if jax.config.jax_enable_x64 else jnp.int32)
    inp['user_emb_0'] = jax.random.normal(ks[4], (USER_CNT[0], USER_K), dtype=jnp.float32) * 0.001
    inp['user_emb_1'] = jax.random.normal(ks[5], (USER_CNT[1], USER_K), dtype=jnp.float32) * 0.001
    inp['item_emb_0'] = jax.random.normal(ks[6], (ITEM_CNT[0], ITEM_K[0]), dtype=jnp.float32) * 0.001
    inp['item_emb_1'] = jax.random.normal(ks[7], (ITEM_CNT[1], ITEM_K[1]), dtype=jnp.float32) * 0.001
    inp['S0'] = jax.random.normal(ks[8], (USER_K, COMMON_K), dtype=jnp.float32) * 0.001
    inp['St_0'] = jax.random.normal(ks[9], (USER_K, ITEM_K[0] - COMMON_K), dtype=jnp.float32) * 0.01
    inp['St_1'] = jax.random.normal(ks[10], (USER_K, ITEM_K[1] - COMMON_K), dtype=jnp.float32) * 0.01
    return inp


def reference(user_ids_0, item_ids_0, user_ids_1, item_ids_1,
              user_emb_0, user_emb_1, item_emb_0, item_emb_1,
              S0, St_0, St_1):
    user_ids = [user_ids_0, user_ids_1]
    item_ids = [item_ids_0, item_ids_1]
    user_embs = [user_emb_0, user_emb_1]
    item_embs = [item_emb_0, item_emb_1]
    Sts = [St_0, St_1]
    preds = []
    for d in range(2):
        user = jnp.take(user_embs[d], user_ids[d], axis=0)   # [B, user_k]
        item = jnp.take(item_embs[d], item_ids[d], axis=0)   # [B, item_k]
        S = jnp.concatenate([S0, Sts[d]], axis=1)             # [user_k, item_k]
        preds.append(jnp.sum((user @ S) * item, axis=-1))     # [B]
    return jnp.stack(preds, axis=0)                           # [2, B]

if __name__ == "__main__":
    import jax
    _d = setup_inputs()
    print(jax.jit(kernel)(*tuple(_d.values())))

</pallas_src>

<mosaic_0001>
#map = affine_map<(d0, d1) -> (0)>
#map1 = affine_map<(d0, d1) -> (0, 0)>
module attributes {stable_mosaic.version = 14 : i64} {
  func.func @k(%arg0: i32, %arg1: i32, %arg2: memref<16384xi32, #tpu.memory_space<hbm>>, %arg3: memref<16384xi32, #tpu.memory_space<hbm>>, %arg4: memref<1000000x64xf32, #tpu.memory_space<hbm>>, %arg5: memref<1000000x64xf32, #tpu.memory_space<hbm>>, %arg6: memref<16384x64xf32, #tpu.memory_space<hbm>>, %arg7: memref<16384x64xf32, #tpu.memory_space<hbm>>, %arg8: memref<512xi32, #tpu.memory_space<vmem>>, %arg9: memref<512x64xf32, #tpu.memory_space<vmem>>, %arg10: memref<!tpu.dma_semaphore, #tpu.memory_space<semaphore_mem>>, %arg11: memref<!tpu.dma_semaphore, #tpu.memory_space<semaphore_mem>>, %arg12: memref<!tpu.dma_semaphore, #tpu.memory_space<semaphore_mem>>, %arg13: memref<!tpu.dma_semaphore, #tpu.memory_space<semaphore_mem>>, %arg14: memref<!tpu.dma_semaphore, #tpu.memory_space<semaphore_mem>>, %arg15: memref<!tpu.dma_semaphore, #tpu.memory_space<semaphore_mem>>, %arg16: memref<!tpu.dma_semaphore, #tpu.memory_space<semaphore_mem>>, %arg17: memref<!tpu.dma_semaphore, #tpu.memory_space<semaphore_mem>>) attributes {dimension_semantics = [#tpu.dimension_semantics<core_parallel>, #tpu.dimension_semantics<subcore_parallel>], iteration_bounds = array<i64: 2, 16>, scalar_prefetch = 0 : i64, scratch_operands = 10 : i64, tpu.core_type = #tpu.core_type<sc_vector_subcore>, window_params = [{transform_indices = #map}, {transform_indices = #map}, {transform_indices = #map1}, {transform_indices = #map1}, {transform_indices = #map1}, {transform_indices = #map1}]} {
    %mul3A = arith.constant 2 : i32
    %mul3A_0 = arith.muli %arg1, %mul3A : i32
    %add3A = arith.addi %mul3A_0, %arg0 : i32
    %mul3A_1 = arith.constant 512 : i32
    %mul3A_2 = arith.muli %add3A, %mul3A_1 : i32
    %iota3A = tpu.iota {dimensions = array<i32: 0>} : vector<16xi32>
    "tpu.region"() ({
      %run_scoped3A = tpu.sem_alloc : memref<!tpu.dma_semaphore, #tpu.memory_space<semaphore_mem>>
      %dma_start3A_745 = tpu.memref_slice %arg2[%mul3A_2] : memref<16384xi32, #tpu.memory_space<hbm>> -> memref<512xi32, #tpu.memory_space<hbm>>
      %dma_start3A_746 = tpu.memref_slice %arg2[%mul3A_2] : memref<16384xi32, #tpu.memory_space<hbm>> -> memref<512xi32, #tpu.memory_space<hbm>>
      tpu.enqueue_dma source(%dma_start3A_746 : memref<512xi32, #tpu.memory_space<hbm>>) target(%arg8 : memref<512xi32, #tpu.memory_space<vmem>>) target_semaphore(%run_scoped3A : memref<!tpu.dma_semaphore, #tpu.memory_space<semaphore_mem>>)
      %dma_wait3A = tpu.memref_slice %arg2[%mul3A_2] : memref<16384xi32, #tpu.memory_space<hbm>> -> memref<512xi32, #tpu.memory_space<hbm>>
      %dma_wait3A_747 = tpu.memref_slice %arg2[%mul3A_2] : memref<16384xi32, #tpu.memory_space<hbm>> -> memref<512xi32, #tpu.memory_space<hbm>>
      tpu.wait_dma2 semaphore(%run_scoped3A : memref<!tpu.dma_semaphore, #tpu.memory_space<semaphore_mem>>) src(%dma_wait3A_747 : memref<512xi32, #tpu.memory_space<hbm>>) dst(%arg8 : memref<512xi32, #tpu.memory_space<vmem>>)
      tpu.yield
    }) : () -> ()
    %get3A = arith.constant 0 : index
    %get3A_3 = tpu.vector_load %arg8[%get3A] {strides = array<i32>} : memref<512xi32, #tpu.memory_space<vmem>>, vector<16xi32>,
    %eq3A = arith.constant 0 : i32
    %eq3A_4 = vector.broadcast %eq3A : i32 to vector<16xi32>
    %eq3A_5 = arith.cmpi eq, %iota3A, %eq3A_4 : vector<16xi32>
    %jit3A = arith.constant 0 : i32
    %broadcast_in_dim3A = vector.broadcast %jit3A : i32 to vector<16xi32>
    %select_n3A = arith.select %eq3A_5, %get3A_3, %broadcast_in_dim3A : vector<16xi1>, vector<16xi32>
    %reduce_sum3A = arith.constant true
    %reduce_sum3A_6 = vector.broadcast %reduce_sum3A : i1 to vector<16xi1>
    %reduce_sum3A_7 = tpu.scan <sum>, %select_n3A masked %reduce_sum3A_6 : vector<16xi32>, vector<16xi1> -> vector<16xi32>
    %reduce_sum3A_8 = vector.extract %reduce_sum3A_7[15] : i32 from vector<16xi32>
    %dma_start3A = arith.constant 0 : i32
    %dma_start3A_9 = arith.constant 0 : i32
    %dma_start3A_10 = tpu.memref_slice %arg9[%dma_start3A, %dma_start3A_9] : memref<512x64xf32, #tpu.memory_space<vmem>> -> memref<1x64xf32, #tpu.memory_space<vmem>>
    %dma_start3A_11 = tpu.memref_squeeze %dma_start3A_10 : memref<1x64xf32, #tpu.memory_space<vmem>> -> memref<64xf32, #tpu.memory_space<vmem>>
    %dma_start3A_12 = arith.constant 0 : i32
    %dma_start3A_13 = tpu.memref_slice %arg4[%reduce_sum3A_8, %dma_start3A_12] : memref<1000000x64xf32, #tpu.memory_space<hbm>> -> memref<1x64xf32, #tpu.memory_space<hbm>>
    %dma_start3A_14 = tpu.memref_squeeze %dma_start3A_13 : memref<1x64xf32, #tpu.memory_space<hbm>> -> memref<64xf32, #tpu.memory_space<hbm>>
    %dma_start3A_15 = arith.constant 0 : i32
    %dma_start3A_16 = tpu.memref_slice %arg9[%dma_start3A, %dma_start3A_15] : memref<512x64xf32, #tpu.memory_space<vmem>> -> memref<1x64xf32, #tpu.memory_space<vmem>>
    %dma_start3A_17 = tpu.memref_squeeze %dma_start3A_16 : memref<1x64xf32, #tpu.memory_space<vmem>> -> memref<64xf32, #tpu.memory_space<vmem>>
    %dma_start3A_18 = arith.constant 0 : i32
    %dma_start3A_19 = tpu.memref_slice %arg4[%reduce_sum3A_8, %dma_start3A_18] : memref<1000000x64xf32, #tpu.memory_space<hbm>> -> memref<1x64xf32, #tpu.memory_space<hbm>>
    %dma_start3A_20 = tpu.memref_squeeze %dma_start3A_19 : memref<1x64xf32, #tpu.memory_space<hbm>> -> memref<64xf32, #tpu.memory_space<hbm>>
    tpu.enqueue_dma source(%dma_start3A_20 : memref<64xf32, #tpu.memory_space<hbm>>) target(%dma_start3A_17 : memref<64xf32, #tpu.memory_space<vmem>>) target_semaphore(%arg10 : memref<!tpu.dma_semaphore, #tpu.memory_space<semaphore_mem>>)
    %eq3A_21 = arith.constant 1 : i32
    %eq3A_22 = vector.broadcast %eq3A_21 : i32 to vector<16xi32>
    %eq3A_23 = arith.cmpi eq, %iota3A, %eq3A_22 : vector<16xi32>
    %jit3A_24 = arith.constant 0 : i32
    %broadcast_in_dim3A_25 = vector.broadcast %jit3A_24 : i32 to vector<16xi32>
    %select_n3A_26 = arith.select %eq3A_23, %get3A_3, %broadcast_in_dim3A_25 : vector<16xi1>, vector<16xi32>
    %reduce_sum3A_27 = arith.constant true
    %reduce_sum3A_28 = vector.broadcast %reduce_sum3A_27 : i1 to vector<16xi1>
    %reduce_sum3A_29 = tpu.scan <sum>, %select_n3A_26 masked %reduce_sum3A_28 : vector<16xi32>, vector<16xi1> -> vector<16xi32>
    %reduce_sum3A_30 = vector.extract %reduce_sum3A_29[15] : i32 from vector<16xi32>
    %dma_start3A_31 = arith.constant 1 : i32
    %dma_start3A_32 = arith.constant 0 : i32
    %dma_start3A_33 = tpu.memref_slice %arg9[%dma_start3A_31, %dma_start3A_32] : memref<512x64xf32, #tpu.memory_space<vmem>> -> memref<1x64xf32, #tpu.memory_space<vmem>>
    %dma_start3A_34 = tpu.memref_squeeze %dma_start3A_33 : memref<1x64xf32, #tpu.memory_space<vmem>> -> memref<64xf32, #tpu.memory_space<vmem>>
    %dma_start3A_35 = arith.constant 0 : i32
    %dma_start3A_36 = tpu.memref_slice %arg4[%reduce_sum3A_30, %dma_start3A_35] : memref<1000000x64xf32, #tpu.memory_space<hbm>> -> memref<1x64xf32, #tpu.memory_space<hbm>>
    %dma_start3A_37 = tpu.memref_squeeze %dma_start3A_36 : memref<1x64xf32, #tpu.memory_space<hbm>> -> memref<64xf32, #tpu.memory_space<hbm>>
    %dma_start3A_38 = arith.constant 0 : i32
    %dma_start3A_39 = tpu.memref_slice %arg9[%dma_start3A_31, %dma_start3A_38] : memref<512x64xf32, #tpu.memory_space<vmem>> -> memref<1x64xf32, #tpu.memory_space<vmem>>
    %dma_start3A_40 = tpu.memref_squeeze %dma_start3A_39 : memref<1x64xf32, #tpu.memory_space<vmem>> -> memref<64xf32, #tpu.memory_space<vmem>>
    %dma_start3A_41 = arith.constant 0 : i32
    %dma_start3A_42 = tpu.memref_slice %arg4[%reduce_sum3A_30, %dma_start3A_41] : memref<1000000x64xf32, #tpu.memory_space<hbm>> -> memref<1x64xf32, #tpu.memory_space<hbm>>
    %dma_start3A_43 = tpu.memref_squeeze %dma_start3A_42 : memref<1x64xf32, #tpu.memory_space<hbm>> -> memref<64xf32, #tpu.memory_space<hbm>>
    tpu.enqueue_dma source(%dma_start3A_43 : memref<64xf32, #tpu.memory_space<hbm>>) target(%dma_start3A_40 : memref<64xf32, #tpu.memory_space<vmem>>) target_semaphore(%arg11 : memref<!tpu.dma_semaphore, #tpu.memory_space<semaphore_mem>>)
    %eq3A_44 = arith.constant 2 : i32
    %eq3A_45 = vector.broadcast %eq3A_44 : i32 to vector<16xi32>
    %eq3A_46 = arith.cmpi eq, %iota3A, %eq3A_45 : vector<16xi32>
    %jit3A_47 = arith.constant 0 : i32
    %broadcast_in_dim3A_48 = vector.broadcast %jit3A_47 : i32 to vector<16xi32>
    %select_n3A_49 = arith.select %eq3A_46, %get3A_3, %broadcast_in_dim3A_48 : vector<16xi1>, vector<16xi32>
    %reduce_sum3A_50 = arith.constant true
    %reduce_sum3A_51 = vector.broadcast %reduce_sum3A_50 : i1 to vector<16xi1>
    %reduce_sum3A_52 = tpu.scan <sum>, %select_n3A_49 masked %reduce_sum3A_51 : vector<16xi32>, vector<16xi1> -> vector<16xi32>
    %reduce_sum3A_53 = vector.extract %reduce_sum3A_52[15] : i32 from vector<16xi32>
    %dma_start3A_54 = arith.constant 2 : i32
    %dma_start3A_55 = arith.constant 0 : i32
    %dma_start3A_56 = tpu.memref_slice %arg9[%dma_start3A_54, %dma_start3A_55] : memref<512x64xf32, #tpu.memory_space<vmem>> -> memref<1x64xf32, #tpu.memory_space<vmem>>
    %dma_start3A_57 = tpu.memref_squeeze %dma_start3A_56 : memref<1x64xf32, #tpu.memory_space<vmem>> -> memref<64xf32, #tpu.memory_space<vmem>>
    %dma_start3A_58 = arith.constant 0 : i32
    %dma_start3A_59 = tpu.memref_slice %arg4[%reduce_sum3A_53, %dma_start3A_58] : memref<1000000x64xf32, #tpu.memory_space<hbm>> -> memref<1x64xf32, #tpu.memory_space<hbm>>
    %dma_start3A_60 = tpu.memref_squeeze %dma_start3A_59 : memref<1x64xf32, #tpu.memory_space<hbm>> -> memref<64xf32, #tpu.memory_space<hbm>>
    %dma_start3A_61 = arith.constant 0 : i32
    %dma_start3A_62 = tpu.memref_slice %arg9[%dma_start3A_54, %dma_start3A_61] : memref<512x64xf32, #tpu.memory_space<vmem>> -> memref<1x64xf32, #tpu.memory_space<vmem>>
    %dma_start3A_63 = tpu.memref_squeeze %dma_start3A_62 : memref<1x64xf32, #tpu.memory_space<vmem>> -> memref<64xf32, #tpu.memory_space<vmem>>
    %dma_start3A_64 = arith.constant 0 : i32
    %dma_start3A_65 = tpu.memref_slice %arg4[%reduce_sum3A_53, %dma_start3A_64] : memref<1000000x64xf32, #tpu.memory_space<hbm>> -> memref<1x64xf32, #tpu.memory_space<hbm>>
    %dma_start3A_66 = tpu.memref_squeeze %dma_start3A_65 : memref<1x64xf32, #tpu.memory_space<hbm>> -> memref<64xf32, #tpu.memory_space<hbm>>
    tpu.enqueue_dma source(%dma_start3A_66 : memref<64xf32, #tpu.memory_space<hbm>>) target(%dma_start3A_63 : memref<64xf32, #tpu.memory_space<vmem>>) target_semaphore(%arg12 : memref<!tpu.dma_semaphore, #tpu.memory_space<semaphore_mem>>)
    %eq3A_67 = arith.constant 3 : i32
    %eq3A_68 = vector.broadcast %eq3A_67 : i32 to vector<16xi32>
    %eq3A_69 = arith.cmpi eq, %iota3A, %eq3A_68 : vector<16xi32>
    %jit3A_70 = arith.constant 0 : i32
    %broadcast_in_dim3A_71 = vector.broadcast %jit3A_70 : i32 to vector<16xi32>
    %select_n3A_72 = arith.select %eq3A_69, %get3A_3, %broadcast_in_dim3A_71 : vector<16xi1>, vector<16xi32>
    %reduce_sum3A_73 = arith.constant true
    %reduce_sum3A_74 = vector.broadcast %reduce_sum3A_73 : i1 to vector<16xi1>
    %reduce_sum3A_75 = tpu.scan <sum>, %select_n3A_72 masked %reduce_sum3A_74 : vector<16xi32>, vector<16xi1> -> vector<16xi32>
    %reduce_sum3A_76 = vector.extract %reduce_sum3A_75[15] : i32 from vector<16xi32>
    %dma_start3A_77 = arith.constant 3 : i32
    %dma_start3A_78 = arith.constant 0 : i32
    %dma_start3A_79 = tpu.memref_slice %arg9[%dma_start3A_77, %dma_start3A_78] : memref<512x64xf32, #tpu.memory_space<vmem>> -> memref<1x64xf32, #tpu.memory_space<vmem>>
    %dma_start3A_80 = tpu.memref_squeeze %dma_start3A_79 : memref<1x64xf32, #tpu.memory_space<vmem>> -> memref<64xf32, #tpu.memory_space<vmem>>
    %dma_start3A_81 = arith.constant 0 : i32
    %dma_start3A_82 = tpu.memref_slice %arg4[%reduce_sum3A_76, %dma_start3A_81] : memref<1000000x64xf32, #tpu.memory_space<hbm>> -> memref<1x64xf32, #tpu.memory_space<hbm>>
    %dma_start3A_83 = tpu.memref_squeeze %dma_start3A_82 : memref<1x64xf32, #tpu.memory_space<hbm>> -> memref<64xf32, #tpu.memory_space<hbm>>
    %dma_start3A_84 = arith.constant 0 : i32
    %dma_start3A_85 = tpu.memref_slice %arg9[%dma_start3A_77, %dma_start3A_84] : memref<512x64xf32, #tpu.memory_space<vmem>> -> memref<1x64xf32, #tpu.memory_space<vmem>>
    %dma_start3A_86 = tpu.memref_squeeze %dma_start3A_85 : memref<1x64xf32, #tpu.memory_space<vmem>> -> memref<64xf32, #tpu.memory_space<vmem>>
    %dma_start3A_87 = arith.constant 0 : i32
    %dma_start3A_88 = tpu.memref_slice %arg4[%reduce_sum3A_76, %dma_start3A_87] : memref<1000000x64xf32, #tpu.memory_space<hbm>> -> memref<1x64xf32, #tpu.memory_space<hbm>>
    %dma_start3A_89 = tpu.memref_squeeze %dma_start3A_88 : memref<1x64xf32, #tpu.memory_space<hbm>> -> memref<64xf32, #tpu.memory_space<hbm>>
    tpu.enqueue_dma source(%dma_start3A_89 : memref<64xf32, #tpu.memory_space<hbm>>) target(%dma_start3A_86 : memref<64xf32, #tpu.memory_space<vmem>>) target_semaphore(%arg13 : memref<!tpu.dma_semaphore, #tpu.memory_space<semaphore_mem>>)
    %eq3A_90 = arith.constant 4 : i32
    %eq3A_91 = vector.broadcast %eq3A_90 : i32 to vector<16xi32>
    %eq3A_92 = arith.cmpi eq, %iota3A, %eq3A_91 : vector<16xi32>
    %jit3A_93 = arith.constant 0 : i32
    %broadcast_in_dim3A_94 = vector.broadcast %jit3A_93 : i32 to vector<16xi32>
    %select_n3A_95 = arith.select %eq3A_92, %get3A_3, %broadcast_in_dim3A_94 : vector<16xi1>, vector<16xi32>
    %reduce_sum3A_96 = arith.constant true
    %reduce_sum3A_97 = vector.broadcast %reduce_sum3A_96 : i1 to vector<16xi1>
    %reduce_sum3A_98 = tpu.scan <sum>, %select_n3A_95 masked %reduce_sum3A_97 : vector<16xi32>, vector<16xi1> -> vector<16xi32>
    %reduce_sum3A_99 = vector.extract %reduce_sum3A_98[15] : i32 from vector<16xi32>
    %dma_start3A_100 = arith.constant 4 : i32
    %dma_start3A_101 = arith.constant 0 : i32
    %dma_start3A_102 = tpu.memref_slice %arg9[%dma_start3A_100, %dma_start3A_101] : memref<512x64xf32, #tpu.memory_space<vmem>> -> memref<1x64xf32, #tpu.memory_space<vmem>>
    %dma_start3A_103 = tpu.memref_squeeze %dma_start3A_102 : memref<1x64xf32, #tpu.memory_space<vmem>> -> memref<64xf32, #tpu.memory_space<vmem>>
    %dma_start3A_104 = arith.constant 0 : i32
    %dma_start3A_105 = tpu.memref_slice %arg4[%reduce_sum3A_99, %dma_start3A_104] : memref<1000000x64xf32, #tpu.memory_space<hbm>> -> memref<1x64xf32, #tpu.memory_space<hbm>>
    %dma_start3A_106 = tpu.memref_squeeze %dma_start3A_105 : memref<1x64xf32, #tpu.memory_space<hbm>> -> memref<64xf32, #tpu.memory_space<hbm>>
    %dma_start3A_107 = arith.constant 0 : i32
    %dma_start3A_108 = tpu.memref_slice %arg9[%dma_start3A_100, %dma_start3A_107] : memref<512x64xf32, #tpu.memory_space<vmem>> -> memref<1x64xf32, #tpu.memory_space<vmem>>
    %dma_start3A_109 = tpu.memref_squeeze %dma_start3A_108 : memref<1x64xf32, #tpu.memory_space<vmem>> -> memref<64xf32, #tpu.memory_space<vmem>>
    %dma_start3A_110 = arith.constant 0 : i32
    %dma_start3A_111 = tpu.memref_slice %arg4[%reduce_sum3A_99, %dma_start3A_110] : memref<1000000x64xf32, #tpu.memory_space<hbm>> -> memref<1x64xf32, #tpu.memory_space<hbm>>
    %dma_start3A_112 = tpu.memref_squeeze %dma_start3A_111 : memref<1x64xf32, #tpu.memory_space<hbm>> -> memref<64xf32, #tpu.memory_space<hbm>>
    tpu.enqueue_dma source(%dma_start3A_112 : memref<64xf32, #tpu.memory_space<hbm>>) target(%dma_start3A_109 : memref<64xf32, #tpu.memory_space<vmem>>) target_semaphore(%arg14 : memref<!tpu.dma_semaphore, #tpu.memory_space<semaphore_mem>>)
    %eq3A_113 = arith.constant 5 : i32
    %eq3A_114 = vector.broadcast %eq3A_113 : i32 to vector<16xi32>
    %eq3A_115 = arith.cmpi eq, %iota3A, %eq3A_114 : vector<16xi32>
    %jit3A_116 = arith.constant 0 : i32
    %broadcast_in_dim3A_117 = vector.broadcast %jit3A_116 : i32 to vector<16xi32>
    %select_n3A_118 = arith.select %eq3A_115, %get3A_3, %broadcast_in_dim3A_117 : vector<16xi1>, vector<16xi32>
    %reduce_sum3A_119 = arith.constant true
    %reduce_sum3A_120 = vector.broadcast %reduce_sum3A_119 : i1 to vector<16xi1>
    %reduce_sum3A_121 = tpu.scan <sum>, %select_n3A_118 masked %reduce_sum3A_120 : vector<16xi32>, vector<16xi1> -> vector<16xi32>
    %reduce_sum3A_122 = vector.extract %reduce_sum3A_121[15] : i32 from vector<16xi32>
    %dma_start3A_123 = arith.constant 5 : i32
    %dma_start3A_124 = arith.constant 0 : i32
    %dma_start3A_125 = tpu.memref_slice %arg9[%dma_start3A_123, %dma_start3A_124] : memref<512x64xf32, #tpu.memory_space<vmem>> -> memref<1x64xf32, #tpu.memory_space<vmem>>
    %dma_start3A_126 = tpu.memref_squeeze %dma_start3A_125 : memref<1x64xf32, #tpu.memory_space<vmem>> -> memref<64xf32, #tpu.memory_space<vmem>>
    %dma_start3A_127 = arith.constant 0 : i32
    %dma_start3A_128 = tpu.memref_slice %arg4[%reduce_sum3A_122, %dma_start3A_127] : memref<1000000x64xf32, #tpu.memory_space<hbm>> -> memref<1x64xf32, #tpu.memory_space<hbm>>
    %dma_start3A_129 = tpu.memref_squeeze %dma_start3A_128 : memref<1x64xf32, #tpu.memory_space<hbm>> -> memref<64xf32, #tpu.memory_space<hbm>>
    %dma_start3A_130 = arith.constant 0 : i32
    %dma_start3A_131 = tpu.memref_slice %arg9[%dma_start3A_123, %dma_start3A_130] : memref<512x64xf32, #tpu.memory_space<vmem>> -> memref<1x64xf32, #tpu.memory_space<vmem>>
    %dma_start3A_132 = tpu.memref_squeeze %dma_start3A_131 : memref<1x64xf32, #tpu.memory_space<vmem>> -> memref<64xf32, #tpu.memory_space<vmem>>
    %dma_start3A_133 = arith.constant 0 : i32
    %dma_start3A_134 = tpu.memref_slice %arg4[%reduce_sum3A_122, %dma_start3A_133] : memref<1000000x64xf32, #tpu.memory_space<hbm>> -> memref<1x64xf32, #tpu.memory_space<hbm>>
    %dma_start3A_135 = tpu.memref_squeeze %dma_start3A_134 : memref<1x64xf32, #tpu.memory_space<hbm>> -> memref<64xf32, #tpu.memory_space<hbm>>
    tpu.enqueue_dma source(%dma_start3A_135 : memref<64xf32, #tpu.memory_space<hbm>>) target(%dma_start3A_132 : memref<64xf32, #tpu.memory_space<vmem>>) target_semaphore(%arg15 : memref<!tpu.dma_semaphore, #tpu.memory_space<semaphore_mem>>)
    %eq3A_136 = arith.constant 6 : i32
    %eq3A_137 = vector.broadcast %eq3A_136 : i32 to vector<16xi32>
    %eq3A_138 = arith.cmpi eq, %iota3A, %eq3A_137 : vector<16xi32>
    %jit3A_139 = arith.constant 0 : i32
    %broadcast_in_dim3A_140 = vector.broadcast %jit3A_139 : i32 to vector<16xi32>
    %select_n3A_141 = arith.select %eq3A_138, %get3A_3, %broadcast_in_dim3A_140 : vector<16xi1>, vector<16xi32>
    %reduce_sum3A_142 = arith.constant true
    %reduce_sum3A_143 = vector.broadcast %reduce_sum3A_142 : i1 to vector<16xi1>
    %reduce_sum3A_144 = tpu.scan <sum>, %select_n3A_141 masked %reduce_sum3A_143 : vector<16xi32>, vector<16xi1> -> vector<16xi32>
    %reduce_sum3A_145 = vector.extract %reduce_sum3A_144[15] : i32 from vector<16xi32>
    %dma_start3A_146 = arith.constant 6 : i32
    %dma_start3A_147 = arith.constant 0 : i32
    %dma_start3A_148 = tpu.memref_slice %arg9[%dma_start3A_146, %dma_start3A_147] : memref<512x64xf32, #tpu.memory_space<vmem>> -> memref<1x64xf32, #tpu.memory_space<vmem>>
    %dma_start3A_149 = tpu.memref_squeeze %dma_start3A_148 : memref<1x64xf32, #tpu.memory_space<vmem>> -> memref<64xf32, #tpu.memory_space<vmem>>
    %dma_start3A_150 = arith.constant 0 : i32
    %dma_start3A_151 = tpu.memref_slice %arg4[%reduce_sum3A_145, %dma_start3A_150] : memref<1000000x64xf32, #tpu.memory_space<hbm>> -> memref<1x64xf32, #tpu.memory_space<hbm>>
    %dma_start3A_152 = tpu.memref_squeeze %dma_start3A_151 : memref<1x64xf32, #tpu.memory_space<hbm>> -> memref<64xf32, #tpu.memory_space<hbm>>
    %dma_start3A_153 = arith.constant 0 : i32
    %dma_start3A_154 = tpu.memref_slice %arg9[%dma_start3A_146, %dma_start3A_153] : memref<512x64xf32, #tpu.memory_space<vmem>> -> memref<1x64xf32, #tpu.memory_space<vmem>>
    %dma_start3A_155 = tpu.memref_squeeze %dma_start3A_154 : memref<1x64xf32, #tpu.memory_space<vmem>> -> memref<64xf32, #tpu.memory_space<vmem>>
    %dma_start3A_156 = arith.constant 0 : i32
    %dma_start3A_157 = tpu.memref_slice %arg4[%reduce_sum3A_145, %dma_start3A_156] : memref<1000000x64xf32, #tpu.memory_space<hbm>> -> memref<1x64xf32, #tpu.memory_space<hbm>>
    %dma_start3A_158 = tpu.memref_squeeze %dma_start3A_157 : memref<1x64xf32, #tpu.memory_space<hbm>> -> memref<64xf32, #tpu.memory_space<hbm>>
    tpu.enqueue_dma source(%dma_start3A_158 : memref<64xf32, #tpu.memory_space<hbm>>) target(%dma_start3A_155 : memref<64xf32, #tpu.memory_space<vmem>>) target_semaphore(%arg16 : memref<!tpu.dma_semaphore, #tpu.memory_space<semaphore_mem>>)
    %eq3A_159 = arith.constant 7 : i32
    %eq3A_160 = vector.broadcast %eq3A_159 : i32 to vector<16xi32>
    %eq3A_161 = arith.cmpi eq, %iota3A, %eq3A_160 : vector<16xi32>
    %jit3A_162 = arith.constant 0 : i32
    %broadcast_in_dim3A_163 = vector.broadcast %jit3A_162 : i32 to vector<16xi32>
    %select_n3A_164 = arith.select %eq3A_161, %get3A_3, %broadcast_in_dim3A_163 : vector<16xi1>, vector<16xi32>
    %reduce_sum3A_165 = arith.constant true
    %reduce_sum3A_166 = vector.broadcast %reduce_sum3A_165 : i1 to vector<16xi1>
    %reduce_sum3A_167 = tpu.scan <sum>, %select_n3A_164 masked %reduce_sum3A_166 : vector<16xi32>, vector<16xi1> -> vector<16xi32>
    %reduce_sum3A_168 = vector.extract %reduce_sum3A_167[15] : i32 from vector<16xi32>
    %dma_start3A_169 = arith.constant 7 : i32
    %dma_start3A_170 = arith.constant 0 : i32
    %dma_start3A_171 = tpu.memref_slice %arg9[%dma_start3A_169, %dma_start3A_170] : memref<512x64xf32, #tpu.memory_space<vmem>> -> memref<1x64xf32, #tpu.memory_space<vmem>>
    %dma_start3A_172 = tpu.memref_squeeze %dma_start3A_171 : memref<1x64xf32, #tpu.memory_space<vmem>> -> memref<64xf32, #tpu.memory_space<vmem>>
    %dma_start3A_173 = arith.constant 0 : i32
    %dma_start3A_174 = tpu.memref_slice %arg4[%reduce_sum3A_168, %dma_start3A_173] : memref<1000000x64xf32, #tpu.memory_space<hbm>> -> memref<1x64xf32, #tpu.memory_space<hbm>>
    %dma_start3A_175 = tpu.memref_squeeze %dma_start3A_174 : memref<1x64xf32, #tpu.memory_space<hbm>> -> memref<64xf32, #tpu.memory_space<hbm>>
    %dma_start3A_176 = arith.constant 0 : i32
    %dma_start3A_177 = tpu.memref_slice %arg9[%dma_start3A_169, %dma_start3A_176] : memref<512x64xf32, #tpu.memory_space<vmem>> -> memref<1x64xf32, #tpu.memory_space<vmem>>
    %dma_start3A_178 = tpu.memref_squeeze %dma_start3A_177 : memref<1x64xf32, #tpu.memory_space<vmem>> -> memref<64xf32, #tpu.memory_space<vmem>>
    %dma_start3A_179 = arith.constant 0 : i32
    %dma_start3A_180 = tpu.memref_slice %arg4[%reduce_sum3A_168, %dma_start3A_179] : memref<1000000x64xf32, #tpu.memory_space<hbm>> -> memref<1x64xf32, #tpu.memory_space<hbm>>
    %dma_start3A_181 = tpu.memref_squeeze %dma_start3A_180 : memref<1x64xf32, #tpu.memory_space<hbm>> -> memref<64xf32, #tpu.memory_space<hbm>>
    tpu.enqueue_dma source(%dma_start3A_181 : memref<64xf32, #tpu.memory_space<hbm>>) target(%dma_start3A_178 : memref<64xf32, #tpu.memory_space<vmem>>) target_semaphore(%arg17 : memref<!tpu.dma_semaphore, #tpu.memory_space<semaphore_mem>>)
    %eq3A_182 = arith.constant 8 : i32
    %eq3A_183 = vector.broadcast %eq3A_182 : i32 to vector<16xi32>
    %eq3A_184 = arith.cmpi eq, %iota3A, %eq3A_183 : vector<16xi32>
    %jit3A_185 = arith.constant 0 : i32
    %broadcast_in_dim3A_186 = vector.broadcast %jit3A_185 : i32 to vector<16xi32>
    %select_n3A_187 = arith.select %eq3A_184, %get3A_3, %broadcast_in_dim3A_186 : vector<16xi1>, vector<16xi32>
    %reduce_sum3A_188 = arith.constant true
    %reduce_sum3A_189 = vector.broadcast %reduce_sum3A_188 : i1 to vector<16xi1>
    %reduce_sum3A_190 = tpu.scan <sum>, %select_n3A_187 masked %reduce_sum3A_189 : vector<16xi32>, vector<16xi1> -> vector<16xi32>
    %reduce_sum3A_191 = vector.extract %reduce_sum3A_190[15] : i32 from vector<16xi32>
    %dma_start3A_192 = arith.constant 8 : i32
    %dma_start3A_193 = arith.constant 0 : i32
    %dma_start3A_194 = tpu.memref_slice %arg9[%dma_start3A_192, %dma_start3A_193] : memref<512x64xf32, #tpu.memory_space<vmem>> -> memref<1x64xf32, #tpu.memory_space<vmem>>
    %dma_start3A_195 = tpu.memref_squeeze %dma_start3A_194 : memref<1x64xf32, #tpu.memory_space<vmem>> -> memref<64xf32, #tpu.memory_space<vmem>>
    %dma_start3A_196 = arith.constant 0 : i32
    %dma_start3A_197 = tpu.memref_slice %arg4[%reduce_sum3A_191, %dma_start3A_196] : memref<1000000x64xf32, #tpu.memory_space<hbm>> -> memref<1x64xf32, #tpu.memory_space<hbm>>
    %dma_start3A_198 = tpu.memref_squeeze %dma_start3A_197 : memref<1x64xf32, #tpu.memory_space<hbm>> -> memref<64xf32, #tpu.memory_space<hbm>>
    %dma_start3A_199 = arith.constant 0 : i32
    %dma_start3A_200 = tpu.memref_slice %arg9[%dma_start3A_192, %dma_start3A_199] : memref<512x64xf32, #tpu.memory_space<vmem>> -> memref<1x64xf32, #tpu.memory_space<vmem>>
    %dma_start3A_201 = tpu.memref_squeeze %dma_start3A_200 : memref<1x64xf32, #tpu.memory_space<vmem>> -> memref<64xf32, #tpu.memory_space<vmem>>
    %dma_start3A_202 = arith.constant 0 : i32
    %dma_start3A_203 = tpu.memref_slice %arg4[%reduce_sum3A_191, %dma_start3A_202] : memref<1000000x64xf32, #tpu.memory_space<hbm>> -> memref<1x64xf32, #tpu.memory_space<hbm>>
    %dma_start3A_204 = tpu.memref_squeeze %dma_start3A_203 : memref<1x64xf32, #tpu.memory_space<hbm>> -> memref<64xf32, #tpu.memory_space<hbm>>
    tpu.enqueue_dma source(%dma_start3A_204 : memref<64xf32, #tpu.memory_space<hbm>>) target(%dma_start3A_201 : memref<64xf32, #tpu.memory_space<vmem>>) target_semaphore(%arg10 : memref<!tpu.dma_semaphore, #tpu.memory_space<semaphore_mem>>)
    %eq3A_205 = arith.constant 9 : i32
    %eq3A_206 = vector.broadcast %eq3A_205 : i32 to vector<16xi32>
    %eq3A_207 = arith.cmpi eq, %iota3A, %eq3A_206 : vector<16xi32>
    %jit3A_208 = arith.constant 0 : i32
    %broadcast_in_dim3A_209 = vector.broadcast %jit3A_208 : i32 to vector<16xi32>
    %select_n3A_210 = arith.select %eq3A_207, %get3A_3, %broadcast_in_dim3A_209 : vector<16xi1>, vector<16xi32>
    %reduce_sum3A_211 = arith.constant true
    %reduce_sum3A_212 = vector.broadcast %reduce_sum3A_211 : i1 to vector<16xi1>
    %reduce_sum3A_213 = tpu.scan <sum>, %select_n3A_210 masked %reduce_sum3A_212 : vector<16xi32>, vector<16xi1> -> vector<16xi32>
    %reduce_sum3A_214 = vector.extract %reduce_sum3A_213[15] : i32 from vector<16xi32>
    %dma_start3A_215 = arith.constant 9 : i32
    %dma_start3A_216 = arith.constant 0 : i32
    %dma_start3A_217 = tpu.memref_slice %arg9[%dma_start3A_215, %dma_start3A_216] : memref<512x64xf32, #tpu.memory_space<vmem>> -> memref<1x64xf32, #tpu.memory_space<vmem>>
    %dma_start3A_218 = tpu.memref_squeeze %dma_start3A_217 : memref<1x64xf32, #tpu.memory_space<vmem>> -> memref<64xf32, #tpu.memory_space<vmem>>
    %dma_start3A_219 = arith.constant 0 : i32
    %dma_start3A_220 = tpu.memref_slice %arg4[%reduce_sum3A_214, %dma_start3A_219] : memref<1000000x64xf32, #tpu.memory_space<hbm>> -> memref<1x64xf32, #tpu.memory_space<hbm>>
    %dma_start3A_221 = tpu.memref_squeeze %dma_start3A_220 : memref<1x64xf32, #tpu.memory_space<hbm>> -> memref<64xf32, #tpu.memory_space<hbm>>
    %dma_start3A_222 = arith.constant 0 : i32
    %dma_start3A_223 = tpu.memref_slice %arg9[%dma_start3A_215, %dma_start3A_222] : memref<512x64xf32, #tpu.memory_space<vmem>> -> memref<1x64xf32, #tpu.memory_space<vmem>>
    %dma_start3A_224 = tpu.memref_squeeze %dma_start3A_223 : memref<1x64xf32, #tpu.memory_space<vmem>> -> memref<64xf32, #tpu.memory_space<vmem>>
    %dma_start3A_225 = arith.constant 0 : i32
    %dma_start3A_226 = tpu.memref_slice %arg4[%reduce_sum3A_214, %dma_start3A_225] : memref<1000000x64xf32, #tpu.memory_space<hbm>> -> memref<1x64xf32, #tpu.memory_space<hbm>>
    %dma_start3A_227 = tpu.memref_squeeze %dma_start3A_226 : memref<1x64xf32, #tpu.memory_space<hbm>> -> memref<64xf32, #tpu.memory_space<hbm>>
    tpu.enqueue_dma source(%dma_start3A_227 : memref<64xf32, #tpu.memory_space<hbm>>) target(%dma_start3A_224 : memref<64xf32, #tpu.memory_space<vmem>>) target_semaphore(%arg11 : memref<!tpu.dma_semaphore, #tpu.memory_space<semaphore_mem>>)
    %eq3A_228 = arith.constant 10 : i32
    %eq3A_229 = vector.broadcast %eq3A_228 : i32 to vector<16xi32>
    %eq3A_230 = arith.cmpi eq, %iota3A, %eq3A_229 : vector<16xi32>
    %jit3A_231 = arith.constant 0 : i32
    %broadcast_in_dim3A_232 = vector.broadcast %jit3A_231 : i32 to vector<16xi32>
    %select_n3A_233 = arith.select %eq3A_230, %get3A_3, %broadcast_in_dim3A_232 : vector<16xi1>, vector<16xi32>
    %reduce_sum3A_234 = arith.constant true
    %reduce_sum3A_235 = vector.broadcast %reduce_sum3A_234 : i1 to vector<16xi1>
    %reduce_sum3A_236 = tpu.scan <sum>, %select_n3A_233 masked %reduce_sum3A_235 : vector<16xi32>, vector<16xi1> -> vector<16xi32>
    %reduce_sum3A_237 = vector.extract %reduce_sum3A_236[15] : i32 from vector<16xi32>
    %dma_start3A_238 = arith.constant 10 : i32
    %dma_start3A_239 = arith.constant 0 : i32
    %dma_start3A_240 = tpu.memref_slice %arg9[%dma_start3A_238, %dma_start3A_239] : memref<512x64xf32, #tpu.memory_space<vmem>> -> memref<1x64xf32, #tpu.memory_space<vmem>>
    %dma_start3A_241 = tpu.memref_squeeze %dma_start3A_240 : memref<1x64xf32, #tpu.memory_space<vmem>> -> memref<64xf32, #tpu.memory_space<vmem>>
    %dma_start3A_242 = arith.constant 0 : i32
    %dma_start3A_243 = tpu.memref_slice %arg4[%reduce_sum3A_237, %dma_start3A_242] : memref<1000000x64xf32, #tpu.memory_space<hbm>> -> memref<1x64xf32, #tpu.memory_space<hbm>>
    %dma_start3A_244 = tpu.memref_squeeze %dma_start3A_243 : memref<1x64xf32, #tpu.memory_space<hbm>> -> memref<64xf32, #tpu.memory_space<hbm>>
    %dma_start3A_245 = arith.constant 0 : i32
    %dma_start3A_246 = tpu.memref_slice %arg9[%dma_start3A_238, %dma_start3A_245] : memref<512x64xf32, #tpu.memory_space<vmem>> -> memref<1x64xf32, #tpu.memory_space<vmem>>
    %dma_start3A_247 = tpu.memref_squeeze %dma_start3A_246 : memref<1x64xf32, #tpu.memory_space<vmem>> -> memref<64xf32, #tpu.memory_space<vmem>>
    %dma_start3A_248 = arith.constant 0 : i32
    %dma_start3A_249 = tpu.memref_slice %arg4[%reduce_sum3A_237, %dma_start3A_248] : memref<1000000x64xf32, #tpu.memory_space<hbm>> -> memref<1x64xf32, #tpu.memory_space<hbm>>
    %dma_start3A_250 = tpu.memref_squeeze %dma_start3A_249 : memref<1x64xf32, #tpu.memory_space<hbm>> -> memref<64xf32, #tpu.memory_space<hbm>>
    tpu.enqueue_dma source(%dma_start3A_250 : memref<64xf32, #tpu.memory_space<hbm>>) target(%dma_start3A_247 : memref<64xf32, #tpu.memory_space<vmem>>) target_semaphore(%arg12 : memref<!tpu.dma_semaphore, #tpu.memory_space<semaphore_mem>>)
    %eq3A_251 = arith.constant 11 : i32
    %eq3A_252 = vector.broadcast %eq3A_251 : i32 to vector<16xi32>
    %eq3A_253 = arith.cmpi eq, %iota3A, %eq3A_252 : vector<16xi32>
    %jit3A_254 = arith.constant 0 : i32
    %broadcast_in_dim3A_255 = vector.broadcast %jit3A_254 : i32 to vector<16xi32>
    %select_n3A_256 = arith.select %eq3A_253, %get3A_3, %broadcast_in_dim3A_255 : vector<16xi1>, vector<16xi32>
    %reduce_sum3A_257 = arith.constant true
    %reduce_sum3A_258 = vector.broadcast %reduce_sum3A_257 : i1 to vector<16xi1>
    %reduce_sum3A_259 = tpu.scan <sum>, %select_n3A_256 masked %reduce_sum3A_258 : vector<16xi32>, vector<16xi1> -> vector<16xi32>
    %reduce_sum3A_260 = vector.extract %reduce_sum3A_259[15] : i32 from vector<16xi32>
    %dma_start3A_261 = arith.constant 11 : i32
    %dma_start3A_262 = arith.constant 0 : i32
    %dma_start3A_263 = tpu.memref_slice %arg9[%dma_start3A_261, %dma_start3A_262] : memref<512x64xf32, #tpu.memory_space<vmem>> -> memref<1x64xf32, #tpu.memory_space<vmem>>
    %dma_start3A_264 = tpu.memref_squeeze %dma_start3A_263 : memref<1x64xf32, #tpu.memory_space<vmem>> -> memref<64xf32, #tpu.memory_space<vmem>>
    %dma_start3A_265 = arith.constant 0 : i32
    %dma_start3A_266 = tpu.memref_slice %arg4[%reduce_sum3A_260, %dma_start3A_265] : memref<1000000x64xf32, #tpu.memory_space<hbm>> -> memref<1x64xf32, #tpu.memory_space<hbm>>
    %dma_start3A_267 = tpu.memref_squeeze %dma_start3A_266 : memref<1x64xf32, #tpu.memory_space<hbm>> -> memref<64xf32, #tpu.memory_space<hbm>>
    %dma_start3A_268 = arith.constant 0 : i32
    %dma_start3A_269 = tpu.memref_slice %arg9[%dma_start3A_261, %dma_start3A_268] : memref<512x64xf32, #tpu.memory_space<vmem>> -> memref<1x64xf32, #tpu.memory_space<vmem>>
    %dma_start3A_270 = tpu.memref_squeeze %dma_start3A_269 : memref<1x64xf32, #tpu.memory_space<vmem>> -> memref<64xf32, #tpu.memory_space<vmem>>
    %dma_start3A_271 = arith.constant 0 : i32
    %dma_start3A_272 = tpu.memref_slice %arg4[%reduce_sum3A_260, %dma_start3A_271] : memref<1000000x64xf32, #tpu.memory_space<hbm>> -> memref<1x64xf32, #tpu.memory_space<hbm>>
    %dma_start3A_273 = tpu.memref_squeeze %dma_start3A_272 : memref<1x64xf32, #tpu.memory_space<hbm>> -> memref<64xf32, #tpu.memory_space<hbm>>
    tpu.enqueue_dma source(%dma_start3A_273 : memref<64xf32, #tpu.memory_space<hbm>>) target(%dma_start3A_270 : memref<64xf32, #tpu.memory_space<vmem>>) target_semaphore(%arg13 : memref<!tpu.dma_semaphore, #tpu.memory_space<semaphore_mem>>)
    %eq3A_274 = arith.constant 12 : i32
    %eq3A_275 = vector.broadcast %eq3A_274 : i32 to vector<16xi32>
    %eq3A_276 = arith.cmpi eq, %iota3A, %eq3A_275 : vector<16xi32>
    %jit3A_277 = arith.constant 0 : i32
    %broadcast_in_dim3A_278 = vector.broadcast %jit3A_277 : i32 to vector<16xi32>
    %select_n3A_279 = arith.select %eq3A_276, %get3A_3, %broadcast_in_dim3A_278 : vector<16xi1>, vector<16xi32>
    %reduce_sum3A_280 = arith.constant true
    %reduce_sum3A_281 = vector.broadcast %reduce_sum3A_280 : i1 to vector<16xi1>
    %reduce_sum3A_282 = tpu.scan <sum>, %select_n3A_279 masked %reduce_sum3A_281 : vector<16xi32>, vector<16xi1> -> vector<16xi32>
    %reduce_sum3A_283 = vector.extract %reduce_sum3A_282[15] : i32 from vector<16xi32>
    %dma_start3A_284 = arith.constant 12 : i32
    %dma_start3A_285 = arith.constant 0 : i32
    %dma_start3A_286 = tpu.memref_slice %arg9[%dma_start3A_284, %dma_start3A_285] : memref<512x64xf32, #tpu.memory_space<vmem>> -> memref<1x64xf32, #tpu.memory_space<vmem>>
    %dma_start3A_287 = tpu.memref_squeeze %dma_start3A_286 : memref<1x64xf32, #tpu.memory_space<vmem>> -> memref<64xf32, #tpu.memory_space<vmem>>
    %dma_start3A_288 = arith.constant 0 : i32
    %dma_start3A_289 = tpu.memref_slice %arg4[%reduce_sum3A_283, %dma_start3A_288] : memref<1000000x64xf32, #tpu.memory_space<hbm>> -> memref<1x64xf32, #tpu.memory_space<hbm>>
    %dma_start3A_290 = tpu.memref_squeeze %dma_start3A_289 : memref<1x64xf32, #tpu.memory_space<hbm>> -> memref<64xf32, #tpu.memory_space<hbm>>
    %dma_start3A_291 = arith.constant 0 : i32
    %dma_start3A_292 = tpu.memref_slice %arg9[%dma_start3A_284, %dma_start3A_291] : memref<512x64xf32, #tpu.memory_space<vmem>> -> memref<1x64xf32, #tpu.memory_space<vmem>>
    %dma_start3A_293 = tpu.memref_squeeze %dma_start3A_292 : memref<1x64xf32, #tpu.memory_space<vmem>> -> memref<64xf32, #tpu.memory_space<vmem>>
    %dma_start3A_294 = arith.constant 0 : i32
    %dma_start3A_295 = tpu.memref_slice %arg4[%reduce_sum3A_283, %dma_start3A_294] : memref<1000000x64xf32, #tpu.memory_space<hbm>> -> memref<1x64xf32, #tpu.memory_space<hbm>>
    %dma_start3A_296 = tpu.memref_squeeze %dma_start3A_295 : memref<1x64xf32, #tpu.memory_space<hbm>> -> memref<64xf32, #tpu.memory_space<hbm>>
    tpu.enqueue_dma source(%dma_start3A_296 : memref<64xf32, #tpu.memory_space<hbm>>) target(%dma_start3A_293 : memref<64xf32, #tpu.memory_space<vmem>>) target_semaphore(%arg14 : memref<!tpu.dma_semaphore, #tpu.memory_space<semaphore_mem>>)
    %eq3A_297 = arith.constant 13 : i32
    %eq3A_298 = vector.broadcast %eq3A_297 : i32 to vector<16xi32>
    %eq3A_299 = arith.cmpi eq, %iota3A, %eq3A_298 : vector<16xi32>
    %jit3A_300 = arith.constant 0 : i32
    %broadcast_in_dim3A_301 = vector.broadcast %jit3A_300 : i32 to vector<16xi32>
    %select_n3A_302 = arith.select %eq3A_299, %get3A_3, %broadcast_in_dim3A_301 : vector<16xi1>, vector<16xi32>
    %reduce_sum3A_303 = arith.constant true
    %reduce_sum3A_304 = vector.broadcast %reduce_sum3A_303 : i1 to vector<16xi1>
    %reduce_sum3A_305 = tpu.scan <sum>, %select_n3A_302 masked %reduce_sum3A_304 : vector<16xi32>, vector<16xi1> -> vector<16xi32>
    %reduce_sum3A_306 = vector.extract %reduce_sum3A_305[15] : i32 from vector<16xi32>
    %dma_start3A_307 = arith.constant 13 : i32
    %dma_start3A_308 = arith.constant 0 : i32
    %dma_start3A_309 = tpu.memref_slice %arg9[%dma_start3A_307, %dma_start3A_308] : memref<512x64xf32, #tpu.memory_space<vmem>> -> memref<1x64xf32, #tpu.memory_space<vmem>>
    %dma_start3A_310 = tpu.memref_squeeze %dma_start3A_309 : memref<1x64xf32, #tpu.memory_space<vmem>> -> memref<64xf32, #tpu.memory_space<vmem>>
    %dma_start3A_311 = arith.constant 0 : i32
    %dma_start3A_312 = tpu.memref_slice %arg4[%reduce_sum3A_306, %dma_start3A_311] : memref<1000000x64xf32, #tpu.memory_space<hbm>> -> memref<1x64xf32, #tpu.memory_space<hbm>>
    %dma_start3A_313 = tpu.memref_squeeze %dma_start3A_312 : memref<1x64xf32, #tpu.memory_space<hbm>> -> memref<64xf32, #tpu.memory_space<hbm>>
    %dma_start3A_314 = arith.constant 0 : i32
    %dma_start3A_315 = tpu.memref_slice %arg9[%dma_start3A_307, %dma_start3A_314] : memref<512x64xf32, #tpu.memory_space<vmem>> -> memref<1x64xf32, #tpu.memory_space<vmem>>
    %dma_start3A_316 = tpu.memref_squeeze %dma_start3A_315 : memref<1x64xf32, #tpu.memory_space<vmem>> -> memref<64xf32, #tpu.memory_space<vmem>>
    %dma_start3A_317 = arith.constant 0 : i32
    %dma_start3A_318 = tpu.memref_slice %arg4[%reduce_sum3A_306, %dma_start3A_317] : memref<1000000x64xf32, #tpu.memory_space<hbm>> -> memref<1x64xf32, #tpu.memory_space<hbm>>
    %dma_start3A_319 = tpu.memref_squeeze %dma_start3A_318 : memref<1x64xf32, #tpu.memory_space<hbm>> -> memref<64xf32, #tpu.memory_space<hbm>>
    tpu.enqueue_dma source(%dma_start3A_319 : memref<64xf32, #tpu.memory_space<hbm>>) target(%dma_start3A_316 : memref<64xf32, #tpu.memory_space<vmem>>) target_semaphore(%arg15 : memref<!tpu.dma_semaphore, #tpu.memory_space<semaphore_mem>>)
    %eq3A_320 = arith.constant 14 : i32
    %eq3A_321 = vector.broadcast %eq3A_320 : i32 to vector<16xi32>
    %eq3A_322 = arith.cmpi eq, %iota3A, %eq3A_321 : vector<16xi32>
    %jit3A_323 = arith.constant 0 : i32
    %broadcast_in_dim3A_324 = vector.broadcast %jit3A_323 : i32 to vector<16xi32>
    %select_n3A_325 = arith.select %eq3A_322, %get3A_3, %broadcast_in_dim3A_324 : vector<16xi1>, vector<16xi32>
    %reduce_sum3A_326 = arith.constant true
    %reduce_sum3A_327 = vector.broadcast %reduce_sum3A_326 : i1 to vector<16xi1>
    %reduce_sum3A_328 = tpu.scan <sum>, %select_n3A_325 masked %reduce_sum3A_327 : vector<16xi32>, vector<16xi1> -> vector<16xi32>
    %reduce_sum3A_329 = vector.extract %reduce_sum3A_328[15] : i32 from vector<16xi32>
    %dma_start3A_330 = arith.constant 14 : i32
    %dma_start3A_331 = arith.constant 0 : i32
    %dma_start3A_332 = tpu.memref_slice %arg9[%dma_start3A_330, %dma_start3A_331] : memref<512x64xf32, #tpu.memory_space<vmem>> -> memref<1x64xf32, #tpu.memory_space<vmem>>
    %dma_start3A_333 = tpu.memref_squeeze %dma_start3A_332 : memref<1x64xf32, #tpu.memory_space<vmem>> -> memref<64xf32, #tpu.memory_space<vmem>>
    %dma_start3A_334 = arith.constant 0 : i32
    %dma_start3A_335 = tpu.memref_slice %arg4[%reduce_sum3A_329, %dma_start3A_334] : memref<1000000x64xf32, #tpu.memory_space<hbm>> -> memref<1x64xf32, #tpu.memory_space<hbm>>
    %dma_start3A_336 = tpu.memref_squeeze %dma_start3A_335 : memref<1x64xf32, #tpu.memory_space<hbm>> -> memref<64xf32, #tpu.memory_space<hbm>>
    %dma_start3A_337 = arith.constant 0 : i32
    %dma_start3A_338 = tpu.memref_slice %arg9[%dma_start3A_330, %dma_start3A_337] : memref<512x64xf32, #tpu.memory_space<vmem>> -> memref<1x64xf32, #tpu.memory_space<vmem>>
    %dma_start3A_339 = tpu.memref_squeeze %dma_start3A_338 : memref<1x64xf32, #tpu.memory_space<vmem>> -> memref<64xf32, #tpu.memory_space<vmem>>
    %dma_start3A_340 = arith.constant 0 : i32
    %dma_start3A_341 = tpu.memref_slice %arg4[%reduce_sum3A_329, %dma_start3A_340] : memref<1000000x64xf32, #tpu.memory_space<hbm>> -> memref<1x64xf32, #tpu.memory_space<hbm>>
    %dma_start3A_342 = tpu.memref_squeeze %dma_start3A_341 : memref<1x64xf32, #tpu.memory_space<hbm>> -> memref<64xf32, #tpu.memory_space<hbm>>
    tpu.enqueue_dma source(%dma_start3A_342 : memref<64xf32, #tpu.memory_space<hbm>>) target(%dma_start3A_339 : memref<64xf32, #tpu.memory_space<vmem>>) target_semaphore(%arg16 : memref<!tpu.dma_semaphore, #tpu.memory_space<semaphore_mem>>)
    %eq3A_343 = arith.constant 15 : i32
    %eq3A_344 = vector.broadcast %eq3A_343 : i32 to vector<16xi32>
    %eq3A_345 = arith.cmpi eq, %iota3A, %eq3A_344 : vector<16xi32>
    %jit3A_346 = arith.constant 0 : i32
    %broadcast_in_dim3A_347 = vector.broadcast %jit3A_346 : i32 to vector<16xi32>
    %select_n3A_348 = arith.select %eq3A_345, %get3A_3, %broadcast_in_dim3A_347 : vector<16xi1>, vector<16xi32>
    %reduce_sum3A_349 = arith.constant true
    %reduce_sum3A_350 = vector.broadcast %reduce_sum3A_349 : i1 to vector<16xi1>
    %reduce_sum3A_351 = tpu.scan <sum>, %select_n3A_348 masked %reduce_sum3A_350 : vector<16xi32>, vector<16xi1> -> vector<16xi32>
    %reduce_sum3A_352 = vector.extract %reduce_sum3A_351[15] : i32 from vector<16xi32>
    %dma_start3A_353 = arith.constant 15 : i32
    %dma_start3A_354 = arith.constant 0 : i32
    %dma_start3A_355 = tpu.memref_slice %arg9[%dma_start3A_353, %dma_start3A_354] : memref<512x64xf32, #tpu.memory_space<vmem>> -> memref<1x64xf32, #tpu.memory_space<vmem>>
    %dma_start3A_356 = tpu.memref_squeeze %dma_start3A_355 : memref<1x64xf32, #tpu.memory_space<vmem>> -> memref<64xf32, #tpu.memory_space<vmem>>
    %dma_start3A_357 = arith.constant 0 : i32
    %dma_start3A_358 = tpu.memref_slice %arg4[%reduce_sum3A_352, %dma_start3A_357] : memref<1000000x64xf32, #tpu.memory_space<hbm>> -> memref<1x64xf32, #tpu.memory_space<hbm>>
    %dma_start3A_359 = tpu.memref_squeeze %dma_start3A_358 : memref<1x64xf32, #tpu.memory_space<hbm>> -> memref<64xf32, #tpu.memory_space<hbm>>
    %dma_start3A_360 = arith.constant 0 : i32
    %dma_start3A_361 = tpu.memref_slice %arg9[%dma_start3A_353, %dma_start3A_360] : memref<512x64xf32, #tpu.memory_space<vmem>> -> memref<1x64xf32, #tpu.memory_space<vmem>>
    %dma_start3A_362 = tpu.memref_squeeze %dma_start3A_361 : memref<1x64xf32, #tpu.memory_space<vmem>> -> memref<64xf32, #tpu.memory_space<vmem>>
    %dma_start3A_363 = arith.constant 0 : i32
    %dma_start3A_364 = tpu.memref_slice %arg4[%reduce_sum3A_352, %dma_start3A_363] : memref<1000000x64xf32, #tpu.memory_space<hbm>> -> memref<1x64xf32, #tpu.memory_space<hbm>>
    %dma_start3A_365 = tpu.memref_squeeze %dma_start3A_364 : memref<1x64xf32, #tpu.memory_space<hbm>> -> memref<64xf32, #tpu.memory_space<hbm>>
    tpu.enqueue_dma source(%dma_start3A_365 : memref<64xf32, #tpu.memory_space<hbm>>) target(%dma_start3A_362 : memref<64xf32, #tpu.memory_space<vmem>>) target_semaphore(%arg17 : memref<!tpu.dma_semaphore, #tpu.memory_space<semaphore_mem>>)
    %scan3A = arith.constant 0 : i32
    %scan3A_366 = arith.constant 32 : i32
    %scan3A_367 = arith.addi %scan3A, %scan3A_366 : i32
    %scan3A_368 = arith.constant 1 : i32
    scf.for %scan3A_745 = %scan3A to %scan3A_367 step %scan3A_368  : i32 {
      %mul3A_746 = arith.constant 1 : i32
      %mul3A_747 = arith.muli %scan3A_745, %mul3A_746 : i32
      %add3A_748 = arith.constant 0 : i32
      %add3A_749 = arith.addi %add3A_748, %mul3A_747 : i32
      %add3A_750 = arith.constant 1 : i32
      %add3A_751 = arith.addi %add3A_749, %add3A_750 : i32
      %lt3A = arith.constant 32 : i32
      %lt3A_752 = arith.cmpi slt, %add3A_751, %lt3A : i32
      %convert_element_type3A = arith.extui %lt3A_752 : i1 to i32
      %cond3A = arith.constant 0 : i32
      %cond3A_753 = arith.cmpi ne, %convert_element_type3A, %cond3A : i32
      scf.if %cond3A_753 {
        %add3A_865 = arith.constant 1 : i32
        %add3A_866 = arith.addi %add3A_749, %add3A_865 : i32
        %mul3A_867 = arith.constant 16 : i32
        %mul3A_868 = arith.muli %add3A_866, %mul3A_867 : i32
        %get3A_869 = arith.index_cast %mul3A_868 : i32 to index
        %get3A_870 = tpu.vector_load %arg8[%get3A_869] {strides = array<i32>} : memref<512xi32, #tpu.memory_space<vmem>>, vector<16xi32>,
        %eq3A_871 = arith.constant 0 : i32
        %eq3A_872 = vector.broadcast %eq3A_871 : i32 to vector<16xi32>
        %eq3A_873 = arith.cmpi eq, %iota3A, %eq3A_872 : vector<16xi32>
        %jit3A_874 = arith.constant 0 : i32
        %broadcast_in_dim3A_875 = vector.broadcast %jit3A_874 : i32 to vector<16xi32>
        %select_n3A_876 = arith.select %eq3A_873, %get3A_870, %broadcast_in_dim3A_875 : vector<16xi1>, vector<16xi32>
        %reduce_sum3A_877 = arith.constant true
        %reduce_sum3A_878 = vector.broadcast %reduce_sum3A_877 : i1 to vector<16xi1>
        %reduce_sum3A_879 = tpu.scan <sum>, %select_n3A_876 masked %reduce_sum3A_878 : vector<16xi32>, vector<16xi1> -> vector<16xi32>
        %reduce_sum3A_880 = vector.extract %reduce_sum3A_879[15] : i32 from vector<16xi32>
        %mul3A_881 = arith.constant 16 : i32
        %mul3A_882 = arith.muli %add3A_866, %mul3A_881 : i32
        %add3A_883 = arith.constant 0 : i32
        %add3A_884 = arith.addi %mul3A_882, %add3A_883 : i32
        %dma_start3A_885 = arith.constant 0 : i32
        %dma_start3A_886 = tpu.memref_slice %arg9[%add3A_884, %dma_start3A_885] : memref<512x64xf32, #tpu.memory_space<vmem>> -> memref<1x64xf32, #tpu.memory_space<vmem>>
        %dma_start3A_887 = tpu.memref_squeeze %dma_start3A_886 : memref<1x64xf32, #tpu.memory_space<vmem>> -> memref<64xf32, #tpu.memory_space<vmem>>
        %dma_start3A_888 = arith.constant 0 : i32
        %dma_start3A_889 = tpu.memref_slice %arg4[%reduce_sum3A_880, %dma_start3A_888] : memref<1000000x64xf32, #tpu.memory_space<hbm>> -> memref<1x64xf32, #tpu.memory_space<hbm>>
        %dma_start3A_890 = tpu.memref_squeeze %dma_start3A_889 : memref<1x64xf32, #tpu.memory_space<hbm>> -> memref<64xf32, #tpu.memory_space<hbm>>
        %dma_start3A_891 = arith.constant 0 : i32
        %dma_start3A_892 = tpu.memref_slice %arg9[%add3A_884, %dma_start3A_891] : memref<512x64xf32, #tpu.memory_space<vmem>> -> memref<1x64xf32, #tpu.memory_space<vmem>>
        %dma_start3A_893 = tpu.memref_squeeze %dma_start3A_892 : memref<1x64xf32, #tpu.memory_space<vmem>> -> memref<64xf32, #tpu.memory_space<vmem>>
        %dma_start3A_894 = arith.constant 0 : i32
        %dma_start3A_895 = tpu.memref_slice %arg4[%reduce_sum3A_880, %dma_start3A_894] : memref<1000000x64xf32, #tpu.memory_space<hbm>> -> memref<1x64xf32, #tpu.memory_space<hbm>>
        %dma_start3A_896 = tpu.memref_squeeze %dma_start3A_895 : memref<1x64xf32, #tpu.memory_space<hbm>> -> memref<64xf32, #tpu.memory_space<hbm>>
        tpu.enqueue_dma source(%dma_start3A_896 : memref<64xf32, #tpu.memory_space<hbm>>) target(%dma_start3A_893 : memref<64xf32, #tpu.memory_space<vmem>>) target_semaphore(%arg10 : memref<!tpu.dma_semaphore, #tpu.memory_space<semaphore_mem>>)
        %eq3A_897 = arith.constant 1 : i32
        %eq3A_898 = vector.broadcast %eq3A_897 : i32 to vector<16xi32>
        %eq3A_899 = arith.cmpi eq, %iota3A, %eq3A_898 : vector<16xi32>
        %jit3A_900 = arith.constant 0 : i32
        %broadcast_in_dim3A_901 = vector.broadcast %jit3A_900 : i32 to vector<16xi32>
        %select_n3A_902 = arith.select %eq3A_899, %get3A_870, %broadcast_in_dim3A_901 : vector<16xi1>, vector<16xi32>
        %reduce_sum3A_903 = arith.constant true
        %reduce_sum3A_904 = vector.broadcast %reduce_sum3A_903 : i1 to vector<16xi1>
        %reduce_sum3A_905 = tpu.scan <sum>, %select_n3A_902 masked %reduce_sum3A_904 : vector<16xi32>, vector<16xi1> -> vector<16xi32>
        %reduce_sum3A_906 = vector.extract %reduce_sum3A_905[15] : i32 from vector<16xi32>
        %mul3A_907 = arith.constant 16 : i32
        %mul3A_908 = arith.muli %add3A_866, %mul3A_907 : i32
        %add3A_909 = arith.constant 1 : i32
        %add3A_910 = arith.addi %mul3A_908, %add3A_909 : i32
        %dma_start3A_911 = arith.constant 0 : i32
        %dma_start3A_912 = tpu.memref_slice %arg9[%add3A_910, %dma_start3A_911] : memref<512x64xf32, #tpu.memory_space<vmem>> -> memref<1x64xf32, #tpu.memory_space<vmem>>
        %dma_start3A_913 = tpu.memref_squeeze %dma_start3A_912 : memref<1x64xf32, #tpu.memory_space<vmem>> -> memref<64xf32, #tpu.memory_space<vmem>>
        %dma_start3A_914 = arith.constant 0 : i32
        %dma_start3A_915 = tpu.memref_slice %arg4[%reduce_sum3A_906, %dma_start3A_914] : memref<1000000x64xf32, #tpu.memory_space<hbm>> -> memref<1x64xf32, #tpu.memory_space<hbm>>
        %dma_start3A_916 = tpu.memref_squeeze %dma_start3A_915 : memref<1x64xf32, #tpu.memory_space<hbm>> -> memref<64xf32, #tpu.memory_space<hbm>>
        %dma_start3A_917 = arith.constant 0 : i32
        %dma_start3A_918 = tpu.memref_slice %arg9[%add3A_910, %dma_start3A_917] : memref<512x64xf32, #tpu.memory_space<vmem>> -> memref<1x64xf32, #tpu.memory_space<vmem>>
        %dma_start3A_919 = tpu.memref_squeeze %dma_start3A_918 : memref<1x64xf32, #tpu.memory_space<vmem>> -> memref<64xf32, #tpu.memory_space<vmem>>
        %dma_start3A_920 = arith.constant 0 : i32
        %dma_start3A_921 = tpu.memref_slice %arg4[%reduce_sum3A_906, %dma_start3A_920] : memref<1000000x64xf32, #tpu.memory_space<hbm>> -> memref<1x64xf32, #tpu.memory_space<hbm>>
        %dma_start3A_922 = tpu.memref_squeeze %dma_start3A_921 : memref<1x64xf32, #tpu.memory_space<hbm>> -> memref<64xf32, #tpu.memory_space<hbm>>
        tpu.enqueue_dma source(%dma_start3A_922 : memref<64xf32, #tpu.memory_space<hbm>>) target(%dma_start3A_919 : memref<64xf32, #tpu.memory_space<vmem>>) target_semaphore(%arg11 : memref<!tpu.dma_semaphore, #tpu.memory_space<semaphore_mem>>)
        %eq3A_923 = arith.constant 2 : i32
        %eq3A_924 = vector.broadcast %eq3A_923 : i32 to vector<16xi32>
        %eq3A_925 = arith.cmpi eq, %iota3A, %eq3A_924 : vector<16xi32>
        %jit3A_926 = arith.constant 0 : i32
        %broadcast_in_dim3A_927 = vector.broadcast %jit3A_926 : i32 to vector<16xi32>
        %select_n3A_928 = arith.select %eq3A_925, %get3A_870, %broadcast_in_dim3A_927 : vector<16xi1>, vector<16xi32>
        %reduce_sum3A_929 = arith.constant true
        %reduce_sum3A_930 = vector.broadcast %reduce_sum3A_929 : i1 to vector<16xi1>
        %reduce_sum3A_931 = tpu.scan <sum>, %select_n3A_928 masked %reduce_sum3A_930 : vector<16xi32>, vector<16xi1> -> vector<16xi32>
        %reduce_sum3A_932 = vector.extract %reduce_sum3A_931[15] : i32 from vector<16xi32>
        %mul3A_933 = arith.constant 16 : i32
        %mul3A_934 = arith.muli %add3A_866, %mul3A_933 : i32
        %add3A_935 = arith.constant 2 : i32
        %add3A_936 = arith.addi %mul3A_934, %add3A_935 : i32
        %dma_start3A_937 = arith.constant 0 : i32
        %dma_start3A_938 = tpu.memref_slice %arg9[%add3A_936, %dma_start3A_937] : memref<512x64xf32, #tpu.memory_space<vmem>> -> memref<1x64xf32, #tpu.memory_space<vmem>>
        %dma_start3A_939 = tpu.memref_squeeze %dma_start3A_938 : memref<1x64xf32, #tpu.memory_space<vmem>> -> memref<64xf32, #tpu.memory_space<vmem>>
        %dma_start3A_940 = arith.constant 0 : i32
        %dma_start3A_941 = tpu.memref_slice %arg4[%reduce_sum3A_932, %dma_start3A_940] : memref<1000000x64xf32, #tpu.memory_space<hbm>> -> memref<1x64xf32, #tpu.memory_space<hbm>>
        %dma_start3A_942 = tpu.memref_squeeze %dma_start3A_941 : memref<1x64xf32, #tpu.memory_space<hbm>> -> memref<64xf32, #tpu.memory_space<hbm>>
        %dma_start3A_943 = arith.constant 0 : i32
        %dma_start3A_944 = tpu.memref_slice %arg9[%add3A_936, %dma_start3A_943] : memref<512x64xf32, #tpu.memory_space<vmem>> -> memref<1x64xf32, #tpu.memory_space<vmem>>
        %dma_start3A_945 = tpu.memref_squeeze %dma_start3A_944 : memref<1x64xf32, #tpu.memory_space<vmem>> -> memref<64xf32, #tpu.memory_space<vmem>>
        %dma_start3A_946 = arith.constant 0 : i32
        %dma_start3A_947 = tpu.memref_slice %arg4[%reduce_sum3A_932, %dma_start3A_946] : memref<1000000x64xf32, #tpu.memory_space<hbm>> -> memref<1x64xf32, #tpu.memory_space<hbm>>
        %dma_start3A_948 = tpu.memref_squeeze %dma_start3A_947 : memref<1x64xf32, #tpu.memory_space<hbm>> -> memref<64xf32, #tpu.memory_space<hbm>>
        tpu.enqueue_dma source(%dma_start3A_948 : memref<64xf32, #tpu.memory_space<hbm>>) target(%dma_start3A_945 : memref<64xf32, #tpu.memory_space<vmem>>) target_semaphore(%arg12 : memref<!tpu.dma_semaphore, #tpu.memory_space<semaphore_mem>>)
        %eq3A_949 = arith.constant 3 : i32
        %eq3A_950 = vector.broadcast %eq3A_949 : i32 to vector<16xi32>
        %eq3A_951 = arith.cmpi eq, %iota3A, %eq3A_950 : vector<16xi32>
        %jit3A_952 = arith.constant 0 : i32
        %broadcast_in_dim3A_953 = vector.broadcast %jit3A_952 : i32 to vector<16xi32>
        %select_n3A_954 = arith.select %eq3A_951, %get3A_870, %broadcast_in_dim3A_953 : vector<16xi1>, vector<16xi32>
        %reduce_sum3A_955 = arith.constant true
        %reduce_sum3A_956 = vector.broadcast %reduce_sum3A_955 : i1 to vector<16xi1>
        %reduce_sum3A_957 = tpu.scan <sum>, %select_n3A_954 masked %reduce_sum3A_956 : vector<16xi32>, vector<16xi1> -> vector<16xi32>
        %reduce_sum3A_958 = vector.extract %reduce_sum3A_957[15] : i32 from vector<16xi32>
        %mul3A_959 = arith.constant 16 : i32
        %mul3A_960 = arith.muli %add3A_866, %mul3A_959 : i32
        %add3A_961 = arith.constant 3 : i32
        %add3A_962 = arith.addi %mul3A_960, %add3A_961 : i32
        %dma_start3A_963 = arith.constant 0 : i32
        %dma_start3A_964 = tpu.memref_slice %arg9[%add3A_962, %dma_start3A_963] : memref<512x64xf32, #tpu.memory_space<vmem>> -> memref<1x64xf32, #tpu.memory_space<vmem>>
        %dma_start3A_965 = tpu.memref_squeeze %dma_start3A_964 : memref<1x64xf32, #tpu.memory_space<vmem>> -> memref<64xf32, #tpu.memory_space<vmem>>
        %dma_start3A_966 = arith.constant 0 : i32
        %dma_start3A_967 = tpu.memref_slice %arg4[%reduce_sum3A_958, %dma_start3A_966] : memref<1000000x64xf32, #tpu.memory_space<hbm>> -> memref<1x64xf32, #tpu.memory_space<hbm>>
        %dma_start3A_968 = tpu.memref_squeeze %dma_start3A_967 : memref<1x64xf32, #tpu.memory_space<hbm>> -> memref<64xf32, #tpu.memory_space<hbm>>
        %dma_start3A_969 = arith.constant 0 : i32
        %dma_start3A_970 = tpu.memref_slice %arg9[%add3A_962, %dma_start3A_969] : memref<512x64xf32, #tpu.memory_space<vmem>> -> memref<1x64xf32, #tpu.memory_space<vmem>>
        %dma_start3A_971 = tpu.memref_squeeze %dma_start3A_970 : memref<1x64xf32, #tpu.memory_space<vmem>> -> memref<64xf32, #tpu.memory_space<vmem>>
        %dma_start3A_972 = arith.constant 0 : i32
        %dma_start3A_973 = tpu.memref_slice %arg4[%reduce_sum3A_958, %dma_start3A_972] : memref<1000000x64xf32, #tpu.memory_space<hbm>> -> memref<1x64xf32, #tpu.memory_space<hbm>>
        %dma_start3A_974 = tpu.memref_squeeze %dma_start3A_973 : memref<1x64xf32, #tpu.memory_space<hbm>> -> memref<64xf32, #tpu.memory_space<hbm>>
        tpu.enqueue_dma source(%dma_start3A_974 : memref<64xf32, #tpu.memory_space<hbm>>) target(%dma_start3A_971 : memref<64xf32, #tpu.memory_space<vmem>>) target_semaphore(%arg13 : memref<!tpu.dma_semaphore, #tpu.memory_space<semaphore_mem>>)
        %eq3A_975 = arith.constant 4 : i32
        %eq3A_976 = vector.broadcast %eq3A_975 : i32 to vector<16xi32>
        %eq3A_977 = arith.cmpi eq, %iota3A, %eq3A_976 : vector<16xi32>
        %jit3A_978 = arith.constant 0 : i32
        %broadcast_in_dim3A_979 = vector.broadcast %jit3A_978 : i32 to vector<16xi32>
        %select_n3A_980 = arith.select %eq3A_977, %get3A_870, %broadcast_in_dim3A_979 : vector<16xi1>, vector<16xi32>
        %reduce_sum3A_981 = arith.constant true
        %reduce_sum3A_982 = vector.broadcast %reduce_sum3A_981 : i1 to vector<16xi1>
        %reduce_sum3A_983 = tpu.scan <sum>, %select_n3A_980 masked %reduce_sum3A_982 : vector<16xi32>, vector<16xi1> -> vector<16xi32>
        %reduce_sum3A_984 = vector.extract %reduce_sum3A_983[15] : i32 from vector<16xi32>
        %mul3A_985 = arith.constant 16 : i32
        %mul3A_986 = arith.muli %add3A_866, %mul3A_985 : i32
        %add3A_987 = arith.constant 4 : i32
        %add3A_988 = arith.addi %mul3A_986, %add3A_987 : i32
        %dma_start3A_989 = arith.constant 0 : i32
        %dma_start3A_990 = tpu.memref_slice %arg9[%add3A_988, %dma_start3A_989] : memref<512x64xf32, #tpu.memory_space<vmem>> -> memref<1x64xf32, #tpu.memory_space<vmem>>
        %dma_start3A_991 = tpu.memref_squeeze %dma_start3A_990 : memref<1x64xf32, #tpu.memory_space<vmem>> -> memref<64xf32, #tpu.memory_space<vmem>>
        %dma_start3A_992 = arith.constant 0 : i32
        %dma_start3A_993 = tpu.memref_slice %arg4[%reduce_sum3A_984, %dma_start3A_992] : memref<1000000x64xf32, #tpu.memory_space<hbm>> -> memref<1x64xf32, #tpu.memory_space<hbm>>
        %dma_start3A_994 = tpu.memref_squeeze %dma_start3A_993 : memref<1x64xf32, #tpu.memory_space<hbm>> -> memref<64xf32, #tpu.memory_space<hbm>>
        %dma_start3A_995 = arith.constant 0 : i32
        %dma_start3A_996 = tpu.memref_slice %arg9[%add3A_988, %dma_start3A_995] : memref<512x64xf32, #tpu.memory_space<vmem>> -> memref<1x64xf32, #tpu.memory_space<vmem>>
        %dma_start3A_997 = tpu.memref_squeeze %dma_start3A_996 : memref<1x64xf32, #tpu.memory_space<vmem>> -> memref<64xf32, #tpu.memory_space<vmem>>
        %dma_start3A_998 = arith.constant 0 : i32
        %dma_start3A_999 = tpu.memref_slice %arg4[%reduce_sum3A_984, %dma_start3A_998] : memref<1000000x64xf32, #tpu.memory_space<hbm>> -> memref<1x64xf32, #tpu.memory_space<hbm>>
        %dma_start3A_1000 = tpu.memref_squeeze %dma_start3A_999 : memref<1x64xf32, #tpu.memory_space<hbm>> -> memref<64xf32, #tpu.memory_space<hbm>>
        tpu.enqueue_dma source(%dma_start3A_1000 : memref<64xf32, #tpu.memory_space<hbm>>) target(%dma_start3A_997 : memref<64xf32, #tpu.memory_space<vmem>>) target_semaphore(%arg14 : memref<!tpu.dma_semaphore, #tpu.memory_space<semaphore_mem>>)
        %eq3A_1001 = arith.constant 5 : i32
        %eq3A_1002 = vector.broadcast %eq3A_1001 : i32 to vector<16xi32>
        %eq3A_1003 = arith.cmpi eq, %iota3A, %eq3A_1002 : vector<16xi32>
        %jit3A_1004 = arith.constant 0 : i32
        %broadcast_in_dim3A_1005 = vector.broadcast %jit3A_1004 : i32 to vector<16xi32>
        %select_n3A_1006 = arith.select %eq3A_1003, %get3A_870, %broadcast_in_dim3A_1005 : vector<16xi1>, vector<16xi32>
        %reduce_sum3A_1007 = arith.constant true
        %reduce_sum3A_1008 = vector.broadcast %reduce_sum3A_1007 : i1 to vector<16xi1>
        %reduce_sum3A_1009 = tpu.scan <sum>, %select_n3A_1006 masked %reduce_sum3A_1008 : vector<16xi32>, vector<16xi1> -> vector<16xi32>
        %reduce_sum3A_1010 = vector.extract %reduce_sum3A_1009[15] : i32 from vector<16xi32>
        %mul3A_1011 = arith.constant 16 : i32
        %mul3A_1012 = arith.muli %add3A_866, %mul3A_1011 : i32
        %add3A_1013 = arith.constant 5 : i32
        %add3A_1014 = arith.addi %mul3A_1012, %add3A_1013 : i32
        %dma_start3A_1015 = arith.constant 0 : i32
        %dma_start3A_1016 = tpu.memref_slice %arg9[%add3A_1014, %dma_start3A_1015] : memref<512x64xf32, #tpu.memory_space<vmem>> -> memref<1x64xf32, #tpu.memory_space<vmem>>
        %dma_start3A_1017 = tpu.memref_squeeze %dma_start3A_1016 : memref<1x64xf32, #tpu.memory_space<vmem>> -> memref<64xf32, #tpu.memory_space<vmem>>
        %dma_start3A_1018 = arith.constant 0 : i32
        %dma_start3A_1019 = tpu.memref_slice %arg4[%reduce_sum3A_1010, %dma_start3A_1018] : memref<1000000x64xf32, #tpu.memory_space<hbm>> -> memref<1x64xf32, #tpu.memory_space<hbm>>
        %dma_start3A_1020 = tpu.memref_squeeze %dma_start3A_1019 : memref<1x64xf32, #tpu.memory_space<hbm>> -> memref<64xf32, #tpu.memory_space<hbm>>
        %dma_start3A_1021 = arith.constant 0 : i32
        %dma_start3A_1022 = tpu.memref_slice %arg9[%add3A_1014, %dma_start3A_1021] : memref<512x64xf32, #tpu.memory_space<vmem>> -> memref<1x64xf32, #tpu.memory_space<vmem>>
        %dma_start3A_1023 = tpu.memref_squeeze %dma_start3A_1022 : memref<1x64xf32, #tpu.memory_space<vmem>> -> memref<64xf32, #tpu.memory_space<vmem>>
        %dma_start3A_1024 = arith.constant 0 : i32
        %dma_start3A_1025 = tpu.memref_slice %arg4[%reduce_sum3A_1010, %dma_start3A_1024] : memref<1000000x64xf32, #tpu.memory_space<hbm>> -> memref<1x64xf32, #tpu.memory_space<hbm>>
        %dma_start3A_1026 = tpu.memref_squeeze %dma_start3A_1025 : memref<1x64xf32, #tpu.memory_space<hbm>> -> memref<64xf32, #tpu.memory_space<hbm>>
        tpu.enqueue_dma source(%dma_start3A_1026 : memref<64xf32, #tpu.memory_space<hbm>>) target(%dma_start3A_1023 : memref<64xf32, #tpu.memory_space<vmem>>) target_semaphore(%arg15 : memref<!tpu.dma_semaphore, #tpu.memory_space<semaphore_mem>>)
        %eq3A_1027 = arith.constant 6 : i32
        %eq3A_1028 = vector.broadcast %eq3A_1027 : i32 to vector<16xi32>
        %eq3A_1029 = arith.cmpi eq, %iota3A, %eq3A_1028 : vector<16xi32>
        %jit3A_1030 = arith.constant 0 : i32
        %broadcast_in_dim3A_1031 = vector.broadcast %jit3A_1030 : i32 to vector<16xi32>
        %select_n3A_1032 = arith.select %eq3A_1029, %get3A_870, %broadcast_in_dim3A_1031 : vector<16xi1>, vector<16xi32>
        %reduce_sum3A_1033 = arith.constant true
        %reduce_sum3A_1034 = vector.broadcast %reduce_sum3A_1033 : i1 to vector<16xi1>
        %reduce_sum3A_1035 = tpu.scan <sum>, %select_n3A_1032 masked %reduce_sum3A_1034 : vector<16xi32>, vector<16xi1> -> vector<16xi32>
        %reduce_sum3A_1036 = vector.extract %reduce_sum3A_1035[15] : i32 from vector<16xi32>
        %mul3A_1037 = arith.constant 16 : i32
        %mul3A_1038 = arith.muli %add3A_866, %mul3A_1037 : i32
        %add3A_1039 = arith.constant 6 : i32
        %add3A_1040 = arith.addi %mul3A_1038, %add3A_1039 : i32
        %dma_start3A_1041 = arith.constant 0 : i32
        %dma_start3A_1042 = tpu.memref_slice %arg9[%add3A_1040, %dma_start3A_1041] : memref<512x64xf32, #tpu.memory_space<vmem>> -> memref<1x64xf32, #tpu.memory_space<vmem>>
        %dma_start3A_1043 = tpu.memref_squeeze %dma_start3A_1042 : memref<1x64xf32, #tpu.memory_space<vmem>> -> memref<64xf32, #tpu.memory_space<vmem>>
        %dma_start3A_1044 = arith.constant 0 : i32
        %dma_start3A_1045 = tpu.memref_slice %arg4[%reduce_sum3A_1036, %dma_start3A_1044] : memref<1000000x64xf32, #tpu.memory_space<hbm>> -> memref<1x64xf32, #tpu.memory_space<hbm>>
        %dma_start3A_1046 = tpu.memref_squeeze %dma_start3A_1045 : memref<1x64xf32, #tpu.memory_space<hbm>> -> memref<64xf32, #tpu.memory_space<hbm>>
        %dma_start3A_1047 = arith.constant 0 : i32
        %dma_start3A_1048 = tpu.memref_slice %arg9[%add3A_1040, %dma_start3A_1047] : memref<512x64xf32, #tpu.memory_space<vmem>> -> memref<1x64xf32, #tpu.memory_space<vmem>>
        %dma_start3A_1049 = tpu.memref_squeeze %dma_start3A_1048 : memref<1x64xf32, #tpu.memory_space<vmem>> -> memref<64xf32, #tpu.memory_space<vmem>>
        %dma_start3A_1050 = arith.constant 0 : i32
        %dma_start3A_1051 = tpu.memref_slice %arg4[%reduce_sum3A_1036, %dma_start3A_1050] : memref<1000000x64xf32, #tpu.memory_space<hbm>> -> memref<1x64xf32, #tpu.memory_space<hbm>>
        %dma_start3A_1052 = tpu.memref_squeeze %dma_start3A_1051 : memref<1x64xf32, #tpu.memory_space<hbm>> -> memref<64xf32, #tpu.memory_space<hbm>>
        tpu.enqueue_dma source(%dma_start3A_1052 : memref<64xf32, #tpu.memory_space<hbm>>) target(%dma_start3A_1049 : memref<64xf32, #tpu.memory_space<vmem>>) target_semaphore(%arg16 : memref<!tpu.dma_semaphore, #tpu.memory_space<semaphore_mem>>)
        %eq3A_1053 = arith.constant 7 : i32
        %eq3A_1054 = vector.broadcast %eq3A_1053 : i32 to vector<16xi32>
        %eq3A_1055 = arith.cmpi eq, %iota3A, %eq3A_1054 : vector<16xi32>
        %jit3A_1056 = arith.constant 0 : i32
        %broadcast_in_dim3A_1057 = vector.broadcast %jit3A_1056 : i32 to vector<16xi32>
        %select_n3A_1058 = arith.select %eq3A_1055, %get3A_870, %broadcast_in_dim3A_1057 : vector<16xi1>, vector<16xi32>
        %reduce_sum3A_1059 = arith.constant true
        %reduce_sum3A_1060 = vector.broadcast %reduce_sum3A_1059 : i1 to vector<16xi1>
        %reduce_sum3A_1061 = tpu.scan <sum>, %select_n3A_1058 masked %reduce_sum3A_1060 : vector<16xi32>, vector<16xi1> -> vector<16xi32>
        %reduce_sum3A_1062 = vector.extract %reduce_sum3A_1061[15] : i32 from vector<16xi32>
        %mul3A_1063 = arith.constant 16 : i32
        %mul3A_1064 = arith.muli %add3A_866, %mul3A_1063 : i32
        %add3A_1065 = arith.constant 7 : i32
        %add3A_1066 = arith.addi %mul3A_1064, %add3A_1065 : i32
        %dma_start3A_1067 = arith.constant 0 : i32
        %dma_start3A_1068 = tpu.memref_slice %arg9[%add3A_1066, %dma_start3A_1067] : memref<512x64xf32, #tpu.memory_space<vmem>> -> memref<1x64xf32, #tpu.memory_space<vmem>>
        %dma_start3A_1069 = tpu.memref_squeeze %dma_start3A_1068 : memref<1x64xf32, #tpu.memory_space<vmem>> -> memref<64xf32, #tpu.memory_space<vmem>>
        %dma_start3A_1070 = arith.constant 0 : i32
        %dma_start3A_1071 = tpu.memref_slice %arg4[%reduce_sum3A_1062, %dma_start3A_1070] : memref<1000000x64xf32, #tpu.memory_space<hbm>> -> memref<1x64xf32, #tpu.memory_space<hbm>>
        %dma_start3A_1072 = tpu.memref_squeeze %dma_start3A_1071 : memref<1x64xf32, #tpu.memory_space<hbm>> -> memref<64xf32, #tpu.memory_space<hbm>>
        %dma_start3A_1073 = arith.constant 0 : i32
        %dma_start3A_1074 = tpu.memref_slice %arg9[%add3A_1066, %dma_start3A_1073] : memref<512x64xf32, #tpu.memory_space<vmem>> -> memref<1x64xf32, #tpu.memory_space<vmem>>
        %dma_start3A_1075 = tpu.memref_squeeze %dma_start3A_1074 : memref<1x64xf32, #tpu.memory_space<vmem>> -> memref<64xf32, #tpu.memory_space<vmem>>
        %dma_start3A_1076 = arith.constant 0 : i32
        %dma_start3A_1077 = tpu.memref_slice %arg4[%reduce_sum3A_1062, %dma_start3A_1076] : memref<1000000x64xf32, #tpu.memory_space<hbm>> -> memref<1x64xf32, #tpu.memory_space<hbm>>
        %dma_start3A_1078 = tpu.memref_squeeze %dma_start3A_1077 : memref<1x64xf32, #tpu.memory_space<hbm>> -> memref<64xf32, #tpu.memory_space<hbm>>
        tpu.enqueue_dma source(%dma_start3A_1078 : memref<64xf32, #tpu.memory_space<hbm>>) target(%dma_start3A_1075 : memref<64xf32, #tpu.memory_space<vmem>>) target_semaphore(%arg17 : memref<!tpu.dma_semaphore, #tpu.memory_space<semaphore_mem>>)
        %eq3A_1079 = arith.constant 8 : i32
        %eq3A_1080 = vector.broadcast %eq3A_1079 : i32 to vector<16xi32>
        %eq3A_1081 = arith.cmpi eq, %iota3A, %eq3A_1080 : vector<16xi32>
        %jit3A_1082 = arith.constant 0 : i32
        %broadcast_in_dim3A_1083 = vector.broadcast %jit3A_1082 : i32 to vector<16xi32>
        %select_n3A_1084 = arith.select %eq3A_1081, %get3A_870, %broadcast_in_dim3A_1083 : vector<16xi1>, vector<16xi32>
        %reduce_sum3A_1085 = arith.constant true
        %reduce_sum3A_1086 = vector.broadcast %reduce_sum3A_1085 : i1 to vector<16xi1>
        %reduce_sum3A_1087 = tpu.scan <sum>, %select_n3A_1084 masked %reduce_sum3A_1086 : vector<16xi32>, vector<16xi1> -> vector<16xi32>
        %reduce_sum3A_1088 = vector.extract %reduce_sum3A_1087[15] : i32 from vector<16xi32>
        %mul3A_1089 = arith.constant 16 : i32
        %mul3A_1090 = arith.muli %add3A_866, %mul3A_1089 : i32
        %add3A_1091 = arith.constant 8 : i32
        %add3A_1092 = arith.addi %mul3A_1090, %add3A_1091 : i32
        %dma_start3A_1093 = arith.constant 0 : i32
        %dma_start3A_1094 = tpu.memref_slice %arg9[%add3A_1092, %dma_start3A_1093] : memref<512x64xf32, #tpu.memory_space<vmem>> -> memref<1x64xf32, #tpu.memory_space<vmem>>
        %dma_start3A_1095 = tpu.memref_squeeze %dma_start3A_1094 : memref<1x64xf32, #tpu.memory_space<vmem>> -> memref<64xf32, #tpu.memory_space<vmem>>
        %dma_start3A_1096 = arith.constant 0 : i32
        %dma_start3A_1097 = tpu.memref_slice %arg4[%reduce_sum3A_1088, %dma_start3A_1096] : memref<1000000x64xf32, #tpu.memory_space<hbm>> -> memref<1x64xf32, #tpu.memory_space<hbm>>
        %dma_start3A_1098 = tpu.memref_squeeze %dma_start3A_1097 : memref<1x64xf32, #tpu.memory_space<hbm>> -> memref<64xf32, #tpu.memory_space<hbm>>
        %dma_start3A_1099 = arith.constant 0 : i32
        %dma_start3A_1100 = tpu.memref_slice %arg9[%add3A_1092, %dma_start3A_1099] : memref<512x64xf32, #tpu.memory_space<vmem>> -> memref<1x64xf32, #tpu.memory_space<vmem>>
        %dma_start3A_1101 = tpu.memref_squeeze %dma_start3A_1100 : memref<1x64xf32, #tpu.memory_space<vmem>> -> memref<64xf32, #tpu.memory_space<vmem>>
        %dma_start3A_1102 = arith.constant 0 : i32
        %dma_start3A_1103 = tpu.memref_slice %arg4[%reduce_sum3A_1088, %dma_start3A_1102] : memref<1000000x64xf32, #tpu.memory_space<hbm>> -> memref<1x64xf32, #tpu.memory_space<hbm>>
        %dma_start3A_1104 = tpu.memref_squeeze %dma_start3A_1103 : memref<1x64xf32, #tpu.memory_space<hbm>> -> memref<64xf32, #tpu.memory_space<hbm>>
        tpu.enqueue_dma source(%dma_start3A_1104 : memref<64xf32, #tpu.memory_space<hbm>>) target(%dma_start3A_1101 : memref<64xf32, #tpu.memory_space<vmem>>) target_semaphore(%arg10 : memref<!tpu.dma_semaphore, #tpu.memory_space<semaphore_mem>>)
        %eq3A_1105 = arith.constant 9 : i32
        %eq3A_1106 = vector.broadcast %eq3A_1105 : i32 to vector<16xi32>
        %eq3A_1107 = arith.cmpi eq, %iota3A, %eq3A_1106 : vector<16xi32>
        %jit3A_1108 = arith.constant 0 : i32
        %broadcast_in_dim3A_1109 = vector.broadcast %jit3A_1108 : i32 to vector<16xi32>
        %select_n3A_1110 = arith.select %eq3A_1107, %get3A_870, %broadcast_in_dim3A_1109 : vector<16xi1>, vector<16xi32>
        %reduce_sum3A_1111 = arith.constant true
        %reduce_sum3A_1112 = vector.broadcast %reduce_sum3A_1111 : i1 to vector<16xi1>
        %reduce_sum3A_1113 = tpu.scan <sum>, %select_n3A_1110 masked %reduce_sum3A_1112 : vector<16xi32>, vector<16xi1> -> vector<16xi32>
        %reduce_sum3A_1114 = vector.extract %reduce_sum3A_1113[15] : i32 from vector<16xi32>
        %mul3A_1115 = arith.constant 16 : i32
        %mul3A_1116 = arith.muli %add3A_866, %mul3A_1115 : i32
        %add3A_1117 = arith.constant 9 : i32
        %add3A_1118 = arith.addi %mul3A_1116, %add3A_1117 : i32
        %dma_start3A_1119 = arith.constant 0 : i32
        %dma_start3A_1120 = tpu.memref_slice %arg9[%add3A_1118, %dma_start3A_1119] : memref<512x64xf32, #tpu.memory_space<vmem>> -> memref<1x64xf32, #tpu.memory_space<vmem>>
        %dma_start3A_1121 = tpu.memref_squeeze %dma_start3A_1120 : memref<1x64xf32, #tpu.memory_space<vmem>> -> memref<64xf32, #tpu.memory_space<vmem>>
        %dma_start3A_1122 = arith.constant 0 : i32
        %dma_start3A_1123 = tpu.memref_slice %arg4[%reduce_sum3A_1114, %dma_start3A_1122] : memref<1000000x64xf32, #tpu.memory_space<hbm>> -> memref<1x64xf32, #tpu.memory_space<hbm>>
        %dma_start3A_1124 = tpu.memref_squeeze %dma_start3A_1123 : memref<1x64xf32, #tpu.memory_space<hbm>> -> memref<64xf32, #tpu.memory_space<hbm>>
        %dma_start3A_1125 = arith.constant 0 : i32
        %dma_start3A_1126 = tpu.memref_slice %arg9[%add3A_1118, %dma_start3A_1125] : memref<512x64xf32, #tpu.memory_space<vmem>> -> memref<1x64xf32, #tpu.memory_space<vmem>>
        %dma_start3A_1127 = tpu.memref_squeeze %dma_start3A_1126 : memref<1x64xf32, #tpu.memory_space<vmem>> -> memref<64xf32, #tpu.memory_space<vmem>>
        %dma_start3A_1128 = arith.constant 0 : i32
        %dma_start3A_1129 = tpu.memref_slice %arg4[%reduce_sum3A_1114, %dma_start3A_1128] : memref<1000000x64xf32, #tpu.memory_space<hbm>> -> memref<1x64xf32, #tpu.memory_space<hbm>>
        %dma_start3A_1130 = tpu.memref_squeeze %dma_start3A_1129 : memref<1x64xf32, #tpu.memory_space<hbm>> -> memref<64xf32, #tpu.memory_space<hbm>>
        tpu.enqueue_dma source(%dma_start3A_1130 : memref<64xf32, #tpu.memory_space<hbm>>) target(%dma_start3A_1127 : memref<64xf32, #tpu.memory_space<vmem>>) target_semaphore(%arg11 : memref<!tpu.dma_semaphore, #tpu.memory_space<semaphore_mem>>)
        %eq3A_1131 = arith.constant 10 : i32
        %eq3A_1132 = vector.broadcast %eq3A_1131 : i32 to vector<16xi32>
        %eq3A_1133 = arith.cmpi eq, %iota3A, %eq3A_1132 : vector<16xi32>
        %jit3A_1134 = arith.constant 0 : i32
        %broadcast_in_dim3A_1135 = vector.broadcast %jit3A_1134 : i32 to vector<16xi32>
        %select_n3A_1136 = arith.select %eq3A_1133, %get3A_870, %broadcast_in_dim3A_1135 : vector<16xi1>, vector<16xi32>
        %reduce_sum3A_1137 = arith.constant true
        %reduce_sum3A_1138 = vector.broadcast %reduce_sum3A_1137 : i1 to vector<16xi1>
        %reduce_sum3A_1139 = tpu.scan <sum>, %select_n3A_1136 masked %reduce_sum3A_1138 : vector<16xi32>, vector<16xi1> -> vector<16xi32>
        %reduce_sum3A_1140 = vector.extract %reduce_sum3A_1139[15] : i32 from vector<16xi32>
        %mul3A_1141 = arith.constant 16 : i32
        %mul3A_1142 = arith.muli %add3A_866, %mul3A_1141 : i32
        %add3A_1143 = arith.constant 10 : i32
        %add3A_1144 = arith.addi %mul3A_1142, %add3A_1143 : i32
        %dma_start3A_1145 = arith.constant 0 : i32
        %dma_start3A_1146 = tpu.memref_slice %arg9[%add3A_1144, %dma_start3A_1145] : memref<512x64xf32, #tpu.memory_space<vmem>> -> memref<1x64xf32, #tpu.memory_space<vmem>>
        %dma_start3A_1147 = tpu.memref_squeeze %dma_start3A_1146 : memref<1x64xf32, #tpu.memory_space<vmem>> -> memref<64xf32, #tpu.memory_space<vmem>>
        %dma_start3A_1148 = arith.constant 0 : i32
        %dma_start3A_1149 = tpu.memref_slice %arg4[%reduce_sum3A_1140, %dma_start3A_1148] : memref<1000000x64xf32, #tpu.memory_space<hbm>> -> memref<1x64xf32, #tpu.memory_space<hbm>>
        %dma_start3A_1150 = tpu.memref_squeeze %dma_start3A_1149 : memref<1x64xf32, #tpu.memory_space<hbm>> -> memref<64xf32, #tpu.memory_space<hbm>>
        %dma_start3A_1151 = arith.constant 0 : i32
        %dma_start3A_1152 = tpu.memref_slice %arg9[%add3A_1144, %dma_start3A_1151] : memref<512x64xf32, #tpu.memory_space<vmem>> -> memref<1x64xf32, #tpu.memory_space<vmem>>
        %dma_start3A_1153 = tpu.memref_squeeze %dma_start3A_1152 : memref<1x64xf32, #tpu.memory_space<vmem>> -> memref<64xf32, #tpu.memory_space<vmem>>
        %dma_start3A_1154 = arith.constant 0 : i32
        %dma_start3A_1155 = tpu.memref_slice %arg4[%reduce_sum3A_1140, %dma_start3A_1154] : memref<1000000x64xf32, #tpu.memory_space<hbm>> -> memref<1x64xf32, #tpu.memory_space<hbm>>
        %dma_start3A_1156 = tpu.memref_squeeze %dma_start3A_1155 : memref<1x64xf32, #tpu.memory_space<hbm>> -> memref<64xf32, #tpu.memory_space<hbm>>
        tpu.enqueue_dma source(%dma_start3A_1156 : memref<64xf32, #tpu.memory_space<hbm>>) target(%dma_start3A_1153 : memref<64xf32, #tpu.memory_space<vmem>>) target_semaphore(%arg12 : memref<!tpu.dma_semaphore, #tpu.memory_space<semaphore_mem>>)
        %eq3A_1157 = arith.constant 11 : i32
        %eq3A_1158 = vector.broadcast %eq3A_1157 : i32 to vector<16xi32>
        %eq3A_1159 = arith.cmpi eq, %iota3A, %eq3A_1158 : vector<16xi32>
        %jit3A_1160 = arith.constant 0 : i32
        %broadcast_in_dim3A_1161 = vector.broadcast %jit3A_1160 : i32 to vector<16xi32>
        %select_n3A_1162 = arith.select %eq3A_1159, %get3A_870, %broadcast_in_dim3A_1161 : vector<16xi1>, vector<16xi32>
        %reduce_sum3A_1163 = arith.constant true
        %reduce_sum3A_1164 = vector.broadcast %reduce_sum3A_1163 : i1 to vector<16xi1>
        %reduce_sum3A_1165 = tpu.scan <sum>, %select_n3A_1162 masked %reduce_sum3A_1164 : vector<16xi32>, vector<16xi1> -> vector<16xi32>
        %reduce_sum3A_1166 = vector.extract %reduce_sum3A_1165[15] : i32 from vector<16xi32>
        %mul3A_1167 = arith.constant 16 : i32
        %mul3A_1168 = arith.muli %add3A_866, %mul3A_1167 : i32
        %add3A_1169 = arith.constant 11 : i32
        %add3A_1170 = arith.addi %mul3A_1168, %add3A_1169 : i32
        %dma_start3A_1171 = arith.constant 0 : i32
        %dma_start3A_1172 = tpu.memref_slice %arg9[%add3A_1170, %dma_start3A_1171] : memref<512x64xf32, #tpu.memory_space<vmem>> -> memref<1x64xf32, #tpu.memory_space<vmem>>
        %dma_start3A_1173 = tpu.memref_squeeze %dma_start3A_1172 : memref<1x64xf32, #tpu.memory_space<vmem>> -> memref<64xf32, #tpu.memory_space<vmem>>
        %dma_start3A_1174 = arith.constant 0 : i32
        %dma_start3A_1175 = tpu.memref_slice %arg4[%reduce_sum3A_1166, %dma_start3A_1174] : memref<1000000x64xf32, #tpu.memory_space<hbm>> -> memref<1x64xf32, #tpu.memory_space<hbm>>
        %dma_start3A_1176 = tpu.memref_squeeze %dma_start3A_1175 : memref<1x64xf32, #tpu.memory_space<hbm>> -> memref<64xf32, #tpu.memory_space<hbm>>
        %dma_start3A_1177 = arith.constant 0 : i32
        %dma_start3A_1178 = tpu.memref_slice %arg9[%add3A_1170, %dma_start3A_1177] : memref<512x64xf32, #tpu.memory_space<vmem>> -> memref<1x64xf32, #tpu.memory_space<vmem>>
        %dma_start3A_1179 = tpu.memref_squeeze %dma_start3A_1178 : memref<1x64xf32, #tpu.memory_space<vmem>> -> memref<64xf32, #tpu.memory_space<vmem>>
        %dma_start3A_1180 = arith.constant 0 : i32
        %dma_start3A_1181 = tpu.memref_slice %arg4[%reduce_sum3A_1166, %dma_start3A_1180] : memref<1000000x64xf32, #tpu.memory_space<hbm>> -> memref<1x64xf32, #tpu.memory_space<hbm>>
        %dma_start3A_1182 = tpu.memref_squeeze %dma_start3A_1181 : memref<1x64xf32, #tpu.memory_space<hbm>> -> memref<64xf32, #tpu.memory_space<hbm>>
        tpu.enqueue_dma source(%dma_start3A_1182 : memref<64xf32, #tpu.memory_space<hbm>>) target(%dma_start3A_1179 : memref<64xf32, #tpu.memory_space<vmem>>) target_semaphore(%arg13 : memref<!tpu.dma_semaphore, #tpu.memory_space<semaphore_mem>>)
        %eq3A_1183 = arith.constant 12 : i32
        %eq3A_1184 = vector.broadcast %eq3A_1183 : i32 to vector<16xi32>
        %eq3A_1185 = arith.cmpi eq, %iota3A, %eq3A_1184 : vector<16xi32>
        %jit3A_1186 = arith.constant 0 : i32
        %broadcast_in_dim3A_1187 = vector.broadcast %jit3A_1186 : i32 to vector<16xi32>
        %select_n3A_1188 = arith.select %eq3A_1185, %get3A_870, %broadcast_in_dim3A_1187 : vector<16xi1>, vector<16xi32>
        %reduce_sum3A_1189 = arith.constant true
        %reduce_sum3A_1190 = vector.broadcast %reduce_sum3A_1189 : i1 to vector<16xi1>
        %reduce_sum3A_1191 = tpu.scan <sum>, %select_n3A_1188 masked %reduce_sum3A_1190 : vector<16xi32>, vector<16xi1> -> vector<16xi32>
        %reduce_sum3A_1192 = vector.extract %reduce_sum3A_1191[15] : i32 from vector<16xi32>
        %mul3A_1193 = arith.constant 16 : i32
        %mul3A_1194 = arith.muli %add3A_866, %mul3A_1193 : i32
        %add3A_1195 = arith.constant 12 : i32
        %add3A_1196 = arith.addi %mul3A_1194, %add3A_1195 : i32
        %dma_start3A_1197 = arith.constant 0 : i32
        %dma_start3A_1198 = tpu.memref_slice %arg9[%add3A_1196, %dma_start3A_1197] : memref<512x64xf32, #tpu.memory_space<vmem>> -> memref<1x64xf32, #tpu.memory_space<vmem>>
        %dma_start3A_1199 = tpu.memref_squeeze %dma_start3A_1198 : memref<1x64xf32, #tpu.memory_space<vmem>> -> memref<64xf32, #tpu.memory_space<vmem>>
        %dma_start3A_1200 = arith.constant 0 : i32
        %dma_start3A_1201 = tpu.memref_slice %arg4[%reduce_sum3A_1192, %dma_start3A_1200] : memref<1000000x64xf32, #tpu.memory_space<hbm>> -> memref<1x64xf32, #tpu.memory_space<hbm>>
        %dma_start3A_1202 = tpu.memref_squeeze %dma_start3A_1201 : memref<1x64xf32, #tpu.memory_space<hbm>> -> memref<64xf32, #tpu.memory_space<hbm>>
        %dma_start3A_1203 = arith.constant 0 : i32
        %dma_start3A_1204 = tpu.memref_slice %arg9[%add3A_1196, %dma_start3A_1203] : memref<512x64xf32, #tpu.memory_space<vmem>> -> memref<1x64xf32, #tpu.memory_space<vmem>>
        %dma_start3A_1205 = tpu.memref_squeeze %dma_start3A_1204 : memref<1x64xf32, #tpu.memory_space<vmem>> -> memref<64xf32, #tpu.memory_space<vmem>>
        %dma_start3A_1206 = arith.constant 0 : i32
        %dma_start3A_1207 = tpu.memref_slice %arg4[%reduce_sum3A_1192, %dma_start3A_1206] : memref<1000000x64xf32, #tpu.memory_space<hbm>> -> memref<1x64xf32, #tpu.memory_space<hbm>>
        %dma_start3A_1208 = tpu.memref_squeeze %dma_start3A_1207 : memref<1x64xf32, #tpu.memory_space<hbm>> -> memref<64xf32, #tpu.memory_space<hbm>>
        tpu.enqueue_dma source(%dma_start3A_1208 : memref<64xf32, #tpu.memory_space<hbm>>) target(%dma_start3A_1205 : memref<64xf32, #tpu.memory_space<vmem>>) target_semaphore(%arg14 : memref<!tpu.dma_semaphore, #tpu.memory_space<semaphore_mem>>)
        %eq3A_1209 = arith.constant 13 : i32
        %eq3A_1210 = vector.broadcast %eq3A_1209 : i32 to vector<16xi32>
        %eq3A_1211 = arith.cmpi eq, %iota3A, %eq3A_1210 : vector<16xi32>
        %jit3A_1212 = arith.constant 0 : i32
        %broadcast_in_dim3A_1213 = vector.broadcast %jit3A_1212 : i32 to vector<16xi32>
        %select_n3A_1214 = arith.select %eq3A_1211, %get3A_870, %broadcast_in_dim3A_1213 : vector<16xi1>, vector<16xi32>
        %reduce_sum3A_1215 = arith.constant true
        %reduce_sum3A_1216 = vector.broadcast %reduce_sum3A_1215 : i1 to vector<16xi1>
        %reduce_sum3A_1217 = tpu.scan <sum>, %select_n3A_1214 masked %reduce_sum3A_1216 : vector<16xi32>, vector<16xi1> -> vector<16xi32>
        %reduce_sum3A_1218 = vector.extract %reduce_sum3A_1217[15] : i32 from vector<16xi32>
        %mul3A_1219 = arith.constant 16 : i32
        %mul3A_1220 = arith.muli %add3A_866, %mul3A_1219 : i32
        %add3A_1221 = arith.constant 13 : i32
        %add3A_1222 = arith.addi %mul3A_1220, %add3A_1221 : i32
        %dma_start3A_1223 = arith.constant 0 : i32
        %dma_start3A_1224 = tpu.memref_slice %arg9[%add3A_1222, %dma_start3A_1223] : memref<512x64xf32, #tpu.memory_space<vmem>> -> memref<1x64xf32, #tpu.memory_space<vmem>>
        %dma_start3A_1225 = tpu.memref_squeeze %dma_start3A_1224 : memref<1x64xf32, #tpu.memory_space<vmem>> -> memref<64xf32, #tpu.memory_space<vmem>>
        %dma_start3A_1226 = arith.constant 0 : i32
        %dma_start3A_1227 = tpu.memref_slice %arg4[%reduce_sum3A_1218, %dma_start3A_1226] : memref<1000000x64xf32, #tpu.memory_space<hbm>> -> memref<1x64xf32, #tpu.memory_space<hbm>>
        %dma_start3A_1228 = tpu.memref_squeeze %dma_start3A_1227 : memref<1x64xf32, #tpu.memory_space<hbm>> -> memref<64xf32, #tpu.memory_space<hbm>>
        %dma_start3A_1229 = arith.constant 0 : i32
        %dma_start3A_1230 = tpu.memref_slice %arg9[%add3A_1222, %dma_start3A_1229] : memref<512x64xf32, #tpu.memory_space<vmem>> -> memref<1x64xf32, #tpu.memory_space<vmem>>
        %dma_start3A_1231 = tpu.memref_squeeze %dma_start3A_1230 : memref<1x64xf32, #tpu.memory_space<vmem>> -> memref<64xf32, #tpu.memory_space<vmem>>
        %dma_start3A_1232 = arith.constant 0 : i32
        %dma_start3A_1233 = tpu.memref_slice %arg4[%reduce_sum3A_1218, %dma_start3A_1232] : memref<1000000x64xf32, #tpu.memory_space<hbm>> -> memref<1x64xf32, #tpu.memory_space<hbm>>
        %dma_start3A_1234 = tpu.memref_squeeze %dma_start3A_1233 : memref<1x64xf32, #tpu.memory_space<hbm>> -> memref<64xf32, #tpu.memory_space<hbm>>
        tpu.enqueue_dma source(%dma_start3A_1234 : memref<64xf32, #tpu.memory_space<hbm>>) target(%dma_start3A_1231 : memref<64xf32, #tpu.memory_space<vmem>>) target_semaphore(%arg15 : memref<!tpu.dma_semaphore, #tpu.memory_space<semaphore_mem>>)
        %eq3A_1235 = arith.constant 14 : i32
        %eq3A_1236 = vector.broadcast %eq3A_1235 : i32 to vector<16xi32>
        %eq3A_1237 = arith.cmpi eq, %iota3A, %eq3A_1236 : vector<16xi32>
        %jit3A_1238 = arith.constant 0 : i32
        %broadcast_in_dim3A_1239 = vector.broadcast %jit3A_1238 : i32 to vector<16xi32>
        %select_n3A_1240 = arith.select %eq3A_1237, %get3A_870, %broadcast_in_dim3A_1239 : vector<16xi1>, vector<16xi32>
        %reduce_sum3A_1241 = arith.constant true
        %reduce_sum3A_1242 = vector.broadcast %reduce_sum3A_1241 : i1 to vector<16xi1>
        %reduce_sum3A_1243 = tpu.scan <sum>, %select_n3A_1240 masked %reduce_sum3A_1242 : vector<16xi32>, vector<16xi1> -> vector<16xi32>
        %reduce_sum3A_1244 = vector.extract %reduce_sum3A_1243[15] : i32 from vector<16xi32>
        %mul3A_1245 = arith.constant 16 : i32
        %mul3A_1246 = arith.muli %add3A_866, %mul3A_1245 : i32
        %add3A_1247 = arith.constant 14 : i32
        %add3A_1248 = arith.addi %mul3A_1246, %add3A_1247 : i32
        %dma_start3A_1249 = arith.constant 0 : i32
        %dma_start3A_1250 = tpu.memref_slice %arg9[%add3A_1248, %dma_start3A_1249] : memref<512x64xf32, #tpu.memory_space<vmem>> -> memref<1x64xf32, #tpu.memory_space<vmem>>
        %dma_start3A_1251 = tpu.memref_squeeze %dma_start3A_1250 : memref<1x64xf32, #tpu.memory_space<vmem>> -> memref<64xf32, #tpu.memory_space<vmem>>
        %dma_start3A_1252 = arith.constant 0 : i32
        %dma_start3A_1253 = tpu.memref_slice %arg4[%reduce_sum3A_1244, %dma_start3A_1252] : memref<1000000x64xf32, #tpu.memory_space<hbm>> -> memref<1x64xf32, #tpu.memory_space<hbm>>
        %dma_start3A_1254 = tpu.memref_squeeze %dma_start3A_1253 : memref<1x64xf32, #tpu.memory_space<hbm>> -> memref<64xf32, #tpu.memory_space<hbm>>
        %dma_start3A_1255 = arith.constant 0 : i32
        %dma_start3A_1256 = tpu.memref_slice %arg9[%add3A_1248, %dma_start3A_1255] : memref<512x64xf32, #tpu.memory_space<vmem>> -> memref<1x64xf32, #tpu.memory_space<vmem>>
        %dma_start3A_1257 = tpu.memref_squeeze %dma_start3A_1256 : memref<1x64xf32, #tpu.memory_space<vmem>> -> memref<64xf32, #tpu.memory_space<vmem>>
        %dma_start3A_1258 = arith.constant 0 : i32
        %dma_start3A_1259 = tpu.memref_slice %arg4[%reduce_sum3A_1244, %dma_start3A_1258] : memref<1000000x64xf32, #tpu.memory_space<hbm>> -> memref<1x64xf32, #tpu.memory_space<hbm>>
        %dma_start3A_1260 = tpu.memref_squeeze %dma_start3A_1259 : memref<1x64xf32, #tpu.memory_space<hbm>> -> memref<64xf32, #tpu.memory_space<hbm>>
        tpu.enqueue_dma source(%dma_start3A_1260 : memref<64xf32, #tpu.memory_space<hbm>>) target(%dma_start3A_1257 : memref<64xf32, #tpu.memory_space<vmem>>) target_semaphore(%arg16 : memref<!tpu.dma_semaphore, #tpu.memory_space<semaphore_mem>>)
        %eq3A_1261 = arith.constant 15 : i32
        %eq3A_1262 = vector.broadcast %eq3A_1261 : i32 to vector<16xi32>
        %eq3A_1263 = arith.cmpi eq, %iota3A, %eq3A_1262 : vector<16xi32>
        %jit3A_1264 = arith.constant 0 : i32
        %broadcast_in_dim3A_1265 = vector.broadcast %jit3A_1264 : i32 to vector<16xi32>
        %select_n3A_1266 = arith.select %eq3A_1263, %get3A_870, %broadcast_in_dim3A_1265 : vector<16xi1>, vector<16xi32>
        %reduce_sum3A_1267 = arith.constant true
        %reduce_sum3A_1268 = vector.broadcast %reduce_sum3A_1267 : i1 to vector<16xi1>
        %reduce_sum3A_1269 = tpu.scan <sum>, %select_n3A_1266 masked %reduce_sum3A_1268 : vector<16xi32>, vector<16xi1> -> vector<16xi32>
        %reduce_sum3A_1270 = vector.extract %reduce_sum3A_1269[15] : i32 from vector<16xi32>
        %mul3A_1271 = arith.constant 16 : i32
        %mul3A_1272 = arith.muli %add3A_866, %mul3A_1271 : i32
        %add3A_1273 = arith.constant 15 : i32
        %add3A_1274 = arith.addi %mul3A_1272, %add3A_1273 : i32
        %dma_start3A_1275 = arith.constant 0 : i32
        %dma_start3A_1276 = tpu.memref_slice %arg9[%add3A_1274, %dma_start3A_1275] : memref<512x64xf32, #tpu.memory_space<vmem>> -> memref<1x64xf32, #tpu.memory_space<vmem>>
        %dma_start3A_1277 = tpu.memref_squeeze %dma_start3A_1276 : memref<1x64xf32, #tpu.memory_space<vmem>> -> memref<64xf32, #tpu.memory_space<vmem>>
        %dma_start3A_1278 = arith.constant 0 : i32
        %dma_start3A_1279 = tpu.memref_slice %arg4[%reduce_sum3A_1270, %dma_start3A_1278] : memref<1000000x64xf32, #tpu.memory_space<hbm>> -> memref<1x64xf32, #tpu.memory_space<hbm>>
        %dma_start3A_1280 = tpu.memref_squeeze %dma_start3A_1279 : memref<1x64xf32, #tpu.memory_space<hbm>> -> memref<64xf32, #tpu.memory_space<hbm>>
        %dma_start3A_1281 = arith.constant 0 : i32
        %dma_start3A_1282 = tpu.memref_slice %arg9[%add3A_1274, %dma_start3A_1281] : memref<512x64xf32, #tpu.memory_space<vmem>> -> memref<1x64xf32, #tpu.memory_space<vmem>>
        %dma_start3A_1283 = tpu.memref_squeeze %dma_start3A_1282 : memref<1x64xf32, #tpu.memory_space<vmem>> -> memref<64xf32, #tpu.memory_space<vmem>>
        %dma_start3A_1284 = arith.constant 0 : i32
        %dma_start3A_1285 = tpu.memref_slice %arg4[%reduce_sum3A_1270, %dma_start3A_1284] : memref<1000000x64xf32, #tpu.memory_space<hbm>> -> memref<1x64xf32, #tpu.memory_space<hbm>>
        %dma_start3A_1286 = tpu.memref_squeeze %dma_start3A_1285 : memref<1x64xf32, #tpu.memory_space<hbm>> -> memref<64xf32, #tpu.memory_space<hbm>>
        tpu.enqueue_dma source(%dma_start3A_1286 : memref<64xf32, #tpu.memory_space<hbm>>) target(%dma_start3A_1283 : memref<64xf32, #tpu.memory_space<vmem>>) target_semaphore(%arg17 : memref<!tpu.dma_semaphore, #tpu.memory_space<semaphore_mem>>)
      } else {
      }
      %mul3A_754 = arith.constant 16 : i32
      %mul3A_755 = arith.muli %add3A_749, %mul3A_754 : i32
      %add3A_756 = arith.constant 0 : i32
      %add3A_757 = arith.addi %mul3A_755, %add3A_756 : i32
      %dma_wait3A = arith.constant 0 : i32
      %dma_wait3A_758 = tpu.memref_slice %arg9[%add3A_757, %dma_wait3A] : memref<512x64xf32, #tpu.memory_space<vmem>> -> memref<2x64xf32, #tpu.memory_space<vmem>>
      %dma_wait3A_759 = arith.constant 0 : i32
      %dma_wait3A_760 = arith.constant 0 : i32
      %dma_wait3A_761 = tpu.memref_slice %arg4[%dma_wait3A_759, %dma_wait3A_760] : memref<1000000x64xf32, #tpu.memory_space<hbm>> -> memref<2x64xf32, #tpu.memory_space<hbm>>
      %dma_wait3A_762 = arith.constant 0 : i32
      %dma_wait3A_763 = tpu.memref_slice %arg9[%add3A_757, %dma_wait3A_762] : memref<512x64xf32, #tpu.memory_space<vmem>> -> memref<2x64xf32, #tpu.memory_space<vmem>>
      %dma_wait3A_764 = arith.constant 0 : i32
      %dma_wait3A_765 = arith.constant 0 : i32
      %dma_wait3A_766 = tpu.memref_slice %arg4[%dma_wait3A_764, %dma_wait3A_765] : memref<1000000x64xf32, #tpu.memory_space<hbm>> -> memref<2x64xf32, #tpu.memory_space<hbm>>
      tpu.wait_dma2 semaphore(%arg10 : memref<!tpu.dma_semaphore, #tpu.memory_space<semaphore_mem>>) src(%dma_wait3A_766 : memref<2x64xf32, #tpu.memory_space<hbm>>) dst(%dma_wait3A_763 : memref<2x64xf32, #tpu.memory_space<vmem>>)
      %mul3A_767 = arith.constant 16 : i32
      %mul3A_768 = arith.muli %add3A_749, %mul3A_767 : i32
      %add3A_769 = arith.constant 2 : i32
      %add3A_770 = arith.addi %mul3A_768, %add3A_769 : i32
      %dma_wait3A_771 = arith.constant 0 : i32
      %dma_wait3A_772 = tpu.memref_slice %arg9[%add3A_770, %dma_wait3A_771] : memref<512x64xf32, #tpu.memory_space<vmem>> -> memref<2x64xf32, #tpu.memory_space<vmem>>
      %dma_wait3A_773 = arith.constant 0 : i32
      %dma_wait3A_774 = arith.constant 0 : i32
      %dma_wait3A_775 = tpu.memref_slice %arg4[%dma_wait3A_773, %dma_wait3A_774] : memref<1000000x64xf32, #tpu.memory_space<hbm>> -> memref<2x64xf32, #tpu.memory_space<hbm>>
      %dma_wait3A_776 = arith.constant 0 : i32
      %dma_wait3A_777 = tpu.memref_slice %arg9[%add3A_770, %dma_wait3A_776] : memref<512x64xf32, #tpu.memory_space<vmem>> -> memref<2x64xf32, #tpu.memory_space<vmem>>
      %dma_wait3A_778 = arith.constant 0 : i32
      %dma_wait3A_779 = arith.constant 0 : i32
      %dma_wait3A_780 = tpu.memref_slice %arg4[%dma_wait3A_778, %dma_wait3A_779] : memref<1000000x64xf32, #tpu.memory_space<hbm>> -> memref<2x64xf32, #tpu.memory_space<hbm>>
      tpu.wait_dma2 semaphore(%arg11 : memref<!tpu.dma_semaphore, #tpu.memory_space<semaphore_mem>>) src(%dma_wait3A_780 : memref<2x64xf32, #tpu.memory_space<hbm>>) dst(%dma_wait3A_777 : memref<2x64xf32, #tpu.memory_space<vmem>>)
      %mul3A_781 = arith.constant 16 : i32
      %mul3A_782 = arith.muli %add3A_749, %mul3A_781 : i32
      %add3A_783 = arith.constant 4 : i32
      %add3A_784 = arith.addi %mul3A_782, %add3A_783 : i32
      %dma_wait3A_785 = arith.constant 0 : i32
      %dma_wait3A_786 = tpu.memref_slice %arg9[%add3A_784, %dma_wait3A_785] : memref<512x64xf32, #tpu.memory_space<vmem>> -> memref<2x64xf32, #tpu.memory_space<vmem>>
      %dma_wait3A_787 = arith.constant 0 : i32
      %dma_wait3A_788 = arith.constant 0 : i32
      %dma_wait3A_789 = tpu.memref_slice %arg4[%dma_wait3A_787, %dma_wait3A_788] : memref<1000000x64xf32, #tpu.memory_space<hbm>> -> memref<2x64xf32, #tpu.memory_space<hbm>>
      %dma_wait3A_790 = arith.constant 0 : i32
      %dma_wait3A_791 = tpu.memref_slice %arg9[%add3A_784, %dma_wait3A_790] : memref<512x64xf32, #tpu.memory_space<vmem>> -> memref<2x64xf32, #tpu.memory_space<vmem>>
      %dma_wait3A_792 = arith.constant 0 : i32
      %dma_wait3A_793 = arith.constant 0 : i32
      %dma_wait3A_794 = tpu.memref_slice %arg4[%dma_wait3A_792, %dma_wait3A_793] : memref<1000000x64xf32, #tpu.memory_space<hbm>> -> memref<2x64xf32, #tpu.memory_space<hbm>>
      tpu.wait_dma2 semaphore(%arg12 : memref<!tpu.dma_semaphore, #tpu.memory_space<semaphore_mem>>) src(%dma_wait3A_794 : memref<2x64xf32, #tpu.memory_space<hbm>>) dst(%dma_wait3A_791 : memref<2x64xf32, #tpu.memory_space<vmem>>)
      %mul3A_795 = arith.constant 16 : i32
      %mul3A_796 = arith.muli %add3A_749, %mul3A_795 : i32
      %add3A_797 = arith.constant 6 : i32
      %add3A_798 = arith.addi %mul3A_796, %add3A_797 : i32
      %dma_wait3A_799 = arith.constant 0 : i32
      %dma_wait3A_800 = tpu.memref_slice %arg9[%add3A_798, %dma_wait3A_799] : memref<512x64xf32, #tpu.memory_space<vmem>> -> memref<2x64xf32, #tpu.memory_space<vmem>>
      %dma_wait3A_801 = arith.constant 0 : i32
      %dma_wait3A_802 = arith.constant 0 : i32
      %dma_wait3A_803 = tpu.memref_slice %arg4[%dma_wait3A_801, %dma_wait3A_802] : memref<1000000x64xf32, #tpu.memory_space<hbm>> -> memref<2x64xf32, #tpu.memory_space<hbm>>
      %dma_wait3A_804 = arith.constant 0 : i32
      %dma_wait3A_805 = tpu.memref_slice %arg9[%add3A_798, %dma_wait3A_804] : memref<512x64xf32, #tpu.memory_space<vmem>> -> memref<2x64xf32, #tpu.memory_space<vmem>>
      %dma_wait3A_806 = arith.constant 0 : i32
      %dma_wait3A_807 = arith.constant 0 : i32
      %dma_wait3A_808 = tpu.memref_slice %arg4[%dma_wait3A_806, %dma_wait3A_807] : memref<1000000x64xf32, #tpu.memory_space<hbm>> -> memref<2x64xf32, #tpu.memory_space<hbm>>
      tpu.wait_dma2 semaphore(%arg13 : memref<!tpu.dma_semaphore, #tpu.memory_space<semaphore_mem>>) src(%dma_wait3A_808 : memref<2x64xf32, #tpu.memory_space<hbm>>) dst(%dma_wait3A_805 : memref<2x64xf32, #tpu.memory_space<vmem>>)
      %mul3A_809 = arith.constant 16 : i32
      %mul3A_810 = arith.muli %add3A_749, %mul3A_809 : i32
      %add3A_811 = arith.constant 8 : i32
      %add3A_812 = arith.addi %mul3A_810, %add3A_811 : i32
      %dma_wait3A_813 = arith.constant 0 : i32
      %dma_wait3A_814 = tpu.memref_slice %arg9[%add3A_812, %dma_wait3A_813] : memref<512x64xf32, #tpu.memory_space<vmem>> -> memref<2x64xf32, #tpu.memory_space<vmem>>
      %dma_wait3A_815 = arith.constant 0 : i32
      %dma_wait3A_816 = arith.constant 0 : i32
      %dma_wait3A_817 = tpu.memref_slice %arg4[%dma_wait3A_815, %dma_wait3A_816] : memref<1000000x64xf32, #tpu.memory_space<hbm>> -> memref<2x64xf32, #tpu.memory_space<hbm>>
      %dma_wait3A_818 = arith.constant 0 : i32
      %dma_wait3A_819 = tpu.memref_slice %arg9[%add3A_812, %dma_wait3A_818] : memref<512x64xf32, #tpu.memory_space<vmem>> -> memref<2x64xf32, #tpu.memory_space<vmem>>
      %dma_wait3A_820 = arith.constant 0 : i32
      %dma_wait3A_821 = arith.constant 0 : i32
      %dma_wait3A_822 = tpu.memref_slice %arg4[%dma_wait3A_820, %dma_wait3A_821] : memref<1000000x64xf32, #tpu.memory_space<hbm>> -> memref<2x64xf32, #tpu.memory_space<hbm>>
      tpu.wait_dma2 semaphore(%arg14 : memref<!tpu.dma_semaphore, #tpu.memory_space<semaphore_mem>>) src(%dma_wait3A_822 : memref<2x64xf32, #tpu.memory_space<hbm>>) dst(%dma_wait3A_819 : memref<2x64xf32, #tpu.memory_space<vmem>>)
      %mul3A_823 = arith.constant 16 : i32
      %mul3A_824 = arith.muli %add3A_749, %mul3A_823 : i32
      %add3A_825 = arith.constant 10 : i32
      %add3A_826 = arith.addi %mul3A_824, %add3A_825 : i32
      %dma_wait3A_827 = arith.constant 0 : i32
      %dma_wait3A_828 = tpu.memref_slice %arg9[%add3A_826, %dma_wait3A_827] : memref<512x64xf32, #tpu.memory_space<vmem>> -> memref<2x64xf32, #tpu.memory_space<vmem>>
      %dma_wait3A_829 = arith.constant 0 : i32
      %dma_wait3A_830 = arith.constant 0 : i32
      %dma_wait3A_831 = tpu.memref_slice %arg4[%dma_wait3A_829, %dma_wait3A_830] : memref<1000000x64xf32, #tpu.memory_space<hbm>> -> memref<2x64xf32, #tpu.memory_space<hbm>>
      %dma_wait3A_832 = arith.constant 0 : i32
      %dma_wait3A_833 = tpu.memref_slice %arg9[%add3A_826, %dma_wait3A_832] : memref<512x64xf32, #tpu.memory_space<vmem>> -> memref<2x64xf32, #tpu.memory_space<vmem>>
      %dma_wait3A_834 = arith.constant 0 : i32
      %dma_wait3A_835 = arith.constant 0 : i32
      %dma_wait3A_836 = tpu.memref_slice %arg4[%dma_wait3A_834, %dma_wait3A_835] : memref<1000000x64xf32, #tpu.memory_space<hbm>> -> memref<2x64xf32, #tpu.memory_space<hbm>>
      tpu.wait_dma2 semaphore(%arg15 : memref<!tpu.dma_semaphore, #tpu.memory_space<semaphore_mem>>) src(%dma_wait3A_836 : memref<2x64xf32, #tpu.memory_space<hbm>>) dst(%dma_wait3A_833 : memref<2x64xf32, #tpu.memory_space<vmem>>)
      %mul3A_837 = arith.constant 16 : i32
      %mul3A_838 = arith.muli %add3A_749, %mul3A_837 : i32
      %add3A_839 = arith.constant 12 : i32
      %add3A_840 = arith.addi %mul3A_838, %add3A_839 : i32
      %dma_wait3A_841 = arith.constant 0 : i32
      %dma_wait3A_842 = tpu.memref_slice %arg9[%add3A_840, %dma_wait3A_841] : memref<512x64xf32, #tpu.memory_space<vmem>> -> memref<2x64xf32, #tpu.memory_space<vmem>>
      %dma_wait3A_843 = arith.constant 0 : i32
      %dma_wait3A_844 = arith.constant 0 : i32
      %dma_wait3A_845 = tpu.memref_slice %arg4[%dma_wait3A_843, %dma_wait3A_844] : memref<1000000x64xf32, #tpu.memory_space<hbm>> -> memref<2x64xf32, #tpu.memory_space<hbm>>
      %dma_wait3A_846 = arith.constant 0 : i32
      %dma_wait3A_847 = tpu.memref_slice %arg9[%add3A_840, %dma_wait3A_846] : memref<512x64xf32, #tpu.memory_space<vmem>> -> memref<2x64xf32, #tpu.memory_space<vmem>>
      %dma_wait3A_848 = arith.constant 0 : i32
      %dma_wait3A_849 = arith.constant 0 : i32
      %dma_wait3A_850 = tpu.memref_slice %arg4[%dma_wait3A_848, %dma_wait3A_849] : memref<1000000x64xf32, #tpu.memory_space<hbm>> -> memref<2x64xf32, #tpu.memory_space<hbm>>
      tpu.wait_dma2 semaphore(%arg16 : memref<!tpu.dma_semaphore, #tpu.memory_space<semaphore_mem>>) src(%dma_wait3A_850 : memref<2x64xf32, #tpu.memory_space<hbm>>) dst(%dma_wait3A_847 : memref<2x64xf32, #tpu.memory_space<vmem>>)
      %mul3A_851 = arith.constant 16 : i32
      %mul3A_852 = arith.muli %add3A_749, %mul3A_851 : i32
      %add3A_853 = arith.constant 14 : i32
      %add3A_854 = arith.addi %mul3A_852, %add3A_853 : i32
      %dma_wait3A_855 = arith.constant 0 : i32
      %dma_wait3A_856 = tpu.memref_slice %arg9[%add3A_854, %dma_wait3A_855] : memref<512x64xf32, #tpu.memory_space<vmem>> -> memref<2x64xf32, #tpu.memory_space<vmem>>
      %dma_wait3A_857 = arith.constant 0 : i32
      %dma_wait3A_858 = arith.constant 0 : i32
      %dma_wait3A_859 = tpu.memref_slice %arg4[%dma_wait3A_857, %dma_wait3A_858] : memref<1000000x64xf32, #tpu.memory_space<hbm>> -> memref<2x64xf32, #tpu.memory_space<hbm>>
      %dma_wait3A_860 = arith.constant 0 : i32
      %dma_wait3A_861 = tpu.memref_slice %arg9[%add3A_854, %dma_wait3A_860] : memref<512x64xf32, #tpu.memory_space<vmem>> -> memref<2x64xf32, #tpu.memory_space<vmem>>
      %dma_wait3A_862 = arith.constant 0 : i32
      %dma_wait3A_863 = arith.constant 0 : i32
      %dma_wait3A_864 = tpu.memref_slice %arg4[%dma_wait3A_862, %dma_wait3A_863] : memref<1000000x64xf32, #tpu.memory_space<hbm>> -> memref<2x64xf32, #tpu.memory_space<hbm>>
      tpu.wait_dma2 semaphore(%arg17 : memref<!tpu.dma_semaphore, #tpu.memory_space<semaphore_mem>>) src(%dma_wait3A_864 : memref<2x64xf32, #tpu.memory_space<hbm>>) dst(%dma_wait3A_861 : memref<2x64xf32, #tpu.memory_space<vmem>>)
    }
    %scan3A_369 = arith.constant 32 : i32
    "tpu.region"() ({
      %run_scoped3A = tpu.sem_alloc : memref<!tpu.dma_semaphore, #tpu.memory_space<semaphore_mem>>
      %dma_start3A_745 = arith.constant 0 : i32
      %dma_start3A_746 = tpu.memref_slice %arg6[%mul3A_2, %dma_start3A_745] : memref<16384x64xf32, #tpu.memory_space<hbm>> -> memref<512x64xf32, #tpu.memory_space<hbm>>
      %dma_start3A_747 = arith.constant 0 : i32
      %dma_start3A_748 = tpu.memref_slice %arg6[%mul3A_2, %dma_start3A_747] : memref<16384x64xf32, #tpu.memory_space<hbm>> -> memref<512x64xf32, #tpu.memory_space<hbm>>
      tpu.enqueue_dma source(%arg9 : memref<512x64xf32, #tpu.memory_space<vmem>>) target(%dma_start3A_748 : memref<512x64xf32, #tpu.memory_space<hbm>>) target_semaphore(%run_scoped3A : memref<!tpu.dma_semaphore, #tpu.memory_space<semaphore_mem>>)
      %dma_wait3A = arith.constant 0 : i32
      %dma_wait3A_749 = tpu.memref_slice %arg6[%mul3A_2, %dma_wait3A] : memref<16384x64xf32, #tpu.memory_space<hbm>> -> memref<512x64xf32, #tpu.memory_space<hbm>>
      %dma_wait3A_750 = arith.constant 0 : i32
      %dma_wait3A_751 = tpu.memref_slice %arg6[%mul3A_2, %dma_wait3A_750] : memref<16384x64xf32, #tpu.memory_space<hbm>> -> memref<512x64xf32, #tpu.memory_space<hbm>>
      tpu.wait_dma2 semaphore(%run_scoped3A : memref<!tpu.dma_semaphore, #tpu.memory_space<semaphore_mem>>) src(%arg9 : memref<512x64xf32, #tpu.memory_space<vmem>>) dst(%dma_wait3A_751 : memref<512x64xf32, #tpu.memory_space<hbm>>)
      tpu.yield
    }) : () -> ()
    "tpu.region"() ({
      %run_scoped3A = tpu.sem_alloc : memref<!tpu.dma_semaphore, #tpu.memory_space<semaphore_mem>>
      %dma_start3A_745 = tpu.memref_slice %arg3[%mul3A_2] : memref<16384xi32, #tpu.memory_space<hbm>> -> memref<512xi32, #tpu.memory_space<hbm>>
      %dma_start3A_746 = tpu.memref_slice %arg3[%mul3A_2] : memref<16384xi32, #tpu.memory_space<hbm>> -> memref<512xi32, #tpu.memory_space<hbm>>
      tpu.enqueue_dma source(%dma_start3A_746 : memref<512xi32, #tpu.memory_space<hbm>>) target(%arg8 : memref<512xi32, #tpu.memory_space<vmem>>) target_semaphore(%run_scoped3A : memref<!tpu.dma_semaphore, #tpu.memory_space<semaphore_mem>>)
      %dma_wait3A = tpu.memref_slice %arg3[%mul3A_2] : memref<16384xi32, #tpu.memory_space<hbm>> -> memref<512xi32, #tpu.memory_space<hbm>>
      %dma_wait3A_747 = tpu.memref_slice %arg3[%mul3A_2] : memref<16384xi32, #tpu.memory_space<hbm>> -> memref<512xi32, #tpu.memory_space<hbm>>
      tpu.wait_dma2 semaphore(%run_scoped3A : memref<!tpu.dma_semaphore, #tpu.memory_space<semaphore_mem>>) src(%dma_wait3A_747 : memref<512xi32, #tpu.memory_space<hbm>>) dst(%arg8 : memref<512xi32, #tpu.memory_space<vmem>>)
      tpu.yield
    }) : () -> ()
    %get3A_370 = arith.constant 0 : index
    %get3A_371 = tpu.vector_load %arg8[%get3A_370] {strides = array<i32>} : memref<512xi32, #tpu.memory_space<vmem>>, vector<16xi32>,
    %eq3A_372 = arith.constant 0 : i32
    %eq3A_373 = vector.broadcast %eq3A_372 : i32 to vector<16xi32>
    %eq3A_374 = arith.cmpi eq, %iota3A, %eq3A_373 : vector<16xi32>
    %jit3A_375 = arith.constant 0 : i32
    %broadcast_in_dim3A_376 = vector.broadcast %jit3A_375 : i32 to vector<16xi32>
    %select_n3A_377 = arith.select %eq3A_374, %get3A_371, %broadcast_in_dim3A_376 : vector<16xi1>, vector<16xi32>
    %reduce_sum3A_378 = arith.constant true
    %reduce_sum3A_379 = vector.broadcast %reduce_sum3A_378 : i1 to vector<16xi1>
    %reduce_sum3A_380 = tpu.scan <sum>, %select_n3A_377 masked %reduce_sum3A_379 : vector<16xi32>, vector<16xi1> -> vector<16xi32>
    %reduce_sum3A_381 = vector.extract %reduce_sum3A_380[15] : i32 from vector<16xi32>
    %dma_start3A_382 = arith.constant 0 : i32
    %dma_start3A_383 = arith.constant 0 : i32
    %dma_start3A_384 = tpu.memref_slice %arg9[%dma_start3A_382, %dma_start3A_383] : memref<512x64xf32, #tpu.memory_space<vmem>> -> memref<1x64xf32, #tpu.memory_space<vmem>>
    %dma_start3A_385 = tpu.memref_squeeze %dma_start3A_384 : memref<1x64xf32, #tpu.memory_space<vmem>> -> memref<64xf32, #tpu.memory_space<vmem>>
    %dma_start3A_386 = arith.constant 0 : i32
    %dma_start3A_387 = tpu.memref_slice %arg5[%reduce_sum3A_381, %dma_start3A_386] : memref<1000000x64xf32, #tpu.memory_space<hbm>> -> memref<1x64xf32, #tpu.memory_space<hbm>>
    %dma_start3A_388 = tpu.memref_squeeze %dma_start3A_387 : memref<1x64xf32, #tpu.memory_space<hbm>> -> memref<64xf32, #tpu.memory_space<hbm>>
    %dma_start3A_389 = arith.constant 0 : i32
    %dma_start3A_390 = tpu.memref_slice %arg9[%dma_start3A_382, %dma_start3A_389] : memref<512x64xf32, #tpu.memory_space<vmem>> -> memref<1x64xf32, #tpu.memory_space<vmem>>
    %dma_start3A_391 = tpu.memref_squeeze %dma_start3A_390 : memref<1x64xf32, #tpu.memory_space<vmem>> -> memref<64xf32, #tpu.memory_space<vmem>>
    %dma_start3A_392 = arith.constant 0 : i32
    %dma_start3A_393 = tpu.memref_slice %arg5[%reduce_sum3A_381, %dma_start3A_392] : memref<1000000x64xf32, #tpu.memory_space<hbm>> -> memref<1x64xf32, #tpu.memory_space<hbm>>
    %dma_start3A_394 = tpu.memref_squeeze %dma_start3A_393 : memref<1x64xf32, #tpu.memory_space<hbm>> -> memref<64xf32, #tpu.memory_space<hbm>>
    tpu.enqueue_dma source(%dma_start3A_394 : memref<64xf32, #tpu.memory_space<hbm>>) target(%dma_start3A_391 : memref<64xf32, #tpu.memory_space<vmem>>) target_semaphore(%arg10 : memref<!tpu.dma_semaphore, #tpu.memory_space<semaphore_mem>>)
    %eq3A_395 = arith.constant 1 : i32
    %eq3A_396 = vector.broadcast %eq3A_395 : i32 to vector<16xi32>
    %eq3A_397 = arith.cmpi eq, %iota3A, %eq3A_396 : vector<16xi32>
    %jit3A_398 = arith.constant 0 : i32
    %broadcast_in_dim3A_399 = vector.broadcast %jit3A_398 : i32 to vector<16xi32>
    %select_n3A_400 = arith.select %eq3A_397, %get3A_371, %broadcast_in_dim3A_399 : vector<16xi1>, vector<16xi32>
    %reduce_sum3A_401 = arith.constant true
    %reduce_sum3A_402 = vector.broadcast %reduce_sum3A_401 : i1 to vector<16xi1>
    %reduce_sum3A_403 = tpu.scan <sum>, %select_n3A_400 masked %reduce_sum3A_402 : vector<16xi32>, vector<16xi1> -> vector<16xi32>
    %reduce_sum3A_404 = vector.extract %reduce_sum3A_403[15] : i32 from vector<16xi32>
    %dma_start3A_405 = arith.constant 1 : i32
    %dma_start3A_406 = arith.constant 0 : i32
    %dma_start3A_407 = tpu.memref_slice %arg9[%dma_start3A_405, %dma_start3A_406] : memref<512x64xf32, #tpu.memory_space<vmem>> -> memref<1x64xf32, #tpu.memory_space<vmem>>
    %dma_start3A_408 = tpu.memref_squeeze %dma_start3A_407 : memref<1x64xf32, #tpu.memory_space<vmem>> -> memref<64xf32, #tpu.memory_space<vmem>>
    %dma_start3A_409 = arith.constant 0 : i32
    %dma_start3A_410 = tpu.memref_slice %arg5[%reduce_sum3A_404, %dma_start3A_409] : memref<1000000x64xf32, #tpu.memory_space<hbm>> -> memref<1x64xf32, #tpu.memory_space<hbm>>
    %dma_start3A_411 = tpu.memref_squeeze %dma_start3A_410 : memref<1x64xf32, #tpu.memory_space<hbm>> -> memref<64xf32, #tpu.memory_space<hbm>>
    %dma_start3A_412 = arith.constant 0 : i32
    %dma_start3A_413 = tpu.memref_slice %arg9[%dma_start3A_405, %dma_start3A_412] : memref<512x64xf32, #tpu.memory_space<vmem>> -> memref<1x64xf32, #tpu.memory_space<vmem>>
    %dma_start3A_414 = tpu.memref_squeeze %dma_start3A_413 : memref<1x64xf32, #tpu.memory_space<vmem>> -> memref<64xf32, #tpu.memory_space<vmem>>
    %dma_start3A_415 = arith.constant 0 : i32
    %dma_start3A_416 = tpu.memref_slice %arg5[%reduce_sum3A_404, %dma_start3A_415] : memref<1000000x64xf32, #tpu.memory_space<hbm>> -> memref<1x64xf32, #tpu.memory_space<hbm>>
    %dma_start3A_417 = tpu.memref_squeeze %dma_start3A_416 : memref<1x64xf32, #tpu.memory_space<hbm>> -> memref<64xf32, #tpu.memory_space<hbm>>
    tpu.enqueue_dma source(%dma_start3A_417 : memref<64xf32, #tpu.memory_space<hbm>>) target(%dma_start3A_414 : memref<64xf32, #tpu.memory_space<vmem>>) target_semaphore(%arg11 : memref<!tpu.dma_semaphore, #tpu.memory_space<semaphore_mem>>)
    %eq3A_418 = arith.constant 2 : i32
    %eq3A_419 = vector.broadcast %eq3A_418 : i32 to vector<16xi32>
    %eq3A_420 = arith.cmpi eq, %iota3A, %eq3A_419 : vector<16xi32>
    %jit3A_421 = arith.constant 0 : i32
    %broadcast_in_dim3A_422 = vector.broadcast %jit3A_421 : i32 to vector<16xi32>
    %select_n3A_423 = arith.select %eq3A_420, %get3A_371, %broadcast_in_dim3A_422 : vector<16xi1>, vector<16xi32>
    %reduce_sum3A_424 = arith.constant true
    %reduce_sum3A_425 = vector.broadcast %reduce_sum3A_424 : i1 to vector<16xi1>
    %reduce_sum3A_426 = tpu.scan <sum>, %select_n3A_423 masked %reduce_sum3A_425 : vector<16xi32>, vector<16xi1> -> vector<16xi32>
    %reduce_sum3A_427 = vector.extract %reduce_sum3A_426[15] : i32 from vector<16xi32>
    %dma_start3A_428 = arith.constant 2 : i32
    %dma_start3A_429 = arith.constant 0 : i32
    %dma_start3A_430 = tpu.memref_slice %arg9[%dma_start3A_428, %dma_start3A_429] : memref<512x64xf32, #tpu.memory_space<vmem>> -> memref<1x64xf32, #tpu.memory_space<vmem>>
    %dma_start3A_431 = tpu.memref_squeeze %dma_start3A_430 : memref<1x64xf32, #tpu.memory_space<vmem>> -> memref<64xf32, #tpu.memory_space<vmem>>
    %dma_start3A_432 = arith.constant 0 : i32
    %dma_start3A_433 = tpu.memref_slice %arg5[%reduce_sum3A_427, %dma_start3A_432] : memref<1000000x64xf32, #tpu.memory_space<hbm>> -> memref<1x64xf32, #tpu.memory_space<hbm>>
    %dma_start3A_434 = tpu.memref_squeeze %dma_start3A_433 : memref<1x64xf32, #tpu.memory_space<hbm>> -> memref<64xf32, #tpu.memory_space<hbm>>
    %dma_start3A_435 = arith.constant 0 : i32
    %dma_start3A_436 = tpu.memref_slice %arg9[%dma_start3A_428, %dma_start3A_435] : memref<512x64xf32, #tpu.memory_space<vmem>> -> memref<1x64xf32, #tpu.memory_space<vmem>>
    %dma_start3A_437 = tpu.memref_squeeze %dma_start3A_436 : memref<1x64xf32, #tpu.memory_space<vmem>> -> memref<64xf32, #tpu.memory_space<vmem>>
    %dma_start3A_438 = arith.constant 0 : i32
    %dma_start3A_439 = tpu.memref_slice %arg5[%reduce_sum3A_427, %dma_start3A_438] : memref<1000000x64xf32, #tpu.memory_space<hbm>> -> memref<1x64xf32, #tpu.memory_space<hbm>>
    %dma_start3A_440 = tpu.memref_squeeze %dma_start3A_439 : memref<1x64xf32, #tpu.memory_space<hbm>> -> memref<64xf32, #tpu.memory_space<hbm>>
    tpu.enqueue_dma source(%dma_start3A_440 : memref<64xf32, #tpu.memory_space<hbm>>) target(%dma_start3A_437 : memref<64xf32, #tpu.memory_space<vmem>>) target_semaphore(%arg12 : memref<!tpu.dma_semaphore, #tpu.memory_space<semaphore_mem>>)
    %eq3A_441 = arith.constant 3 : i32
    %eq3A_442 = vector.broadcast %eq3A_441 : i32 to vector<16xi32>
    %eq3A_443 = arith.cmpi eq, %iota3A, %eq3A_442 : vector<16xi32>
    %jit3A_444 = arith.constant 0 : i32
    %broadcast_in_dim3A_445 = vector.broadcast %jit3A_444 : i32 to vector<16xi32>
    %select_n3A_446 = arith.select %eq3A_443, %get3A_371, %broadcast_in_dim3A_445 : vector<16xi1>, vector<16xi32>
    %reduce_sum3A_447 = arith.constant true
    %reduce_sum3A_448 = vector.broadcast %reduce_sum3A_447 : i1 to vector<16xi1>
    %reduce_sum3A_449 = tpu.scan <sum>, %select_n3A_446 masked %reduce_sum3A_448 : vector<16xi32>, vector<16xi1> -> vector<16xi32>
    %reduce_sum3A_450 = vector.extract %reduce_sum3A_449[15] : i32 from vector<16xi32>
    %dma_start3A_451 = arith.constant 3 : i32
    %dma_start3A_452 = arith.constant 0 : i32
    %dma_start3A_453 = tpu.memref_slice %arg9[%dma_start3A_451, %dma_start3A_452] : memref<512x64xf32, #tpu.memory_space<vmem>> -> memref<1x64xf32, #tpu.memory_space<vmem>>
    %dma_start3A_454 = tpu.memref_squeeze %dma_start3A_453 : memref<1x64xf32, #tpu.memory_space<vmem>> -> memref<64xf32, #tpu.memory_space<vmem>>
    %dma_start3A_455 = arith.constant 0 : i32
    %dma_start3A_456 = tpu.memref_slice %arg5[%reduce_sum3A_450, %dma_start3A_455] : memref<1000000x64xf32, #tpu.memory_space<hbm>> -> memref<1x64xf32, #tpu.memory_space<hbm>>
    %dma_start3A_457 = tpu.memref_squeeze %dma_start3A_456 : memref<1x64xf32, #tpu.memory_space<hbm>> -> memref<64xf32, #tpu.memory_space<hbm>>
    %dma_start3A_458 = arith.constant 0 : i32
    %dma_start3A_459 = tpu.memref_slice %arg9[%dma_start3A_451, %dma_start3A_458] : memref<512x64xf32, #tpu.memory_space<vmem>> -> memref<1x64xf32, #tpu.memory_space<vmem>>
    %dma_start3A_460 = tpu.memref_squeeze %dma_start3A_459 : memref<1x64xf32, #tpu.memory_space<vmem>> -> memref<64xf32, #tpu.memory_space<vmem>>
    %dma_start3A_461 = arith.constant 0 : i32
    %dma_start3A_462 = tpu.memref_slice %arg5[%reduce_sum3A_450, %dma_start3A_461] : memref<1000000x64xf32, #tpu.memory_space<hbm>> -> memref<1x64xf32, #tpu.memory_space<hbm>>
    %dma_start3A_463 = tpu.memref_squeeze %dma_start3A_462 : memref<1x64xf32, #tpu.memory_space<hbm>> -> memref<64xf32, #tpu.memory_space<hbm>>
    tpu.enqueue_dma source(%dma_start3A_463 : memref<64xf32, #tpu.memory_space<hbm>>) target(%dma_start3A_460 : memref<64xf32, #tpu.memory_space<vmem>>) target_semaphore(%arg13 : memref<!tpu.dma_semaphore, #tpu.memory_space<semaphore_mem>>)
    %eq3A_464 = arith.constant 4 : i32
    %eq3A_465 = vector.broadcast %eq3A_464 : i32 to vector<16xi32>
    %eq3A_466 = arith.cmpi eq, %iota3A, %eq3A_465 : vector<16xi32>
    %jit3A_467 = arith.constant 0 : i32
    %broadcast_in_dim3A_468 = vector.broadcast %jit3A_467 : i32 to vector<16xi32>
    %select_n3A_469 = arith.select %eq3A_466, %get3A_371, %broadcast_in_dim3A_468 : vector<16xi1>, vector<16xi32>
    %reduce_sum3A_470 = arith.constant true
    %reduce_sum3A_471 = vector.broadcast %reduce_sum3A_470 : i1 to vector<16xi1>
    %reduce_sum3A_472 = tpu.scan <sum>, %select_n3A_469 masked %reduce_sum3A_471 : vector<16xi32>, vector<16xi1> -> vector<16xi32>
    %reduce_sum3A_473 = vector.extract %reduce_sum3A_472[15] : i32 from vector<16xi32>
    %dma_start3A_474 = arith.constant 4 : i32
    %dma_start3A_475 = arith.constant 0 : i32
    %dma_start3A_476 = tpu.memref_slice %arg9[%dma_start3A_474, %dma_start3A_475] : memref<512x64xf32, #tpu.memory_space<vmem>> -> memref<1x64xf32, #tpu.memory_space<vmem>>
    %dma_start3A_477 = tpu.memref_squeeze %dma_start3A_476 : memref<1x64xf32, #tpu.memory_space<vmem>> -> memref<64xf32, #tpu.memory_space<vmem>>
    %dma_start3A_478 = arith.constant 0 : i32
    %dma_start3A_479 = tpu.memref_slice %arg5[%reduce_sum3A_473, %dma_start3A_478] : memref<1000000x64xf32, #tpu.memory_space<hbm>> -> memref<1x64xf32, #tpu.memory_space<hbm>>
    %dma_start3A_480 = tpu.memref_squeeze %dma_start3A_479 : memref<1x64xf32, #tpu.memory_space<hbm>> -> memref<64xf32, #tpu.memory_space<hbm>>
    %dma_start3A_481 = arith.constant 0 : i32
    %dma_start3A_482 = tpu.memref_slice %arg9[%dma_start3A_474, %dma_start3A_481] : memref<512x64xf32, #tpu.memory_space<vmem>> -> memref<1x64xf32, #tpu.memory_space<vmem>>
    %dma_start3A_483 = tpu.memref_squeeze %dma_start3A_482 : memref<1x64xf32, #tpu.memory_space<vmem>> -> memref<64xf32, #tpu.memory_space<vmem>>
    %dma_start3A_484 = arith.constant 0 : i32
    %dma_start3A_485 = tpu.memref_slice %arg5[%reduce_sum3A_473, %dma_start3A_484] : memref<1000000x64xf32, #tpu.memory_space<hbm>> -> memref<1x64xf32, #tpu.memory_space<hbm>>
    %dma_start3A_486 = tpu.memref_squeeze %dma_start3A_485 : memref<1x64xf32, #tpu.memory_space<hbm>> -> memref<64xf32, #tpu.memory_space<hbm>>
    tpu.enqueue_dma source(%dma_start3A_486 : memref<64xf32, #tpu.memory_space<hbm>>) target(%dma_start3A_483 : memref<64xf32, #tpu.memory_space<vmem>>) target_semaphore(%arg14 : memref<!tpu.dma_semaphore, #tpu.memory_space<semaphore_mem>>)
    %eq3A_487 = arith.constant 5 : i32
    %eq3A_488 = vector.broadcast %eq3A_487 : i32 to vector<16xi32>
    %eq3A_489 = arith.cmpi eq, %iota3A, %eq3A_488 : vector<16xi32>
    %jit3A_490 = arith.constant 0 : i32
    %broadcast_in_dim3A_491 = vector.broadcast %jit3A_490 : i32 to vector<16xi32>
    %select_n3A_492 = arith.select %eq3A_489, %get3A_371, %broadcast_in_dim3A_491 : vector<16xi1>, vector<16xi32>
    %reduce_sum3A_493 = arith.constant true
    %reduce_sum3A_494 = vector.broadcast %reduce_sum3A_493 : i1 to vector<16xi1>
    %reduce_sum3A_495 = tpu.scan <sum>, %select_n3A_492 masked %reduce_sum3A_494 : vector<16xi32>, vector<16xi1> -> vector<16xi32>
    %reduce_sum3A_496 = vector.extract %reduce_sum3A_495[15] : i32 from vector<16xi32>
    %dma_start3A_497 = arith.constant 5 : i32
    %dma_start3A_498 = arith.constant 0 : i32
    %dma_start3A_499 = tpu.memref_slice %arg9[%dma_start3A_497, %dma_start3A_498] : memref<512x64xf32, #tpu.memory_space<vmem>> -> memref<1x64xf32, #tpu.memory_space<vmem>>
    %dma_start3A_500 = tpu.memref_squeeze %dma_start3A_499 : memref<1x64xf32, #tpu.memory_space<vmem>> -> memref<64xf32, #tpu.memory_space<vmem>>
    %dma_start3A_501 = arith.constant 0 : i32
    %dma_start3A_502 = tpu.memref_slice %arg5[%reduce_sum3A_496, %dma_start3A_501] : memref<1000000x64xf32, #tpu.memory_space<hbm>> -> memref<1x64xf32, #tpu.memory_space<hbm>>
    %dma_start3A_503 = tpu.memref_squeeze %dma_start3A_502 : memref<1x64xf32, #tpu.memory_space<hbm>> -> memref<64xf32, #tpu.memory_space<hbm>>
    %dma_start3A_504 = arith.constant 0 : i32
    %dma_start3A_505 = tpu.memref_slice %arg9[%dma_start3A_497, %dma_start3A_504] : memref<512x64xf32, #tpu.memory_space<vmem>> -> memref<1x64xf32, #tpu.memory_space<vmem>>
    %dma_start3A_506 = tpu.memref_squeeze %dma_start3A_505 : memref<1x64xf32, #tpu.memory_space<vmem>> -> memref<64xf32, #tpu.memory_space<vmem>>
    %dma_start3A_507 = arith.constant 0 : i32
    %dma_start3A_508 = tpu.memref_slice %arg5[%reduce_sum3A_496, %dma_start3A_507] : memref<1000000x64xf32, #tpu.memory_space<hbm>> -> memref<1x64xf32, #tpu.memory_space<hbm>>
    %dma_start3A_509 = tpu.memref_squeeze %dma_start3A_508 : memref<1x64xf32, #tpu.memory_space<hbm>> -> memref<64xf32, #tpu.memory_space<hbm>>
    tpu.enqueue_dma source(%dma_start3A_509 : memref<64xf32, #tpu.memory_space<hbm>>) target(%dma_start3A_506 : memref<64xf32, #tpu.memory_space<vmem>>) target_semaphore(%arg15 : memref<!tpu.dma_semaphore, #tpu.memory_space<semaphore_mem>>)
    %eq3A_510 = arith.constant 6 : i32
    %eq3A_511 = vector.broadcast %eq3A_510 : i32 to vector<16xi32>
    %eq3A_512 = arith.cmpi eq, %iota3A, %eq3A_511 : vector<16xi32>
    %jit3A_513 = arith.constant 0 : i32
    %broadcast_in_dim3A_514 = vector.broadcast %jit3A_513 : i32 to vector<16xi32>
    %select_n3A_515 = arith.select %eq3A_512, %get3A_371, %broadcast_in_dim3A_514 : vector<16xi1>, vector<16xi32>
    %reduce_sum3A_516 = arith.constant true
    %reduce_sum3A_517 = vector.broadcast %reduce_sum3A_516 : i1 to vector<16xi1>
    %reduce_sum3A_518 = tpu.scan <sum>, %select_n3A_515 masked %reduce_sum3A_517 : vector<16xi32>, vector<16xi1> -> vector<16xi32>
    %reduce_sum3A_519 = vector.extract %reduce_sum3A_518[15] : i32 from vector<16xi32>
    %dma_start3A_520 = arith.constant 6 : i32
    %dma_start3A_521 = arith.constant 0 : i32
    %dma_start3A_522 = tpu.memref_slice %arg9[%dma_start3A_520, %dma_start3A_521] : memref<512x64xf32, #tpu.memory_space<vmem>> -> memref<1x64xf32, #tpu.memory_space<vmem>>
    %dma_start3A_523 = tpu.memref_squeeze %dma_start3A_522 : memref<1x64xf32, #tpu.memory_space<vmem>> -> memref<64xf32, #tpu.memory_space<vmem>>
    %dma_start3A_524 = arith.constant 0 : i32
    %dma_start3A_525 = tpu.memref_slice %arg5[%reduce_sum3A_519, %dma_start3A_524] : memref<1000000x64xf32, #tpu.memory_space<hbm>> -> memref<1x64xf32, #tpu.memory_space<hbm>>
    %dma_start3A_526 = tpu.memref_squeeze %dma_start3A_525 : memref<1x64xf32, #tpu.memory_space<hbm>> -> memref<64xf32, #tpu.memory_space<hbm>>
    %dma_start3A_527 = arith.constant 0 : i32
    %dma_start3A_528 = tpu.memref_slice %arg9[%dma_start3A_520, %dma_start3A_527] : memref<512x64xf32, #tpu.memory_space<vmem>> -> memref<1x64xf32, #tpu.memory_space<vmem>>
    %dma_start3A_529 = tpu.memref_squeeze %dma_start3A_528 : memref<1x64xf32, #tpu.memory_space<vmem>> -> memref<64xf32, #tpu.memory_space<vmem>>
    %dma_start3A_530 = arith.constant 0 : i32
    %dma_start3A_531 = tpu.memref_slice %arg5[%reduce_sum3A_519, %dma_start3A_530] : memref<1000000x64xf32, #tpu.memory_space<hbm>> -> memref<1x64xf32, #tpu.memory_space<hbm>>
    %dma_start3A_532 = tpu.memref_squeeze %dma_start3A_531 : memref<1x64xf32, #tpu.memory_space<hbm>> -> memref<64xf32, #tpu.memory_space<hbm>>
    tpu.enqueue_dma source(%dma_start3A_532 : memref<64xf32, #tpu.memory_space<hbm>>) target(%dma_start3A_529 : memref<64xf32, #tpu.memory_space<vmem>>) target_semaphore(%arg16 : memref<!tpu.dma_semaphore, #tpu.memory_space<semaphore_mem>>)
    %eq3A_533 = arith.constant 7 : i32
    %eq3A_534 = vector.broadcast %eq3A_533 : i32 to vector<16xi32>
    %eq3A_535 = arith.cmpi eq, %iota3A, %eq3A_534 : vector<16xi32>
    %jit3A_536 = arith.constant 0 : i32
    %broadcast_in_dim3A_537 = vector.broadcast %jit3A_536 : i32 to vector<16xi32>
    %select_n3A_538 = arith.select %eq3A_535, %get3A_371, %broadcast_in_dim3A_537 : vector<16xi1>, vector<16xi32>
    %reduce_sum3A_539 = arith.constant true
    %reduce_sum3A_540 = vector.broadcast %reduce_sum3A_539 : i1 to vector<16xi1>
    %reduce_sum3A_541 = tpu.scan <sum>, %select_n3A_538 masked %reduce_sum3A_540 : vector<16xi32>, vector<16xi1> -> vector<16xi32>
    %reduce_sum3A_542 = vector.extract %reduce_sum3A_541[15] : i32 from vector<16xi32>
    %dma_start3A_543 = arith.constant 7 : i32
    %dma_start3A_544 = arith.constant 0 : i32
    %dma_start3A_545 = tpu.memref_slice %arg9[%dma_start3A_543, %dma_start3A_544] : memref<512x64xf32, #tpu.memory_space<vmem>> -> memref<1x64xf32, #tpu.memory_space<vmem>>
    %dma_start3A_546 = tpu.memref_squeeze %dma_start3A_545 : memref<1x64xf32, #tpu.memory_space<vmem>> -> memref<64xf32, #tpu.memory_space<vmem>>
    %dma_start3A_547 = arith.constant 0 : i32
    %dma_start3A_548 = tpu.memref_slice %arg5[%reduce_sum3A_542, %dma_start3A_547] : memref<1000000x64xf32, #tpu.memory_space<hbm>> -> memref<1x64xf32, #tpu.memory_space<hbm>>
    %dma_start3A_549 = tpu.memref_squeeze %dma_start3A_548 : memref<1x64xf32, #tpu.memory_space<hbm>> -> memref<64xf32, #tpu.memory_space<hbm>>
    %dma_start3A_550 = arith.constant 0 : i32
    %dma_start3A_551 = tpu.memref_slice %arg9[%dma_start3A_543, %dma_start3A_550] : memref<512x64xf32, #tpu.memory_space<vmem>> -> memref<1x64xf32, #tpu.memory_space<vmem>>
    %dma_start3A_552 = tpu.memref_squeeze %dma_start3A_551 : memref<1x64xf32, #tpu.memory_space<vmem>> -> memref<64xf32, #tpu.memory_space<vmem>>
    %dma_start3A_553 = arith.constant 0 : i32
    %dma_start3A_554 = tpu.memref_slice %arg5[%reduce_sum3A_542, %dma_start3A_553] : memref<1000000x64xf32, #tpu.memory_space<hbm>> -> memref<1x64xf32, #tpu.memory_space<hbm>>
    %dma_start3A_555 = tpu.memref_squeeze %dma_start3A_554 : memref<1x64xf32, #tpu.memory_space<hbm>> -> memref<64xf32, #tpu.memory_space<hbm>>
    tpu.enqueue_dma source(%dma_start3A_555 : memref<64xf32, #tpu.memory_space<hbm>>) target(%dma_start3A_552 : memref<64xf32, #tpu.memory_space<vmem>>) target_semaphore(%arg17 : memref<!tpu.dma_semaphore, #tpu.memory_space<semaphore_mem>>)
    %eq3A_556 = arith.constant 8 : i32
    %eq3A_557 = vector.broadcast %eq3A_556 : i32 to vector<16xi32>
    %eq3A_558 = arith.cmpi eq, %iota3A, %eq3A_557 : vector<16xi32>
    %jit3A_559 = arith.constant 0 : i32
    %broadcast_in_dim3A_560 = vector.broadcast %jit3A_559 : i32 to vector<16xi32>
    %select_n3A_561 = arith.select %eq3A_558, %get3A_371, %broadcast_in_dim3A_560 : vector<16xi1>, vector<16xi32>
    %reduce_sum3A_562 = arith.constant true
    %reduce_sum3A_563 = vector.broadcast %reduce_sum3A_562 : i1 to vector<16xi1>
    %reduce_sum3A_564 = tpu.scan <sum>, %select_n3A_561 masked %reduce_sum3A_563 : vector<16xi32>, vector<16xi1> -> vector<16xi32>
    %reduce_sum3A_565 = vector.extract %reduce_sum3A_564[15] : i32 from vector<16xi32>
    %dma_start3A_566 = arith.constant 8 : i32
    %dma_start3A_567 = arith.constant 0 : i32
    %dma_start3A_568 = tpu.memref_slice %arg9[%dma_start3A_566, %dma_start3A_567] : memref<512x64xf32, #tpu.memory_space<vmem>> -> memref<1x64xf32, #tpu.memory_space<vmem>>
    %dma_start3A_569 = tpu.memref_squeeze %dma_start3A_568 : memref<1x64xf32, #tpu.memory_space<vmem>> -> memref<64xf32, #tpu.memory_space<vmem>>
    %dma_start3A_570 = arith.constant 0 : i32
    %dma_start3A_571 = tpu.memref_slice %arg5[%reduce_sum3A_565, %dma_start3A_570] : memref<1000000x64xf32, #tpu.memory_space<hbm>> -> memref<1x64xf32, #tpu.memory_space<hbm>>
    %dma_start3A_572 = tpu.memref_squeeze %dma_start3A_571 : memref<1x64xf32, #tpu.memory_space<hbm>> -> memref<64xf32, #tpu.memory_space<hbm>>
    %dma_start3A_573 = arith.constant 0 : i32
    %dma_start3A_574 = tpu.memref_slice %arg9[%dma_start3A_566, %dma_start3A_573] : memref<512x64xf32, #tpu.memory_space<vmem>> -> memref<1x64xf32, #tpu.memory_space<vmem>>
    %dma_start3A_575 = tpu.memref_squeeze %dma_start3A_574 : memref<1x64xf32, #tpu.memory_space<vmem>> -> memref<64xf32, #tpu.memory_space<vmem>>
    %dma_start3A_576 = arith.constant 0 : i32
    %dma_start3A_577 = tpu.memref_slice %arg5[%reduce_sum3A_565, %dma_start3A_576] : memref<1000000x64xf32, #tpu.memory_space<hbm>> -> memref<1x64xf32, #tpu.memory_space<hbm>>
    %dma_start3A_578 = tpu.memref_squeeze %dma_start3A_577 : memref<1x64xf32, #tpu.memory_space<hbm>> -> memref<64xf32, #tpu.memory_space<hbm>>
    tpu.enqueue_dma source(%dma_start3A_578 : memref<64xf32, #tpu.memory_space<hbm>>) target(%dma_start3A_575 : memref<64xf32, #tpu.memory_space<vmem>>) target_semaphore(%arg10 : memref<!tpu.dma_semaphore, #tpu.memory_space<semaphore_mem>>)
    %eq3A_579 = arith.constant 9 : i32
    %eq3A_580 = vector.broadcast %eq3A_579 : i32 to vector<16xi32>
    %eq3A_581 = arith.cmpi eq, %iota3A, %eq3A_580 : vector<16xi32>
    %jit3A_582 = arith.constant 0 : i32
    %broadcast_in_dim3A_583 = vector.broadcast %jit3A_582 : i32 to vector<16xi32>
    %select_n3A_584 = arith.select %eq3A_581, %get3A_371, %broadcast_in_dim3A_583 : vector<16xi1>, vector<16xi32>
    %reduce_sum3A_585 = arith.constant true
    %reduce_sum3A_586 = vector.broadcast %reduce_sum3A_585 : i1 to vector<16xi1>
    %reduce_sum3A_587 = tpu.scan <sum>, %select_n3A_584 masked %reduce_sum3A_586 : vector<16xi32>, vector<16xi1> -> vector<16xi32>
    %reduce_sum3A_588 = vector.extract %reduce_sum3A_587[15] : i32 from vector<16xi32>
    %dma_start3A_589 = arith.constant 9 : i32
    %dma_start3A_590 = arith.constant 0 : i32
    %dma_start3A_591 = tpu.memref_slice %arg9[%dma_start3A_589, %dma_start3A_590] : memref<512x64xf32, #tpu.memory_space<vmem>> -> memref<1x64xf32, #tpu.memory_space<vmem>>
    %dma_start3A_592 = tpu.memref_squeeze %dma_start3A_591 : memref<1x64xf32, #tpu.memory_space<vmem>> -> memref<64xf32, #tpu.memory_space<vmem>>
    %dma_start3A_593 = arith.constant 0 : i32
    %dma_start3A_594 = tpu.memref_slice %arg5[%reduce_sum3A_588, %dma_start3A_593] : memref<1000000x64xf32, #tpu.memory_space<hbm>> -> memref<1x64xf32, #tpu.memory_space<hbm>>
    %dma_start3A_595 = tpu.memref_squeeze %dma_start3A_594 : memref<1x64xf32, #tpu.memory_space<hbm>> -> memref<64xf32, #tpu.memory_space<hbm>>
    %dma_start3A_596 = arith.constant 0 : i32
    %dma_start3A_597 = tpu.memref_slice %arg9[%dma_start3A_589, %dma_start3A_596] : memref<512x64xf32, #tpu.memory_space<vmem>> -> memref<1x64xf32, #tpu.memory_space<vmem>>
    %dma_start3A_598 = tpu.memref_squeeze %dma_start3A_597 : memref<1x64xf32, #tpu.memory_space<vmem>> -> memref<64xf32, #tpu.memory_space<vmem>>
    %dma_start3A_599 = arith.constant 0 : i32
    %dma_start3A_600 = tpu.memref_slice %arg5[%reduce_sum3A_588, %dma_start3A_599] : memref<1000000x64xf32, #tpu.memory_space<hbm>> -> memref<1x64xf32, #tpu.memory_space<hbm>>
    %dma_start3A_601 = tpu.memref_squeeze %dma_start3A_600 : memref<1x64xf32, #tpu.memory_space<hbm>> -> memref<64xf32, #tpu.memory_space<hbm>>
    tpu.enqueue_dma source(%dma_start3A_601 : memref<64xf32, #tpu.memory_space<hbm>>) target(%dma_start3A_598 : memref<64xf32, #tpu.memory_space<vmem>>) target_semaphore(%arg11 : memref<!tpu.dma_semaphore, #tpu.memory_space<semaphore_mem>>)
    %eq3A_602 = arith.constant 10 : i32
    %eq3A_603 = vector.broadcast %eq3A_602 : i32 to vector<16xi32>
    %eq3A_604 = arith.cmpi eq, %iota3A, %eq3A_603 : vector<16xi32>
    %jit3A_605 = arith.constant 0 : i32
    %broadcast_in_dim3A_606 = vector.broadcast %jit3A_605 : i32 to vector<16xi32>
    %select_n3A_607 = arith.select %eq3A_604, %get3A_371, %broadcast_in_dim3A_606 : vector<16xi1>, vector<16xi32>
    %reduce_sum3A_608 = arith.constant true
    %reduce_sum3A_609 = vector.broadcast %reduce_sum3A_608 : i1 to vector<16xi1>
    %reduce_sum3A_610 = tpu.scan <sum>, %select_n3A_607 masked %reduce_sum3A_609 : vector<16xi32>, vector<16xi1> -> vector<16xi32>
    %reduce_sum3A_611 = vector.extract %reduce_sum3A_610[15] : i32 from vector<16xi32>
    %dma_start3A_612 = arith.constant 10 : i32
    %dma_start3A_613 = arith.constant 0 : i32
    %dma_start3A_614 = tpu.memref_slice %arg9[%dma_start3A_612, %dma_start3A_613] : memref<512x64xf32, #tpu.memory_space<vmem>> -> memref<1x64xf32, #tpu.memory_space<vmem>>
    %dma_start3A_615 = tpu.memref_squeeze %dma_start3A_614 : memref<1x64xf32, #tpu.memory_space<vmem>> -> memref<64xf32, #tpu.memory_space<vmem>>
    %dma_start3A_616 = arith.constant 0 : i32
    %dma_start3A_617 = tpu.memref_slice %arg5[%reduce_sum3A_611, %dma_start3A_616] : memref<1000000x64xf32, #tpu.memory_space<hbm>> -> memref<1x64xf32, #tpu.memory_space<hbm>>
    %dma_start3A_618 = tpu.memref_squeeze %dma_start3A_617 : memref<1x64xf32, #tpu.memory_space<hbm>> -> memref<64xf32, #tpu.memory_space<hbm>>
    %dma_start3A_619 = arith.constant 0 : i32
    %dma_start3A_620 = tpu.memref_slice %arg9[%dma_start3A_612, %dma_start3A_619] : memref<512x64xf32, #tpu.memory_space<vmem>> -> memref<1x64xf32, #tpu.memory_space<vmem>>
    %dma_start3A_621 = tpu.memref_squeeze %dma_start3A_620 : memref<1x64xf32, #tpu.memory_space<vmem>> -> memref<64xf32, #tpu.memory_space<vmem>>
    %dma_start3A_622 = arith.constant 0 : i32
    %dma_start3A_623 = tpu.memref_slice %arg5[%reduce_sum3A_611, %dma_start3A_622] : memref<1000000x64xf32, #tpu.memory_space<hbm>> -> memref<1x64xf32, #tpu.memory_space<hbm>>
    %dma_start3A_624 = tpu.memref_squeeze %dma_start3A_623 : memref<1x64xf32, #tpu.memory_space<hbm>> -> memref<64xf32, #tpu.memory_space<hbm>>
    tpu.enqueue_dma source(%dma_start3A_624 : memref<64xf32, #tpu.memory_space<hbm>>) target(%dma_start3A_621 : memref<64xf32, #tpu.memory_space<vmem>>) target_semaphore(%arg12 : memref<!tpu.dma_semaphore, #tpu.memory_space<semaphore_mem>>)
    %eq3A_625 = arith.constant 11 : i32
    %eq3A_626 = vector.broadcast %eq3A_625 : i32 to vector<16xi32>
    %eq3A_627 = arith.cmpi eq, %iota3A, %eq3A_626 : vector<16xi32>
    %jit3A_628 = arith.constant 0 : i32
    %broadcast_in_dim3A_629 = vector.broadcast %jit3A_628 : i32 to vector<16xi32>
    %select_n3A_630 = arith.select %eq3A_627, %get3A_371, %broadcast_in_dim3A_629 : vector<16xi1>, vector<16xi32>
    %reduce_sum3A_631 = arith.constant true
    %reduce_sum3A_632 = vector.broadcast %reduce_sum3A_631 : i1 to vector<16xi1>
    %reduce_sum3A_633 = tpu.scan <sum>, %select_n3A_630 masked %reduce_sum3A_632 : vector<16xi32>, vector<16xi1> -> vector<16xi32>
    %reduce_sum3A_634 = vector.extract %reduce_sum3A_633[15] : i32 from vector<16xi32>
    %dma_start3A_635 = arith.constant 11 : i32
    %dma_start3A_636 = arith.constant 0 : i32
    %dma_start3A_637 = tpu.memref_slice %arg9[%dma_start3A_635, %dma_start3A_636] : memref<512x64xf32, #tpu.memory_space<vmem>> -> memref<1x64xf32, #tpu.memory_space<vmem>>
    %dma_start3A_638 = tpu.memref_squeeze %dma_start3A_637 : memref<1x64xf32, #tpu.memory_space<vmem>> -> memref<64xf32, #tpu.memory_space<vmem>>
    %dma_start3A_639 = arith.constant 0 : i32
    %dma_start3A_640 = tpu.memref_slice %arg5[%reduce_sum3A_634, %dma_start3A_639] : memref<1000000x64xf32, #tpu.memory_space<hbm>> -> memref<1x64xf32, #tpu.memory_space<hbm>>
    %dma_start3A_641 = tpu.memref_squeeze %dma_start3A_640 : memref<1x64xf32, #tpu.memory_space<hbm>> -> memref<64xf32, #tpu.memory_space<hbm>>
    %dma_start3A_642 = arith.constant 0 : i32
    %dma_start3A_643 = tpu.memref_slice %arg9[%dma_start3A_635, %dma_start3A_642] : memref<512x64xf32, #tpu.memory_space<vmem>> -> memref<1x64xf32, #tpu.memory_space<vmem>>
    %dma_start3A_644 = tpu.memref_squeeze %dma_start3A_643 : memref<1x64xf32, #tpu.memory_space<vmem>> -> memref<64xf32, #tpu.memory_space<vmem>>
    %dma_start3A_645 = arith.constant 0 : i32
    %dma_start3A_646 = tpu.memref_slice %arg5[%reduce_sum3A_634, %dma_start3A_645] : memref<1000000x64xf32, #tpu.memory_space<hbm>> -> memref<1x64xf32, #tpu.memory_space<hbm>>
    %dma_start3A_647 = tpu.memref_squeeze %dma_start3A_646 : memref<1x64xf32, #tpu.memory_space<hbm>> -> memref<64xf32, #tpu.memory_space<hbm>>
    tpu.enqueue_dma source(%dma_start3A_647 : memref<64xf32, #tpu.memory_space<hbm>>) target(%dma_start3A_644 : memref<64xf32, #tpu.memory_space<vmem>>) target_semaphore(%arg13 : memref<!tpu.dma_semaphore, #tpu.memory_space<semaphore_mem>>)
    %eq3A_648 = arith.constant 12 : i32
    %eq3A_649 = vector.broadcast %eq3A_648 : i32 to vector<16xi32>
    %eq3A_650 = arith.cmpi eq, %iota3A, %eq3A_649 : vector<16xi32>
    %jit3A_651 = arith.constant 0 : i32
    %broadcast_in_dim3A_652 = vector.broadcast %jit3A_651 : i32 to vector<16xi32>
    %select_n3A_653 = arith.select %eq3A_650, %get3A_371, %broadcast_in_dim3A_652 : vector<16xi1>, vector<16xi32>
    %reduce_sum3A_654 = arith.constant true
    %reduce_sum3A_655 = vector.broadcast %reduce_sum3A_654 : i1 to vector<16xi1>
    %reduce_sum3A_656 = tpu.scan <sum>, %select_n3A_653 masked %reduce_sum3A_655 : vector<16xi32>, vector<16xi1> -> vector<16xi32>
    %reduce_sum3A_657 = vector.extract %reduce_sum3A_656[15] : i32 from vector<16xi32>
    %dma_start3A_658 = arith.constant 12 : i32
    %dma_start3A_659 = arith.constant 0 : i32
    %dma_start3A_660 = tpu.memref_slice %arg9[%dma_start3A_658, %dma_start3A_659] : memref<512x64xf32, #tpu.memory_space<vmem>> -> memref<1x64xf32, #tpu.memory_space<vmem>>
    %dma_start3A_661 = tpu.memref_squeeze %dma_start3A_660 : memref<1x64xf32, #tpu.memory_space<vmem>> -> memref<64xf32, #tpu.memory_space<vmem>>
    %dma_start3A_662 = arith.constant 0 : i32
    %dma_start3A_663 = tpu.memref_slice %arg5[%reduce_sum3A_657, %dma_start3A_662] : memref<1000000x64xf32, #tpu.memory_space<hbm>> -> memref<1x64xf32, #tpu.memory_space<hbm>>
    %dma_start3A_664 = tpu.memref_squeeze %dma_start3A_663 : memref<1x64xf32, #tpu.memory_space<hbm>> -> memref<64xf32, #tpu.memory_space<hbm>>
    %dma_start3A_665 = arith.constant 0 : i32
    %dma_start3A_666 = tpu.memref_slice %arg9[%dma_start3A_658, %dma_start3A_665] : memref<512x64xf32, #tpu.memory_space<vmem>> -> memref<1x64xf32, #tpu.memory_space<vmem>>
    %dma_start3A_667 = tpu.memref_squeeze %dma_start3A_666 : memref<1x64xf32, #tpu.memory_space<vmem>> -> memref<64xf32, #tpu.memory_space<vmem>>
    %dma_start3A_668 = arith.constant 0 : i32
    %dma_start3A_669 = tpu.memref_slice %arg5[%reduce_sum3A_657, %dma_start3A_668] : memref<1000000x64xf32, #tpu.memory_space<hbm>> -> memref<1x64xf32, #tpu.memory_space<hbm>>
    %dma_start3A_670 = tpu.memref_squeeze %dma_start3A_669 : memref<1x64xf32, #tpu.memory_space<hbm>> -> memref<64xf32, #tpu.memory_space<hbm>>
    tpu.enqueue_dma source(%dma_start3A_670 : memref<64xf32, #tpu.memory_space<hbm>>) target(%dma_start3A_667 : memref<64xf32, #tpu.memory_space<vmem>>) target_semaphore(%arg14 : memref<!tpu.dma_semaphore, #tpu.memory_space<semaphore_mem>>)
    %eq3A_671 = arith.constant 13 : i32
    %eq3A_672 = vector.broadcast %eq3A_671 : i32 to vector<16xi32>
    %eq3A_673 = arith.cmpi eq, %iota3A, %eq3A_672 : vector<16xi32>
    %jit3A_674 = arith.constant 0 : i32
    %broadcast_in_dim3A_675 = vector.broadcast %jit3A_674 : i32 to vector<16xi32>
    %select_n3A_676 = arith.select %eq3A_673, %get3A_371, %broadcast_in_dim3A_675 : vector<16xi1>, vector<16xi32>
    %reduce_sum3A_677 = arith.constant true
    %reduce_sum3A_678 = vector.broadcast %reduce_sum3A_677 : i1 to vector<16xi1>
    %reduce_sum3A_679 = tpu.scan <sum>, %select_n3A_676 masked %reduce_sum3A_678 : vector<16xi32>, vector<16xi1> -> vector<16xi32>
    %reduce_sum3A_680 = vector.extract %reduce_sum3A_679[15] : i32 from vector<16xi32>
    %dma_start3A_681 = arith.constant 13 : i32
    %dma_start3A_682 = arith.constant 0 : i32
    %dma_start3A_683 = tpu.memref_slice %arg9[%dma_start3A_681, %dma_start3A_682] : memref<512x64xf32, #tpu.memory_space<vmem>> -> memref<1x64xf32, #tpu.memory_space<vmem>>
    %dma_start3A_684 = tpu.memref_squeeze %dma_start3A_683 : memref<1x64xf32, #tpu.memory_space<vmem>> -> memref<64xf32, #tpu.memory_space<vmem>>
    %dma_start3A_685 = arith.constant 0 : i32
    %dma_start3A_686 = tpu.memref_slice %arg5[%reduce_sum3A_680, %dma_start3A_685] : memref<1000000x64xf32, #tpu.memory_space<hbm>> -> memref<1x64xf32, #tpu.memory_space<hbm>>
    %dma_start3A_687 = tpu.memref_squeeze %dma_start3A_686 : memref<1x64xf32, #tpu.memory_space<hbm>> -> memref<64xf32, #tpu.memory_space<hbm>>
    %dma_start3A_688 = arith.constant 0 : i32
    %dma_start3A_689 = tpu.memref_slice %arg9[%dma_start3A_681, %dma_start3A_688] : memref<512x64xf32, #tpu.memory_space<vmem>> -> memref<1x64xf32, #tpu.memory_space<vmem>>
    %dma_start3A_690 = tpu.memref_squeeze %dma_start3A_689 : memref<1x64xf32, #tpu.memory_space<vmem>> -> memref<64xf32, #tpu.memory_space<vmem>>
    %dma_start3A_691 = arith.constant 0 : i32
    %dma_start3A_692 = tpu.memref_slice %arg5[%reduce_sum3A_680, %dma_start3A_691] : memref<1000000x64xf32, #tpu.memory_space<hbm>> -> memref<1x64xf32, #tpu.memory_space<hbm>>
    %dma_start3A_693 = tpu.memref_squeeze %dma_start3A_692 : memref<1x64xf32, #tpu.memory_space<hbm>> -> memref<64xf32, #tpu.memory_space<hbm>>
    tpu.enqueue_dma source(%dma_start3A_693 : memref<64xf32, #tpu.memory_space<hbm>>) target(%dma_start3A_690 : memref<64xf32, #tpu.memory_space<vmem>>) target_semaphore(%arg15 : memref<!tpu.dma_semaphore, #tpu.memory_space<semaphore_mem>>)
    %eq3A_694 = arith.constant 14 : i32
    %eq3A_695 = vector.broadcast %eq3A_694 : i32 to vector<16xi32>
    %eq3A_696 = arith.cmpi eq, %iota3A, %eq3A_695 : vector<16xi32>
    %jit3A_697 = arith.constant 0 : i32
    %broadcast_in_dim3A_698 = vector.broadcast %jit3A_697 : i32 to vector<16xi32>
    %select_n3A_699 = arith.select %eq3A_696, %get3A_371, %broadcast_in_dim3A_698 : vector<16xi1>, vector<16xi32>
    %reduce_sum3A_700 = arith.constant true
    %reduce_sum3A_701 = vector.broadcast %reduce_sum3A_700 : i1 to vector<16xi1>
    %reduce_sum3A_702 = tpu.scan <sum>, %select_n3A_699 masked %reduce_sum3A_701 : vector<16xi32>, vector<16xi1> -> vector<16xi32>
    %reduce_sum3A_703 = vector.extract %reduce_sum3A_702[15] : i32 from vector<16xi32>
    %dma_start3A_704 = arith.constant 14 : i32
    %dma_start3A_705 = arith.constant 0 : i32
    %dma_start3A_706 = tpu.memref_slice %arg9[%dma_start3A_704, %dma_start3A_705] : memref<512x64xf32, #tpu.memory_space<vmem>> -> memref<1x64xf32, #tpu.memory_space<vmem>>
    %dma_start3A_707 = tpu.memref_squeeze %dma_start3A_706 : memref<1x64xf32, #tpu.memory_space<vmem>> -> memref<64xf32, #tpu.memory_space<vmem>>
    %dma_start3A_708 = arith.constant 0 : i32
    %dma_start3A_709 = tpu.memref_slice %arg5[%reduce_sum3A_703, %dma_start3A_708] : memref<1000000x64xf32, #tpu.memory_space<hbm>> -> memref<1x64xf32, #tpu.memory_space<hbm>>
    %dma_start3A_710 = tpu.memref_squeeze %dma_start3A_709 : memref<1x64xf32, #tpu.memory_space<hbm>> -> memref<64xf32, #tpu.memory_space<hbm>>
    %dma_start3A_711 = arith.constant 0 : i32
    %dma_start3A_712 = tpu.memref_slice %arg9[%dma_start3A_704, %dma_start3A_711] : memref<512x64xf32, #tpu.memory_space<vmem>> -> memref<1x64xf32, #tpu.memory_space<vmem>>
    %dma_start3A_713 = tpu.memref_squeeze %dma_start3A_712 : memref<1x64xf32, #tpu.memory_space<vmem>> -> memref<64xf32, #tpu.memory_space<vmem>>
    %dma_start3A_714 = arith.constant 0 : i32
    %dma_start3A_715 = tpu.memref_slice %arg5[%reduce_sum3A_703, %dma_start3A_714] : memref<1000000x64xf32, #tpu.memory_space<hbm>> -> memref<1x64xf32, #tpu.memory_space<hbm>>
    %dma_start3A_716 = tpu.memref_squeeze %dma_start3A_715 : memref<1x64xf32, #tpu.memory_space<hbm>> -> memref<64xf32, #tpu.memory_space<hbm>>
    tpu.enqueue_dma source(%dma_start3A_716 : memref<64xf32, #tpu.memory_space<hbm>>) target(%dma_start3A_713 : memref<64xf32, #tpu.memory_space<vmem>>) target_semaphore(%arg16 : memref<!tpu.dma_semaphore, #tpu.memory_space<semaphore_mem>>)
    %eq3A_717 = arith.constant 15 : i32
    %eq3A_718 = vector.broadcast %eq3A_717 : i32 to vector<16xi32>
    %eq3A_719 = arith.cmpi eq, %iota3A, %eq3A_718 : vector<16xi32>
    %jit3A_720 = arith.constant 0 : i32
    %broadcast_in_dim3A_721 = vector.broadcast %jit3A_720 : i32 to vector<16xi32>
    %select_n3A_722 = arith.select %eq3A_719, %get3A_371, %broadcast_in_dim3A_721 : vector<16xi1>, vector<16xi32>
    %reduce_sum3A_723 = arith.constant true
    %reduce_sum3A_724 = vector.broadcast %reduce_sum3A_723 : i1 to vector<16xi1>
    %reduce_sum3A_725 = tpu.scan <sum>, %select_n3A_722 masked %reduce_sum3A_724 : vector<16xi32>, vector<16xi1> -> vector<16xi32>
    %reduce_sum3A_726 = vector.extract %reduce_sum3A_725[15] : i32 from vector<16xi32>
    %dma_start3A_727 = arith.constant 15 : i32
    %dma_start3A_728 = arith.constant 0 : i32
    %dma_start3A_729 = tpu.memref_slice %arg9[%dma_start3A_727, %dma_start3A_728] : memref<512x64xf32, #tpu.memory_space<vmem>> -> memref<1x64xf32, #tpu.memory_space<vmem>>
    %dma_start3A_730 = tpu.memref_squeeze %dma_start3A_729 : memref<1x64xf32, #tpu.memory_space<vmem>> -> memref<64xf32, #tpu.memory_space<vmem>>
    %dma_start3A_731 = arith.constant 0 : i32
    %dma_start3A_732 = tpu.memref_slice %arg5[%reduce_sum3A_726, %dma_start3A_731] : memref<1000000x64xf32, #tpu.memory_space<hbm>> -> memref<1x64xf32, #tpu.memory_space<hbm>>
    %dma_start3A_733 = tpu.memref_squeeze %dma_start3A_732 : memref<1x64xf32, #tpu.memory_space<hbm>> -> memref<64xf32, #tpu.memory_space<hbm>>
    %dma_start3A_734 = arith.constant 0 : i32
    %dma_start3A_735 = tpu.memref_slice %arg9[%dma_start3A_727, %dma_start3A_734] : memref<512x64xf32, #tpu.memory_space<vmem>> -> memref<1x64xf32, #tpu.memory_space<vmem>>
    %dma_start3A_736 = tpu.memref_squeeze %dma_start3A_735 : memref<1x64xf32, #tpu.memory_space<vmem>> -> memref<64xf32, #tpu.memory_space<vmem>>
    %dma_start3A_737 = arith.constant 0 : i32
    %dma_start3A_738 = tpu.memref_slice %arg5[%reduce_sum3A_726, %dma_start3A_737] : memref<1000000x64xf32, #tpu.memory_space<hbm>> -> memref<1x64xf32, #tpu.memory_space<hbm>>
    %dma_start3A_739 = tpu.memref_squeeze %dma_start3A_738 : memref<1x64xf32, #tpu.memory_space<hbm>> -> memref<64xf32, #tpu.memory_space<hbm>>
    tpu.enqueue_dma source(%dma_start3A_739 : memref<64xf32, #tpu.memory_space<hbm>>) target(%dma_start3A_736 : memref<64xf32, #tpu.memory_space<vmem>>) target_semaphore(%arg17 : memref<!tpu.dma_semaphore, #tpu.memory_space<semaphore_mem>>)
    %scan3A_740 = arith.constant 0 : i32
    %scan3A_741 = arith.constant 32 : i32
    %scan3A_742 = arith.addi %scan3A_740, %scan3A_741 : i32
    %scan3A_743 = arith.constant 1 : i32
    scf.for %scan3A_745 = %scan3A_740 to %scan3A_742 step %scan3A_743  : i32 {
      %mul3A_746 = arith.constant 1 : i32
      %mul3A_747 = arith.muli %scan3A_745, %mul3A_746 : i32
      %add3A_748 = arith.constant 0 : i32
      %add3A_749 = arith.addi %add3A_748, %mul3A_747 : i32
      %add3A_750 = arith.constant 1 : i32
      %add3A_751 = arith.addi %add3A_749, %add3A_750 : i32
      %lt3A = arith.constant 32 : i32
      %lt3A_752 = arith.cmpi slt, %add3A_751, %lt3A : i32
      %convert_element_type3A = arith.extui %lt3A_752 : i1 to i32
      %cond3A = arith.constant 0 : i32
      %cond3A_753 = arith.cmpi ne, %convert_element_type3A, %cond3A : i32
      scf.if %cond3A_753 {
        %add3A_865 = arith.constant 1 : i32
        %add3A_866 = arith.addi %add3A_749, %add3A_865 : i32
        %mul3A_867 = arith.constant 16 : i32
        %mul3A_868 = arith.muli %add3A_866, %mul3A_867 : i32
        %get3A_869 = arith.index_cast %mul3A_868 : i32 to index
        %get3A_870 = tpu.vector_load %arg8[%get3A_869] {strides = array<i32>} : memref<512xi32, #tpu.memory_space<vmem>>, vector<16xi32>,
        %eq3A_871 = arith.constant 0 : i32
        %eq3A_872 = vector.broadcast %eq3A_871 : i32 to vector<16xi32>
        %eq3A_873 = arith.cmpi eq, %iota3A, %eq3A_872 : vector<16xi32>
        %jit3A_874 = arith.constant 0 : i32
        %broadcast_in_dim3A_875 = vector.broadcast %jit3A_874 : i32 to vector<16xi32>
        %select_n3A_876 = arith.select %eq3A_873, %get3A_870, %broadcast_in_dim3A_875 : vector<16xi1>, vector<16xi32>
        %reduce_sum3A_877 = arith.constant true
        %reduce_sum3A_878 = vector.broadcast %reduce_sum3A_877 : i1 to vector<16xi1>
        %reduce_sum3A_879 = tpu.scan <sum>, %select_n3A_876 masked %reduce_sum3A_878 : vector<16xi32>, vector<16xi1> -> vector<16xi32>
        %reduce_sum3A_880 = vector.extract %reduce_sum3A_879[15] : i32 from vector<16xi32>
        %mul3A_881 = arith.constant 16 : i32
        %mul3A_882 = arith.muli %add3A_866, %mul3A_881 : i32
        %add3A_883 = arith.constant 0 : i32
        %add3A_884 = arith.addi %mul3A_882, %add3A_883 : i32
        %dma_start3A_885 = arith.constant 0 : i32
        %dma_start3A_886 = tpu.memref_slice %arg9[%add3A_884, %dma_start3A_885] : memref<512x64xf32, #tpu.memory_space<vmem>> -> memref<1x64xf32, #tpu.memory_space<vmem>>
        %dma_start3A_887 = tpu.memref_squeeze %dma_start3A_886 : memref<1x64xf32, #tpu.memory_space<vmem>> -> memref<64xf32, #tpu.memory_space<vmem>>
        %dma_start3A_888 = arith.constant 0 : i32
        %dma_start3A_889 = tpu.memref_slice %arg5[%reduce_sum3A_880, %dma_start3A_888] : memref<1000000x64xf32, #tpu.memory_space<hbm>> -> memref<1x64xf32, #tpu.memory_space<hbm>>
        %dma_start3A_890 = tpu.memref_squeeze %dma_start3A_889 : memref<1x64xf32, #tpu.memory_space<hbm>> -> memref<64xf32, #tpu.memory_space<hbm>>
        %dma_start3A_891 = arith.constant 0 : i32
        %dma_start3A_892 = tpu.memref_slice %arg9[%add3A_884, %dma_start3A_891] : memref<512x64xf32, #tpu.memory_space<vmem>> -> memref<1x64xf32, #tpu.memory_space<vmem>>
        %dma_start3A_893 = tpu.memref_squeeze %dma_start3A_892 : memref<1x64xf32, #tpu.memory_space<vmem>> -> memref<64xf32, #tpu.memory_space<vmem>>
        %dma_start3A_894 = arith.constant 0 : i32
        %dma_start3A_895 = tpu.memref_slice %arg5[%reduce_sum3A_880, %dma_start3A_894] : memref<1000000x64xf32, #tpu.memory_space<hbm>> -> memref<1x64xf32, #tpu.memory_space<hbm>>
        %dma_start3A_896 = tpu.memref_squeeze %dma_start3A_895 : memref<1x64xf32, #tpu.memory_space<hbm>> -> memref<64xf32, #tpu.memory_space<hbm>>
        tpu.enqueue_dma source(%dma_start3A_896 : memref<64xf32, #tpu.memory_space<hbm>>) target(%dma_start3A_893 : memref<64xf32, #tpu.memory_space<vmem>>) target_semaphore(%arg10 : memref<!tpu.dma_semaphore, #tpu.memory_space<semaphore_mem>>)
        %eq3A_897 = arith.constant 1 : i32
        %eq3A_898 = vector.broadcast %eq3A_897 : i32 to vector<16xi32>
        %eq3A_899 = arith.cmpi eq, %iota3A, %eq3A_898 : vector<16xi32>
        %jit3A_900 = arith.constant 0 : i32
        %broadcast_in_dim3A_901 = vector.broadcast %jit3A_900 : i32 to vector<16xi32>
        %select_n3A_902 = arith.select %eq3A_899, %get3A_870, %broadcast_in_dim3A_901 : vector<16xi1>, vector<16xi32>
        %reduce_sum3A_903 = arith.constant true
        %reduce_sum3A_904 = vector.broadcast %reduce_sum3A_903 : i1 to vector<16xi1>
        %reduce_sum3A_905 = tpu.scan <sum>, %select_n3A_902 masked %reduce_sum3A_904 : vector<16xi32>, vector<16xi1> -> vector<16xi32>
        %reduce_sum3A_906 = vector.extract %reduce_sum3A_905[15] : i32 from vector<16xi32>
        %mul3A_907 = arith.constant 16 : i32
        %mul3A_908 = arith.muli %add3A_866, %mul3A_907 : i32
        %add3A_909 = arith.constant 1 : i32
        %add3A_910 = arith.addi %mul3A_908, %add3A_909 : i32
        %dma_start3A_911 = arith.constant 0 : i32
        %dma_start3A_912 = tpu.memref_slice %arg9[%add3A_910, %dma_start3A_911] : memref<512x64xf32, #tpu.memory_space<vmem>> -> memref<1x64xf32, #tpu.memory_space<vmem>>
        %dma_start3A_913 = tpu.memref_squeeze %dma_start3A_912 : memref<1x64xf32, #tpu.memory_space<vmem>> -> memref<64xf32, #tpu.memory_space<vmem>>
        %dma_start3A_914 = arith.constant 0 : i32
        %dma_start3A_915 = tpu.memref_slice %arg5[%reduce_sum3A_906, %dma_start3A_914] : memref<1000000x64xf32, #tpu.memory_space<hbm>> -> memref<1x64xf32, #tpu.memory_space<hbm>>
        %dma_start3A_916 = tpu.memref_squeeze %dma_start3A_915 : memref<1x64xf32, #tpu.memory_space<hbm>> -> memref<64xf32, #tpu.memory_space<hbm>>
        %dma_start3A_917 = arith.constant 0 : i32
        %dma_start3A_918 = tpu.memref_slice %arg9[%add3A_910, %dma_start3A_917] : memref<512x64xf32, #tpu.memory_space<vmem>> -> memref<1x64xf32, #tpu.memory_space<vmem>>
        %dma_start3A_919 = tpu.memref_squeeze %dma_start3A_918 : memref<1x64xf32, #tpu.memory_space<vmem>> -> memref<64xf32, #tpu.memory_space<vmem>>
        %dma_start3A_920 = arith.constant 0 : i32
        %dma_start3A_921 = tpu.memref_slice %arg5[%reduce_sum3A_906, %dma_start3A_920] : memref<1000000x64xf32, #tpu.memory_space<hbm>> -> memref<1x64xf32, #tpu.memory_space<hbm>>
        %dma_start3A_922 = tpu.memref_squeeze %dma_start3A_921 : memref<1x64xf32, #tpu.memory_space<hbm>> -> memref<64xf32, #tpu.memory_space<hbm>>
        tpu.enqueue_dma source(%dma_start3A_922 : memref<64xf32, #tpu.memory_space<hbm>>) target(%dma_start3A_919 : memref<64xf32, #tpu.memory_space<vmem>>) target_semaphore(%arg11 : memref<!tpu.dma_semaphore, #tpu.memory_space<semaphore_mem>>)
        %eq3A_923 = arith.constant 2 : i32
        %eq3A_924 = vector.broadcast %eq3A_923 : i32 to vector<16xi32>
        %eq3A_925 = arith.cmpi eq, %iota3A, %eq3A_924 : vector<16xi32>
        %jit3A_926 = arith.constant 0 : i32
        %broadcast_in_dim3A_927 = vector.broadcast %jit3A_926 : i32 to vector<16xi32>
        %select_n3A_928 = arith.select %eq3A_925, %get3A_870, %broadcast_in_dim3A_927 : vector<16xi1>, vector<16xi32>
        %reduce_sum3A_929 = arith.constant true
        %reduce_sum3A_930 = vector.broadcast %reduce_sum3A_929 : i1 to vector<16xi1>
        %reduce_sum3A_931 = tpu.scan <sum>, %select_n3A_928 masked %reduce_sum3A_930 : vector<16xi32>, vector<16xi1> -> vector<16xi32>
        %reduce_sum3A_932 = vector.extract %reduce_sum3A_931[15] : i32 from vector<16xi32>
        %mul3A_933 = arith.constant 16 : i32
        %mul3A_934 = arith.muli %add3A_866, %mul3A_933 : i32
        %add3A_935 = arith.constant 2 : i32
        %add3A_936 = arith.addi %mul3A_934, %add3A_935 : i32
        %dma_start3A_937 = arith.constant 0 : i32
        %dma_start3A_938 = tpu.memref_slice %arg9[%add3A_936, %dma_start3A_937] : memref<512x64xf32, #tpu.memory_space<vmem>> -> memref<1x64xf32, #tpu.memory_space<vmem>>
        %dma_start3A_939 = tpu.memref_squeeze %dma_start3A_938 : memref<1x64xf32, #tpu.memory_space<vmem>> -> memref<64xf32, #tpu.memory_space<vmem>>
        %dma_start3A_940 = arith.constant 0 : i32
        %dma_start3A_941 = tpu.memref_slice %arg5[%reduce_sum3A_932, %dma_start3A_940] : memref<1000000x64xf32, #tpu.memory_space<hbm>> -> memref<1x64xf32, #tpu.memory_space<hbm>>
        %dma_start3A_942 = tpu.memref_squeeze %dma_start3A_941 : memref<1x64xf32, #tpu.memory_space<hbm>> -> memref<64xf32, #tpu.memory_space<hbm>>
        %dma_start3A_943 = arith.constant 0 : i32
        %dma_start3A_944 = tpu.memref_slice %arg9[%add3A_936, %dma_start3A_943] : memref<512x64xf32, #tpu.memory_space<vmem>> -> memref<1x64xf32, #tpu.memory_space<vmem>>
        %dma_start3A_945 = tpu.memref_squeeze %dma_start3A_944 : memref<1x64xf32, #tpu.memory_space<vmem>> -> memref<64xf32, #tpu.memory_space<vmem>>
        %dma_start3A_946 = arith.constant 0 : i32
        %dma_start3A_947 = tpu.memref_slice %arg5[%reduce_sum3A_932, %dma_start3A_946] : memref<1000000x64xf32, #tpu.memory_space<hbm>> -> memref<1x64xf32, #tpu.memory_space<hbm>>
        %dma_start3A_948 = tpu.memref_squeeze %dma_start3A_947 : memref<1x64xf32, #tpu.memory_space<hbm>> -> memref<64xf32, #tpu.memory_space<hbm>>
        tpu.enqueue_dma source(%dma_start3A_948 : memref<64xf32, #tpu.memory_space<hbm>>) target(%dma_start3A_945 : memref<64xf32, #tpu.memory_space<vmem>>) target_semaphore(%arg12 : memref<!tpu.dma_semaphore, #tpu.memory_space<semaphore_mem>>)
        %eq3A_949 = arith.constant 3 : i32
        %eq3A_950 = vector.broadcast %eq3A_949 : i32 to vector<16xi32>
        %eq3A_951 = arith.cmpi eq, %iota3A, %eq3A_950 : vector<16xi32>
        %jit3A_952 = arith.constant 0 : i32
        %broadcast_in_dim3A_953 = vector.broadcast %jit3A_952 : i32 to vector<16xi32>
        %select_n3A_954 = arith.select %eq3A_951, %get3A_870, %broadcast_in_dim3A_953 : vector<16xi1>, vector<16xi32>
        %reduce_sum3A_955 = arith.constant true
        %reduce_sum3A_956 = vector.broadcast %reduce_sum3A_955 : i1 to vector<16xi1>
        %reduce_sum3A_957 = tpu.scan <sum>, %select_n3A_954 masked %reduce_sum3A_956 : vector<16xi32>, vector<16xi1> -> vector<16xi32>
        %reduce_sum3A_958 = vector.extract %reduce_sum3A_957[15] : i32 from vector<16xi32>
        %mul3A_959 = arith.constant 16 : i32
        %mul3A_960 = arith.muli %add3A_866, %mul3A_959 : i32
        %add3A_961 = arith.constant 3 : i32
        %add3A_962 = arith.addi %mul3A_960, %add3A_961 : i32
        %dma_start3A_963 = arith.constant 0 : i32
        %dma_start3A_964 = tpu.memref_slice %arg9[%add3A_962, %dma_start3A_963] : memref<512x64xf32, #tpu.memory_space<vmem>> -> memref<1x64xf32, #tpu.memory_space<vmem>>
        %dma_start3A_965 = tpu.memref_squeeze %dma_start3A_964 : memref<1x64xf32, #tpu.memory_space<vmem>> -> memref<64xf32, #tpu.memory_space<vmem>>
        %dma_start3A_966 = arith.constant 0 : i32
        %dma_start3A_967 = tpu.memref_slice %arg5[%reduce_sum3A_958, %dma_start3A_966] : memref<1000000x64xf32, #tpu.memory_space<hbm>> -> memref<1x64xf32, #tpu.memory_space<hbm>>
        %dma_start3A_968 = tpu.memref_squeeze %dma_start3A_967 : memref<1x64xf32, #tpu.memory_space<hbm>> -> memref<64xf32, #tpu.memory_space<hbm>>
        %dma_start3A_969 = arith.constant 0 : i32
        %dma_start3A_970 = tpu.memref_slice %arg9[%add3A_962, %dma_start3A_969] : memref<512x64xf32, #tpu.memory_space<vmem>> -> memref<1x64xf32, #tpu.memory_space<vmem>>
        %dma_start3A_971 = tpu.memref_squeeze %dma_start3A_970 : memref<1x64xf32, #tpu.memory_space<vmem>> -> memref<64xf32, #tpu.memory_space<vmem>>
        %dma_start3A_972 = arith.constant 0 : i32
        %dma_start3A_973 = tpu.memref_slice %arg5[%reduce_sum3A_958, %dma_start3A_972] : memref<1000000x64xf32, #tpu.memory_space<hbm>> -> memref<1x64xf32, #tpu.memory_space<hbm>>
        %dma_start3A_974 = tpu.memref_squeeze %dma_start3A_973 : memref<1x64xf32, #tpu.memory_space<hbm>> -> memref<64xf32, #tpu.memory_space<hbm>>
        tpu.enqueue_dma source(%dma_start3A_974 : memref<64xf32, #tpu.memory_space<hbm>>) target(%dma_start3A_971 : memref<64xf32, #tpu.memory_space<vmem>>) target_semaphore(%arg13 : memref<!tpu.dma_semaphore, #tpu.memory_space<semaphore_mem>>)
        %eq3A_975 = arith.constant 4 : i32
        %eq3A_976 = vector.broadcast %eq3A_975 : i32 to vector<16xi32>
        %eq3A_977 = arith.cmpi eq, %iota3A, %eq3A_976 : vector<16xi32>
        %jit3A_978 = arith.constant 0 : i32
        %broadcast_in_dim3A_979 = vector.broadcast %jit3A_978 : i32 to vector<16xi32>
        %select_n3A_980 = arith.select %eq3A_977, %get3A_870, %broadcast_in_dim3A_979 : vector<16xi1>, vector<16xi32>
        %reduce_sum3A_981 = arith.constant true
        %reduce_sum3A_982 = vector.broadcast %reduce_sum3A_981 : i1 to vector<16xi1>
        %reduce_sum3A_983 = tpu.scan <sum>, %select_n3A_980 masked %reduce_sum3A_982 : vector<16xi32>, vector<16xi1> -> vector<16xi32>
        %reduce_sum3A_984 = vector.extract %reduce_sum3A_983[15] : i32 from vector<16xi32>
        %mul3A_985 = arith.constant 16 : i32
        %mul3A_986 = arith.muli %add3A_866, %mul3A_985 : i32
        %add3A_987 = arith.constant 4 : i32
        %add3A_988 = arith.addi %mul3A_986, %add3A_987 : i32
        %dma_start3A_989 = arith.constant 0 : i32
        %dma_start3A_990 = tpu.memref_slice %arg9[%add3A_988, %dma_start3A_989] : memref<512x64xf32, #tpu.memory_space<vmem>> -> memref<1x64xf32, #tpu.memory_space<vmem>>
        %dma_start3A_991 = tpu.memref_squeeze %dma_start3A_990 : memref<1x64xf32, #tpu.memory_space<vmem>> -> memref<64xf32, #tpu.memory_space<vmem>>
        %dma_start3A_992 = arith.constant 0 : i32
        %dma_start3A_993 = tpu.memref_slice %arg5[%reduce_sum3A_984, %dma_start3A_992] : memref<1000000x64xf32, #tpu.memory_space<hbm>> -> memref<1x64xf32, #tpu.memory_space<hbm>>
        %dma_start3A_994 = tpu.memref_squeeze %dma_start3A_993 : memref<1x64xf32, #tpu.memory_space<hbm>> -> memref<64xf32, #tpu.memory_space<hbm>>
        %dma_start3A_995 = arith.constant 0 : i32
        %dma_start3A_996 = tpu.memref_slice %arg9[%add3A_988, %dma_start3A_995] : memref<512x64xf32, #tpu.memory_space<vmem>> -> memref<1x64xf32, #tpu.memory_space<vmem>>
        %dma_start3A_997 = tpu.memref_squeeze %dma_start3A_996 : memref<1x64xf32, #tpu.memory_space<vmem>> -> memref<64xf32, #tpu.memory_space<vmem>>
        %dma_start3A_998 = arith.constant 0 : i32
        %dma_start3A_999 = tpu.memref_slice %arg5[%reduce_sum3A_984, %dma_start3A_998] : memref<1000000x64xf32, #tpu.memory_space<hbm>> -> memref<1x64xf32, #tpu.memory_space<hbm>>
        %dma_start3A_1000 = tpu.memref_squeeze %dma_start3A_999 : memref<1x64xf32, #tpu.memory_space<hbm>> -> memref<64xf32, #tpu.memory_space<hbm>>
        tpu.enqueue_dma source(%dma_start3A_1000 : memref<64xf32, #tpu.memory_space<hbm>>) target(%dma_start3A_997 : memref<64xf32, #tpu.memory_space<vmem>>) target_semaphore(%arg14 : memref<!tpu.dma_semaphore, #tpu.memory_space<semaphore_mem>>)
        %eq3A_1001 = arith.constant 5 : i32
        %eq3A_1002 = vector.broadcast %eq3A_1001 : i32 to vector<16xi32>
        %eq3A_1003 = arith.cmpi eq, %iota3A, %eq3A_1002 : vector<16xi32>
        %jit3A_1004 = arith.constant 0 : i32
        %broadcast_in_dim3A_1005 = vector.broadcast %jit3A_1004 : i32 to vector<16xi32>
        %select_n3A_1006 = arith.select %eq3A_1003, %get3A_870, %broadcast_in_dim3A_1005 : vector<16xi1>, vector<16xi32>
        %reduce_sum3A_1007 = arith.constant true
        %reduce_sum3A_1008 = vector.broadcast %reduce_sum3A_1007 : i1 to vector<16xi1>
        %reduce_sum3A_1009 = tpu.scan <sum>, %select_n3A_1006 masked %reduce_sum3A_1008 : vector<16xi32>, vector<16xi1> -> vector<16xi32>
        %reduce_sum3A_1010 = vector.extract %reduce_sum3A_1009[15] : i32 from vector<16xi32>
        %mul3A_1011 = arith.constant 16 : i32
        %mul3A_1012 = arith.muli %add3A_866, %mul3A_1011 : i32
        %add3A_1013 = arith.constant 5 : i32
        %add3A_1014 = arith.addi %mul3A_1012, %add3A_1013 : i32
        %dma_start3A_1015 = arith.constant 0 : i32
        %dma_start3A_1016 = tpu.memref_slice %arg9[%add3A_1014, %dma_start3A_1015] : memref<512x64xf32, #tpu.memory_space<vmem>> -> memref<1x64xf32, #tpu.memory_space<vmem>>
        %dma_start3A_1017 = tpu.memref_squeeze %dma_start3A_1016 : memref<1x64xf32, #tpu.memory_space<vmem>> -> memref<64xf32, #tpu.memory_space<vmem>>
        %dma_start3A_1018 = arith.constant 0 : i32
        %dma_start3A_1019 = tpu.memref_slice %arg5[%reduce_sum3A_1010, %dma_start3A_1018] : memref<1000000x64xf32, #tpu.memory_space<hbm>> -> memref<1x64xf32, #tpu.memory_space<hbm>>
        %dma_start3A_1020 = tpu.memref_squeeze %dma_start3A_1019 : memref<1x64xf32, #tpu.memory_space<hbm>> -> memref<64xf32, #tpu.memory_space<hbm>>
        %dma_start3A_1021 = arith.constant 0 : i32
        %dma_start3A_1022 = tpu.memref_slice %arg9[%add3A_1014, %dma_start3A_1021] : memref<512x64xf32, #tpu.memory_space<vmem>> -> memref<1x64xf32, #tpu.memory_space<vmem>>
        %dma_start3A_1023 = tpu.memref_squeeze %dma_start3A_1022 : memref<1x64xf32, #tpu.memory_space<vmem>> -> memref<64xf32, #tpu.memory_space<vmem>>
        %dma_start3A_1024 = arith.constant 0 : i32
        %dma_start3A_1025 = tpu.memref_slice %arg5[%reduce_sum3A_1010, %dma_start3A_1024] : memref<1000000x64xf32, #tpu.memory_space<hbm>> -> memref<1x64xf32, #tpu.memory_space<hbm>>
        %dma_start3A_1026 = tpu.memref_squeeze %dma_start3A_1025 : memref<1x64xf32, #tpu.memory_space<hbm>> -> memref<64xf32, #tpu.memory_space<hbm>>
        tpu.enqueue_dma source(%dma_start3A_1026 : memref<64xf32, #tpu.memory_space<hbm>>) target(%dma_start3A_1023 : memref<64xf32, #tpu.memory_space<vmem>>) target_semaphore(%arg15 : memref<!tpu.dma_semaphore, #tpu.memory_space<semaphore_mem>>)
        %eq3A_1027 = arith.constant 6 : i32
        %eq3A_1028 = vector.broadcast %eq3A_1027 : i32 to vector<16xi32>
        %eq3A_1029 = arith.cmpi eq, %iota3A, %eq3A_1028 : vector<16xi32>
        %jit3A_1030 = arith.constant 0 : i32
        %broadcast_in_dim3A_1031 = vector.broadcast %jit3A_1030 : i32 to vector<16xi32>
        %select_n3A_1032 = arith.select %eq3A_1029, %get3A_870, %broadcast_in_dim3A_1031 : vector<16xi1>, vector<16xi32>
        %reduce_sum3A_1033 = arith.constant true
        %reduce_sum3A_1034 = vector.broadcast %reduce_sum3A_1033 : i1 to vector<16xi1>
        %reduce_sum3A_1035 = tpu.scan <sum>, %select_n3A_1032 masked %reduce_sum3A_1034 : vector<16xi32>, vector<16xi1> -> vector<16xi32>
        %reduce_sum3A_1036 = vector.extract %reduce_sum3A_1035[15] : i32 from vector<16xi32>
        %mul3A_1037 = arith.constant 16 : i32
        %mul3A_1038 = arith.muli %add3A_866, %mul3A_1037 : i32
        %add3A_1039 = arith.constant 6 : i32
        %add3A_1040 = arith.addi %mul3A_1038, %add3A_1039 : i32
        %dma_start3A_1041 = arith.constant 0 : i32
        %dma_start3A_1042 = tpu.memref_slice %arg9[%add3A_1040, %dma_start3A_1041] : memref<512x64xf32, #tpu.memory_space<vmem>> -> memref<1x64xf32, #tpu.memory_space<vmem>>
        %dma_start3A_1043 = tpu.memref_squeeze %dma_start3A_1042 : memref<1x64xf32, #tpu.memory_space<vmem>> -> memref<64xf32, #tpu.memory_space<vmem>>
        %dma_start3A_1044 = arith.constant 0 : i32
        %dma_start3A_1045 = tpu.memref_slice %arg5[%reduce_sum3A_1036, %dma_start3A_1044] : memref<1000000x64xf32, #tpu.memory_space<hbm>> -> memref<1x64xf32, #tpu.memory_space<hbm>>
        %dma_start3A_1046 = tpu.memref_squeeze %dma_start3A_1045 : memref<1x64xf32, #tpu.memory_space<hbm>> -> memref<64xf32, #tpu.memory_space<hbm>>
        %dma_start3A_1047 = arith.constant 0 : i32
        %dma_start3A_1048 = tpu.memref_slice %arg9[%add3A_1040, %dma_start3A_1047] : memref<512x64xf32, #tpu.memory_space<vmem>> -> memref<1x64xf32, #tpu.memory_space<vmem>>
        %dma_start3A_1049 = tpu.memref_squeeze %dma_start3A_1048 : memref<1x64xf32, #tpu.memory_space<vmem>> -> memref<64xf32, #tpu.memory_space<vmem>>
        %dma_start3A_1050 = arith.constant 0 : i32
        %dma_start3A_1051 = tpu.memref_slice %arg5[%reduce_sum3A_1036, %dma_start3A_1050] : memref<1000000x64xf32, #tpu.memory_space<hbm>> -> memref<1x64xf32, #tpu.memory_space<hbm>>
        %dma_start3A_1052 = tpu.memref_squeeze %dma_start3A_1051 : memref<1x64xf32, #tpu.memory_space<hbm>> -> memref<64xf32, #tpu.memory_space<hbm>>
        tpu.enqueue_dma source(%dma_start3A_1052 : memref<64xf32, #tpu.memory_space<hbm>>) target(%dma_start3A_1049 : memref<64xf32, #tpu.memory_space<vmem>>) target_semaphore(%arg16 : memref<!tpu.dma_semaphore, #tpu.memory_space<semaphore_mem>>)
        %eq3A_1053 = arith.constant 7 : i32
        %eq3A_1054 = vector.broadcast %eq3A_1053 : i32 to vector<16xi32>
        %eq3A_1055 = arith.cmpi eq, %iota3A, %eq3A_1054 : vector<16xi32>
        %jit3A_1056 = arith.constant 0 : i32
        %broadcast_in_dim3A_1057 = vector.broadcast %jit3A_1056 : i32 to vector<16xi32>
        %select_n3A_1058 = arith.select %eq3A_1055, %get3A_870, %broadcast_in_dim3A_1057 : vector<16xi1>, vector<16xi32>
        %reduce_sum3A_1059 = arith.constant true
        %reduce_sum3A_1060 = vector.broadcast %reduce_sum3A_1059 : i1 to vector<16xi1>
        %reduce_sum3A_1061 = tpu.scan <sum>, %select_n3A_1058 masked %reduce_sum3A_1060 : vector<16xi32>, vector<16xi1> -> vector<16xi32>
        %reduce_sum3A_1062 = vector.extract %reduce_sum3A_1061[15] : i32 from vector<16xi32>
        %mul3A_1063 = arith.constant 16 : i32
        %mul3A_1064 = arith.muli %add3A_866, %mul3A_1063 : i32
        %add3A_1065 = arith.constant 7 : i32
        %add3A_1066 = arith.addi %mul3A_1064, %add3A_1065 : i32
        %dma_start3A_1067 = arith.constant 0 : i32
        %dma_start3A_1068 = tpu.memref_slice %arg9[%add3A_1066, %dma_start3A_1067] : memref<512x64xf32, #tpu.memory_space<vmem>> -> memref<1x64xf32, #tpu.memory_space<vmem>>
        %dma_start3A_1069 = tpu.memref_squeeze %dma_start3A_1068 : memref<1x64xf32, #tpu.memory_space<vmem>> -> memref<64xf32, #tpu.memory_space<vmem>>
        %dma_start3A_1070 = arith.constant 0 : i32
        %dma_start3A_1071 = tpu.memref_slice %arg5[%reduce_sum3A_1062, %dma_start3A_1070] : memref<1000000x64xf32, #tpu.memory_space<hbm>> -> memref<1x64xf32, #tpu.memory_space<hbm>>
        %dma_start3A_1072 = tpu.memref_squeeze %dma_start3A_1071 : memref<1x64xf32, #tpu.memory_space<hbm>> -> memref<64xf32, #tpu.memory_space<hbm>>
        %dma_start3A_1073 = arith.constant 0 : i32
        %dma_start3A_1074 = tpu.memref_slice %arg9[%add3A_1066, %dma_start3A_1073] : memref<512x64xf32, #tpu.memory_space<vmem>> -> memref<1x64xf32, #tpu.memory_space<vmem>>
        %dma_start3A_1075 = tpu.memref_squeeze %dma_start3A_1074 : memref<1x64xf32, #tpu.memory_space<vmem>> -> memref<64xf32, #tpu.memory_space<vmem>>
        %dma_start3A_1076 = arith.constant 0 : i32
        %dma_start3A_1077 = tpu.memref_slice %arg5[%reduce_sum3A_1062, %dma_start3A_1076] : memref<1000000x64xf32, #tpu.memory_space<hbm>> -> memref<1x64xf32, #tpu.memory_space<hbm>>
        %dma_start3A_1078 = tpu.memref_squeeze %dma_start3A_1077 : memref<1x64xf32, #tpu.memory_space<hbm>> -> memref<64xf32, #tpu.memory_space<hbm>>
        tpu.enqueue_dma source(%dma_start3A_1078 : memref<64xf32, #tpu.memory_space<hbm>>) target(%dma_start3A_1075 : memref<64xf32, #tpu.memory_space<vmem>>) target_semaphore(%arg17 : memref<!tpu.dma_semaphore, #tpu.memory_space<semaphore_mem>>)
        %eq3A_1079 = arith.constant 8 : i32
        %eq3A_1080 = vector.broadcast %eq3A_1079 : i32 to vector<16xi32>
        %eq3A_1081 = arith.cmpi eq, %iota3A, %eq3A_1080 : vector<16xi32>
        %jit3A_1082 = arith.constant 0 : i32
        %broadcast_in_dim3A_1083 = vector.broadcast %jit3A_1082 : i32 to vector<16xi32>
        %select_n3A_1084 = arith.select %eq3A_1081, %get3A_870, %broadcast_in_dim3A_1083 : vector<16xi1>, vector<16xi32>
        %reduce_sum3A_1085 = arith.constant true
        %reduce_sum3A_1086 = vector.broadcast %reduce_sum3A_1085 : i1 to vector<16xi1>
        %reduce_sum3A_1087 = tpu.scan <sum>, %select_n3A_1084 masked %reduce_sum3A_1086 : vector<16xi32>, vector<16xi1> -> vector<16xi32>
        %reduce_sum3A_1088 = vector.extract %reduce_sum3A_1087[15] : i32 from vector<16xi32>
        %mul3A_1089 = arith.constant 16 : i32
        %mul3A_1090 = arith.muli %add3A_866, %mul3A_1089 : i32
        %add3A_1091 = arith.constant 8 : i32
        %add3A_1092 = arith.addi %mul3A_1090, %add3A_1091 : i32
        %dma_start3A_1093 = arith.constant 0 : i32
        %dma_start3A_1094 = tpu.memref_slice %arg9[%add3A_1092, %dma_start3A_1093] : memref<512x64xf32, #tpu.memory_space<vmem>> -> memref<1x64xf32, #tpu.memory_space<vmem>>
        %dma_start3A_1095 = tpu.memref_squeeze %dma_start3A_1094 : memref<1x64xf32, #tpu.memory_space<vmem>> -> memref<64xf32, #tpu.memory_space<vmem>>
        %dma_start3A_1096 = arith.constant 0 : i32
        %dma_start3A_1097 = tpu.memref_slice %arg5[%reduce_sum3A_1088, %dma_start3A_1096] : memref<1000000x64xf32, #tpu.memory_space<hbm>> -> memref<1x64xf32, #tpu.memory_space<hbm>>
        %dma_start3A_1098 = tpu.memref_squeeze %dma_start3A_1097 : memref<1x64xf32, #tpu.memory_space<hbm>> -> memref<64xf32, #tpu.memory_space<hbm>>
        %dma_start3A_1099 = arith.constant 0 : i32
        %dma_start3A_1100 = tpu.memref_slice %arg9[%add3A_1092, %dma_start3A_1099] : memref<512x64xf32, #tpu.memory_space<vmem>> -> memref<1x64xf32, #tpu.memory_space<vmem>>
        %dma_start3A_1101 = tpu.memref_squeeze %dma_start3A_1100 : memref<1x64xf32, #tpu.memory_space<vmem>> -> memref<64xf32, #tpu.memory_space<vmem>>
        %dma_start3A_1102 = arith.constant 0 : i32
        %dma_start3A_1103 = tpu.memref_slice %arg5[%reduce_sum3A_1088, %dma_start3A_1102] : memref<1000000x64xf32, #tpu.memory_space<hbm>> -> memref<1x64xf32, #tpu.memory_space<hbm>>
        %dma_start3A_1104 = tpu.memref_squeeze %dma_start3A_1103 : memref<1x64xf32, #tpu.memory_space<hbm>> -> memref<64xf32, #tpu.memory_space<hbm>>
        tpu.enqueue_dma source(%dma_start3A_1104 : memref<64xf32, #tpu.memory_space<hbm>>) target(%dma_start3A_1101 : memref<64xf32, #tpu.memory_space<vmem>>) target_semaphore(%arg10 : memref<!tpu.dma_semaphore, #tpu.memory_space<semaphore_mem>>)
        %eq3A_1105 = arith.constant 9 : i32
        %eq3A_1106 = vector.broadcast %eq3A_1105 : i32 to vector<16xi32>
        %eq3A_1107 = arith.cmpi eq, %iota3A, %eq3A_1106 : vector<16xi32>
        %jit3A_1108 = arith.constant 0 : i32
        %broadcast_in_dim3A_1109 = vector.broadcast %jit3A_1108 : i32 to vector<16xi32>
        %select_n3A_1110 = arith.select %eq3A_1107, %get3A_870, %broadcast_in_dim3A_1109 : vector<16xi1>, vector<16xi32>
        %reduce_sum3A_1111 = arith.constant true
        %reduce_sum3A_1112 = vector.broadcast %reduce_sum3A_1111 : i1 to vector<16xi1>
        %reduce_sum3A_1113 = tpu.scan <sum>, %select_n3A_1110 masked %reduce_sum3A_1112 : vector<16xi32>, vector<16xi1> -> vector<16xi32>
        %reduce_sum3A_1114 = vector.extract %reduce_sum3A_1113[15] : i32 from vector<16xi32>
        %mul3A_1115 = arith.constant 16 : i32
        %mul3A_1116 = arith.muli %add3A_866, %mul3A_1115 : i32
        %add3A_1117 = arith.constant 9 : i32
        %add3A_1118 = arith.addi %mul3A_1116, %add3A_1117 : i32
        %dma_start3A_1119 = arith.constant 0 : i32
        %dma_start3A_1120 = tpu.memref_slice %arg9[%add3A_1118, %dma_start3A_1119] : memref<512x64xf32, #tpu.memory_space<vmem>> -> memref<1x64xf32, #tpu.memory_space<vmem>>
        %dma_start3A_1121 = tpu.memref_squeeze %dma_start3A_1120 : memref<1x64xf32, #tpu.memory_space<vmem>> -> memref<64xf32, #tpu.memory_space<vmem>>
        %dma_start3A_1122 = arith.constant 0 : i32
        %dma_start3A_1123 = tpu.memref_slice %arg5[%reduce_sum3A_1114, %dma_start3A_1122] : memref<1000000x64xf32, #tpu.memory_space<hbm>> -> memref<1x64xf32, #tpu.memory_space<hbm>>
        %dma_start3A_1124 = tpu.memref_squeeze %dma_start3A_1123 : memref<1x64xf32, #tpu.memory_space<hbm>> -> memref<64xf32, #tpu.memory_space<hbm>>
        %dma_start3A_1125 = arith.constant 0 : i32
        %dma_start3A_1126 = tpu.memref_slice %arg9[%add3A_1118, %dma_start3A_1125] : memref<512x64xf32, #tpu.memory_space<vmem>> -> memref<1x64xf32, #tpu.memory_space<vmem>>
        %dma_start3A_1127 = tpu.memref_squeeze %dma_start3A_1126 : memref<1x64xf32, #tpu.memory_space<vmem>> -> memref<64xf32, #tpu.memory_space<vmem>>
        %dma_start3A_1128 = arith.constant 0 : i32
        %dma_start3A_1129 = tpu.memref_slice %arg5[%reduce_sum3A_1114, %dma_start3A_1128] : memref<1000000x64xf32, #tpu.memory_space<hbm>> -> memref<1x64xf32, #tpu.memory_space<hbm>>
        %dma_start3A_1130 = tpu.memref_squeeze %dma_start3A_1129 : memref<1x64xf32, #tpu.memory_space<hbm>> -> memref<64xf32, #tpu.memory_space<hbm>>
        tpu.enqueue_dma source(%dma_start3A_1130 : memref<64xf32, #tpu.memory_space<hbm>>) target(%dma_start3A_1127 : memref<64xf32, #tpu.memory_space<vmem>>) target_semaphore(%arg11 : memref<!tpu.dma_semaphore, #tpu.memory_space<semaphore_mem>>)
        %eq3A_1131 = arith.constant 10 : i32
        %eq3A_1132 = vector.broadcast %eq3A_1131 : i32 to vector<16xi32>
        %eq3A_1133 = arith.cmpi eq, %iota3A, %eq3A_1132 : vector<16xi32>
        %jit3A_1134 = arith.constant 0 : i32
        %broadcast_in_dim3A_1135 = vector.broadcast %jit3A_1134 : i32 to vector<16xi32>
        %select_n3A_1136 = arith.select %eq3A_1133, %get3A_870, %broadcast_in_dim3A_1135 : vector<16xi1>, vector<16xi32>
        %reduce_sum3A_1137 = arith.constant true
        %reduce_sum3A_1138 = vector.broadcast %reduce_sum3A_1137 : i1 to vector<16xi1>
        %reduce_sum3A_1139 = tpu.scan <sum>, %select_n3A_1136 masked %reduce_sum3A_1138 : vector<16xi32>, vector<16xi1> -> vector<16xi32>
        %reduce_sum3A_1140 = vector.extract %reduce_sum3A_1139[15] : i32 from vector<16xi32>
        %mul3A_1141 = arith.constant 16 : i32
        %mul3A_1142 = arith.muli %add3A_866, %mul3A_1141 : i32
        %add3A_1143 = arith.constant 10 : i32
        %add3A_1144 = arith.addi %mul3A_1142, %add3A_1143 : i32
        %dma_start3A_1145 = arith.constant 0 : i32
        %dma_start3A_1146 = tpu.memref_slice %arg9[%add3A_1144, %dma_start3A_1145] : memref<512x64xf32, #tpu.memory_space<vmem>> -> memref<1x64xf32, #tpu.memory_space<vmem>>
        %dma_start3A_1147 = tpu.memref_squeeze %dma_start3A_1146 : memref<1x64xf32, #tpu.memory_space<vmem>> -> memref<64xf32, #tpu.memory_space<vmem>>
        %dma_start3A_1148 = arith.constant 0 : i32
        %dma_start3A_1149 = tpu.memref_slice %arg5[%reduce_sum3A_1140, %dma_start3A_1148] : memref<1000000x64xf32, #tpu.memory_space<hbm>> -> memref<1x64xf32, #tpu.memory_space<hbm>>
        %dma_start3A_1150 = tpu.memref_squeeze %dma_start3A_1149 : memref<1x64xf32, #tpu.memory_space<hbm>> -> memref<64xf32, #tpu.memory_space<hbm>>
        %dma_start3A_1151 = arith.constant 0 : i32
        %dma_start3A_1152 = tpu.memref_slice %arg9[%add3A_1144, %dma_start3A_1151] : memref<512x64xf32, #tpu.memory_space<vmem>> -> memref<1x64xf32, #tpu.memory_space<vmem>>
        %dma_start3A_1153 = tpu.memref_squeeze %dma_start3A_1152 : memref<1x64xf32, #tpu.memory_space<vmem>> -> memref<64xf32, #tpu.memory_space<vmem>>
        %dma_start3A_1154 = arith.constant 0 : i32
        %dma_start3A_1155 = tpu.memref_slice %arg5[%reduce_sum3A_1140, %dma_start3A_1154] : memref<1000000x64xf32, #tpu.memory_space<hbm>> -> memref<1x64xf32, #tpu.memory_space<hbm>>
        %dma_start3A_1156 = tpu.memref_squeeze %dma_start3A_1155 : memref<1x64xf32, #tpu.memory_space<hbm>> -> memref<64xf32, #tpu.memory_space<hbm>>
        tpu.enqueue_dma source(%dma_start3A_1156 : memref<64xf32, #tpu.memory_space<hbm>>) target(%dma_start3A_1153 : memref<64xf32, #tpu.memory_space<vmem>>) target_semaphore(%arg12 : memref<!tpu.dma_semaphore, #tpu.memory_space<semaphore_mem>>)
        %eq3A_1157 = arith.constant 11 : i32
        %eq3A_1158 = vector.broadcast %eq3A_1157 : i32 to vector<16xi32>
        %eq3A_1159 = arith.cmpi eq, %iota3A, %eq3A_1158 : vector<16xi32>
        %jit3A_1160 = arith.constant 0 : i32
        %broadcast_in_dim3A_1161 = vector.broadcast %jit3A_1160 : i32 to vector<16xi32>
        %select_n3A_1162 = arith.select %eq3A_1159, %get3A_870, %broadcast_in_dim3A_1161 : vector<16xi1>, vector<16xi32>
        %reduce_sum3A_1163 = arith.constant true
        %reduce_sum3A_1164 = vector.broadcast %reduce_sum3A_1163 : i1 to vector<16xi1>
        %reduce_sum3A_1165 = tpu.scan <sum>, %select_n3A_1162 masked %reduce_sum3A_1164 : vector<16xi32>, vector<16xi1> -> vector<16xi32>
        %reduce_sum3A_1166 = vector.extract %reduce_sum3A_1165[15] : i32 from vector<16xi32>
        %mul3A_1167 = arith.constant 16 : i32
        %mul3A_1168 = arith.muli %add3A_866, %mul3A_1167 : i32
        %add3A_1169 = arith.constant 11 : i32
        %add3A_1170 = arith.addi %mul3A_1168, %add3A_1169 : i32
        %dma_start3A_1171 = arith.constant 0 : i32
        %dma_start3A_1172 = tpu.memref_slice %arg9[%add3A_1170, %dma_start3A_1171] : memref<512x64xf32, #tpu.memory_space<vmem>> -> memref<1x64xf32, #tpu.memory_space<vmem>>
        %dma_start3A_1173 = tpu.memref_squeeze %dma_start3A_1172 : memref<1x64xf32, #tpu.memory_space<vmem>> -> memref<64xf32, #tpu.memory_space<vmem>>
        %dma_start3A_1174 = arith.constant 0 : i32
        %dma_start3A_1175 = tpu.memref_slice %arg5[%reduce_sum3A_1166, %dma_start3A_1174] : memref<1000000x64xf32, #tpu.memory_space<hbm>> -> memref<1x64xf32, #tpu.memory_space<hbm>>
        %dma_start3A_1176 = tpu.memref_squeeze %dma_start3A_1175 : memref<1x64xf32, #tpu.memory_space<hbm>> -> memref<64xf32, #tpu.memory_space<hbm>>
        %dma_start3A_1177 = arith.constant 0 : i32
        %dma_start3A_1178 = tpu.memref_slice %arg9[%add3A_1170, %dma_start3A_1177] : memref<512x64xf32, #tpu.memory_space<vmem>> -> memref<1x64xf32, #tpu.memory_space<vmem>>
        %dma_start3A_1179 = tpu.memref_squeeze %dma_start3A_1178 : memref<1x64xf32, #tpu.memory_space<vmem>> -> memref<64xf32, #tpu.memory_space<vmem>>
        %dma_start3A_1180 = arith.constant 0 : i32
        %dma_start3A_1181 = tpu.memref_slice %arg5[%reduce_sum3A_1166, %dma_start3A_1180] : memref<1000000x64xf32, #tpu.memory_space<hbm>> -> memref<1x64xf32, #tpu.memory_space<hbm>>
        %dma_start3A_1182 = tpu.memref_squeeze %dma_start3A_1181 : memref<1x64xf32, #tpu.memory_space<hbm>> -> memref<64xf32, #tpu.memory_space<hbm>>
        tpu.enqueue_dma source(%dma_start3A_1182 : memref<64xf32, #tpu.memory_space<hbm>>) target(%dma_start3A_1179 : memref<64xf32, #tpu.memory_space<vmem>>) target_semaphore(%arg13 : memref<!tpu.dma_semaphore, #tpu.memory_space<semaphore_mem>>)
        %eq3A_1183 = arith.constant 12 : i32
        %eq3A_1184 = vector.broadcast %eq3A_1183 : i32 to vector<16xi32>
        %eq3A_1185 = arith.cmpi eq, %iota3A, %eq3A_1184 : vector<16xi32>
        %jit3A_1186 = arith.constant 0 : i32
        %broadcast_in_dim3A_1187 = vector.broadcast %jit3A_1186 : i32 to vector<16xi32>
        %select_n3A_1188 = arith.select %eq3A_1185, %get3A_870, %broadcast_in_dim3A_1187 : vector<16xi1>, vector<16xi32>
        %reduce_sum3A_1189 = arith.constant true
        %reduce_sum3A_1190 = vector.broadcast %reduce_sum3A_1189 : i1 to vector<16xi1>
        %reduce_sum3A_1191 = tpu.scan <sum>, %select_n3A_1188 masked %reduce_sum3A_1190 : vector<16xi32>, vector<16xi1> -> vector<16xi32>
        %reduce_sum3A_1192 = vector.extract %reduce_sum3A_1191[15] : i32 from vector<16xi32>
        %mul3A_1193 = arith.constant 16 : i32
        %mul3A_1194 = arith.muli %add3A_866, %mul3A_1193 : i32
        %add3A_1195 = arith.constant 12 : i32
        %add3A_1196 = arith.addi %mul3A_1194, %add3A_1195 : i32
        %dma_start3A_1197 = arith.constant 0 : i32
        %dma_start3A_1198 = tpu.memref_slice %arg9[%add3A_1196, %dma_start3A_1197] : memref<512x64xf32, #tpu.memory_space<vmem>> -> memref<1x64xf32, #tpu.memory_space<vmem>>
        %dma_start3A_1199 = tpu.memref_squeeze %dma_start3A_1198 : memref<1x64xf32, #tpu.memory_space<vmem>> -> memref<64xf32, #tpu.memory_space<vmem>>
        %dma_start3A_1200 = arith.constant 0 : i32
        %dma_start3A_1201 = tpu.memref_slice %arg5[%reduce_sum3A_1192, %dma_start3A_1200] : memref<1000000x64xf32, #tpu.memory_space<hbm>> -> memref<1x64xf32, #tpu.memory_space<hbm>>
        %dma_start3A_1202 = tpu.memref_squeeze %dma_start3A_1201 : memref<1x64xf32, #tpu.memory_space<hbm>> -> memref<64xf32, #tpu.memory_space<hbm>>
        %dma_start3A_1203 = arith.constant 0 : i32
        %dma_start3A_1204 = tpu.memref_slice %arg9[%add3A_1196, %dma_start3A_1203] : memref<512x64xf32, #tpu.memory_space<vmem>> -> memref<1x64xf32, #tpu.memory_space<vmem>>
        %dma_start3A_1205 = tpu.memref_squeeze %dma_start3A_1204 : memref<1x64xf32, #tpu.memory_space<vmem>> -> memref<64xf32, #tpu.memory_space<vmem>>
        %dma_start3A_1206 = arith.constant 0 : i32
        %dma_start3A_1207 = tpu.memref_slice %arg5[%reduce_sum3A_1192, %dma_start3A_1206] : memref<1000000x64xf32, #tpu.memory_space<hbm>> -> memref<1x64xf32, #tpu.memory_space<hbm>>
        %dma_start3A_1208 = tpu.memref_squeeze %dma_start3A_1207 : memref<1x64xf32, #tpu.memory_space<hbm>> -> memref<64xf32, #tpu.memory_space<hbm>>
        tpu.enqueue_dma source(%dma_start3A_1208 : memref<64xf32, #tpu.memory_space<hbm>>) target(%dma_start3A_1205 : memref<64xf32, #tpu.memory_space<vmem>>) target_semaphore(%arg14 : memref<!tpu.dma_semaphore, #tpu.memory_space<semaphore_mem>>)
        %eq3A_1209 = arith.constant 13 : i32
        %eq3A_1210 = vector.broadcast %eq3A_1209 : i32 to vector<16xi32>
        %eq3A_1211 = arith.cmpi eq, %iota3A, %eq3A_1210 : vector<16xi32>
        %jit3A_1212 = arith.constant 0 : i32
        %broadcast_in_dim3A_1213 = vector.broadcast %jit3A_1212 : i32 to vector<16xi32>
        %select_n3A_1214 = arith.select %eq3A_1211, %get3A_870, %broadcast_in_dim3A_1213 : vector<16xi1>, vector<16xi32>
        %reduce_sum3A_1215 = arith.constant true
        %reduce_sum3A_1216 = vector.broadcast %reduce_sum3A_1215 : i1 to vector<16xi1>
        %reduce_sum3A_1217 = tpu.scan <sum>, %select_n3A_1214 masked %reduce_sum3A_1216 : vector<16xi32>, vector<16xi1> -> vector<16xi32>
        %reduce_sum3A_1218 = vector.extract %reduce_sum3A_1217[15] : i32 from vector<16xi32>
        %mul3A_1219 = arith.constant 16 : i32
        %mul3A_1220 = arith.muli %add3A_866, %mul3A_1219 : i32
        %add3A_1221 = arith.constant 13 : i32
        %add3A_1222 = arith.addi %mul3A_1220, %add3A_1221 : i32
        %dma_start3A_1223 = arith.constant 0 : i32
        %dma_start3A_1224 = tpu.memref_slice %arg9[%add3A_1222, %dma_start3A_1223] : memref<512x64xf32, #tpu.memory_space<vmem>> -> memref<1x64xf32, #tpu.memory_space<vmem>>
        %dma_start3A_1225 = tpu.memref_squeeze %dma_start3A_1224 : memref<1x64xf32, #tpu.memory_space<vmem>> -> memref<64xf32, #tpu.memory_space<vmem>>
        %dma_start3A_1226 = arith.constant 0 : i32
        %dma_start3A_1227 = tpu.memref_slice %arg5[%reduce_sum3A_1218, %dma_start3A_1226] : memref<1000000x64xf32, #tpu.memory_space<hbm>> -> memref<1x64xf32, #tpu.memory_space<hbm>>
        %dma_start3A_1228 = tpu.memref_squeeze %dma_start3A_1227 : memref<1x64xf32, #tpu.memory_space<hbm>> -> memref<64xf32, #tpu.memory_space<hbm>>
        %dma_start3A_1229 = arith.constant 0 : i32
        %dma_start3A_1230 = tpu.memref_slice %arg9[%add3A_1222, %dma_start3A_1229] : memref<512x64xf32, #tpu.memory_space<vmem>> -> memref<1x64xf32, #tpu.memory_space<vmem>>
        %dma_start3A_1231 = tpu.memref_squeeze %dma_start3A_1230 : memref<1x64xf32, #tpu.memory_space<vmem>> -> memref<64xf32, #tpu.memory_space<vmem>>
        %dma_start3A_1232 = arith.constant 0 : i32
        %dma_start3A_1233 = tpu.memref_slice %arg5[%reduce_sum3A_1218, %dma_start3A_1232] : memref<1000000x64xf32, #tpu.memory_space<hbm>> -> memref<1x64xf32, #tpu.memory_space<hbm>>
        %dma_start3A_1234 = tpu.memref_squeeze %dma_start3A_1233 : memref<1x64xf32, #tpu.memory_space<hbm>> -> memref<64xf32, #tpu.memory_space<hbm>>
        tpu.enqueue_dma source(%dma_start3A_1234 : memref<64xf32, #tpu.memory_space<hbm>>) target(%dma_start3A_1231 : memref<64xf32, #tpu.memory_space<vmem>>) target_semaphore(%arg15 : memref<!tpu.dma_semaphore, #tpu.memory_space<semaphore_mem>>)
        %eq3A_1235 = arith.constant 14 : i32
        %eq3A_1236 = vector.broadcast %eq3A_1235 : i32 to vector<16xi32>
        %eq3A_1237 = arith.cmpi eq, %iota3A, %eq3A_1236 : vector<16xi32>
        %jit3A_1238 = arith.constant 0 : i32
        %broadcast_in_dim3A_1239 = vector.broadcast %jit3A_1238 : i32 to vector<16xi32>
        %select_n3A_1240 = arith.select %eq3A_1237, %get3A_870, %broadcast_in_dim3A_1239 : vector<16xi1>, vector<16xi32>
        %reduce_sum3A_1241 = arith.constant true
        %reduce_sum3A_1242 = vector.broadcast %reduce_sum3A_1241 : i1 to vector<16xi1>
        %reduce_sum3A_1243 = tpu.scan <sum>, %select_n3A_1240 masked %reduce_sum3A_1242 : vector<16xi32>, vector<16xi1> -> vector<16xi32>
        %reduce_sum3A_1244 = vector.extract %reduce_sum3A_1243[15] : i32 from vector<16xi32>
        %mul3A_1245 = arith.constant 16 : i32
        %mul3A_1246 = arith.muli %add3A_866, %mul3A_1245 : i32
        %add3A_1247 = arith.constant 14 : i32
        %add3A_1248 = arith.addi %mul3A_1246, %add3A_1247 : i32
        %dma_start3A_1249 = arith.constant 0 : i32
        %dma_start3A_1250 = tpu.memref_slice %arg9[%add3A_1248, %dma_start3A_1249] : memref<512x64xf32, #tpu.memory_space<vmem>> -> memref<1x64xf32, #tpu.memory_space<vmem>>
        %dma_start3A_1251 = tpu.memref_squeeze %dma_start3A_1250 : memref<1x64xf32, #tpu.memory_space<vmem>> -> memref<64xf32, #tpu.memory_space<vmem>>
        %dma_start3A_1252 = arith.constant 0 : i32
        %dma_start3A_1253 = tpu.memref_slice %arg5[%reduce_sum3A_1244, %dma_start3A_1252] : memref<1000000x64xf32, #tpu.memory_space<hbm>> -> memref<1x64xf32, #tpu.memory_space<hbm>>
        %dma_start3A_1254 = tpu.memref_squeeze %dma_start3A_1253 : memref<1x64xf32, #tpu.memory_space<hbm>> -> memref<64xf32, #tpu.memory_space<hbm>>
        %dma_start3A_1255 = arith.constant 0 : i32
        %dma_start3A_1256 = tpu.memref_slice %arg9[%add3A_1248, %dma_start3A_1255] : memref<512x64xf32, #tpu.memory_space<vmem>> -> memref<1x64xf32, #tpu.memory_space<vmem>>
        %dma_start3A_1257 = tpu.memref_squeeze %dma_start3A_1256 : memref<1x64xf32, #tpu.memory_space<vmem>> -> memref<64xf32, #tpu.memory_space<vmem>>
        %dma_start3A_1258 = arith.constant 0 : i32
        %dma_start3A_1259 = tpu.memref_slice %arg5[%reduce_sum3A_1244, %dma_start3A_1258] : memref<1000000x64xf32, #tpu.memory_space<hbm>> -> memref<1x64xf32, #tpu.memory_space<hbm>>
        %dma_start3A_1260 = tpu.memref_squeeze %dma_start3A_1259 : memref<1x64xf32, #tpu.memory_space<hbm>> -> memref<64xf32, #tpu.memory_space<hbm>>
        tpu.enqueue_dma source(%dma_start3A_1260 : memref<64xf32, #tpu.memory_space<hbm>>) target(%dma_start3A_1257 : memref<64xf32, #tpu.memory_space<vmem>>) target_semaphore(%arg16 : memref<!tpu.dma_semaphore, #tpu.memory_space<semaphore_mem>>)
        %eq3A_1261 = arith.constant 15 : i32
        %eq3A_1262 = vector.broadcast %eq3A_1261 : i32 to vector<16xi32>
        %eq3A_1263 = arith.cmpi eq, %iota3A, %eq3A_1262 : vector<16xi32>
        %jit3A_1264 = arith.constant 0 : i32
        %broadcast_in_dim3A_1265 = vector.broadcast %jit3A_1264 : i32 to vector<16xi32>
        %select_n3A_1266 = arith.select %eq3A_1263, %get3A_870, %broadcast_in_dim3A_1265 : vector<16xi1>, vector<16xi32>
        %reduce_sum3A_1267 = arith.constant true
        %reduce_sum3A_1268 = vector.broadcast %reduce_sum3A_1267 : i1 to vector<16xi1>
        %reduce_sum3A_1269 = tpu.scan <sum>, %select_n3A_1266 masked %reduce_sum3A_1268 : vector<16xi32>, vector<16xi1> -> vector<16xi32>
        %reduce_sum3A_1270 = vector.extract %reduce_sum3A_1269[15] : i32 from vector<16xi32>
        %mul3A_1271 = arith.constant 16 : i32
        %mul3A_1272 = arith.muli %add3A_866, %mul3A_1271 : i32
        %add3A_1273 = arith.constant 15 : i32
        %add3A_1274 = arith.addi %mul3A_1272, %add3A_1273 : i32
        %dma_start3A_1275 = arith.constant 0 : i32
        %dma_start3A_1276 = tpu.memref_slice %arg9[%add3A_1274, %dma_start3A_1275] : memref<512x64xf32, #tpu.memory_space<vmem>> -> memref<1x64xf32, #tpu.memory_space<vmem>>
        %dma_start3A_1277 = tpu.memref_squeeze %dma_start3A_1276 : memref<1x64xf32, #tpu.memory_space<vmem>> -> memref<64xf32, #tpu.memory_space<vmem>>
        %dma_start3A_1278 = arith.constant 0 : i32
        %dma_start3A_1279 = tpu.memref_slice %arg5[%reduce_sum3A_1270, %dma_start3A_1278] : memref<1000000x64xf32, #tpu.memory_space<hbm>> -> memref<1x64xf32, #tpu.memory_space<hbm>>
        %dma_start3A_1280 = tpu.memref_squeeze %dma_start3A_1279 : memref<1x64xf32, #tpu.memory_space<hbm>> -> memref<64xf32, #tpu.memory_space<hbm>>
        %dma_start3A_1281 = arith.constant 0 : i32
        %dma_start3A_1282 = tpu.memref_slice %arg9[%add3A_1274, %dma_start3A_1281] : memref<512x64xf32, #tpu.memory_space<vmem>> -> memref<1x64xf32, #tpu.memory_space<vmem>>
        %dma_start3A_1283 = tpu.memref_squeeze %dma_start3A_1282 : memref<1x64xf32, #tpu.memory_space<vmem>> -> memref<64xf32, #tpu.memory_space<vmem>>
        %dma_start3A_1284 = arith.constant 0 : i32
        %dma_start3A_1285 = tpu.memref_slice %arg5[%reduce_sum3A_1270, %dma_start3A_1284] : memref<1000000x64xf32, #tpu.memory_space<hbm>> -> memref<1x64xf32, #tpu.memory_space<hbm>>
        %dma_start3A_1286 = tpu.memref_squeeze %dma_start3A_1285 : memref<1x64xf32, #tpu.memory_space<hbm>> -> memref<64xf32, #tpu.memory_space<hbm>>
        tpu.enqueue_dma source(%dma_start3A_1286 : memref<64xf32, #tpu.memory_space<hbm>>) target(%dma_start3A_1283 : memref<64xf32, #tpu.memory_space<vmem>>) target_semaphore(%arg17 : memref<!tpu.dma_semaphore, #tpu.memory_space<semaphore_mem>>)
      } else {
      }
      %mul3A_754 = arith.constant 16 : i32
      %mul3A_755 = arith.muli %add3A_749, %mul3A_754 : i32
      %add3A_756 = arith.constant 0 : i32
      %add3A_757 = arith.addi %mul3A_755, %add3A_756 : i32
      %dma_wait3A = arith.constant 0 : i32
      %dma_wait3A_758 = tpu.memref_slice %arg9[%add3A_757, %dma_wait3A] : memref<512x64xf32, #tpu.memory_space<vmem>> -> memref<2x64xf32, #tpu.memory_space<vmem>>
      %dma_wait3A_759 = arith.constant 0 : i32
      %dma_wait3A_760 = arith.constant 0 : i32
      %dma_wait3A_761 = tpu.memref_slice %arg5[%dma_wait3A_759, %dma_wait3A_760] : memref<1000000x64xf32, #tpu.memory_space<hbm>> -> memref<2x64xf32, #tpu.memory_space<hbm>>
      %dma_wait3A_762 = arith.constant 0 : i32
      %dma_wait3A_763 = tpu.memref_slice %arg9[%add3A_757, %dma_wait3A_762] : memref<512x64xf32, #tpu.memory_space<vmem>> -> memref<2x64xf32, #tpu.memory_space<vmem>>
      %dma_wait3A_764 = arith.constant 0 : i32
      %dma_wait3A_765 = arith.constant 0 : i32
      %dma_wait3A_766 = tpu.memref_slice %arg5[%dma_wait3A_764, %dma_wait3A_765] : memref<1000000x64xf32, #tpu.memory_space<hbm>> -> memref<2x64xf32, #tpu.memory_space<hbm>>
      tpu.wait_dma2 semaphore(%arg10 : memref<!tpu.dma_semaphore, #tpu.memory_space<semaphore_mem>>) src(%dma_wait3A_766 : memref<2x64xf32, #tpu.memory_space<hbm>>) dst(%dma_wait3A_763 : memref<2x64xf32, #tpu.memory_space<vmem>>)
      %mul3A_767 = arith.constant 16 : i32
      %mul3A_768 = arith.muli %add3A_749, %mul3A_767 : i32
      %add3A_769 = arith.constant 2 : i32
      %add3A_770 = arith.addi %mul3A_768, %add3A_769 : i32
      %dma_wait3A_771 = arith.constant 0 : i32
      %dma_wait3A_772 = tpu.memref_slice %arg9[%add3A_770, %dma_wait3A_771] : memref<512x64xf32, #tpu.memory_space<vmem>> -> memref<2x64xf32, #tpu.memory_space<vmem>>
      %dma_wait3A_773 = arith.constant 0 : i32
      %dma_wait3A_774 = arith.constant 0 : i32
      %dma_wait3A_775 = tpu.memref_slice %arg5[%dma_wait3A_773, %dma_wait3A_774] : memref<1000000x64xf32, #tpu.memory_space<hbm>> -> memref<2x64xf32, #tpu.memory_space<hbm>>
      %dma_wait3A_776 = arith.constant 0 : i32
      %dma_wait3A_777 = tpu.memref_slice %arg9[%add3A_770, %dma_wait3A_776] : memref<512x64xf32, #tpu.memory_space<vmem>> -> memref<2x64xf32, #tpu.memory_space<vmem>>
      %dma_wait3A_778 = arith.constant 0 : i32
      %dma_wait3A_779 = arith.constant 0 : i32
      %dma_wait3A_780 = tpu.memref_slice %arg5[%dma_wait3A_778, %dma_wait3A_779] : memref<1000000x64xf32, #tpu.memory_space<hbm>> -> memref<2x64xf32, #tpu.memory_space<hbm>>
      tpu.wait_dma2 semaphore(%arg11 : memref<!tpu.dma_semaphore, #tpu.memory_space<semaphore_mem>>) src(%dma_wait3A_780 : memref<2x64xf32, #tpu.memory_space<hbm>>) dst(%dma_wait3A_777 : memref<2x64xf32, #tpu.memory_space<vmem>>)
      %mul3A_781 = arith.constant 16 : i32
      %mul3A_782 = arith.muli %add3A_749, %mul3A_781 : i32
      %add3A_783 = arith.constant 4 : i32
      %add3A_784 = arith.addi %mul3A_782, %add3A_783 : i32
      %dma_wait3A_785 = arith.constant 0 : i32
      %dma_wait3A_786 = tpu.memref_slice %arg9[%add3A_784, %dma_wait3A_785] : memref<512x64xf32, #tpu.memory_space<vmem>> -> memref<2x64xf32, #tpu.memory_space<vmem>>
      %dma_wait3A_787 = arith.constant 0 : i32
      %dma_wait3A_788 = arith.constant 0 : i32
      %dma_wait3A_789 = tpu.memref_slice %arg5[%dma_wait3A_787, %dma_wait3A_788] : memref<1000000x64xf32, #tpu.memory_space<hbm>> -> memref<2x64xf32, #tpu.memory_space<hbm>>
      %dma_wait3A_790 = arith.constant 0 : i32
      %dma_wait3A_791 = tpu.memref_slice %arg9[%add3A_784, %dma_wait3A_790] : memref<512x64xf32, #tpu.memory_space<vmem>> -> memref<2x64xf32, #tpu.memory_space<vmem>>
      %dma_wait3A_792 = arith.constant 0 : i32
      %dma_wait3A_793 = arith.constant 0 : i32
      %dma_wait3A_794 = tpu.memref_slice %arg5[%dma_wait3A_792, %dma_wait3A_793] : memref<1000000x64xf32, #tpu.memory_space<hbm>> -> memref<2x64xf32, #tpu.memory_space<hbm>>
      tpu.wait_dma2 semaphore(%arg12 : memref<!tpu.dma_semaphore, #tpu.memory_space<semaphore_mem>>) src(%dma_wait3A_794 : memref<2x64xf32, #tpu.memory_space<hbm>>) dst(%dma_wait3A_791 : memref<2x64xf32, #tpu.memory_space<vmem>>)
      %mul3A_795 = arith.constant 16 : i32
      %mul3A_796 = arith.muli %add3A_749, %mul3A_795 : i32
      %add3A_797 = arith.constant 6 : i32
      %add3A_798 = arith.addi %mul3A_796, %add3A_797 : i32
      %dma_wait3A_799 = arith.constant 0 : i32
      %dma_wait3A_800 = tpu.memref_slice %arg9[%add3A_798, %dma_wait3A_799] : memref<512x64xf32, #tpu.memory_space<vmem>> -> memref<2x64xf32, #tpu.memory_space<vmem>>
      %dma_wait3A_801 = arith.constant 0 : i32
      %dma_wait3A_802 = arith.constant 0 : i32
      %dma_wait3A_803 = tpu.memref_slice %arg5[%dma_wait3A_801, %dma_wait3A_802] : memref<1000000x64xf32, #tpu.memory_space<hbm>> -> memref<2x64xf32, #tpu.memory_space<hbm>>
      %dma_wait3A_804 = arith.constant 0 : i32
      %dma_wait3A_805 = tpu.memref_slice %arg9[%add3A_798, %dma_wait3A_804] : memref<512x64xf32, #tpu.memory_space<vmem>> -> memref<2x64xf32, #tpu.memory_space<vmem>>
      %dma_wait3A_806 = arith.constant 0 : i32
      %dma_wait3A_807 = arith.constant 0 : i32
      %dma_wait3A_808 = tpu.memref_slice %arg5[%dma_wait3A_806, %dma_wait3A_807] : memref<1000000x64xf32, #tpu.memory_space<hbm>> -> memref<2x64xf32, #tpu.memory_space<hbm>>
      tpu.wait_dma2 semaphore(%arg13 : memref<!tpu.dma_semaphore, #tpu.memory_space<semaphore_mem>>) src(%dma_wait3A_808 : memref<2x64xf32, #tpu.memory_space<hbm>>) dst(%dma_wait3A_805 : memref<2x64xf32, #tpu.memory_space<vmem>>)
      %mul3A_809 = arith.constant 16 : i32
      %mul3A_810 = arith.muli %add3A_749, %mul3A_809 : i32
      %add3A_811 = arith.constant 8 : i32
      %add3A_812 = arith.addi %mul3A_810, %add3A_811 : i32
      %dma_wait3A_813 = arith.constant 0 : i32
      %dma_wait3A_814 = tpu.memref_slice %arg9[%add3A_812, %dma_wait3A_813] : memref<512x64xf32, #tpu.memory_space<vmem>> -> memref<2x64xf32, #tpu.memory_space<vmem>>
      %dma_wait3A_815 = arith.constant 0 : i32
      %dma_wait3A_816 = arith.constant 0 : i32
      %dma_wait3A_817 = tpu.memref_slice %arg5[%dma_wait3A_815, %dma_wait3A_816] : memref<1000000x64xf32, #tpu.memory_space<hbm>> -> memref<2x64xf32, #tpu.memory_space<hbm>>
      %dma_wait3A_818 = arith.constant 0 : i32
      %dma_wait3A_819 = tpu.memref_slice %arg9[%add3A_812, %dma_wait3A_818] : memref<512x64xf32, #tpu.memory_space<vmem>> -> memref<2x64xf32, #tpu.memory_space<vmem>>
      %dma_wait3A_820 = arith.constant 0 : i32
      %dma_wait3A_821 = arith.constant 0 : i32
      %dma_wait3A_822 = tpu.memref_slice %arg5[%dma_wait3A_820, %dma_wait3A_821] : memref<1000000x64xf32, #tpu.memory_space<hbm>> -> memref<2x64xf32, #tpu.memory_space<hbm>>
      tpu.wait_dma2 semaphore(%arg14 : memref<!tpu.dma_semaphore, #tpu.memory_space<semaphore_mem>>) src(%dma_wait3A_822 : memref<2x64xf32, #tpu.memory_space<hbm>>) dst(%dma_wait3A_819 : memref<2x64xf32, #tpu.memory_space<vmem>>)
      %mul3A_823 = arith.constant 16 : i32
      %mul3A_824 = arith.muli %add3A_749, %mul3A_823 : i32
      %add3A_825 = arith.constant 10 : i32
      %add3A_826 = arith.addi %mul3A_824, %add3A_825 : i32
      %dma_wait3A_827 = arith.constant 0 : i32
      %dma_wait3A_828 = tpu.memref_slice %arg9[%add3A_826, %dma_wait3A_827] : memref<512x64xf32, #tpu.memory_space<vmem>> -> memref<2x64xf32, #tpu.memory_space<vmem>>
      %dma_wait3A_829 = arith.constant 0 : i32
      %dma_wait3A_830 = arith.constant 0 : i32
      %dma_wait3A_831 = tpu.memref_slice %arg5[%dma_wait3A_829, %dma_wait3A_830] : memref<1000000x64xf32, #tpu.memory_space<hbm>> -> memref<2x64xf32, #tpu.memory_space<hbm>>
      %dma_wait3A_832 = arith.constant 0 : i32
      %dma_wait3A_833 = tpu.memref_slice %arg9[%add3A_826, %dma_wait3A_832] : memref<512x64xf32, #tpu.memory_space<vmem>> -> memref<2x64xf32, #tpu.memory_space<vmem>>
      %dma_wait3A_834 = arith.constant 0 : i32
      %dma_wait3A_835 = arith.constant 0 : i32
      %dma_wait3A_836 = tpu.memref_slice %arg5[%dma_wait3A_834, %dma_wait3A_835] : memref<1000000x64xf32, #tpu.memory_space<hbm>> -> memref<2x64xf32, #tpu.memory_space<hbm>>
      tpu.wait_dma2 semaphore(%arg15 : memref<!tpu.dma_semaphore, #tpu.memory_space<semaphore_mem>>) src(%dma_wait3A_836 : memref<2x64xf32, #tpu.memory_space<hbm>>) dst(%dma_wait3A_833 : memref<2x64xf32, #tpu.memory_space<vmem>>)
      %mul3A_837 = arith.constant 16 : i32
      %mul3A_838 = arith.muli %add3A_749, %mul3A_837 : i32
      %add3A_839 = arith.constant 12 : i32
      %add3A_840 = arith.addi %mul3A_838, %add3A_839 : i32
      %dma_wait3A_841 = arith.constant 0 : i32
      %dma_wait3A_842 = tpu.memref_slice %arg9[%add3A_840, %dma_wait3A_841] : memref<512x64xf32, #tpu.memory_space<vmem>> -> memref<2x64xf32, #tpu.memory_space<vmem>>
      %dma_wait3A_843 = arith.constant 0 : i32
      %dma_wait3A_844 = arith.constant 0 : i32
      %dma_wait3A_845 = tpu.memref_slice %arg5[%dma_wait3A_843, %dma_wait3A_844] : memref<1000000x64xf32, #tpu.memory_space<hbm>> -> memref<2x64xf32, #tpu.memory_space<hbm>>
      %dma_wait3A_846 = arith.constant 0 : i32
      %dma_wait3A_847 = tpu.memref_slice %arg9[%add3A_840, %dma_wait3A_846] : memref<512x64xf32, #tpu.memory_space<vmem>> -> memref<2x64xf32, #tpu.memory_space<vmem>>
      %dma_wait3A_848 = arith.constant 0 : i32
      %dma_wait3A_849 = arith.constant 0 : i32
      %dma_wait3A_850 = tpu.memref_slice %arg5[%dma_wait3A_848, %dma_wait3A_849] : memref<1000000x64xf32, #tpu.memory_space<hbm>> -> memref<2x64xf32, #tpu.memory_space<hbm>>
      tpu.wait_dma2 semaphore(%arg16 : memref<!tpu.dma_semaphore, #tpu.memory_space<semaphore_mem>>) src(%dma_wait3A_850 : memref<2x64xf32, #tpu.memory_space<hbm>>) dst(%dma_wait3A_847 : memref<2x64xf32, #tpu.memory_space<vmem>>)
      %mul3A_851 = arith.constant 16 : i32
      %mul3A_852 = arith.muli %add3A_749, %mul3A_851 : i32
      %add3A_853 = arith.constant 14 : i32
      %add3A_854 = arith.addi %mul3A_852, %add3A_853 : i32
      %dma_wait3A_855 = arith.constant 0 : i32
      %dma_wait3A_856 = tpu.memref_slice %arg9[%add3A_854, %dma_wait3A_855] : memref<512x64xf32, #tpu.memory_space<vmem>> -> memref<2x64xf32, #tpu.memory_space<vmem>>
      %dma_wait3A_857 = arith.constant 0 : i32
      %dma_wait3A_858 = arith.constant 0 : i32
      %dma_wait3A_859 = tpu.memref_slice %arg5[%dma_wait3A_857, %dma_wait3A_858] : memref<1000000x64xf32, #tpu.memory_space<hbm>> -> memref<2x64xf32, #tpu.memory_space<hbm>>
      %dma_wait3A_860 = arith.constant 0 : i32
      %dma_wait3A_861 = tpu.memref_slice %arg9[%add3A_854, %dma_wait3A_860] : memref<512x64xf32, #tpu.memory_space<vmem>> -> memref<2x64xf32, #tpu.memory_space<vmem>>
      %dma_wait3A_862 = arith.constant 0 : i32
      %dma_wait3A_863 = arith.constant 0 : i32
      %dma_wait3A_864 = tpu.memref_slice %arg5[%dma_wait3A_862, %dma_wait3A_863] : memref<1000000x64xf32, #tpu.memory_space<hbm>> -> memref<2x64xf32, #tpu.memory_space<hbm>>
      tpu.wait_dma2 semaphore(%arg17 : memref<!tpu.dma_semaphore, #tpu.memory_space<semaphore_mem>>) src(%dma_wait3A_864 : memref<2x64xf32, #tpu.memory_space<hbm>>) dst(%dma_wait3A_861 : memref<2x64xf32, #tpu.memory_space<vmem>>)
    }
    %scan3A_744 = arith.constant 32 : i32
    "tpu.region"() ({
      %run_scoped3A = tpu.sem_alloc : memref<!tpu.dma_semaphore, #tpu.memory_space<semaphore_mem>>
      %dma_start3A_745 = arith.constant 0 : i32
      %dma_start3A_746 = tpu.memref_slice %arg7[%mul3A_2, %dma_start3A_745] : memref<16384x64xf32, #tpu.memory_space<hbm>> -> memref<512x64xf32, #tpu.memory_space<hbm>>
      %dma_start3A_747 = arith.constant 0 : i32
      %dma_start3A_748 = tpu.memref_slice %arg7[%mul3A_2, %dma_start3A_747] : memref<16384x64xf32, #tpu.memory_space<hbm>> -> memref<512x64xf32, #tpu.memory_space<hbm>>
      tpu.enqueue_dma source(%arg9 : memref<512x64xf32, #tpu.memory_space<vmem>>) target(%dma_start3A_748 : memref<512x64xf32, #tpu.memory_space<hbm>>) target_semaphore(%run_scoped3A : memref<!tpu.dma_semaphore, #tpu.memory_space<semaphore_mem>>)
      %dma_wait3A = arith.constant 0 : i32
      %dma_wait3A_749 = tpu.memref_slice %arg7[%mul3A_2, %dma_wait3A] : memref<16384x64xf32, #tpu.memory_space<hbm>> -> memref<512x64xf32, #tpu.memory_space<hbm>>
      %dma_wait3A_750 = arith.constant 0 : i32
      %dma_wait3A_751 = tpu.memref_slice %arg7[%mul3A_2, %dma_wait3A_750] : memref<16384x64xf32, #tpu.memory_space<hbm>> -> memref<512x64xf32, #tpu.memory_space<hbm>>
      tpu.wait_dma2 semaphore(%run_scoped3A : memref<!tpu.dma_semaphore, #tpu.memory_space<semaphore_mem>>) src(%arg9 : memref<512x64xf32, #tpu.memory_space<vmem>>) dst(%dma_wait3A_751 : memref<512x64xf32, #tpu.memory_space<hbm>>)
      tpu.yield
    }) : () -> ()
    return
  }
}

#map = affine_map<(d0, d1) -> (0)>
#map1 = affine_map<(d0, d1) -> (0, 0)>
module attributes {stable_mosaic.version = 14 : i64} {
  func.func @k(%arg0: i32, %arg1: i32, %arg2: memref<16384xi32, #tpu.memory_space<hbm>>, %arg3: memref<16384xi32, #tpu.memory_space<hbm>>, %arg4: memref<1000000x64xf32, #tpu.memory_space<hbm>>, %arg5: memref<1000000x64xf32, #tpu.memory_space<hbm>>, %arg6: memref<16384x64xf32, #tpu.memory_space<hbm>>, %arg7: memref<16384x64xf32, #tpu.memory_space<hbm>>, %arg8: memref<512xi32, #tpu.memory_space<vmem>>, %arg9: memref<512x64xf32, #tpu.memory_space<vmem>>, %arg10: memref<!tpu.dma_semaphore, #tpu.memory_space<semaphore_mem>>, %arg11: memref<!tpu.dma_semaphore, #tpu.memory_space<semaphore_mem>>, %arg12: memref<!tpu.dma_semaphore, #tpu.memory_space<semaphore_mem>>, %arg13: memref<!tpu.dma_semaphore, #tpu.memory_space<semaphore_mem>>, %arg14: memref<!tpu.dma_semaphore, #tpu.memory_space<semaphore_mem>>, %arg15: memref<!tpu.dma_semaphore, #tpu.memory_space<semaphore_mem>>, %arg16: memref<!tpu.dma_semaphore, #tpu.memory_space<semaphore_mem>>, %arg17: memref<!tpu.dma_semaphore, #tpu.memory_space<semaphore_mem>>) attributes {dimension_semantics = [#tpu.dimension_semantics<core_parallel>, #tpu.dimension_semantics<subcore_parallel>], iteration_bounds = array<i64: 2, 16>, scalar_prefetch = 0 : i64, scratch_operands = 10 : i64, tpu.core_type = #tpu.core_type<sc_vector_subcore>, window_params = [{transform_indices = #map}, {transform_indices = #map}, {transform_indices = #map1}, {transform_indices = #map1}, {transform_indices = #map1}, {transform_indices = #map1}]} {
    %mul3A = arith.constant 2 : i32
    %mul3A_0 = arith.muli %arg1, %mul3A : i32
    %add3A = arith.addi %mul3A_0, %arg0 : i32
    %mul3A_1 = arith.constant 512 : i32
    %mul3A_2 = arith.muli %add3A, %mul3A_1 : i32
    %iota3A = tpu.iota {dimensions = array<i32: 0>} : vector<16xi32>
    "tpu.region"() ({
      %run_scoped3A = tpu.sem_alloc : memref<!tpu.dma_semaphore, #tpu.memory_space<semaphore_mem>>
      %dma_start3A_745 = tpu.memref_slice %arg2[%mul3A_2] : memref<16384xi32, #tpu.memory_space<hbm>> -> memref<512xi32, #tpu.memory_space<hbm>>
      %dma_start3A_746 = tpu.memref_slice %arg2[%mul3A_2] : memref<16384xi32, #tpu.memory_space<hbm>> -> memref<512xi32, #tpu.memory_space<hbm>>
      tpu.enqueue_dma source(%dma_start3A_746 : memref<512xi32, #tpu.memory_space<hbm>>) target(%arg8 : memref<512xi32, #tpu.memory_space<vmem>>) target_semaphore(%run_scoped3A : memref<!tpu.dma_semaphore, #tpu.memory_space<semaphore_mem>>)
      %dma_wait3A = tpu.memref_slice %arg2[%mul3A_2] : memref<16384xi32, #tpu.memory_space<hbm>> -> memref<512xi32, #tpu.memory_space<hbm>>
      %dma_wait3A_747 = tpu.memref_slice %arg2[%mul3A_2] : memref<16384xi32, #tpu.memory_space<hbm>> -> memref<512xi32, #tpu.memory_space<hbm>>
      tpu.wait_dma2 semaphore(%run_scoped3A : memref<!tpu.dma_semaphore, #tpu.memory_space<semaphore_mem>>) src(%dma_wait3A_747 : memref<512xi32, #tpu.memory_space<hbm>>) dst(%arg8 : memref<512xi32, #tpu.memory_space<vmem>>)
      tpu.yield
    }) : () -> ()
    %get3A = arith.constant 0 : index
    %get3A_3 = tpu.vector_load %arg8[%get3A] {strides = array<i32>} : memref<512xi32, #tpu.memory_space<vmem>>, vector<16xi32>,
    %eq3A = arith.constant 0 : i32
    %eq3A_4 = vector.broadcast %eq3A : i32 to vector<16xi32>
    %eq3A_5 = arith.cmpi eq, %iota3A, %eq3A_4 : vector<16xi32>
    %jit3A = arith.constant 0 : i32
    %broadcast_in_dim3A = vector.broadcast %jit3A : i32 to vector<16xi32>
    %select_n3A = arith.select %eq3A_5, %get3A_3, %broadcast_in_dim3A : vector<16xi1>, vector<16xi32>
    %reduce_sum3A = arith.constant true
    %reduce_sum3A_6 = vector.broadcast %reduce_sum3A : i1 to vector<16xi1>
    %reduce_sum3A_7 = tpu.scan <sum>, %select_n3A masked %reduce_sum3A_6 : vector<16xi32>, vector<16xi1> -> vector<16xi32>
    %reduce_sum3A_8 = vector.extract %reduce_sum3A_7[15] : i32 from vector<16xi32>
    %dma_start3A = arith.constant 0 : i32
    %dma_start3A_9 = arith.constant 0 : i32
    %dma_start3A_10 = tpu.memref_slice %arg9[%dma_start3A, %dma_start3A_9] : memref<512x64xf32, #tpu.memory_space<vmem>> -> memref<1x64xf32, #tpu.memory_space<vmem>>
    %dma_start3A_11 = tpu.memref_squeeze %dma_start3A_10 : memref<1x64xf32, #tpu.memory_space<vmem>> -> memref<64xf32, #tpu.memory_space<vmem>>
    %dma_start3A_12 = arith.constant 0 : i32
    %dma_start3A_13 = tpu.memref_slice %arg4[%reduce_sum3A_8, %dma_start3A_12] : memref<1000000x64xf32, #tpu.memory_space<hbm>> -> memref<1x64xf32, #tpu.memory_space<hbm>>
    %dma_start3A_14 = tpu.memref_squeeze %dma_start3A_13 : memref<1x64xf32, #tpu.memory_space<hbm>> -> memref<64xf32, #tpu.memory_space<hbm>>
    %dma_start3A_15 = arith.constant 0 : i32
    %dma_start3A_16 = tpu.memref_slice %arg9[%dma_start3A, %dma_start3A_15] : memref<512x64xf32, #tpu.memory_space<vmem>> -> memref<1x64xf32, #tpu.memory_space<vmem>>
    %dma_start3A_17 = tpu.memref_squeeze %dma_start3A_16 : memref<1x64xf32, #tpu.memory_space<vmem>> -> memref<64xf32, #tpu.memory_space<vmem>>
    %dma_start3A_18 = arith.constant 0 : i32
    %dma_start3A_19 = tpu.memref_slice %arg4[%reduce_sum3A_8, %dma_start3A_18] : memref<1000000x64xf32, #tpu.memory_space<hbm>> -> memref<1x64xf32, #tpu.memory_space<hbm>>
    %dma_start3A_20 = tpu.memref_squeeze %dma_start3A_19 : memref<1x64xf32, #tpu.memory_space<hbm>> -> memref<64xf32, #tpu.memory_space<hbm>>
    tpu.enqueue_dma source(%dma_start3A_20 : memref<64xf32, #tpu.memory_space<hbm>>) target(%dma_start3A_17 : memref<64xf32, #tpu.memory_space<vmem>>) target_semaphore(%arg10 : memref<!tpu.dma_semaphore, #tpu.memory_space<semaphore_mem>>)
    %eq3A_21 = arith.constant 1 : i32
    %eq3A_22 = vector.broadcast %eq3A_21 : i32 to vector<16xi32>
    %eq3A_23 = arith.cmpi eq, %iota3A, %eq3A_22 : vector<16xi32>
    %jit3A_24 = arith.constant 0 : i32
    %broadcast_in_dim3A_25 = vector.broadcast %jit3A_24 : i32 to vector<16xi32>
    %select_n3A_26 = arith.select %eq3A_23, %get3A_3, %broadcast_in_dim3A_25 : vector<16xi1>, vector<16xi32>
    %reduce_sum3A_27 = arith.constant true
    %reduce_sum3A_28 = vector.broadcast %reduce_sum3A_27 : i1 to vector<16xi1>
    %reduce_sum3A_29 = tpu.scan <sum>, %select_n3A_26 masked %reduce_sum3A_28 : vector<16xi32>, vector<16xi1> -> vector<16xi32>
    %reduce_sum3A_30 = vector.extract %reduce_sum3A_29[15] : i32 from vector<16xi32>
    %dma_start3A_31 = arith.constant 1 : i32
    %dma_start3A_32 = arith.constant 0 : i32
    %dma_start3A_33 = tpu.memref_slice %arg9[%dma_start3A_31, %dma_start3A_32] : memref<512x64xf32, #tpu.memory_space<vmem>> -> memref<1x64xf32, #tpu.memory_space<vmem>>
    %dma_start3A_34 = tpu.memref_squeeze %dma_start3A_33 : memref<1x64xf32, #tpu.memory_space<vmem>> -> memref<64xf32, #tpu.memory_space<vmem>>
    %dma_start3A_35 = arith.constant 0 : i32
    %dma_start3A_36 = tpu.memref_slice %arg4[%reduce_sum3A_30, %dma_start3A_35] : memref<1000000x64xf32, #tpu.memory_space<hbm>> -> memref<1x64xf32, #tpu.memory_space<hbm>>
    %dma_start3A_37 = tpu.memref_squeeze %dma_start3A_36 : memref<1x64xf32, #tpu.memory_space<hbm>> -> memref<64xf32, #tpu.memory_space<hbm>>
    %dma_start3A_38 = arith.constant 0 : i32
    %dma_start3A_39 = tpu.memref_slice %arg9[%dma_start3A_31, %dma_start3A_38] : memref<512x64xf32, #tpu.memory_space<vmem>> -> memref<1x64xf32, #tpu.memory_space<vmem>>
    %dma_start3A_40 = tpu.memref_squeeze %dma_start3A_39 : memref<1x64xf32, #tpu.memory_space<vmem>> -> memref<64xf32, #tpu.memory_space<vmem>>
    %dma_start3A_41 = arith.constant 0 : i32
    %dma_start3A_42 = tpu.memref_slice %arg4[%reduce_sum3A_30, %dma_start3A_41] : memref<1000000x64xf32, #tpu.memory_space<hbm>> -> memref<1x64xf32, #tpu.memory_space<hbm>>
    %dma_start3A_43 = tpu.memref_squeeze %dma_start3A_42 : memref<1x64xf32, #tpu.memory_space<hbm>> -> memref<64xf32, #tpu.memory_space<hbm>>
    tpu.enqueue_dma source(%dma_start3A_43 : memref<64xf32, #tpu.memory_space<hbm>>) target(%dma_start3A_40 : memref<64xf32, #tpu.memory_space<vmem>>) target_semaphore(%arg11 : memref<!tpu.dma_semaphore, #tpu.memory_space<semaphore_mem>>)
    %eq3A_44 = arith.constant 2 : i32
    %eq3A_45 = vector.broadcast %eq3A_44 : i32 to vector<16xi32>
    %eq3A_46 = arith.cmpi eq, %iota3A, %eq3A_45 : vector<16xi32>
    %jit3A_47 = arith.constant 0 : i32
    %broadcast_in_dim3A_48 = vector.broadcast %jit3A_47 : i32 to vector<16xi32>
    %select_n3A_49 = arith.select %eq3A_46, %get3A_3, %broadcast_in_dim3A_48 : vector<16xi1>, vector<16xi32>
    %reduce_sum3A_50 = arith.constant true
    %reduce_sum3A_51 = vector.broadcast %reduce_sum3A_50 : i1 to vector<16xi1>
    %reduce_sum3A_52 = tpu.scan <sum>, %select_n3A_49 masked %reduce_sum3A_51 : vector<16xi32>, vector<16xi1> -> vector<16xi32>
    %reduce_sum3A_53 = vector.extract %reduce_sum3A_52[15] : i32 from vector<16xi32>
    %dma_start3A_54 = arith.constant 2 : i32
    %dma_start3A_55 = arith.constant 0 : i32
    %dma_start3A_56 = tpu.memref_slice %arg9[%dma_start3A_54, %dma_start3A_55] : memref<512x64xf32, #tpu.memory_space<vmem>> -> memref<1x64xf32, #tpu.memory_space<vmem>>
    %dma_start3A_57 = tpu.memref_squeeze %dma_start3A_56 : memref<1x64xf32, #tpu.memory_space<vmem>> -> memref<64xf32, #tpu.memory_space<vmem>>
    %dma_start3A_58 = arith.constant 0 : i32
    %dma_start3A_59 = tpu.memref_slice %arg4[%reduce_sum3A_53, %dma_start3A_58] : memref<1000000x64xf32, #tpu.memory_space<hbm>> -> memref<1x64xf32, #tpu.memory_space<hbm>>
    %dma_start3A_60 = tpu.memref_squeeze %dma_start3A_59 : memref<1x64xf32, #tpu.memory_space<hbm>> -> memref<64xf32, #tpu.memory_space<hbm>>
    %dma_start3A_61 = arith.constant 0 : i32
    %dma_start3A_62 = tpu.memref_slice %arg9[%dma_start3A_54, %dma_start3A_61] : memref<512x64xf32, #tpu.memory_space<vmem>> -> memref<1x64xf32, #tpu.memory_space<vmem>>
    %dma_start3A_63 = tpu.memref_squeeze %dma_start3A_62 : memref<1x64xf32, #tpu.memory_space<vmem>> -> memref<64xf32, #tpu.memory_space<vmem>>
    %dma_start3A_64 = arith.constant 0 : i32
    %dma_start3A_65 = tpu.memref_slice %arg4[%reduce_sum3A_53, %dma_start3A_64] : memref<1000000x64xf32, #tpu.memory_space<hbm>> -> memref<1x64xf32, #tpu.memory_space<hbm>>
    %dma_start3A_66 = tpu.memref_squeeze %dma_start3A_65 : memref<1x64xf32, #tpu.memory_space<hbm>> -> memref<64xf32, #tpu.memory_space<hbm>>
    tpu.enqueue_dma source(%dma_start3A_66 : memref<64xf32, #tpu.memory_space<hbm>>) target(%dma_start3A_63 : memref<64xf32, #tpu.memory_space<vmem>>) target_semaphore(%arg12 : memref<!tpu.dma_semaphore, #tpu.memory_space<semaphore_mem>>)
    %eq3A_67 = arith.constant 3 : i32
    %eq3A_68 = vector.broadcast %eq3A_67 : i32 to vector<16xi32>
    %eq3A_69 = arith.cmpi eq, %iota3A, %eq3A_68 : vector<16xi32>
    %jit3A_70 = arith.constant 0 : i32
    %broadcast_in_dim3A_71 = vector.broadcast %jit3A_70 : i32 to vector<16xi32>
    %select_n3A_72 = arith.select %eq3A_69, %get3A_3, %broadcast_in_dim3A_71 : vector<16xi1>, vector<16xi32>
    %reduce_sum3A_73 = arith.constant true
    %reduce_sum3A_74 = vector.broadcast %reduce_sum3A_73 : i1 to vector<16xi1>
    %reduce_sum3A_75 = tpu.scan <sum>, %select_n3A_72 masked %reduce_sum3A_74 : vector<16xi32>, vector<16xi1> -> vector<16xi32>
    %reduce_sum3A_76 = vector.extract %reduce_sum3A_75[15] : i32 from vector<16xi32>
    %dma_start3A_77 = arith.constant 3 : i32
    %dma_start3A_78 = arith.constant 0 : i32
    %dma_start3A_79 = tpu.memref_slice %arg9[%dma_start3A_77, %dma_start3A_78] : memref<512x64xf32, #tpu.memory_space<vmem>> -> memref<1x64xf32, #tpu.memory_space<vmem>>
    %dma_start3A_80 = tpu.memref_squeeze %dma_start3A_79 : memref<1x64xf32, #tpu.memory_space<vmem>> -> memref<64xf32, #tpu.memory_space<vmem>>
    %dma_start3A_81 = arith.constant 0 : i32
    %dma_start3A_82 = tpu.memref_slice %arg4[%reduce_sum3A_76, %dma_start3A_81] : memref<1000000x64xf32, #tpu.memory_space<hbm>> -> memref<1x64xf32, #tpu.memory_space<hbm>>
    %dma_start3A_83 = tpu.memref_squeeze %dma_start3A_82 : memref<1x64xf32, #tpu.memory_space<hbm>> -> memref<64xf32, #tpu.memory_space<hbm>>
    %dma_start3A_84 = arith.constant 0 : i32
    %dma_start3A_85 = tpu.memref_slice %arg9[%dma_start3A_77, %dma_start3A_84] : memref<512x64xf32, #tpu.memory_space<vmem>> -> memref<1x64xf32, #tpu.memory_space<vmem>>
    %dma_start3A_86 = tpu.memref_squeeze %dma_start3A_85 : memref<1x64xf32, #tpu.memory_space<vmem>> -> memref<64xf32, #tpu.memory_space<vmem>>
    %dma_start3A_87 = arith.constant 0 : i32
    %dma_start3A_88 = tpu.memref_slice %arg4[%reduce_sum3A_76, %dma_start3A_87] : memref<1000000x64xf32, #tpu.memory_space<hbm>> -> memref<1x64xf32, #tpu.memory_space<hbm>>
    %dma_start3A_89 = tpu.memref_squeeze %dma_start3A_88 : memref<1x64xf32, #tpu.memory_space<hbm>> -> memref<64xf32, #tpu.memory_space<hbm>>
    tpu.enqueue_dma source(%dma_start3A_89 : memref<64xf32, #tpu.memory_space<hbm>>) target(%dma_start3A_86 : memref<64xf32, #tpu.memory_space<vmem>>) target_semaphore(%arg13 : memref<!tpu.dma_semaphore, #tpu.memory_space<semaphore_mem>>)
    %eq3A_90 = arith.constant 4 : i32
    %eq3A_91 = vector.broadcast %eq3A_90 : i32 to vector<16xi32>
    %eq3A_92 = arith.cmpi eq, %iota3A, %eq3A_91 : vector<16xi32>
    %jit3A_93 = arith.constant 0 : i32
    %broadcast_in_dim3A_94 = vector.broadcast %jit3A_93 : i32 to vector<16xi32>
    %select_n3A_95 = arith.select %eq3A_92, %get3A_3, %broadcast_in_dim3A_94 : vector<16xi1>, vector<16xi32>
    %reduce_sum3A_96 = arith.constant true
    %reduce_sum3A_97 = vector.broadcast %reduce_sum3A_96 : i1 to vector<16xi1>
    %reduce_sum3A_98 = tpu.scan <sum>, %select_n3A_95 masked %reduce_sum3A_97 : vector<16xi32>, vector<16xi1> -> vector<16xi32>
    %reduce_sum3A_99 = vector.extract %reduce_sum3A_98[15] : i32 from vector<16xi32>
    %dma_start3A_100 = arith.constant 4 : i32
    %dma_start3A_101 = arith.constant 0 : i32
    %dma_start3A_102 = tpu.memref_slice %arg9[%dma_start3A_100, %dma_start3A_101] : memref<512x64xf32, #tpu.memory_space<vmem>> -> memref<1x64xf32, #tpu.memory_space<vmem>>
    %dma_start3A_103 = tpu.memref_squeeze %dma_start3A_102 : memref<1x64xf32, #tpu.memory_space<vmem>> -> memref<64xf32, #tpu.memory_space<vmem>>
    %dma_start3A_104 = arith.constant 0 : i32
    %dma_start3A_105 = tpu.memref_slice %arg4[%reduce_sum3A_99, %dma_start3A_104] : memref<1000000x64xf32, #tpu.memory_space<hbm>> -> memref<1x64xf32, #tpu.memory_space<hbm>>
    %dma_start3A_106 = tpu.memref_squeeze %dma_start3A_105 : memref<1x64xf32, #tpu.memory_space<hbm>> -> memref<64xf32, #tpu.memory_space<hbm>>
    %dma_start3A_107 = arith.constant 0 : i32
    %dma_start3A_108 = tpu.memref_slice %arg9[%dma_start3A_100, %dma_start3A_107] : memref<512x64xf32, #tpu.memory_space<vmem>> -> memref<1x64xf32, #tpu.memory_space<vmem>>
    %dma_start3A_109 = tpu.memref_squeeze %dma_start3A_108 : memref<1x64xf32, #tpu.memory_space<vmem>> -> memref<64xf32, #tpu.memory_space<vmem>>
    %dma_start3A_110 = arith.constant 0 : i32
    %dma_start3A_111 = tpu.memref_slice %arg4[%reduce_sum3A_99, %dma_start3A_110] : memref<1000000x64xf32, #tpu.memory_space<hbm>> -> memref<1x64xf32, #tpu.memory_space<hbm>>
    %dma_start3A_112 = tpu.memref_squeeze %dma_start3A_111 : memref<1x64xf32, #tpu.memory_space<hbm>> -> memref<64xf32, #tpu.memory_space<hbm>>
    tpu.enqueue_dma source(%dma_start3A_112 : memref<64xf32, #tpu.memory_space<hbm>>) target(%dma_start3A_109 : memref<64xf32, #tpu.memory_space<vmem>>) target_semaphore(%arg14 : memref<!tpu.dma_semaphore, #tpu.memory_space<semaphore_mem>>)
    %eq3A_113 = arith.constant 5 : i32
    %eq3A_114 = vector.broadcast %eq3A_113 : i32 to vector<16xi32>
    %eq3A_115 = arith.cmpi eq, %iota3A, %eq3A_114 : vector<16xi32>
    %jit3A_116 = arith.constant 0 : i32
    %broadcast_in_dim3A_117 = vector.broadcast %jit3A_116 : i32 to vector<16xi32>
    %select_n3A_118 = arith.select %eq3A_115, %get3A_3, %broadcast_in_dim3A_117 : vector<16xi1>, vector<16xi32>
    %reduce_sum3A_119 = arith.constant true
    %reduce_sum3A_120 = vector.broadcast %reduce_sum3A_119 : i1 to vector<16xi1>
    %reduce_sum3A_121 = tpu.scan <sum>, %select_n3A_118 masked %reduce_sum3A_120 : vector<16xi32>, vector<16xi1> -> vector<16xi32>
    %reduce_sum3A_122 = vector.extract %reduce_sum3A_121[15] : i32 from vector<16xi32>
    %dma_start3A_123 = arith.constant 5 : i32
    %dma_start3A_124 = arith.constant 0 : i32
    %dma_start3A_125 = tpu.memref_slice %arg9[%dma_start3A_123, %dma_start3A_124] : memref<512x64xf32, #tpu.memory_space<vmem>> -> memref<1x64xf32, #tpu.memory_space<vmem>>
    %dma_start3A_126 = tpu.memref_squeeze %dma_start3A_125 : memref<1x64xf32, #tpu.memory_space<vmem>> -> memref<64xf32, #tpu.memory_space<vmem>>
    %dma_start3A_127 = arith.constant 0 : i32
    %dma_start3A_128 = tpu.memref_slice %arg4[%reduce_sum3A_122, %dma_start3A_127] : memref<1000000x64xf32, #tpu.memory_space<hbm>> -> memref<1x64xf32, #tpu.memory_space<hbm>>
    %dma_start3A_129 = tpu.memref_squeeze %dma_start3A_128 : memref<1x64xf32, #tpu.memory_space<hbm>> -> memref<64xf32, #tpu.memory_space<hbm>>
    %dma_start3A_130 = arith.constant 0 : i32
    %dma_start3A_131 = tpu.memref_slice %arg9[%dma_start3A_123, %dma_start3A_130] : memref<512x64xf32, #tpu.memory_space<vmem>> -> memref<1x64xf32, #tpu.memory_space<vmem>>
    %dma_start3A_132 = tpu.memref_squeeze %dma_start3A_131 : memref<1x64xf32, #tpu.memory_space<vmem>> -> memref<64xf32, #tpu.memory_space<vmem>>
    %dma_start3A_133 = arith.constant 0 : i32
    %dma_start3A_134 = tpu.memref_slice %arg4[%reduce_sum3A_122, %dma_start3A_133] : memref<1000000x64xf32, #tpu.memory_space<hbm>> -> memref<1x64xf32, #tpu.memory_space<hbm>>
    %dma_start3A_135 = tpu.memref_squeeze %dma_start3A_134 : memref<1x64xf32, #tpu.memory_space<hbm>> -> memref<64xf32, #tpu.memory_space<hbm>>
    tpu.enqueue_dma source(%dma_start3A_135 : memref<64xf32, #tpu.memory_space<hbm>>) target(%dma_start3A_132 : memref<64xf32, #tpu.memory_space<vmem>>) target_semaphore(%arg15 : memref<!tpu.dma_semaphore, #tpu.memory_space<semaphore_mem>>)
    %eq3A_136 = arith.constant 6 : i32
    %eq3A_137 = vector.broadcast %eq3A_136 : i32 to vector<16xi32>
    %eq3A_138 = arith.cmpi eq, %iota3A, %eq3A_137 : vector<16xi32>
    %jit3A_139 = arith.constant 0 : i32
    %broadcast_in_dim3A_140 = vector.broadcast %jit3A_139 : i32 to vector<16xi32>
    %select_n3A_141 = arith.select %eq3A_138, %get3A_3, %broadcast_in_dim3A_140 : vector<16xi1>, vector<16xi32>
    %reduce_sum3A_142 = arith.constant true
    %reduce_sum3A_143 = vector.broadcast %reduce_sum3A_142 : i1 to vector<16xi1>
    %reduce_sum3A_144 = tpu.scan <sum>, %select_n3A_141 masked %reduce_sum3A_143 : vector<16xi32>, vector<16xi1> -> vector<16xi32>
    %reduce_sum3A_145 = vector.extract %reduce_sum3A_144[15] : i32 from vector<16xi32>
    %dma_start3A_146 = arith.constant 6 : i32
    %dma_start3A_147 = arith.constant 0 : i32
    %dma_start3A_148 = tpu.memref_slice %arg9[%dma_start3A_146, %dma_start3A_147] : memref<512x64xf32, #tpu.memory_space<vmem>> -> memref<1x64xf32, #tpu.memory_space<vmem>>
    %dma_start3A_149 = tpu.memref_squeeze %dma_start3A_148 : memref<1x64xf32, #tpu.memory_space<vmem>> -> memref<64xf32, #tpu.memory_space<vmem>>
    %dma_start3A_150 = arith.constant 0 : i32
    %dma_start3A_151 = tpu.memref_slice %arg4[%reduce_sum3A_145, %dma_start3A_150] : memref<1000000x64xf32, #tpu.memory_space<hbm>> -> memref<1x64xf32, #tpu.memory_space<hbm>>
    %dma_start3A_152 = tpu.memref_squeeze %dma_start3A_151 : memref<1x64xf32, #tpu.memory_space<hbm>> -> memref<64xf32, #tpu.memory_space<hbm>>
    %dma_start3A_153 = arith.constant 0 : i32
    %dma_start3A_154 = tpu.memref_slice %arg9[%dma_start3A_146, %dma_start3A_153] : memref<512x64xf32, #tpu.memory_space<vmem>> -> memref<1x64xf32, #tpu.memory_space<vmem>>
    %dma_start3A_155 = tpu.memref_squeeze %dma_start3A_154 : memref<1x64xf32, #tpu.memory_space<vmem>> -> memref<64xf32, #tpu.memory_space<vmem>>
    %dma_start3A_156 = arith.constant 0 : i32
    %dma_start3A_157 = tpu.memref_slice %arg4[%reduce_sum3A_145, %dma_start3A_156] : memref<1000000x64xf32, #tpu.memory_space<hbm>> -> memref<1x64xf32, #tpu.memory_space<hbm>>
    %dma_start3A_158 = tpu.memref_squeeze %dma_start3A_157 : memref<1x64xf32, #tpu.memory_space<hbm>> -> memref<64xf32, #tpu.memory_space<hbm>>
    tpu.enqueue_dma source(%dma_start3A_158 : memref<64xf32, #tpu.memory_space<hbm>>) target(%dma_start3A_155 : memref<64xf32, #tpu.memory_space<vmem>>) target_semaphore(%arg16 : memref<!tpu.dma_semaphore, #tpu.memory_space<semaphore_mem>>)
    %eq3A_159 = arith.constant 7 : i32
    %eq3A_160 = vector.broadcast %eq3A_159 : i32 to vector<16xi32>
    %eq3A_161 = arith.cmpi eq, %iota3A, %eq3A_160 : vector<16xi32>
    %jit3A_162 = arith.constant 0 : i32
    %broadcast_in_dim3A_163 = vector.broadcast %jit3A_162 : i32 to vector<16xi32>
    %select_n3A_164 = arith.select %eq3A_161, %get3A_3, %broadcast_in_dim3A_163 : vector<16xi1>, vector<16xi32>
    %reduce_sum3A_165 = arith.constant true
    %reduce_sum3A_166 = vector.broadcast %reduce_sum3A_165 : i1 to vector<16xi1>
    %reduce_sum3A_167 = tpu.scan <sum>, %select_n3A_164 masked %reduce_sum3A_166 : vector<16xi32>, vector<16xi1> -> vector<16xi32>
    %reduce_sum3A_168 = vector.extract %reduce_sum3A_167[15] : i32 from vector<16xi32>
    %dma_start3A_169 = arith.constant 7 : i32
    %dma_start3A_170 = arith.constant 0 : i32
    %dma_start3A_171 = tpu.memref_slice %arg9[%dma_start3A_169, %dma_start3A_170] : memref<512x64xf32, #tpu.memory_space<vmem>> -> memref<1x64xf32, #tpu.memory_space<vmem>>
    %dma_start3A_172 = tpu.memref_squeeze %dma_start3A_171 : memref<1x64xf32, #tpu.memory_space<vmem>> -> memref<64xf32, #tpu.memory_space<vmem>>
    %dma_start3A_173 = arith.constant 0 : i32
    %dma_start3A_174 = tpu.memref_slice %arg4[%reduce_sum3A_168, %dma_start3A_173] : memref<1000000x64xf32, #tpu.memory_space<hbm>> -> memref<1x64xf32, #tpu.memory_space<hbm>>
    %dma_start3A_175 = tpu.memref_squeeze %dma_start3A_174 : memref<1x64xf32, #tpu.memory_space<hbm>> -> memref<64xf32, #tpu.memory_space<hbm>>
    %dma_start3A_176 = arith.constant 0 : i32
    %dma_start3A_177 = tpu.memref_slice %arg9[%dma_start3A_169, %dma_start3A_176] : memref<512x64xf32, #tpu.memory_space<vmem>> -> memref<1x64xf32, #tpu.memory_space<vmem>>
    %dma_start3A_178 = tpu.memref_squeeze %dma_start3A_177 : memref<1x64xf32, #tpu.memory_space<vmem>> -> memref<64xf32, #tpu.memory_space<vmem>>
    %dma_start3A_179 = arith.constant 0 : i32
    %dma_start3A_180 = tpu.memref_slice %arg4[%reduce_sum3A_168, %dma_start3A_179] : memref<1000000x64xf32, #tpu.memory_space<hbm>> -> memref<1x64xf32, #tpu.memory_space<hbm>>
    %dma_start3A_181 = tpu.memref_squeeze %dma_start3A_180 : memref<1x64xf32, #tpu.memory_space<hbm>> -> memref<64xf32, #tpu.memory_space<hbm>>
    tpu.enqueue_dma source(%dma_start3A_181 : memref<64xf32, #tpu.memory_space<hbm>>) target(%dma_start3A_178 : memref<64xf32, #tpu.memory_space<vmem>>) target_semaphore(%arg17 : memref<!tpu.dma_semaphore, #tpu.memory_space<semaphore_mem>>)
    %eq3A_182 = arith.constant 8 : i32
    %eq3A_183 = vector.broadcast %eq3A_182 : i32 to vector<16xi32>
    %eq3A_184 = arith.cmpi eq, %iota3A, %eq3A_183 : vector<16xi32>
    %jit3A_185 = arith.constant 0 : i32
    %broadcast_in_dim3A_186 = vector.broadcast %jit3A_185 : i32 to vector<16xi32>
    %select_n3A_187 = arith.select %eq3A_184, %get3A_3, %broadcast_in_dim3A_186 : vector<16xi1>, vector<16xi32>
    %reduce_sum3A_188 = arith.constant true
    %reduce_sum3A_189 = vector.broadcast %reduce_sum3A_188 : i1 to vector<16xi1>
    %reduce_sum3A_190 = tpu.scan <sum>, %select_n3A_187 masked %reduce_sum3A_189 : vector<16xi32>, vector<16xi1> -> vector<16xi32>
    %reduce_sum3A_191 = vector.extract %reduce_sum3A_190[15] : i32 from vector<16xi32>
    %dma_start3A_192 = arith.constant 8 : i32
    %dma_start3A_193 = arith.constant 0 : i32
    %dma_start3A_194 = tpu.memref_slice %arg9[%dma_start3A_192, %dma_start3A_193] : memref<512x64xf32, #tpu.memory_space<vmem>> -> memref<1x64xf32, #tpu.memory_space<vmem>>
    %dma_start3A_195 = tpu.memref_squeeze %dma_start3A_194 : memref<1x64xf32, #tpu.memory_space<vmem>> -> memref<64xf32, #tpu.memory_space<vmem>>
    %dma_start3A_196 = arith.constant 0 : i32
    %dma_start3A_197 = tpu.memref_slice %arg4[%reduce_sum3A_191, %dma_start3A_196] : memref<1000000x64xf32, #tpu.memory_space<hbm>> -> memref<1x64xf32, #tpu.memory_space<hbm>>
    %dma_start3A_198 = tpu.memref_squeeze %dma_start3A_197 : memref<1x64xf32, #tpu.memory_space<hbm>> -> memref<64xf32, #tpu.memory_space<hbm>>
    %dma_start3A_199 = arith.constant 0 : i32
    %dma_start3A_200 = tpu.memref_slice %arg9[%dma_start3A_192, %dma_start3A_199] : memref<512x64xf32, #tpu.memory_space<vmem>> -> memref<1x64xf32, #tpu.memory_space<vmem>>
    %dma_start3A_201 = tpu.memref_squeeze %dma_start3A_200 : memref<1x64xf32, #tpu.memory_space<vmem>> -> memref<64xf32, #tpu.memory_space<vmem>>
    %dma_start3A_202 = arith.constant 0 : i32
    %dma_start3A_203 = tpu.memref_slice %arg4[%reduce_sum3A_191, %dma_start3A_202] : memref<1000000x64xf32, #tpu.memory_space<hbm>> -> memref<1x64xf32, #tpu.memory_space<hbm>>
    %dma_start3A_204 = tpu.memref_squeeze %dma_start3A_203 : memref<1x64xf32, #tpu.memory_space<hbm>> -> memref<64xf32, #tpu.memory_space<hbm>>
    tpu.enqueue_dma source(%dma_start3A_204 : memref<64xf32, #tpu.memory_space<hbm>>) target(%dma_start3A_201 : memref<64xf32, #tpu.memory_space<vmem>>) target_semaphore(%arg10 : memref<!tpu.dma_semaphore, #tpu.memory_space<semaphore_mem>>)
    %eq3A_205 = arith.constant 9 : i32
    %eq3A_206 = vector.broadcast %eq3A_205 : i32 to vector<16xi32>
    %eq3A_207 = arith.cmpi eq, %iota3A, %eq3A_206 : vector<16xi32>
    %jit3A_208 = arith.constant 0 : i32
    %broadcast_in_dim3A_209 = vector.broadcast %jit3A_208 : i32 to vector<16xi32>
    %select_n3A_210 = arith.select %eq3A_207, %get3A_3, %broadcast_in_dim3A_209 : vector<16xi1>, vector<16xi32>
    %reduce_sum3A_211 = arith.constant true
    %reduce_sum3A_212 = vector.broadcast %reduce_sum3A_211 : i1 to vector<16xi1>
    %reduce_sum3A_213 = tpu.scan <sum>, %select_n3A_210 masked %reduce_sum3A_212 : vector<16xi32>, vector<16xi1> -> vector<16xi32>
    %reduce_sum3A_214 = vector.extract %reduce_sum3A_213[15] : i32 from vector<16xi32>
    %dma_start3A_215 = arith.constant 9 : i32
    %dma_start3A_216 = arith.constant 0 : i32
    %dma_start3A_217 = tpu.memref_slice %arg9[%dma_start3A_215, %dma_start3A_216] : memref<512x64xf32, #tpu.memory_space<vmem>> -> memref<1x64xf32, #tpu.memory_space<vmem>>
    %dma_start3A_218 = tpu.memref_squeeze %dma_start3A_217 : memref<1x64xf32, #tpu.memory_space<vmem>> -> memref<64xf32, #tpu.memory_space<vmem>>
    %dma_start3A_219 = arith.constant 0 : i32
    %dma_start3A_220 = tpu.memref_slice %arg4[%reduce_sum3A_214, %dma_start3A_219] : memref<1000000x64xf32, #tpu.memory_space<hbm>> -> memref<1x64xf32, #tpu.memory_space<hbm>>
    %dma_start3A_221 = tpu.memref_squeeze %dma_start3A_220 : memref<1x64xf32, #tpu.memory_space<hbm>> -> memref<64xf32, #tpu.memory_space<hbm>>
    %dma_start3A_222 = arith.constant 0 : i32
    %dma_start3A_223 = tpu.memref_slice %arg9[%dma_start3A_215, %dma_start3A_222] : memref<512x64xf32, #tpu.memory_space<vmem>> -> memref<1x64xf32, #tpu.memory_space<vmem>>
    %dma_start3A_224 = tpu.memref_squeeze %dma_start3A_223 : memref<1x64xf32, #tpu.memory_space<vmem>> -> memref<64xf32, #tpu.memory_space<vmem>>
    %dma_start3A_225 = arith.constant 0 : i32
    %dma_start3A_226 = tpu.memref_slice %arg4[%reduce_sum3A_214, %dma_start3A_225] : memref<1000000x64xf32, #tpu.memory_space<hbm>> -> memref<1x64xf32, #tpu.memory_space<hbm>>
    %dma_start3A_227 = tpu.memref_squeeze %dma_start3A_226 : memref<1x64xf32, #tpu.memory_space<hbm>> -> memref<64xf32, #tpu.memory_space<hbm>>
    tpu.enqueue_dma source(%dma_start3A_227 : memref<64xf32, #tpu.memory_space<hbm>>) target(%dma_start3A_224 : memref<64xf32, #tpu.memory_space<vmem>>) target_semaphore(%arg11 : memref<!tpu.dma_semaphore, #tpu.memory_space<semaphore_mem>>)
    %eq3A_228 = arith.constant 10 : i32
    %eq3A_229 = vector.broadcast %eq3A_228 : i32 to vector<16xi32>
    %eq3A_230 = arith.cmpi eq, %iota3A, %eq3A_229 : vector<16xi32>
    %jit3A_231 = arith.constant 0 : i32
    %broadcast_in_dim3A_232 = vector.broadcast %jit3A_231 : i32 to vector<16xi32>
    %select_n3A_233 = arith.select %eq3A_230, %get3A_3, %broadcast_in_dim3A_232 : vector<16xi1>, vector<16xi32>
    %reduce_sum3A_234 = arith.constant true
    %reduce_sum3A_235 = vector.broadcast %reduce_sum3A_234 : i1 to vector<16xi1>
    %reduce_sum3A_236 = tpu.scan <sum>, %select_n3A_233 masked %reduce_sum3A_235 : vector<16xi32>, vector<16xi1> -> vector<16xi32>
    %reduce_sum3A_237 = vector.extract %reduce_sum3A_236[15] : i32 from vector<16xi32>
    %dma_start3A_238 = arith.constant 10 : i32
    %dma_start3A_239 = arith.constant 0 : i32
    %dma_start3A_240 = tpu.memref_slice %arg9[%dma_start3A_238, %dma_start3A_239] : memref<512x64xf32, #tpu.memory_space<vmem>> -> memref<1x64xf32, #tpu.memory_space<vmem>>
    %dma_start3A_241 = tpu.memref_squeeze %dma_start3A_240 : memref<1x64xf32, #tpu.memory_space<vmem>> -> memref<64xf32, #tpu.memory_space<vmem>>
    %dma_start3A_242 = arith.constant 0 : i32
    %dma_start3A_243 = tpu.memref_slice %arg4[%reduce_sum3A_237, %dma_start3A_242] : memref<1000000x64xf32, #tpu.memory_space<hbm>> -> memref<1x64xf32, #tpu.memory_space<hbm>>
    %dma_start3A_244 = tpu.memref_squeeze %dma_start3A_243 : memref<1x64xf32, #tpu.memory_space<hbm>> -> memref<64xf32, #tpu.memory_space<hbm>>
    %dma_start3A_245 = arith.constant 0 : i32
    %dma_start3A_246 = tpu.memref_slice %arg9[%dma_start3A_238, %dma_start3A_245] : memref<512x64xf32, #tpu.memory_space<vmem>> -> memref<1x64xf32, #tpu.memory_space<vmem>>
    %dma_start3A_247 = tpu.memref_squeeze %dma_start3A_246 : memref<1x64xf32, #tpu.memory_space<vmem>> -> memref<64xf32, #tpu.memory_space<vmem>>
    %dma_start3A_248 = arith.constant 0 : i32
    %dma_start3A_249 = tpu.memref_slice %arg4[%reduce_sum3A_237, %dma_start3A_248] : memref<1000000x64xf32, #tpu.memory_space<hbm>> -> memref<1x64xf32, #tpu.memory_space<hbm>>
    %dma_start3A_250 = tpu.memref_squeeze %dma_start3A_249 : memref<1x64xf32, #tpu.memory_space<hbm>> -> memref<64xf32, #tpu.memory_space<hbm>>
    tpu.enqueue_dma source(%dma_start3A_250 : memref<64xf32, #tpu.memory_space<hbm>>) target(%dma_start3A_247 : memref<64xf32, #tpu.memory_space<vmem>>) target_semaphore(%arg12 : memref<!tpu.dma_semaphore, #tpu.memory_space<semaphore_mem>>)
    %eq3A_251 = arith.constant 11 : i32
    %eq3A_252 = vector.broadcast %eq3A_251 : i32 to vector<16xi32>
    %eq3A_253 = arith.cmpi eq, %iota3A, %eq3A_252 : vector<16xi32>
    %jit3A_254 = arith.constant 0 : i32
    %broadcast_in_dim3A_255 = vector.broadcast %jit3A_254 : i32 to vector<16xi32>
    %select_n3A_256 = arith.select %eq3A_253, %get3A_3, %broadcast_in_dim3A_255 : vector<16xi1>, vector<16xi32>
    %reduce_sum3A_257 = arith.constant true
    %reduce_sum3A_258 = vector.broadcast %reduce_sum3A_257 : i1 to vector<16xi1>
    %reduce_sum3A_259 = tpu.scan <sum>, %select_n3A_256 masked %reduce_sum3A_258 : vector<16xi32>, vector<16xi1> -> vector<16xi32>
    %reduce_sum3A_260 = vector.extract %reduce_sum3A_259[15] : i32 from vector<16xi32>
    %dma_start3A_261 = arith.constant 11 : i32
    %dma_start3A_262 = arith.constant 0 : i32
    %dma_start3A_263 = tpu.memref_slice %arg9[%dma_start3A_261, %dma_start3A_262] : memref<512x64xf32, #tpu.memory_space<vmem>> -> memref<1x64xf32, #tpu.memory_space<vmem>>
    %dma_start3A_264 = tpu.memref_squeeze %dma_start3A_263 : memref<1x64xf32, #tpu.memory_space<vmem>> -> memref<64xf32, #tpu.memory_space<vmem>>
    %dma_start3A_265 = arith.constant 0 : i32
    %dma_start3A_266 = tpu.memref_slice %arg4[%reduce_sum3A_260, %dma_start3A_265] : memref<1000000x64xf32, #tpu.memory_space<hbm>> -> memref<1x64xf32, #tpu.memory_space<hbm>>
    %dma_start3A_267 = tpu.memref_squeeze %dma_start3A_266 : memref<1x64xf32, #tpu.memory_space<hbm>> -> memref<64xf32, #tpu.memory_space<hbm>>
    %dma_start3A_268 = arith.constant 0 : i32
    %dma_start3A_269 = tpu.memref_slice %arg9[%dma_start3A_261, %dma_start3A_268] : memref<512x64xf32, #tpu.memory_space<vmem>> -> memref<1x64xf32, #tpu.memory_space<vmem>>
    %dma_start3A_270 = tpu.memref_squeeze %dma_start3A_269 : memref<1x64xf32, #tpu.memory_space<vmem>> -> memref<64xf32, #tpu.memory_space<vmem>>
    %dma_start3A_271 = arith.constant 0 : i32
    %dma_start3A_272 = tpu.memref_slice %arg4[%reduce_sum3A_260, %dma_start3A_271] : memref<1000000x64xf32, #tpu.memory_space<hbm>> -> memref<1x64xf32, #tpu.memory_space<hbm>>
    %dma_start3A_273 = tpu.memref_squeeze %dma_start3A_272 : memref<1x64xf32, #tpu.memory_space<hbm>> -> memref<64xf32, #tpu.memory_space<hbm>>
    tpu.enqueue_dma source(%dma_start3A_273 : memref<64xf32, #tpu.memory_space<hbm>>) target(%dma_start3A_270 : memref<64xf32, #tpu.memory_space<vmem>>) target_semaphore(%arg13 : memref<!tpu.dma_semaphore, #tpu.memory_space<semaphore_mem>>)
    %eq3A_274 = arith.constant 12 : i32
    %eq3A_275 = vector.broadcast %eq3A_274 : i32 to vector<16xi32>
    %eq3A_276 = arith.cmpi eq, %iota3A, %eq3A_275 : vector<16xi32>
    %jit3A_277 = arith.constant 0 : i32
    %broadcast_in_dim3A_278 = vector.broadcast %jit3A_277 : i32 to vector<16xi32>
    %select_n3A_279 = arith.select %eq3A_276, %get3A_3, %broadcast_in_dim3A_278 : vector<16xi1>, vector<16xi32>
    %reduce_sum3A_280 = arith.constant true
    %reduce_sum3A_281 = vector.broadcast %reduce_sum3A_280 : i1 to vector<16xi1>
    %reduce_sum3A_282 = tpu.scan <sum>, %select_n3A_279 masked %reduce_sum3A_281 : vector<16xi32>, vector<16xi1> -> vector<16xi32>
    %reduce_sum3A_283 = vector.extract %reduce_sum3A_282[15] : i32 from vector<16xi32>
    %dma_start3A_284 = arith.constant 12 : i32
    %dma_start3A_285 = arith.constant 0 : i32
    %dma_start3A_286 = tpu.memref_slice %arg9[%dma_start3A_284, %dma_start3A_285] : memref<512x64xf32, #tpu.memory_space<vmem>> -> memref<1x64xf32, #tpu.memory_space<vmem>>
    %dma_start3A_287 = tpu.memref_squeeze %dma_start3A_286 : memref<1x64xf32, #tpu.memory_space<vmem>> -> memref<64xf32, #tpu.memory_space<vmem>>
    %dma_start3A_288 = arith.constant 0 : i32
    %dma_start3A_289 = tpu.memref_slice %arg4[%reduce_sum3A_283, %dma_start3A_288] : memref<1000000x64xf32, #tpu.memory_space<hbm>> -> memref<1x64xf32, #tpu.memory_space<hbm>>
    %dma_start3A_290 = tpu.memref_squeeze %dma_start3A_289 : memref<1x64xf32, #tpu.memory_space<hbm>> -> memref<64xf32, #tpu.memory_space<hbm>>
    %dma_start3A_291 = arith.constant 0 : i32
    %dma_start3A_292 = tpu.memref_slice %arg9[%dma_start3A_284, %dma_start3A_291] : memref<512x64xf32, #tpu.memory_space<vmem>> -> memref<1x64xf32, #tpu.memory_space<vmem>>
    %dma_start3A_293 = tpu.memref_squeeze %dma_start3A_292 : memref<1x64xf32, #tpu.memory_space<vmem>> -> memref<64xf32, #tpu.memory_space<vmem>>
    %dma_start3A_294 = arith.constant 0 : i32
    %dma_start3A_295 = tpu.memref_slice %arg4[%reduce_sum3A_283, %dma_start3A_294] : memref<1000000x64xf32, #tpu.memory_space<hbm>> -> memref<1x64xf32, #tpu.memory_space<hbm>>
    %dma_start3A_296 = tpu.memref_squeeze %dma_start3A_295 : memref<1x64xf32, #tpu.memory_space<hbm>> -> memref<64xf32, #tpu.memory_space<hbm>>
    tpu.enqueue_dma source(%dma_start3A_296 : memref<64xf32, #tpu.memory_space<hbm>>) target(%dma_start3A_293 : memref<64xf32, #tpu.memory_space<vmem>>) target_semaphore(%arg14 : memref<!tpu.dma_semaphore, #tpu.memory_space<semaphore_mem>>)
    %eq3A_297 = arith.constant 13 : i32
    %eq3A_298 = vector.broadcast %eq3A_297 : i32 to vector<16xi32>
    %eq3A_299 = arith.cmpi eq, %iota3A, %eq3A_298 : vector<16xi32>
    %jit3A_300 = arith.constant 0 : i32
    %broadcast_in_dim3A_301 = vector.broadcast %jit3A_300 : i32 to vector<16xi32>
    %select_n3A_302 = arith.select %eq3A_299, %get3A_3, %broadcast_in_dim3A_301 : vector<16xi1>, vector<16xi32>
    %reduce_sum3A_303 = arith.constant true
    %reduce_sum3A_304 = vector.broadcast %reduce_sum3A_303 : i1 to vector<16xi1>
    %reduce_sum3A_305 = tpu.scan <sum>, %select_n3A_302 masked %reduce_sum3A_304 : vector<16xi32>, vector<16xi1> -> vector<16xi32>
    %reduce_sum3A_306 = vector.extract %reduce_sum3A_305[15] : i32 from vector<16xi32>
    %dma_start3A_307 = arith.constant 13 : i32
    %dma_start3A_308 = arith.constant 0 : i32
    %dma_start3A_309 = tpu.memref_slice %arg9[%dma_start3A_307, %dma_start3A_308] : memref<512x64xf32, #tpu.memory_space<vmem>> -> memref<1x64xf32, #tpu.memory_space<vmem>>
    %dma_start3A_310 = tpu.memref_squeeze %dma_start3A_309 : memref<1x64xf32, #tpu.memory_space<vmem>> -> memref<64xf32, #tpu.memory_space<vmem>>
    %dma_start3A_311 = arith.constant 0 : i32
    %dma_start3A_312 = tpu.memref_slice %arg4[%reduce_sum3A_306, %dma_start3A_311] : memref<1000000x64xf32, #tpu.memory_space<hbm>> -> memref<1x64xf32, #tpu.memory_space<hbm>>
    %dma_start3A_313 = tpu.memref_squeeze %dma_start3A_312 : memref<1x64xf32, #tpu.memory_space<hbm>> -> memref<64xf32, #tpu.memory_space<hbm>>
    %dma_start3A_314 = arith.constant 0 : i32
    %dma_start3A_315 = tpu.memref_slice %arg9[%dma_start3A_307, %dma_start3A_314] : memref<512x64xf32, #tpu.memory_space<vmem>> -> memref<1x64xf32, #tpu.memory_space<vmem>>
    %dma_start3A_316 = tpu.memref_squeeze %dma_start3A_315 : memref<1x64xf32, #tpu.memory_space<vmem>> -> memref<64xf32, #tpu.memory_space<vmem>>
    %dma_start3A_317 = arith.constant 0 : i32
    %dma_start3A_318 = tpu.memref_slice %arg4[%reduce_sum3A_306, %dma_start3A_317] : memref<1000000x64xf32, #tpu.memory_space<hbm>> -> memref<1x64xf32, #tpu.memory_space<hbm>>
    %dma_start3A_319 = tpu.memref_squeeze %dma_start3A_318 : memref<1x64xf32, #tpu.memory_space<hbm>> -> memref<64xf32, #tpu.memory_space<hbm>>
    tpu.enqueue_dma source(%dma_start3A_319 : memref<64xf32, #tpu.memory_space<hbm>>) target(%dma_start3A_316 : memref<64xf32, #tpu.memory_space<vmem>>) target_semaphore(%arg15 : memref<!tpu.dma_semaphore, #tpu.memory_space<semaphore_mem>>)
    %eq3A_320 = arith.constant 14 : i32
    %eq3A_321 = vector.broadcast %eq3A_320 : i32 to vector<16xi32>
    %eq3A_322 = arith.cmpi eq, %iota3A, %eq3A_321 : vector<16xi32>
    %jit3A_323 = arith.constant 0 : i32
    %broadcast_in_dim3A_324 = vector.broadcast %jit3A_323 : i32 to vector<16xi32>
    %select_n3A_325 = arith.select %eq3A_322, %get3A_3, %broadcast_in_dim3A_324 : vector<16xi1>, vector<16xi32>
    %reduce_sum3A_326 = arith.constant true
    %reduce_sum3A_327 = vector.broadcast %reduce_sum3A_326 : i1 to vector<16xi1>
    %reduce_sum3A_328 = tpu.scan <sum>, %select_n3A_325 masked %reduce_sum3A_327 : vector<16xi32>, vector<16xi1> -> vector<16xi32>
    %reduce_sum3A_329 = vector.extract %reduce_sum3A_328[15] : i32 from vector<16xi32>
    %dma_start3A_330 = arith.constant 14 : i32
    %dma_start3A_331 = arith.constant 0 : i32
    %dma_start3A_332 = tpu.memref_slice %arg9[%dma_start3A_330, %dma_start3A_331] : memref<512x64xf32, #tpu.memory_space<vmem>> -> memref<1x64xf32, #tpu.memory_space<vmem>>
    %dma_start3A_333 = tpu.memref_squeeze %dma_start3A_332 : memref<1x64xf32, #tpu.memory_space<vmem>> -> memref<64xf32, #tpu.memory_space<vmem>>
    %dma_start3A_334 = arith.constant 0 : i32
    %dma_start3A_335 = tpu.memref_slice %arg4[%reduce_sum3A_329, %dma_start3A_334] : memref<1000000x64xf32, #tpu.memory_space<hbm>> -> memref<1x64xf32, #tpu.memory_space<hbm>>
    %dma_start3A_336 = tpu.memref_squeeze %dma_start3A_335 : memref<1x64xf32, #tpu.memory_space<hbm>> -> memref<64xf32, #tpu.memory_space<hbm>>
    %dma_start3A_337 = arith.constant 0 : i32
    %dma_start3A_338 = tpu.memref_slice %arg9[%dma_start3A_330, %dma_start3A_337] : memref<512x64xf32, #tpu.memory_space<vmem>> -> memref<1x64xf32, #tpu.memory_space<vmem>>
    %dma_start3A_339 = tpu.memref_squeeze %dma_start3A_338 : memref<1x64xf32, #tpu.memory_space<vmem>> -> memref<64xf32, #tpu.memory_space<vmem>>
    %dma_start3A_340 = arith.constant 0 : i32
    %dma_start3A_341 = tpu.memref_slice %arg4[%reduce_sum3A_329, %dma_start3A_340] : memref<1000000x64xf32, #tpu.memory_space<hbm>> -> memref<1x64xf32, #tpu.memory_space<hbm>>
    %dma_start3A_342 = tpu.memref_squeeze %dma_start3A_341 : memref<1x64xf32, #tpu.memory_space<hbm>> -> memref<64xf32, #tpu.memory_space<hbm>>
    tpu.enqueue_dma source(%dma_start3A_342 : memref<64xf32, #tpu.memory_space<hbm>>) target(%dma_start3A_339 : memref<64xf32, #tpu.memory_space<vmem>>) target_semaphore(%arg16 : memref<!tpu.dma_semaphore, #tpu.memory_space<semaphore_mem>>)
    %eq3A_343 = arith.constant 15 : i32
    %eq3A_344 = vector.broadcast %eq3A_343 : i32 to vector<16xi32>
    %eq3A_345 = arith.cmpi eq, %iota3A, %eq3A_344 : vector<16xi32>
    %jit3A_346 = arith.constant 0 : i32
    %broadcast_in_dim3A_347 = vector.broadcast %jit3A_346 : i32 to vector<16xi32>
    %select_n3A_348 = arith.select %eq3A_345, %get3A_3, %broadcast_in_dim3A_347 : vector<16xi1>, vector<16xi32>
    %reduce_sum3A_349 = arith.constant true
    %reduce_sum3A_350 = vector.broadcast %reduce_sum3A_349 : i1 to vector<16xi1>
    %reduce_sum3A_351 = tpu.scan <sum>, %select_n3A_348 masked %reduce_sum3A_350 : vector<16xi32>, vector<16xi1> -> vector<16xi32>
    %reduce_sum3A_352 = vector.extract %reduce_sum3A_351[15] : i32 from vector<16xi32>
    %dma_start3A_353 = arith.constant 15 : i32
    %dma_start3A_354 = arith.constant 0 : i32
    %dma_start3A_355 = tpu.memref_slice %arg9[%dma_start3A_353, %dma_start3A_354] : memref<512x64xf32, #tpu.memory_space<vmem>> -> memref<1x64xf32, #tpu.memory_space<vmem>>
    %dma_start3A_356 = tpu.memref_squeeze %dma_start3A_355 : memref<1x64xf32, #tpu.memory_space<vmem>> -> memref<64xf32, #tpu.memory_space<vmem>>
    %dma_start3A_357 = arith.constant 0 : i32
    %dma_start3A_358 = tpu.memref_slice %arg4[%reduce_sum3A_352, %dma_start3A_357] : memref<1000000x64xf32, #tpu.memory_space<hbm>> -> memref<1x64xf32, #tpu.memory_space<hbm>>
    %dma_start3A_359 = tpu.memref_squeeze %dma_start3A_358 : memref<1x64xf32, #tpu.memory_space<hbm>> -> memref<64xf32, #tpu.memory_space<hbm>>
    %dma_start3A_360 = arith.constant 0 : i32
    %dma_start3A_361 = tpu.memref_slice %arg9[%dma_start3A_353, %dma_start3A_360] : memref<512x64xf32, #tpu.memory_space<vmem>> -> memref<1x64xf32, #tpu.memory_space<vmem>>
    %dma_start3A_362 = tpu.memref_squeeze %dma_start3A_361 : memref<1x64xf32, #tpu.memory_space<vmem>> -> memref<64xf32, #tpu.memory_space<vmem>>
    %dma_start3A_363 = arith.constant 0 : i32
    %dma_start3A_364 = tpu.memref_slice %arg4[%reduce_sum3A_352, %dma_start3A_363] : memref<1000000x64xf32, #tpu.memory_space<hbm>> -> memref<1x64xf32, #tpu.memory_space<hbm>>
    %dma_start3A_365 = tpu.memref_squeeze %dma_start3A_364 : memref<1x64xf32, #tpu.memory_space<hbm>> -> memref<64xf32, #tpu.memory_space<hbm>>
    tpu.enqueue_dma source(%dma_start3A_365 : memref<64xf32, #tpu.memory_space<hbm>>) target(%dma_start3A_362 : memref<64xf32, #tpu.memory_space<vmem>>) target_semaphore(%arg17 : memref<!tpu.dma_semaphore, #tpu.memory_space<semaphore_mem>>)
    %scan3A = arith.constant 0 : i32
    %scan3A_366 = arith.constant 32 : i32
    %scan3A_367 = arith.addi %scan3A, %scan3A_366 : i32
    %scan3A_368 = arith.constant 1 : i32
    scf.for %scan3A_745 = %scan3A to %scan3A_367 step %scan3A_368  : i32 {
      %mul3A_746 = arith.constant 1 : i32
      %mul3A_747 = arith.muli %scan3A_745, %mul3A_746 : i32
      %add3A_748 = arith.constant 0 : i32
      %add3A_749 = arith.addi %add3A_748, %mul3A_747 : i32
      %add3A_750 = arith.constant 1 : i32
      %add3A_751 = arith.addi %add3A_749, %add3A_750 : i32
      %lt3A = arith.constant 32 : i32
      %lt3A_752 = arith.cmpi slt, %add3A_751, %lt3A : i32
      %convert_element_type3A = arith.extui %lt3A_752 : i1 to i32
      %cond3A = arith.constant 0 : i32
      %cond3A_753 = arith.cmpi ne, %convert_element_type3A, %cond3A : i32
      scf.if %cond3A_753 {
        %add3A_865 = arith.constant 1 : i32
        %add3A_866 = arith.addi %add3A_749, %add3A_865 : i32
        %mul3A_867 = arith.constant 16 : i32
        %mul3A_868 = arith.muli %add3A_866, %mul3A_867 : i32
        %get3A_869 = arith.index_cast %mul3A_868 : i32 to index
        %get3A_870 = tpu.vector_load %arg8[%get3A_869] {strides = array<i32>} : memref<512xi32, #tpu.memory_space<vmem>>, vector<16xi32>,
        %eq3A_871 = arith.constant 0 : i32
        %eq3A_872 = vector.broadcast %eq3A_871 : i32 to vector<16xi32>
        %eq3A_873 = arith.cmpi eq, %iota3A, %eq3A_872 : vector<16xi32>
        %jit3A_874 = arith.constant 0 : i32
        %broadcast_in_dim3A_875 = vector.broadcast %jit3A_874 : i32 to vector<16xi32>
        %select_n3A_876 = arith.select %eq3A_873, %get3A_870, %broadcast_in_dim3A_875 : vector<16xi1>, vector<16xi32>
        %reduce_sum3A_877 = arith.constant true
        %reduce_sum3A_878 = vector.broadcast %reduce_sum3A_877 : i1 to vector<16xi1>
        %reduce_sum3A_879 = tpu.scan <sum>, %select_n3A_876 masked %reduce_sum3A_878 : vector<16xi32>, vector<16xi1> -> vector<16xi32>
        %reduce_sum3A_880 = vector.extract %reduce_sum3A_879[15] : i32 from vector<16xi32>
        %mul3A_881 = arith.constant 16 : i32
        %mul3A_882 = arith.muli %add3A_866, %mul3A_881 : i32
        %add3A_883 = arith.constant 0 : i32
        %add3A_884 = arith.addi %mul3A_882, %add3A_883 : i32
        %dma_start3A_885 = arith.constant 0 : i32
        %dma_start3A_886 = tpu.memref_slice %arg9[%add3A_884, %dma_start3A_885] : memref<512x64xf32, #tpu.memory_space<vmem>> -> memref<1x64xf32, #tpu.memory_space<vmem>>
        %dma_start3A_887 = tpu.memref_squeeze %dma_start3A_886 : memref<1x64xf32, #tpu.memory_space<vmem>> -> memref<64xf32, #tpu.memory_space<vmem>>
        %dma_start3A_888 = arith.constant 0 : i32
        %dma_start3A_889 = tpu.memref_slice %arg4[%reduce_sum3A_880, %dma_start3A_888] : memref<1000000x64xf32, #tpu.memory_space<hbm>> -> memref<1x64xf32, #tpu.memory_space<hbm>>
        %dma_start3A_890 = tpu.memref_squeeze %dma_start3A_889 : memref<1x64xf32, #tpu.memory_space<hbm>> -> memref<64xf32, #tpu.memory_space<hbm>>
        %dma_start3A_891 = arith.constant 0 : i32
        %dma_start3A_892 = tpu.memref_slice %arg9[%add3A_884, %dma_start3A_891] : memref<512x64xf32, #tpu.memory_space<vmem>> -> memref<1x64xf32, #tpu.memory_space<vmem>>
        %dma_start3A_893 = tpu.memref_squeeze %dma_start3A_892 : memref<1x64xf32, #tpu.memory_space<vmem>> -> memref<64xf32, #tpu.memory_space<vmem>>
        %dma_start3A_894 = arith.constant 0 : i32
        %dma_start3A_895 = tpu.memref_slice %arg4[%reduce_sum3A_880, %dma_start3A_894] : memref<1000000x64xf32, #tpu.memory_space<hbm>> -> memref<1x64xf32, #tpu.memory_space<hbm>>
        %dma_start3A_896 = tpu.memref_squeeze %dma_start3A_895 : memref<1x64xf32, #tpu.memory_space<hbm>> -> memref<64xf32, #tpu.memory_space<hbm>>
        tpu.enqueue_dma source(%dma_start3A_896 : memref<64xf32, #tpu.memory_space<hbm>>) target(%dma_start3A_893 : memref<64xf32, #tpu.memory_space<vmem>>) target_semaphore(%arg10 : memref<!tpu.dma_semaphore, #tpu.memory_space<semaphore_mem>>)
        %eq3A_897 = arith.constant 1 : i32
        %eq3A_898 = vector.broadcast %eq3A_897 : i32 to vector<16xi32>
        %eq3A_899 = arith.cmpi eq, %iota3A, %eq3A_898 : vector<16xi32>
        %jit3A_900 = arith.constant 0 : i32
        %broadcast_in_dim3A_901 = vector.broadcast %jit3A_900 : i32 to vector<16xi32>
        %select_n3A_902 = arith.select %eq3A_899, %get3A_870, %broadcast_in_dim3A_901 : vector<16xi1>, vector<16xi32>
        %reduce_sum3A_903 = arith.constant true
        %reduce_sum3A_904 = vector.broadcast %reduce_sum3A_903 : i1 to vector<16xi1>
        %reduce_sum3A_905 = tpu.scan <sum>, %select_n3A_902 masked %reduce_sum3A_904 : vector<16xi32>, vector<16xi1> -> vector<16xi32>
        %reduce_sum3A_906 = vector.extract %reduce_sum3A_905[15] : i32 from vector<16xi32>
        %mul3A_907 = arith.constant 16 : i32
        %mul3A_908 = arith.muli %add3A_866, %mul3A_907 : i32
        %add3A_909 = arith.constant 1 : i32
        %add3A_910 = arith.addi %mul3A_908, %add3A_909 : i32
        %dma_start3A_911 = arith.constant 0 : i32
        %dma_start3A_912 = tpu.memref_slice %arg9[%add3A_910, %dma_start3A_911] : memref<512x64xf32, #tpu.memory_space<vmem>> -> memref<1x64xf32, #tpu.memory_space<vmem>>
        %dma_start3A_913 = tpu.memref_squeeze %dma_start3A_912 : memref<1x64xf32, #tpu.memory_space<vmem>> -> memref<64xf32, #tpu.memory_space<vmem>>
        %dma_start3A_914 = arith.constant 0 : i32
        %dma_start3A_915 = tpu.memref_slice %arg4[%reduce_sum3A_906, %dma_start3A_914] : memref<1000000x64xf32, #tpu.memory_space<hbm>> -> memref<1x64xf32, #tpu.memory_space<hbm>>
        %dma_start3A_916 = tpu.memref_squeeze %dma_start3A_915 : memref<1x64xf32, #tpu.memory_space<hbm>> -> memref<64xf32, #tpu.memory_space<hbm>>
        %dma_start3A_917 = arith.constant 0 : i32
        %dma_start3A_918 = tpu.memref_slice %arg9[%add3A_910, %dma_start3A_917] : memref<512x64xf32, #tpu.memory_space<vmem>> -> memref<1x64xf32, #tpu.memory_space<vmem>>
        %dma_start3A_919 = tpu.memref_squeeze %dma_start3A_918 : memref<1x64xf32, #tpu.memory_space<vmem>> -> memref<64xf32, #tpu.memory_space<vmem>>
        %dma_start3A_920 = arith.constant 0 : i32
        %dma_start3A_921 = tpu.memref_slice %arg4[%reduce_sum3A_906, %dma_start3A_920] : memref<1000000x64xf32, #tpu.memory_space<hbm>> -> memref<1x64xf32, #tpu.memory_space<hbm>>
        %dma_start3A_922 = tpu.memref_squeeze %dma_start3A_921 : memref<1x64xf32, #tpu.memory_space<hbm>> -> memref<64xf32, #tpu.memory_space<hbm>>
        tpu.enqueue_dma source(%dma_start3A_922 : memref<64xf32, #tpu.memory_space<hbm>>) target(%dma_start3A_919 : memref<64xf32, #tpu.memory_space<vmem>>) target_semaphore(%arg11 : memref<!tpu.dma_semaphore, #tpu.memory_space<semaphore_mem>>)
        %eq3A_923 = arith.constant 2 : i32
        %eq3A_924 = vector.broadcast %eq3A_923 : i32 to vector<16xi32>
        %eq3A_925 = arith.cmpi eq, %iota3A, %eq3A_924 : vector<16xi32>
        %jit3A_926 = arith.constant 0 : i32
        %broadcast_in_dim3A_927 = vector.broadcast %jit3A_926 : i32 to vector<16xi32>
        %select_n3A_928 = arith.select %eq3A_925, %get3A_870, %broadcast_in_dim3A_927 : vector<16xi1>, vector<16xi32>
        %reduce_sum3A_929 = arith.constant true
        %reduce_sum3A_930 = vector.broadcast %reduce_sum3A_929 : i1 to vector<16xi1>
        %reduce_sum3A_931 = tpu.scan <sum>, %select_n3A_928 masked %reduce_sum3A_930 : vector<16xi32>, vector<16xi1> -> vector<16xi32>
        %reduce_sum3A_932 = vector.extract %reduce_sum3A_931[15] : i32 from vector<16xi32>
        %mul3A_933 = arith.constant 16 : i32
        %mul3A_934 = arith.muli %add3A_866, %mul3A_933 : i32
        %add3A_935 = arith.constant 2 : i32
        %add3A_936 = arith.addi %mul3A_934, %add3A_935 : i32
        %dma_start3A_937 = arith.constant 0 : i32
        %dma_start3A_938 = tpu.memref_slice %arg9[%add3A_936, %dma_start3A_937] : memref<512x64xf32, #tpu.memory_space<vmem>> -> memref<1x64xf32, #tpu.memory_space<vmem>>
        %dma_start3A_939 = tpu.memref_squeeze %dma_start3A_938 : memref<1x64xf32, #tpu.memory_space<vmem>> -> memref<64xf32, #tpu.memory_space<vmem>>
        %dma_start3A_940 = arith.constant 0 : i32
        %dma_start3A_941 = tpu.memref_slice %arg4[%reduce_sum3A_932, %dma_start3A_940] : memref<1000000x64xf32, #tpu.memory_space<hbm>> -> memref<1x64xf32, #tpu.memory_space<hbm>>
        %dma_start3A_942 = tpu.memref_squeeze %dma_start3A_941 : memref<1x64xf32, #tpu.memory_space<hbm>> -> memref<64xf32, #tpu.memory_space<hbm>>
        %dma_start3A_943 = arith.constant 0 : i32
        %dma_start3A_944 = tpu.memref_slice %arg9[%add3A_936, %dma_start3A_943] : memref<512x64xf32, #tpu.memory_space<vmem>> -> memref<1x64xf32, #tpu.memory_space<vmem>>
        %dma_start3A_945 = tpu.memref_squeeze %dma_start3A_944 : memref<1x64xf32, #tpu.memory_space<vmem>> -> memref<64xf32, #tpu.memory_space<vmem>>
        %dma_start3A_946 = arith.constant 0 : i32
        %dma_start3A_947 = tpu.memref_slice %arg4[%reduce_sum3A_932, %dma_start3A_946] : memref<1000000x64xf32, #tpu.memory_space<hbm>> -> memref<1x64xf32, #tpu.memory_space<hbm>>
        %dma_start3A_948 = tpu.memref_squeeze %dma_start3A_947 : memref<1x64xf32, #tpu.memory_space<hbm>> -> memref<64xf32, #tpu.memory_space<hbm>>
        tpu.enqueue_dma source(%dma_start3A_948 : memref<64xf32, #tpu.memory_space<hbm>>) target(%dma_start3A_945 : memref<64xf32, #tpu.memory_space<vmem>>) target_semaphore(%arg12 : memref<!tpu.dma_semaphore, #tpu.memory_space<semaphore_mem>>)
        %eq3A_949 = arith.constant 3 : i32
        %eq3A_950 = vector.broadcast %eq3A_949 : i32 to vector<16xi32>
        %eq3A_951 = arith.cmpi eq, %iota3A, %eq3A_950 : vector<16xi32>
        %jit3A_952 = arith.constant 0 : i32
        %broadcast_in_dim3A_953 = vector.broadcast %jit3A_952 : i32 to vector<16xi32>
        %select_n3A_954 = arith.select %eq3A_951, %get3A_870, %broadcast_in_dim3A_953 : vector<16xi1>, vector<16xi32>
        %reduce_sum3A_955 = arith.constant true
        %reduce_sum3A_956 = vector.broadcast %reduce_sum3A_955 : i1 to vector<16xi1>
        %reduce_sum3A_957 = tpu.scan <sum>, %select_n3A_954 masked %reduce_sum3A_956 : vector<16xi32>, vector<16xi1> -> vector<16xi32>
        %reduce_sum3A_958 = vector.extract %reduce_sum3A_957[15] : i32 from vector<16xi32>
        %mul3A_959 = arith.constant 16 : i32
        %mul3A_960 = arith.muli %add3A_866, %mul3A_959 : i32
        %add3A_961 = arith.constant 3 : i32
        %add3A_962 = arith.addi %mul3A_960, %add3A_961 : i32
        %dma_start3A_963 = arith.constant 0 : i32
        %dma_start3A_964 = tpu.memref_slice %arg9[%add3A_962, %dma_start3A_963] : memref<512x64xf32, #tpu.memory_space<vmem>> -> memref<1x64xf32, #tpu.memory_space<vmem>>
        %dma_start3A_965 = tpu.memref_squeeze %dma_start3A_964 : memref<1x64xf32, #tpu.memory_space<vmem>> -> memref<64xf32, #tpu.memory_space<vmem>>
        %dma_start3A_966 = arith.constant 0 : i32
        %dma_start3A_967 = tpu.memref_slice %arg4[%reduce_sum3A_958, %dma_start3A_966] : memref<1000000x64xf32, #tpu.memory_space<hbm>> -> memref<1x64xf32, #tpu.memory_space<hbm>>
        %dma_start3A_968 = tpu.memref_squeeze %dma_start3A_967 : memref<1x64xf32, #tpu.memory_space<hbm>> -> memref<64xf32, #tpu.memory_space<hbm>>
        %dma_start3A_969 = arith.constant 0 : i32
        %dma_start3A_970 = tpu.memref_slice %arg9[%add3A_962, %dma_start3A_969] : memref<512x64xf32, #tpu.memory_space<vmem>> -> memref<1x64xf32, #tpu.memory_space<vmem>>
        %dma_start3A_971 = tpu.memref_squeeze %dma_start3A_970 : memref<1x64xf32, #tpu.memory_space<vmem>> -> memref<64xf32, #tpu.memory_space<vmem>>
        %dma_start3A_972 = arith.constant 0 : i32
        %dma_start3A_973 = tpu.memref_slice %arg4[%reduce_sum3A_958, %dma_start3A_972] : memref<1000000x64xf32, #tpu.memory_space<hbm>> -> memref<1x64xf32, #tpu.memory_space<hbm>>
        %dma_start3A_974 = tpu.memref_squeeze %dma_start3A_973 : memref<1x64xf32, #tpu.memory_space<hbm>> -> memref<64xf32, #tpu.memory_space<hbm>>
        tpu.enqueue_dma source(%dma_start3A_974 : memref<64xf32, #tpu.memory_space<hbm>>) target(%dma_start3A_971 : memref<64xf32, #tpu.memory_space<vmem>>) target_semaphore(%arg13 : memref<!tpu.dma_semaphore, #tpu.memory_space<semaphore_mem>>)
        %eq3A_975 = arith.constant 4 : i32
        %eq3A_976 = vector.broadcast %eq3A_975 : i32 to vector<16xi32>
        %eq3A_977 = arith.cmpi eq, %iota3A, %eq3A_976 : vector<16xi32>
        %jit3A_978 = arith.constant 0 : i32
        %broadcast_in_dim3A_979 = vector.broadcast %jit3A_978 : i32 to vector<16xi32>
        %select_n3A_980 = arith.select %eq3A_977, %get3A_870, %broadcast_in_dim3A_979 : vector<16xi1>, vector<16xi32>
        %reduce_sum3A_981 = arith.constant true
        %reduce_sum3A_982 = vector.broadcast %reduce_sum3A_981 : i1 to vector<16xi1>
        %reduce_sum3A_983 = tpu.scan <sum>, %select_n3A_980 masked %reduce_sum3A_982 : vector<16xi32>, vector<16xi1> -> vector<16xi32>
        %reduce_sum3A_984 = vector.extract %reduce_sum3A_983[15] : i32 from vector<16xi32>
        %mul3A_985 = arith.constant 16 : i32
        %mul3A_986 = arith.muli %add3A_866, %mul3A_985 : i32
        %add3A_987 = arith.constant 4 : i32
        %add3A_988 = arith.addi %mul3A_986, %add3A_987 : i32
        %dma_start3A_989 = arith.constant 0 : i32
        %dma_start3A_990 = tpu.memref_slice %arg9[%add3A_988, %dma_start3A_989] : memref<512x64xf32, #tpu.memory_space<vmem>> -> memref<1x64xf32, #tpu.memory_space<vmem>>
        %dma_start3A_991 = tpu.memref_squeeze %dma_start3A_990 : memref<1x64xf32, #tpu.memory_space<vmem>> -> memref<64xf32, #tpu.memory_space<vmem>>
        %dma_start3A_992 = arith.constant 0 : i32
        %dma_start3A_993 = tpu.memref_slice %arg4[%reduce_sum3A_984, %dma_start3A_992] : memref<1000000x64xf32, #tpu.memory_space<hbm>> -> memref<1x64xf32, #tpu.memory_space<hbm>>
        %dma_start3A_994 = tpu.memref_squeeze %dma_start3A_993 : memref<1x64xf32, #tpu.memory_space<hbm>> -> memref<64xf32, #tpu.memory_space<hbm>>
        %dma_start3A_995 = arith.constant 0 : i32
        %dma_start3A_996 = tpu.memref_slice %arg9[%add3A_988, %dma_start3A_995] : memref<512x64xf32, #tpu.memory_space<vmem>> -> memref<1x64xf32, #tpu.memory_space<vmem>>
        %dma_start3A_997 = tpu.memref_squeeze %dma_start3A_996 : memref<1x64xf32, #tpu.memory_space<vmem>> -> memref<64xf32, #tpu.memory_space<vmem>>
        %dma_start3A_998 = arith.constant 0 : i32
        %dma_start3A_999 = tpu.memref_slice %arg4[%reduce_sum3A_984, %dma_start3A_998] : memref<1000000x64xf32, #tpu.memory_space<hbm>> -> memref<1x64xf32, #tpu.memory_space<hbm>>
        %dma_start3A_1000 = tpu.memref_squeeze %dma_start3A_999 : memref<1x64xf32, #tpu.memory_space<hbm>> -> memref<64xf32, #tpu.memory_space<hbm>>
        tpu.enqueue_dma source(%dma_start3A_1000 : memref<64xf32, #tpu.memory_space<hbm>>) target(%dma_start3A_997 : memref<64xf32, #tpu.memory_space<vmem>>) target_semaphore(%arg14 : memref<!tpu.dma_semaphore, #tpu.memory_space<semaphore_mem>>)
        %eq3A_1001 = arith.constant 5 : i32
        %eq3A_1002 = vector.broadcast %eq3A_1001 : i32 to vector<16xi32>
        %eq3A_1003 = arith.cmpi eq, %iota3A, %eq3A_1002 : vector<16xi32>
        %jit3A_1004 = arith.constant 0 : i32
        %broadcast_in_dim3A_1005 = vector.broadcast %jit3A_1004 : i32 to vector<16xi32>
        %select_n3A_1006 = arith.select %eq3A_1003, %get3A_870, %broadcast_in_dim3A_1005 : vector<16xi1>, vector<16xi32>
        %reduce_sum3A_1007 = arith.constant true
        %reduce_sum3A_1008 = vector.broadcast %reduce_sum3A_1007 : i1 to vector<16xi1>
        %reduce_sum3A_1009 = tpu.scan <sum>, %select_n3A_1006 masked %reduce_sum3A_1008 : vector<16xi32>, vector<16xi1> -> vector<16xi32>
        %reduce_sum3A_1010 = vector.extract %reduce_sum3A_1009[15] : i32 from vector<16xi32>
        %mul3A_1011 = arith.constant 16 : i32
        %mul3A_1012 = arith.muli %add3A_866, %mul3A_1011 : i32
        %add3A_1013 = arith.constant 5 : i32
        %add3A_1014 = arith.addi %mul3A_1012, %add3A_1013 : i32
        %dma_start3A_1015 = arith.constant 0 : i32
        %dma_start3A_1016 = tpu.memref_slice %arg9[%add3A_1014, %dma_start3A_1015] : memref<512x64xf32, #tpu.memory_space<vmem>> -> memref<1x64xf32, #tpu.memory_space<vmem>>
        %dma_start3A_1017 = tpu.memref_squeeze %dma_start3A_1016 : memref<1x64xf32, #tpu.memory_space<vmem>> -> memref<64xf32, #tpu.memory_space<vmem>>
        %dma_start3A_1018 = arith.constant 0 : i32
        %dma_start3A_1019 = tpu.memref_slice %arg4[%reduce_sum3A_1010, %dma_start3A_1018] : memref<1000000x64xf32, #tpu.memory_space<hbm>> -> memref<1x64xf32, #tpu.memory_space<hbm>>
        %dma_start3A_1020 = tpu.memref_squeeze %dma_start3A_1019 : memref<1x64xf32, #tpu.memory_space<hbm>> -> memref<64xf32, #tpu.memory_space<hbm>>
        %dma_start3A_1021 = arith.constant 0 : i32
        %dma_start3A_1022 = tpu.memref_slice %arg9[%add3A_1014, %dma_start3A_1021] : memref<512x64xf32, #tpu.memory_space<vmem>> -> memref<1x64xf32, #tpu.memory_space<vmem>>
        %dma_start3A_1023 = tpu.memref_squeeze %dma_start3A_1022 : memref<1x64xf32, #tpu.memory_space<vmem>> -> memref<64xf32, #tpu.memory_space<vmem>>
        %dma_start3A_1024 = arith.constant 0 : i32
        %dma_start3A_1025 = tpu.memref_slice %arg4[%reduce_sum3A_1010, %dma_start3A_1024] : memref<1000000x64xf32, #tpu.memory_space<hbm>> -> memref<1x64xf32, #tpu.memory_space<hbm>>
        %dma_start3A_1026 = tpu.memref_squeeze %dma_start3A_1025 : memref<1x64xf32, #tpu.memory_space<hbm>> -> memref<64xf32, #tpu.memory_space<hbm>>
        tpu.enqueue_dma source(%dma_start3A_1026 : memref<64xf32, #tpu.memory_space<hbm>>) target(%dma_start3A_1023 : memref<64xf32, #tpu.memory_space<vmem>>) target_semaphore(%arg15 : memref<!tpu.dma_semaphore, #tpu.memory_space<semaphore_mem>>)
        %eq3A_1027 = arith.constant 6 : i32
        %eq3A_1028 = vector.broadcast %eq3A_1027 : i32 to vector<16xi32>
        %eq3A_1029 = arith.cmpi eq, %iota3A, %eq3A_1028 : vector<16xi32>
        %jit3A_1030 = arith.constant 0 : i32
        %broadcast_in_dim3A_1031 = vector.broadcast %jit3A_1030 : i32 to vector<16xi32>
        %select_n3A_1032 = arith.select %eq3A_1029, %get3A_870, %broadcast_in_dim3A_1031 : vector<16xi1>, vector<16xi32>
        %reduce_sum3A_1033 = arith.constant true
        %reduce_sum3A_1034 = vector.broadcast %reduce_sum3A_1033 : i1 to vector<16xi1>
        %reduce_sum3A_1035 = tpu.scan <sum>, %select_n3A_1032 masked %reduce_sum3A_1034 : vector<16xi32>, vector<16xi1> -> vector<16xi32>
        %reduce_sum3A_1036 = vector.extract %reduce_sum3A_1035[15] : i32 from vector<16xi32>
        %mul3A_1037 = arith.constant 16 : i32
        %mul3A_1038 = arith.muli %add3A_866, %mul3A_1037 : i32
        %add3A_1039 = arith.constant 6 : i32
        %add3A_1040 = arith.addi %mul3A_1038, %add3A_1039 : i32
        %dma_start3A_1041 = arith.constant 0 : i32
        %dma_start3A_1042 = tpu.memref_slice %arg9[%add3A_1040, %dma_start3A_1041] : memref<512x64xf32, #tpu.memory_space<vmem>> -> memref<1x64xf32, #tpu.memory_space<vmem>>
        %dma_start3A_1043 = tpu.memref_squeeze %dma_start3A_1042 : memref<1x64xf32, #tpu.memory_space<vmem>> -> memref<64xf32, #tpu.memory_space<vmem>>
        %dma_start3A_1044 = arith.constant 0 : i32
        %dma_start3A_1045 = tpu.memref_slice %arg4[%reduce_sum3A_1036, %dma_start3A_1044] : memref<1000000x64xf32, #tpu.memory_space<hbm>> -> memref<1x64xf32, #tpu.memory_space<hbm>>
        %dma_start3A_1046 = tpu.memref_squeeze %dma_start3A_1045 : memref<1x64xf32, #tpu.memory_space<hbm>> -> memref<64xf32, #tpu.memory_space<hbm>>
        %dma_start3A_1047 = arith.constant 0 : i32
        %dma_start3A_1048 = tpu.memref_slice %arg9[%add3A_1040, %dma_start3A_1047] : memref<512x64xf32, #tpu.memory_space<vmem>> -> memref<1x64xf32, #tpu.memory_space<vmem>>
        %dma_start3A_1049 = tpu.memref_squeeze %dma_start3A_1048 : memref<1x64xf32, #tpu.memory_space<vmem>> -> memref<64xf32, #tpu.memory_space<vmem>>
        %dma_start3A_1050 = arith.constant 0 : i32
        %dma_start3A_1051 = tpu.memref_slice %arg4[%reduce_sum3A_1036, %dma_start3A_1050] : memref<1000000x64xf32, #tpu.memory_space<hbm>> -> memref<1x64xf32, #tpu.memory_space<hbm>>
        %dma_start3A_1052 = tpu.memref_squeeze %dma_start3A_1051 : memref<1x64xf32, #tpu.memory_space<hbm>> -> memref<64xf32, #tpu.memory_space<hbm>>
        tpu.enqueue_dma source(%dma_start3A_1052 : memref<64xf32, #tpu.memory_space<hbm>>) target(%dma_start3A_1049 : memref<64xf32, #tpu.memory_space<vmem>>) target_semaphore(%arg16 : memref<!tpu.dma_semaphore, #tpu.memory_space<semaphore_mem>>)
        %eq3A_1053 = arith.constant 7 : i32
        %eq3A_1054 = vector.broadcast %eq3A_1053 : i32 to vector<16xi32>
        %eq3A_1055 = arith.cmpi eq, %iota3A, %eq3A_1054 : vector<16xi32>
        %jit3A_1056 = arith.constant 0 : i32
        %broadcast_in_dim3A_1057 = vector.broadcast %jit3A_1056 : i32 to vector<16xi32>
        %select_n3A_1058 = arith.select %eq3A_1055, %get3A_870, %broadcast_in_dim3A_1057 : vector<16xi1>, vector<16xi32>
        %reduce_sum3A_1059 = arith.constant true
        %reduce_sum3A_1060 = vector.broadcast %reduce_sum3A_1059 : i1 to vector<16xi1>
        %reduce_sum3A_1061 = tpu.scan <sum>, %select_n3A_1058 masked %reduce_sum3A_1060 : vector<16xi32>, vector<16xi1> -> vector<16xi32>
        %reduce_sum3A_1062 = vector.extract %reduce_sum3A_1061[15] : i32 from vector<16xi32>
        %mul3A_1063 = arith.constant 16 : i32
        %mul3A_1064 = arith.muli %add3A_866, %mul3A_1063 : i32
        %add3A_1065 = arith.constant 7 : i32
        %add3A_1066 = arith.addi %mul3A_1064, %add3A_1065 : i32
        %dma_start3A_1067 = arith.constant 0 : i32
        %dma_start3A_1068 = tpu.memref_slice %arg9[%add3A_1066, %dma_start3A_1067] : memref<512x64xf32, #tpu.memory_space<vmem>> -> memref<1x64xf32, #tpu.memory_space<vmem>>
        %dma_start3A_1069 = tpu.memref_squeeze %dma_start3A_1068 : memref<1x64xf32, #tpu.memory_space<vmem>> -> memref<64xf32, #tpu.memory_space<vmem>>
        %dma_start3A_1070 = arith.constant 0 : i32
        %dma_start3A_1071 = tpu.memref_slice %arg4[%reduce_sum3A_1062, %dma_start3A_1070] : memref<1000000x64xf32, #tpu.memory_space<hbm>> -> memref<1x64xf32, #tpu.memory_space<hbm>>
        %dma_start3A_1072 = tpu.memref_squeeze %dma_start3A_1071 : memref<1x64xf32, #tpu.memory_space<hbm>> -> memref<64xf32, #tpu.memory_space<hbm>>
        %dma_start3A_1073 = arith.constant 0 : i32
        %dma_start3A_1074 = tpu.memref_slice %arg9[%add3A_1066, %dma_start3A_1073] : memref<512x64xf32, #tpu.memory_space<vmem>> -> memref<1x64xf32, #tpu.memory_space<vmem>>
        %dma_start3A_1075 = tpu.memref_squeeze %dma_start3A_1074 : memref<1x64xf32, #tpu.memory_space<vmem>> -> memref<64xf32, #tpu.memory_space<vmem>>
        %dma_start3A_1076 = arith.constant 0 : i32
        %dma_start3A_1077 = tpu.memref_slice %arg4[%reduce_sum3A_1062, %dma_start3A_1076] : memref<1000000x64xf32, #tpu.memory_space<hbm>> -> memref<1x64xf32, #tpu.memory_space<hbm>>
        %dma_start3A_1078 = tpu.memref_squeeze %dma_start3A_1077 : memref<1x64xf32, #tpu.memory_space<hbm>> -> memref<64xf32, #tpu.memory_space<hbm>>
        tpu.enqueue_dma source(%dma_start3A_1078 : memref<64xf32, #tpu.memory_space<hbm>>) target(%dma_start3A_1075 : memref<64xf32, #tpu.memory_space<vmem>>) target_semaphore(%arg17 : memref<!tpu.dma_semaphore, #tpu.memory_space<semaphore_mem>>)
        %eq3A_1079 = arith.constant 8 : i32
        %eq3A_1080 = vector.broadcast %eq3A_1079 : i32 to vector<16xi32>
        %eq3A_1081 = arith.cmpi eq, %iota3A, %eq3A_1080 : vector<16xi32>
        %jit3A_1082 = arith.constant 0 : i32
        %broadcast_in_dim3A_1083 = vector.broadcast %jit3A_1082 : i32 to vector<16xi32>
        %select_n3A_1084 = arith.select %eq3A_1081, %get3A_870, %broadcast_in_dim3A_1083 : vector<16xi1>, vector<16xi32>
        %reduce_sum3A_1085 = arith.constant true
        %reduce_sum3A_1086 = vector.broadcast %reduce_sum3A_1085 : i1 to vector<16xi1>
        %reduce_sum3A_1087 = tpu.scan <sum>, %select_n3A_1084 masked %reduce_sum3A_1086 : vector<16xi32>, vector<16xi1> -> vector<16xi32>
        %reduce_sum3A_1088 = vector.extract %reduce_sum3A_1087[15] : i32 from vector<16xi32>
        %mul3A_1089 = arith.constant 16 : i32
        %mul3A_1090 = arith.muli %add3A_866, %mul3A_1089 : i32
        %add3A_1091 = arith.constant 8 : i32
        %add3A_1092 = arith.addi %mul3A_1090, %add3A_1091 : i32
        %dma_start3A_1093 = arith.constant 0 : i32
        %dma_start3A_1094 = tpu.memref_slice %arg9[%add3A_1092, %dma_start3A_1093] : memref<512x64xf32, #tpu.memory_space<vmem>> -> memref<1x64xf32, #tpu.memory_space<vmem>>
        %dma_start3A_1095 = tpu.memref_squeeze %dma_start3A_1094 : memref<1x64xf32, #tpu.memory_space<vmem>> -> memref<64xf32, #tpu.memory_space<vmem>>
        %dma_start3A_1096 = arith.constant 0 : i32
        %dma_start3A_1097 = tpu.memref_slice %arg4[%reduce_sum3A_1088, %dma_start3A_1096] : memref<1000000x64xf32, #tpu.memory_space<hbm>> -> memref<1x64xf32, #tpu.memory_space<hbm>>
        %dma_start3A_1098 = tpu.memref_squeeze %dma_start3A_1097 : memref<1x64xf32, #tpu.memory_space<hbm>> -> memref<64xf32, #tpu.memory_space<hbm>>
        %dma_start3A_1099 = arith.constant 0 : i32
        %dma_start3A_1100 = tpu.memref_slice %arg9[%add3A_1092, %dma_start3A_1099] : memref<512x64xf32, #tpu.memory_space<vmem>> -> memref<1x64xf32, #tpu.memory_space<vmem>>
        %dma_start3A_1101 = tpu.memref_squeeze %dma_start3A_1100 : memref<1x64xf32, #tpu.memory_space<vmem>> -> memref<64xf32, #tpu.memory_space<vmem>>
        %dma_start3A_1102 = arith.constant 0 : i32
        %dma_start3A_1103 = tpu.memref_slice %arg4[%reduce_sum3A_1088, %dma_start3A_1102] : memref<1000000x64xf32, #tpu.memory_space<hbm>> -> memref<1x64xf32, #tpu.memory_space<hbm>>
        %dma_start3A_1104 = tpu.memref_squeeze %dma_start3A_1103 : memref<1x64xf32, #tpu.memory_space<hbm>> -> memref<64xf32, #tpu.memory_space<hbm>>
        tpu.enqueue_dma source(%dma_start3A_1104 : memref<64xf32, #tpu.memory_space<hbm>>) target(%dma_start3A_1101 : memref<64xf32, #tpu.memory_space<vmem>>) target_semaphore(%arg10 : memref<!tpu.dma_semaphore, #tpu.memory_space<semaphore_mem>>)
        %eq3A_1105 = arith.constant 9 : i32
        %eq3A_1106 = vector.broadcast %eq3A_1105 : i32 to vector<16xi32>
        %eq3A_1107 = arith.cmpi eq, %iota3A, %eq3A_1106 : vector<16xi32>
        %jit3A_1108 = arith.constant 0 : i32
        %broadcast_in_dim3A_1109 = vector.broadcast %jit3A_1108 : i32 to vector<16xi32>
        %select_n3A_1110 = arith.select %eq3A_1107, %get3A_870, %broadcast_in_dim3A_1109 : vector<16xi1>, vector<16xi32>
        %reduce_sum3A_1111 = arith.constant true
        %reduce_sum3A_1112 = vector.broadcast %reduce_sum3A_1111 : i1 to vector<16xi1>
        %reduce_sum3A_1113 = tpu.scan <sum>, %select_n3A_1110 masked %reduce_sum3A_1112 : vector<16xi32>, vector<16xi1> -> vector<16xi32>
        %reduce_sum3A_1114 = vector.extract %reduce_sum3A_1113[15] : i32 from vector<16xi32>
        %mul3A_1115 = arith.constant 16 : i32
        %mul3A_1116 = arith.muli %add3A_866, %mul3A_1115 : i32
        %add3A_1117 = arith.constant 9 : i32
        %add3A_1118 = arith.addi %mul3A_1116, %add3A_1117 : i32
        %dma_start3A_1119 = arith.constant 0 : i32
        %dma_start3A_1120 = tpu.memref_slice %arg9[%add3A_1118, %dma_start3A_1119] : memref<512x64xf32, #tpu.memory_space<vmem>> -> memref<1x64xf32, #tpu.memory_space<vmem>>
        %dma_start3A_1121 = tpu.memref_squeeze %dma_start3A_1120 : memref<1x64xf32, #tpu.memory_space<vmem>> -> memref<64xf32, #tpu.memory_space<vmem>>
        %dma_start3A_1122 = arith.constant 0 : i32
        %dma_start3A_1123 = tpu.memref_slice %arg4[%reduce_sum3A_1114, %dma_start3A_1122] : memref<1000000x64xf32, #tpu.memory_space<hbm>> -> memref<1x64xf32, #tpu.memory_space<hbm>>
        %dma_start3A_1124 = tpu.memref_squeeze %dma_start3A_1123 : memref<1x64xf32, #tpu.memory_space<hbm>> -> memref<64xf32, #tpu.memory_space<hbm>>
        %dma_start3A_1125 = arith.constant 0 : i32
        %dma_start3A_1126 = tpu.memref_slice %arg9[%add3A_1118, %dma_start3A_1125] : memref<512x64xf32, #tpu.memory_space<vmem>> -> memref<1x64xf32, #tpu.memory_space<vmem>>
        %dma_start3A_1127 = tpu.memref_squeeze %dma_start3A_1126 : memref<1x64xf32, #tpu.memory_space<vmem>> -> memref<64xf32, #tpu.memory_space<vmem>>
        %dma_start3A_1128 = arith.constant 0 : i32
        %dma_start3A_1129 = tpu.memref_slice %arg4[%reduce_sum3A_1114, %dma_start3A_1128] : memref<1000000x64xf32, #tpu.memory_space<hbm>> -> memref<1x64xf32, #tpu.memory_space<hbm>>
        %dma_start3A_1130 = tpu.memref_squeeze %dma_start3A_1129 : memref<1x64xf32, #tpu.memory_space<hbm>> -> memref<64xf32, #tpu.memory_space<hbm>>
        tpu.enqueue_dma source(%dma_start3A_1130 : memref<64xf32, #tpu.memory_space<hbm>>) target(%dma_start3A_1127 : memref<64xf32, #tpu.memory_space<vmem>>) target_semaphore(%arg11 : memref<!tpu.dma_semaphore, #tpu.memory_space<semaphore_mem>>)
        %eq3A_1131 = arith.constant 10 : i32
        %eq3A_1132 = vector.broadcast %eq3A_1131 : i32 to vector<16xi32>
        %eq3A_1133 = arith.cmpi eq, %iota3A, %eq3A_1132 : vector<16xi32>
        %jit3A_1134 = arith.constant 0 : i32
        %broadcast_in_dim3A_1135 = vector.broadcast %jit3A_1134 : i32 to vector<16xi32>
        %select_n3A_1136 = arith.select %eq3A_1133, %get3A_870, %broadcast_in_dim3A_1135 : vector<16xi1>, vector<16xi32>
        %reduce_sum3A_1137 = arith.constant true
        %reduce_sum3A_1138 = vector.broadcast %reduce_sum3A_1137 : i1 to vector<16xi1>
        %reduce_sum3A_1139 = tpu.scan <sum>, %select_n3A_1136 masked %reduce_sum3A_1138 : vector<16xi32>, vector<16xi1> -> vector<16xi32>
        %reduce_sum3A_1140 = vector.extract %reduce_sum3A_1139[15] : i32 from vector<16xi32>
        %mul3A_1141 = arith.constant 16 : i32
        %mul3A_1142 = arith.muli %add3A_866, %mul3A_1141 : i32
        %add3A_1143 = arith.constant 10 : i32
        %add3A_1144 = arith.addi %mul3A_1142, %add3A_1143 : i32
        %dma_start3A_1145 = arith.constant 0 : i32
        %dma_start3A_1146 = tpu.memref_slice %arg9[%add3A_1144, %dma_start3A_1145] : memref<512x64xf32, #tpu.memory_space<vmem>> -> memref<1x64xf32, #tpu.memory_space<vmem>>
        %dma_start3A_1147 = tpu.memref_squeeze %dma_start3A_1146 : memref<1x64xf32, #tpu.memory_space<vmem>> -> memref<64xf32, #tpu.memory_space<vmem>>
        %dma_start3A_1148 = arith.constant 0 : i32
        %dma_start3A_1149 = tpu.memref_slice %arg4[%reduce_sum3A_1140, %dma_start3A_1148] : memref<1000000x64xf32, #tpu.memory_space<hbm>> -> memref<1x64xf32, #tpu.memory_space<hbm>>
        %dma_start3A_1150 = tpu.memref_squeeze %dma_start3A_1149 : memref<1x64xf32, #tpu.memory_space<hbm>> -> memref<64xf32, #tpu.memory_space<hbm>>
        %dma_start3A_1151 = arith.constant 0 : i32
        %dma_start3A_1152 = tpu.memref_slice %arg9[%add3A_1144, %dma_start3A_1151] : memref<512x64xf32, #tpu.memory_space<vmem>> -> memref<1x64xf32, #tpu.memory_space<vmem>>
        %dma_start3A_1153 = tpu.memref_squeeze %dma_start3A_1152 : memref<1x64xf32, #tpu.memory_space<vmem>> -> memref<64xf32, #tpu.memory_space<vmem>>
        %dma_start3A_1154 = arith.constant 0 : i32
        %dma_start3A_1155 = tpu.memref_slice %arg4[%reduce_sum3A_1140, %dma_start3A_1154] : memref<1000000x64xf32, #tpu.memory_space<hbm>> -> memref<1x64xf32, #tpu.memory_space<hbm>>
        %dma_start3A_1156 = tpu.memref_squeeze %dma_start3A_1155 : memref<1x64xf32, #tpu.memory_space<hbm>> -> memref<64xf32, #tpu.memory_space<hbm>>
        tpu.enqueue_dma source(%dma_start3A_1156 : memref<64xf32, #tpu.memory_space<hbm>>) target(%dma_start3A_1153 : memref<64xf32, #tpu.memory_space<vmem>>) target_semaphore(%arg12 : memref<!tpu.dma_semaphore, #tpu.memory_space<semaphore_mem>>)
        %eq3A_1157 = arith.constant 11 : i32
        %eq3A_1158 = vector.broadcast %eq3A_1157 : i32 to vector<16xi32>
        %eq3A_1159 = arith.cmpi eq, %iota3A, %eq3A_1158 : vector<16xi32>
        %jit3A_1160 = arith.constant 0 : i32
        %broadcast_in_dim3A_1161 = vector.broadcast %jit3A_1160 : i32 to vector<16xi32>
        %select_n3A_1162 = arith.select %eq3A_1159, %get3A_870, %broadcast_in_dim3A_1161 : vector<16xi1>, vector<16xi32>
        %reduce_sum3A_1163 = arith.constant true
        %reduce_sum3A_1164 = vector.broadcast %reduce_sum3A_1163 : i1 to vector<16xi1>
        %reduce_sum3A_1165 = tpu.scan <sum>, %select_n3A_1162 masked %reduce_sum3A_1164 : vector<16xi32>, vector<16xi1> -> vector<16xi32>
        %reduce_sum3A_1166 = vector.extract %reduce_sum3A_1165[15] : i32 from vector<16xi32>
        %mul3A_1167 = arith.constant 16 : i32
        %mul3A_1168 = arith.muli %add3A_866, %mul3A_1167 : i32
        %add3A_1169 = arith.constant 11 : i32
        %add3A_1170 = arith.addi %mul3A_1168, %add3A_1169 : i32
        %dma_start3A_1171 = arith.constant 0 : i32
        %dma_start3A_1172 = tpu.memref_slice %arg9[%add3A_1170, %dma_start3A_1171] : memref<512x64xf32, #tpu.memory_space<vmem>> -> memref<1x64xf32, #tpu.memory_space<vmem>>
        %dma_start3A_1173 = tpu.memref_squeeze %dma_start3A_1172 : memref<1x64xf32, #tpu.memory_space<vmem>> -> memref<64xf32, #tpu.memory_space<vmem>>
        %dma_start3A_1174 = arith.constant 0 : i32
        %dma_start3A_1175 = tpu.memref_slice %arg4[%reduce_sum3A_1166, %dma_start3A_1174] : memref<1000000x64xf32, #tpu.memory_space<hbm>> -> memref<1x64xf32, #tpu.memory_space<hbm>>
        %dma_start3A_1176 = tpu.memref_squeeze %dma_start3A_1175 : memref<1x64xf32, #tpu.memory_space<hbm>> -> memref<64xf32, #tpu.memory_space<hbm>>
        %dma_start3A_1177 = arith.constant 0 : i32
        %dma_start3A_1178 = tpu.memref_slice %arg9[%add3A_1170, %dma_start3A_1177] : memref<512x64xf32, #tpu.memory_space<vmem>> -> memref<1x64xf32, #tpu.memory_space<vmem>>
        %dma_start3A_1179 = tpu.memref_squeeze %dma_start3A_1178 : memref<1x64xf32, #tpu.memory_space<vmem>> -> memref<64xf32, #tpu.memory_space<vmem>>
        %dma_start3A_1180 = arith.constant 0 : i32
        %dma_start3A_1181 = tpu.memref_slice %arg4[%reduce_sum3A_1166, %dma_start3A_1180] : memref<1000000x64xf32, #tpu.memory_space<hbm>> -> memref<1x64xf32, #tpu.memory_space<hbm>>
        %dma_start3A_1182 = tpu.memref_squeeze %dma_start3A_1181 : memref<1x64xf32, #tpu.memory_space<hbm>> -> memref<64xf32, #tpu.memory_space<hbm>>
        tpu.enqueue_dma source(%dma_start3A_1182 : memref<64xf32, #tpu.memory_space<hbm>>) target(%dma_start3A_1179 : memref<64xf32, #tpu.memory_space<vmem>>) target_semaphore(%arg13 : memref<!tpu.dma_semaphore, #tpu.memory_space<semaphore_mem>>)
        %eq3A_1183 = arith.constant 12 : i32
        %eq3A_1184 = vector.broadcast %eq3A_1183 : i32 to vector<16xi32>
        %eq3A_1185 = arith.cmpi eq, %iota3A, %eq3A_1184 : vector<16xi32>
        %jit3A_1186 = arith.constant 0 : i32
        %broadcast_in_dim3A_1187 = vector.broadcast %jit3A_1186 : i32 to vector<16xi32>
        %select_n3A_1188 = arith.select %eq3A_1185, %get3A_870, %broadcast_in_dim3A_1187 : vector<16xi1>, vector<16xi32>
        %reduce_sum3A_1189 = arith.constant true
        %reduce_sum3A_1190 = vector.broadcast %reduce_sum3A_1189 : i1 to vector<16xi1>
        %reduce_sum3A_1191 = tpu.scan <sum>, %select_n3A_1188 masked %reduce_sum3A_1190 : vector<16xi32>, vector<16xi1> -> vector<16xi32>
        %reduce_sum3A_1192 = vector.extract %reduce_sum3A_1191[15] : i32 from vector<16xi32>
        %mul3A_1193 = arith.constant 16 : i32
        %mul3A_1194 = arith.muli %add3A_866, %mul3A_1193 : i32
        %add3A_1195 = arith.constant 12 : i32
        %add3A_1196 = arith.addi %mul3A_1194, %add3A_1195 : i32
        %dma_start3A_1197 = arith.constant 0 : i32
        %dma_start3A_1198 = tpu.memref_slice %arg9[%add3A_1196, %dma_start3A_1197] : memref<512x64xf32, #tpu.memory_space<vmem>> -> memref<1x64xf32, #tpu.memory_space<vmem>>
        %dma_start3A_1199 = tpu.memref_squeeze %dma_start3A_1198 : memref<1x64xf32, #tpu.memory_space<vmem>> -> memref<64xf32, #tpu.memory_space<vmem>>
        %dma_start3A_1200 = arith.constant 0 : i32
        %dma_start3A_1201 = tpu.memref_slice %arg4[%reduce_sum3A_1192, %dma_start3A_1200] : memref<1000000x64xf32, #tpu.memory_space<hbm>> -> memref<1x64xf32, #tpu.memory_space<hbm>>
        %dma_start3A_1202 = tpu.memref_squeeze %dma_start3A_1201 : memref<1x64xf32, #tpu.memory_space<hbm>> -> memref<64xf32, #tpu.memory_space<hbm>>
        %dma_start3A_1203 = arith.constant 0 : i32
        %dma_start3A_1204 = tpu.memref_slice %arg9[%add3A_1196, %dma_start3A_1203] : memref<512x64xf32, #tpu.memory_space<vmem>> -> memref<1x64xf32, #tpu.memory_space<vmem>>
        %dma_start3A_1205 = tpu.memref_squeeze %dma_start3A_1204 : memref<1x64xf32, #tpu.memory_space<vmem>> -> memref<64xf32, #tpu.memory_space<vmem>>
        %dma_start3A_1206 = arith.constant 0 : i32
        %dma_start3A_1207 = tpu.memref_slice %arg4[%reduce_sum3A_1192, %dma_start3A_1206] : memref<1000000x64xf32, #tpu.memory_space<hbm>> -> memref<1x64xf32, #tpu.memory_space<hbm>>
        %dma_start3A_1208 = tpu.memref_squeeze %dma_start3A_1207 : memref<1x64xf32, #tpu.memory_space<hbm>> -> memref<64xf32, #tpu.memory_space<hbm>>
        tpu.enqueue_dma source(%dma_start3A_1208 : memref<64xf32, #tpu.memory_space<hbm>>) target(%dma_start3A_1205 : memref<64xf32, #tpu.memory_space<vmem>>) target_semaphore(%arg14 : memref<!tpu.dma_semaphore, #tpu.memory_space<semaphore_mem>>)
        %eq3A_1209 = arith.constant 13 : i32
        %eq3A_1210 = vector.broadcast %eq3A_1209 : i32 to vector<16xi32>
        %eq3A_1211 = arith.cmpi eq, %iota3A, %eq3A_1210 : vector<16xi32>
        %jit3A_1212 = arith.constant 0 : i32
        %broadcast_in_dim3A_1213 = vector.broadcast %jit3A_1212 : i32 to vector<16xi32>
        %select_n3A_1214 = arith.select %eq3A_1211, %get3A_870, %broadcast_in_dim3A_1213 : vector<16xi1>, vector<16xi32>
        %reduce_sum3A_1215 = arith.constant true
        %reduce_sum3A_1216 = vector.broadcast %reduce_sum3A_1215 : i1 to vector<16xi1>
        %reduce_sum3A_1217 = tpu.scan <sum>, %select_n3A_1214 masked %reduce_sum3A_1216 : vector<16xi32>, vector<16xi1> -> vector<16xi32>
        %reduce_sum3A_1218 = vector.extract %reduce_sum3A_1217[15] : i32 from vector<16xi32>
        %mul3A_1219 = arith.constant 16 : i32
        %mul3A_1220 = arith.muli %add3A_866, %mul3A_1219 : i32
        %add3A_1221 = arith.constant 13 : i32
        %add3A_1222 = arith.addi %mul3A_1220, %add3A_1221 : i32
        %dma_start3A_1223 = arith.constant 0 : i32
        %dma_start3A_1224 = tpu.memref_slice %arg9[%add3A_1222, %dma_start3A_1223] : memref<512x64xf32, #tpu.memory_space<vmem>> -> memref<1x64xf32, #tpu.memory_space<vmem>>
        %dma_start3A_1225 = tpu.memref_squeeze %dma_start3A_1224 : memref<1x64xf32, #tpu.memory_space<vmem>> -> memref<64xf32, #tpu.memory_space<vmem>>
        %dma_start3A_1226 = arith.constant 0 : i32
        %dma_start3A_1227 = tpu.memref_slice %arg4[%reduce_sum3A_1218, %dma_start3A_1226] : memref<1000000x64xf32, #tpu.memory_space<hbm>> -> memref<1x64xf32, #tpu.memory_space<hbm>>
        %dma_start3A_1228 = tpu.memref_squeeze %dma_start3A_1227 : memref<1x64xf32, #tpu.memory_space<hbm>> -> memref<64xf32, #tpu.memory_space<hbm>>
        %dma_start3A_1229 = arith.constant 0 : i32
        %dma_start3A_1230 = tpu.memref_slice %arg9[%add3A_1222, %dma_start3A_1229] : memref<512x64xf32, #tpu.memory_space<vmem>> -> memref<1x64xf32, #tpu.memory_space<vmem>>
        %dma_start3A_1231 = tpu.memref_squeeze %dma_start3A_1230 : memref<1x64xf32, #tpu.memory_space<vmem>> -> memref<64xf32, #tpu.memory_space<vmem>>
        %dma_start3A_1232 = arith.constant 0 : i32
        %dma_start3A_1233 = tpu.memref_slice %arg4[%reduce_sum3A_1218, %dma_start3A_1232] : memref<1000000x64xf32, #tpu.memory_space<hbm>> -> memref<1x64xf32, #tpu.memory_space<hbm>>
        %dma_start3A_1234 = tpu.memref_squeeze %dma_start3A_1233 : memref<1x64xf32, #tpu.memory_space<hbm>> -> memref<64xf32, #tpu.memory_space<hbm>>
        tpu.enqueue_dma source(%dma_start3A_1234 : memref<64xf32, #tpu.memory_space<hbm>>) target(%dma_start3A_1231 : memref<64xf32, #tpu.memory_space<vmem>>) target_semaphore(%arg15 : memref<!tpu.dma_semaphore, #tpu.memory_space<semaphore_mem>>)
        %eq3A_1235 = arith.constant 14 : i32
        %eq3A_1236 = vector.broadcast %eq3A_1235 : i32 to vector<16xi32>
        %eq3A_1237 = arith.cmpi eq, %iota3A, %eq3A_1236 : vector<16xi32>
        %jit3A_1238 = arith.constant 0 : i32
        %broadcast_in_dim3A_1239 = vector.broadcast %jit3A_1238 : i32 to vector<16xi32>
        %select_n3A_1240 = arith.select %eq3A_1237, %get3A_870, %broadcast_in_dim3A_1239 : vector<16xi1>, vector<16xi32>
        %reduce_sum3A_1241 = arith.constant true
        %reduce_sum3A_1242 = vector.broadcast %reduce_sum3A_1241 : i1 to vector<16xi1>
        %reduce_sum3A_1243 = tpu.scan <sum>, %select_n3A_1240 masked %reduce_sum3A_1242 : vector<16xi32>, vector<16xi1> -> vector<16xi32>
        %reduce_sum3A_1244 = vector.extract %reduce_sum3A_1243[15] : i32 from vector<16xi32>
        %mul3A_1245 = arith.constant 16 : i32
        %mul3A_1246 = arith.muli %add3A_866, %mul3A_1245 : i32
        %add3A_1247 = arith.constant 14 : i32
        %add3A_1248 = arith.addi %mul3A_1246, %add3A_1247 : i32
        %dma_start3A_1249 = arith.constant 0 : i32
        %dma_start3A_1250 = tpu.memref_slice %arg9[%add3A_1248, %dma_start3A_1249] : memref<512x64xf32, #tpu.memory_space<vmem>> -> memref<1x64xf32, #tpu.memory_space<vmem>>
        %dma_start3A_1251 = tpu.memref_squeeze %dma_start3A_1250 : memref<1x64xf32, #tpu.memory_space<vmem>> -> memref<64xf32, #tpu.memory_space<vmem>>
        %dma_start3A_1252 = arith.constant 0 : i32
        %dma_start3A_1253 = tpu.memref_slice %arg4[%reduce_sum3A_1244, %dma_start3A_1252] : memref<1000000x64xf32, #tpu.memory_space<hbm>> -> memref<1x64xf32, #tpu.memory_space<hbm>>
        %dma_start3A_1254 = tpu.memref_squeeze %dma_start3A_1253 : memref<1x64xf32, #tpu.memory_space<hbm>> -> memref<64xf32, #tpu.memory_space<hbm>>
        %dma_start3A_1255 = arith.constant 0 : i32
        %dma_start3A_1256 = tpu.memref_slice %arg9[%add3A_1248, %dma_start3A_1255] : memref<512x64xf32, #tpu.memory_space<vmem>> -> memref<1x64xf32, #tpu.memory_space<vmem>>
        %dma_start3A_1257 = tpu.memref_squeeze %dma_start3A_1256 : memref<1x64xf32, #tpu.memory_space<vmem>> -> memref<64xf32, #tpu.memory_space<vmem>>
        %dma_start3A_1258 = arith.constant 0 : i32
        %dma_start3A_1259 = tpu.memref_slice %arg4[%reduce_sum3A_1244, %dma_start3A_1258] : memref<1000000x64xf32, #tpu.memory_space<hbm>> -> memref<1x64xf32, #tpu.memory_space<hbm>>
        %dma_start3A_1260 = tpu.memref_squeeze %dma_start3A_1259 : memref<1x64xf32, #tpu.memory_space<hbm>> -> memref<64xf32, #tpu.memory_space<hbm>>
        tpu.enqueue_dma source(%dma_start3A_1260 : memref<64xf32, #tpu.memory_space<hbm>>) target(%dma_start3A_1257 : memref<64xf32, #tpu.memory_space<vmem>>) target_semaphore(%arg16 : memref<!tpu.dma_semaphore, #tpu.memory_space<semaphore_mem>>)
        %eq3A_1261 = arith.constant 15 : i32
        %eq3A_1262 = vector.broadcast %eq3A_1261 : i32 to vector<16xi32>
        %eq3A_1263 = arith.cmpi eq, %iota3A, %eq3A_1262 : vector<16xi32>
        %jit3A_1264 = arith.constant 0 : i32
        %broadcast_in_dim3A_1265 = vector.broadcast %jit3A_1264 : i32 to vector<16xi32>
        %select_n3A_1266 = arith.select %eq3A_1263, %get3A_870, %broadcast_in_dim3A_1265 : vector<16xi1>, vector<16xi32>
        %reduce_sum3A_1267 = arith.constant true
        %reduce_sum3A_1268 = vector.broadcast %reduce_sum3A_1267 : i1 to vector<16xi1>
        %reduce_sum3A_1269 = tpu.scan <sum>, %select_n3A_1266 masked %reduce_sum3A_1268 : vector<16xi32>, vector<16xi1> -> vector<16xi32>
        %reduce_sum3A_1270 = vector.extract %reduce_sum3A_1269[15] : i32 from vector<16xi32>
        %mul3A_1271 = arith.constant 16 : i32
        %mul3A_1272 = arith.muli %add3A_866, %mul3A_1271 : i32
        %add3A_1273 = arith.constant 15 : i32
        %add3A_1274 = arith.addi %mul3A_1272, %add3A_1273 : i32
        %dma_start3A_1275 = arith.constant 0 : i32
        %dma_start3A_1276 = tpu.memref_slice %arg9[%add3A_1274, %dma_start3A_1275] : memref<512x64xf32, #tpu.memory_space<vmem>> -> memref<1x64xf32, #tpu.memory_space<vmem>>
        %dma_start3A_1277 = tpu.memref_squeeze %dma_start3A_1276 : memref<1x64xf32, #tpu.memory_space<vmem>> -> memref<64xf32, #tpu.memory_space<vmem>>
        %dma_start3A_1278 = arith.constant 0 : i32
        %dma_start3A_1279 = tpu.memref_slice %arg4[%reduce_sum3A_1270, %dma_start3A_1278] : memref<1000000x64xf32, #tpu.memory_space<hbm>> -> memref<1x64xf32, #tpu.memory_space<hbm>>
        %dma_start3A_1280 = tpu.memref_squeeze %dma_start3A_1279 : memref<1x64xf32, #tpu.memory_space<hbm>> -> memref<64xf32, #tpu.memory_space<hbm>>
        %dma_start3A_1281 = arith.constant 0 : i32
        %dma_start3A_1282 = tpu.memref_slice %arg9[%add3A_1274, %dma_start3A_1281] : memref<512x64xf32, #tpu.memory_space<vmem>> -> memref<1x64xf32, #tpu.memory_space<vmem>>
        %dma_start3A_1283 = tpu.memref_squeeze %dma_start3A_1282 : memref<1x64xf32, #tpu.memory_space<vmem>> -> memref<64xf32, #tpu.memory_space<vmem>>
        %dma_start3A_1284 = arith.constant 0 : i32
        %dma_start3A_1285 = tpu.memref_slice %arg4[%reduce_sum3A_1270, %dma_start3A_1284] : memref<1000000x64xf32, #tpu.memory_space<hbm>> -> memref<1x64xf32, #tpu.memory_space<hbm>>
        %dma_start3A_1286 = tpu.memref_squeeze %dma_start3A_1285 : memref<1x64xf32, #tpu.memory_space<hbm>> -> memref<64xf32, #tpu.memory_space<hbm>>
        tpu.enqueue_dma source(%dma_start3A_1286 : memref<64xf32, #tpu.memory_space<hbm>>) target(%dma_start3A_1283 : memref<64xf32, #tpu.memory_space<vmem>>) target_semaphore(%arg17 : memref<!tpu.dma_semaphore, #tpu.memory_space<semaphore_mem>>)
      } else {
      }
      %mul3A_754 = arith.constant 16 : i32
      %mul3A_755 = arith.muli %add3A_749, %mul3A_754 : i32
      %add3A_756 = arith.constant 0 : i32
      %add3A_757 = arith.addi %mul3A_755, %add3A_756 : i32
      %dma_wait3A = arith.constant 0 : i32
      %dma_wait3A_758 = tpu.memref_slice %arg9[%add3A_757, %dma_wait3A] : memref<512x64xf32, #tpu.memory_space<vmem>> -> memref<2x64xf32, #tpu.memory_space<vmem>>
      %dma_wait3A_759 = arith.constant 0 : i32
      %dma_wait3A_760 = arith.constant 0 : i32
      %dma_wait3A_761 = tpu.memref_slice %arg4[%dma_wait3A_759, %dma_wait3A_760] : memref<1000000x64xf32, #tpu.memory_space<hbm>> -> memref<2x64xf32, #tpu.memory_space<hbm>>
      %dma_wait3A_762 = arith.constant 0 : i32
      %dma_wait3A_763 = tpu.memref_slice %arg9[%add3A_757, %dma_wait3A_762] : memref<512x64xf32, #tpu.memory_space<vmem>> -> memref<2x64xf32, #tpu.memory_space<vmem>>
      %dma_wait3A_764 = arith.constant 0 : i32
      %dma_wait3A_765 = arith.constant 0 : i32
      %dma_wait3A_766 = tpu.memref_slice %arg4[%dma_wait3A_764, %dma_wait3A_765] : memref<1000000x64xf32, #tpu.memory_space<hbm>> -> memref<2x64xf32, #tpu.memory_space<hbm>>
      tpu.wait_dma2 semaphore(%arg10 : memref<!tpu.dma_semaphore, #tpu.memory_space<semaphore_mem>>) src(%dma_wait3A_766 : memref<2x64xf32, #tpu.memory_space<hbm>>) dst(%dma_wait3A_763 : memref<2x64xf32, #tpu.memory_space<vmem>>)
      %mul3A_767 = arith.constant 16 : i32
      %mul3A_768 = arith.muli %add3A_749, %mul3A_767 : i32
      %add3A_769 = arith.constant 2 : i32
      %add3A_770 = arith.addi %mul3A_768, %add3A_769 : i32
      %dma_wait3A_771 = arith.constant 0 : i32
      %dma_wait3A_772 = tpu.memref_slice %arg9[%add3A_770, %dma_wait3A_771] : memref<512x64xf32, #tpu.memory_space<vmem>> -> memref<2x64xf32, #tpu.memory_space<vmem>>
      %dma_wait3A_773 = arith.constant 0 : i32
      %dma_wait3A_774 = arith.constant 0 : i32
      %dma_wait3A_775 = tpu.memref_slice %arg4[%dma_wait3A_773, %dma_wait3A_774] : memref<1000000x64xf32, #tpu.memory_space<hbm>> -> memref<2x64xf32, #tpu.memory_space<hbm>>
      %dma_wait3A_776 = arith.constant 0 : i32
      %dma_wait3A_777 = tpu.memref_slice %arg9[%add3A_770, %dma_wait3A_776] : memref<512x64xf32, #tpu.memory_space<vmem>> -> memref<2x64xf32, #tpu.memory_space<vmem>>
      %dma_wait3A_778 = arith.constant 0 : i32
      %dma_wait3A_779 = arith.constant 0 : i32
      %dma_wait3A_780 = tpu.memref_slice %arg4[%dma_wait3A_778, %dma_wait3A_779] : memref<1000000x64xf32, #tpu.memory_space<hbm>> -> memref<2x64xf32, #tpu.memory_space<hbm>>
      tpu.wait_dma2 semaphore(%arg11 : memref<!tpu.dma_semaphore, #tpu.memory_space<semaphore_mem>>) src(%dma_wait3A_780 : memref<2x64xf32, #tpu.memory_space<hbm>>) dst(%dma_wait3A_777 : memref<2x64xf32, #tpu.memory_space<vmem>>)
      %mul3A_781 = arith.constant 16 : i32
      %mul3A_782 = arith.muli %add3A_749, %mul3A_781 : i32
      %add3A_783 = arith.constant 4 : i32
      %add3A_784 = arith.addi %mul3A_782, %add3A_783 : i32
      %dma_wait3A_785 = arith.constant 0 : i32
      %dma_wait3A_786 = tpu.memref_slice %arg9[%add3A_784, %dma_wait3A_785] : memref<512x64xf32, #tpu.memory_space<vmem>> -> memref<2x64xf32, #tpu.memory_space<vmem>>
      %dma_wait3A_787 = arith.constant 0 : i32
      %dma_wait3A_788 = arith.constant 0 : i32
      %dma_wait3A_789 = tpu.memref_slice %arg4[%dma_wait3A_787, %dma_wait3A_788] : memref<1000000x64xf32, #tpu.memory_space<hbm>> -> memref<2x64xf32, #tpu.memory_space<hbm>>
      %dma_wait3A_790 = arith.constant 0 : i32
      %dma_wait3A_791 = tpu.memref_slice %arg9[%add3A_784, %dma_wait3A_790] : memref<512x64xf32, #tpu.memory_space<vmem>> -> memref<2x64xf32, #tpu.memory_space<vmem>>
      %dma_wait3A_792 = arith.constant 0 : i32
      %dma_wait3A_793 = arith.constant 0 : i32
      %dma_wait3A_794 = tpu.memref_slice %arg4[%dma_wait3A_792, %dma_wait3A_793] : memref<1000000x64xf32, #tpu.memory_space<hbm>> -> memref<2x64xf32, #tpu.memory_space<hbm>>
      tpu.wait_dma2 semaphore(%arg12 : memref<!tpu.dma_semaphore, #tpu.memory_space<semaphore_mem>>) src(%dma_wait3A_794 : memref<2x64xf32, #tpu.memory_space<hbm>>) dst(%dma_wait3A_791 : memref<2x64xf32, #tpu.memory_space<vmem>>)
      %mul3A_795 = arith.constant 16 : i32
      %mul3A_796 = arith.muli %add3A_749, %mul3A_795 : i32
      %add3A_797 = arith.constant 6 : i32
      %add3A_798 = arith.addi %mul3A_796, %add3A_797 : i32
      %dma_wait3A_799 = arith.constant 0 : i32
      %dma_wait3A_800 = tpu.memref_slice %arg9[%add3A_798, %dma_wait3A_799] : memref<512x64xf32, #tpu.memory_space<vmem>> -> memref<2x64xf32, #tpu.memory_space<vmem>>
      %dma_wait3A_801 = arith.constant 0 : i32
      %dma_wait3A_802 = arith.constant 0 : i32
      %dma_wait3A_803 = tpu.memref_slice %arg4[%dma_wait3A_801, %dma_wait3A_802] : memref<1000000x64xf32, #tpu.memory_space<hbm>> -> memref<2x64xf32, #tpu.memory_space<hbm>>
      %dma_wait3A_804 = arith.constant 0 : i32
      %dma_wait3A_805 = tpu.memref_slice %arg9[%add3A_798, %dma_wait3A_804] : memref<512x64xf32, #tpu.memory_space<vmem>> -> memref<2x64xf32, #tpu.memory_space<vmem>>
      %dma_wait3A_806 = arith.constant 0 : i32
      %dma_wait3A_807 = arith.constant 0 : i32
      %dma_wait3A_808 = tpu.memref_slice %arg4[%dma_wait3A_806, %dma_wait3A_807] : memref<1000000x64xf32, #tpu.memory_space<hbm>> -> memref<2x64xf32, #tpu.memory_space<hbm>>
      tpu.wait_dma2 semaphore(%arg13 : memref<!tpu.dma_semaphore, #tpu.memory_space<semaphore_mem>>) src(%dma_wait3A_808 : memref<2x64xf32, #tpu.memory_space<hbm>>) dst(%dma_wait3A_805 : memref<2x64xf32, #tpu.memory_space<vmem>>)
      %mul3A_809 = arith.constant 16 : i32
      %mul3A_810 = arith.muli %add3A_749, %mul3A_809 : i32
      %add3A_811 = arith.constant 8 : i32
      %add3A_812 = arith.addi %mul3A_810, %add3A_811 : i32
      %dma_wait3A_813 = arith.constant 0 : i32
      %dma_wait3A_814 = tpu.memref_slice %arg9[%add3A_812, %dma_wait3A_813] : memref<512x64xf32, #tpu.memory_space<vmem>> -> memref<2x64xf32, #tpu.memory_space<vmem>>
      %dma_wait3A_815 = arith.constant 0 : i32
      %dma_wait3A_816 = arith.constant 0 : i32
      %dma_wait3A_817 = tpu.memref_slice %arg4[%dma_wait3A_815, %dma_wait3A_816] : memref<1000000x64xf32, #tpu.memory_space<hbm>> -> memref<2x64xf32, #tpu.memory_space<hbm>>
      %dma_wait3A_818 = arith.constant 0 : i32
      %dma_wait3A_819 = tpu.memref_slice %arg9[%add3A_812, %dma_wait3A_818] : memref<512x64xf32, #tpu.memory_space<vmem>> -> memref<2x64xf32, #tpu.memory_space<vmem>>
      %dma_wait3A_820 = arith.constant 0 : i32
      %dma_wait3A_821 = arith.constant 0 : i32
      %dma_wait3A_822 = tpu.memref_slice %arg4[%dma_wait3A_820, %dma_wait3A_821] : memref<1000000x64xf32, #tpu.memory_space<hbm>> -> memref<2x64xf32, #tpu.memory_space<hbm>>
      tpu.wait_dma2 semaphore(%arg14 : memref<!tpu.dma_semaphore, #tpu.memory_space<semaphore_mem>>) src(%dma_wait3A_822 : memref<2x64xf32, #tpu.memory_space<hbm>>) dst(%dma_wait3A_819 : memref<2x64xf32, #tpu.memory_space<vmem>>)
      %mul3A_823 = arith.constant 16 : i32
      %mul3A_824 = arith.muli %add3A_749, %mul3A_823 : i32
      %add3A_825 = arith.constant 10 : i32
      %add3A_826 = arith.addi %mul3A_824, %add3A_825 : i32
      %dma_wait3A_827 = arith.constant 0 : i32
      %dma_wait3A_828 = tpu.memref_slice %arg9[%add3A_826, %dma_wait3A_827] : memref<512x64xf32, #tpu.memory_space<vmem>> -> memref<2x64xf32, #tpu.memory_space<vmem>>
      %dma_wait3A_829 = arith.constant 0 : i32
      %dma_wait3A_830 = arith.constant 0 : i32
      %dma_wait3A_831 = tpu.memref_slice %arg4[%dma_wait3A_829, %dma_wait3A_830] : memref<1000000x64xf32, #tpu.memory_space<hbm>> -> memref<2x64xf32, #tpu.memory_space<hbm>>
      %dma_wait3A_832 = arith.constant 0 : i32
      %dma_wait3A_833 = tpu.memref_slice %arg9[%add3A_826, %dma_wait3A_832] : memref<512x64xf32, #tpu.memory_space<vmem>> -> memref<2x64xf32, #tpu.memory_space<vmem>>
      %dma_wait3A_834 = arith.constant 0 : i32
      %dma_wait3A_835 = arith.constant 0 : i32
      %dma_wait3A_836 = tpu.memref_slice %arg4[%dma_wait3A_834, %dma_wait3A_835] : memref<1000000x64xf32, #tpu.memory_space<hbm>> -> memref<2x64xf32, #tpu.memory_space<hbm>>
      tpu.wait_dma2 semaphore(%arg15 : memref<!tpu.dma_semaphore, #tpu.memory_space<semaphore_mem>>) src(%dma_wait3A_836 : memref<2x64xf32, #tpu.memory_space<hbm>>) dst(%dma_wait3A_833 : memref<2x64xf32, #tpu.memory_space<vmem>>)
      %mul3A_837 = arith.constant 16 : i32
      %mul3A_838 = arith.muli %add3A_749, %mul3A_837 : i32
      %add3A_839 = arith.constant 12 : i32
      %add3A_840 = arith.addi %mul3A_838, %add3A_839 : i32
      %dma_wait3A_841 = arith.constant 0 : i32
      %dma_wait3A_842 = tpu.memref_slice %arg9[%add3A_840, %dma_wait3A_841] : memref<512x64xf32, #tpu.memory_space<vmem>> -> memref<2x64xf32, #tpu.memory_space<vmem>>
      %dma_wait3A_843 = arith.constant 0 : i32
      %dma_wait3A_844 = arith.constant 0 : i32
      %dma_wait3A_845 = tpu.memref_slice %arg4[%dma_wait3A_843, %dma_wait3A_844] : memref<1000000x64xf32, #tpu.memory_space<hbm>> -> memref<2x64xf32, #tpu.memory_space<hbm>>
      %dma_wait3A_846 = arith.constant 0 : i32
      %dma_wait3A_847 = tpu.memref_slice %arg9[%add3A_840, %dma_wait3A_846] : memref<512x64xf32, #tpu.memory_space<vmem>> -> memref<2x64xf32, #tpu.memory_space<vmem>>
      %dma_wait3A_848 = arith.constant 0 : i32
      %dma_wait3A_849 = arith.constant 0 : i32
      %dma_wait3A_850 = tpu.memref_slice %arg4[%dma_wait3A_848, %dma_wait3A_849] : memref<1000000x64xf32, #tpu.memory_space<hbm>> -> memref<2x64xf32, #tpu.memory_space<hbm>>
      tpu.wait_dma2 semaphore(%arg16 : memref<!tpu.dma_semaphore, #tpu.memory_space<semaphore_mem>>) src(%dma_wait3A_850 : memref<2x64xf32, #tpu.memory_space<hbm>>) dst(%dma_wait3A_847 : memref<2x64xf32, #tpu.memory_space<vmem>>)
      %mul3A_851 = arith.constant 16 : i32
      %mul3A_852 = arith.muli %add3A_749, %mul3A_851 : i32
      %add3A_853 = arith.constant 14 : i32
      %add3A_854 = arith.addi %mul3A_852, %add3A_853 : i32
      %dma_wait3A_855 = arith.constant 0 : i32
      %dma_wait3A_856 = tpu.memref_slice %arg9[%add3A_854, %dma_wait3A_855] : memref<512x64xf32, #tpu.memory_space<vmem>> -> memref<2x64xf32, #tpu.memory_space<vmem>>
      %dma_wait3A_857 = arith.constant 0 : i32
      %dma_wait3A_858 = arith.constant 0 : i32
      %dma_wait3A_859 = tpu.memref_slice %arg4[%dma_wait3A_857, %dma_wait3A_858] : memref<1000000x64xf32, #tpu.memory_space<hbm>> -> memref<2x64xf32, #tpu.memory_space<hbm>>
      %dma_wait3A_860 = arith.constant 0 : i32
      %dma_wait3A_861 = tpu.memref_slice %arg9[%add3A_854, %dma_wait3A_860] : memref<512x64xf32, #tpu.memory_space<vmem>> -> memref<2x64xf32, #tpu.memory_space<vmem>>
      %dma_wait3A_862 = arith.constant 0 : i32
      %dma_wait3A_863 = arith.constant 0 : i32
      %dma_wait3A_864 = tpu.memref_slice %arg4[%dma_wait3A_862, %dma_wait3A_863] : memref<1000000x64xf32, #tpu.memory_space<hbm>> -> memref<2x64xf32, #tpu.memory_space<hbm>>
      tpu.wait_dma2 semaphore(%arg17 : memref<!tpu.dma_semaphore, #tpu.memory_space<semaphore_mem>>) src(%dma_wait3A_864 : memref<2x64xf32, #tpu.memory_space<hbm>>) dst(%dma_wait3A_861 : memref<2x64xf32, #tpu.memory_space<vmem>>)
    }
    %scan3A_369 = arith.constant 32 : i32
    "tpu.region"() ({
      %run_scoped3A = tpu.sem_alloc : memref<!tpu.dma_semaphore, #tpu.memory_space<semaphore_mem>>
      %dma_start3A_745 = arith.constant 0 : i32
      %dma_start3A_746 = tpu.memref_slice %arg6[%mul3A_2, %dma_start3A_745] : memref<16384x64xf32, #tpu.memory_space<hbm>> -> memref<512x64xf32, #tpu.memory_space<hbm>>
      %dma_start3A_747 = arith.constant 0 : i32
      %dma_start3A_748 = tpu.memref_slice %arg6[%mul3A_2, %dma_start3A_747] : memref<16384x64xf32, #tpu.memory_space<hbm>> -> memref<512x64xf32, #tpu.memory_space<hbm>>
      tpu.enqueue_dma source(%arg9 : memref<512x64xf32, #tpu.memory_space<vmem>>) target(%dma_start3A_748 : memref<512x64xf32, #tpu.memory_space<hbm>>) target_semaphore(%run_scoped3A : memref<!tpu.dma_semaphore, #tpu.memory_space<semaphore_mem>>)
      %dma_wait3A = arith.constant 0 : i32
      %dma_wait3A_749 = tpu.memref_slice %arg6[%mul3A_2, %dma_wait3A] : memref<16384x64xf32, #tpu.memory_space<hbm>> -> memref<512x64xf32, #tpu.memory_space<hbm>>
      %dma_wait3A_750 = arith.constant 0 : i32
      %dma_wait3A_751 = tpu.memref_slice %arg6[%mul3A_2, %dma_wait3A_750] : memref<16384x64xf32, #tpu.memory_space<hbm>> -> memref<512x64xf32, #tpu.memory_space<hbm>>
      tpu.wait_dma2 semaphore(%run_scoped3A : memref<!tpu.dma_semaphore, #tpu.memory_space<semaphore_mem>>) src(%arg9 : memref<512x64xf32, #tpu.memory_space<vmem>>) dst(%dma_wait3A_751 : memref<512x64xf32, #tpu.memory_space<hbm>>)
      tpu.yield
    }) : () -> ()
    "tpu.region"() ({
      %run_scoped3A = tpu.sem_alloc : memref<!tpu.dma_semaphore, #tpu.memory_space<semaphore_mem>>
      %dma_start3A_745 = tpu.memref_slice %arg3[%mul3A_2] : memref<16384xi32, #tpu.memory_space<hbm>> -> memref<512xi32, #tpu.memory_space<hbm>>
      %dma_start3A_746 = tpu.memref_slice %arg3[%mul3A_2] : memref<16384xi32, #tpu.memory_space<hbm>> -> memref<512xi32, #tpu.memory_space<hbm>>
      tpu.enqueue_dma source(%dma_start3A_746 : memref<512xi32, #tpu.memory_space<hbm>>) target(%arg8 : memref<512xi32, #tpu.memory_space<vmem>>) target_semaphore(%run_scoped3A : memref<!tpu.dma_semaphore, #tpu.memory_space<semaphore_mem>>)
      %dma_wait3A = tpu.memref_slice %arg3[%mul3A_2] : memref<16384xi32, #tpu.memory_space<hbm>> -> memref<512xi32, #tpu.memory_space<hbm>>
      %dma_wait3A_747 = tpu.memref_slice %arg3[%mul3A_2] : memref<16384xi32, #tpu.memory_space<hbm>> -> memref<512xi32, #tpu.memory_space<hbm>>
      tpu.wait_dma2 semaphore(%run_scoped3A : memref<!tpu.dma_semaphore, #tpu.memory_space<semaphore_mem>>) src(%dma_wait3A_747 : memref<512xi32, #tpu.memory_space<hbm>>) dst(%arg8 : memref<512xi32, #tpu.memory_space<vmem>>)
      tpu.yield
    }) : () -> ()
    %get3A_370 = arith.constant 0 : index
    %get3A_371 = tpu.vector_load %arg8[%get3A_370] {strides = array<i32>} : memref<512xi32, #tpu.memory_space<vmem>>, vector<16xi32>,
    %eq3A_372 = arith.constant 0 : i32
    %eq3A_373 = vector.broadcast %eq3A_372 : i32 to vector<16xi32>
    %eq3A_374 = arith.cmpi eq, %iota3A, %eq3A_373 : vector<16xi32>
    %jit3A_375 = arith.constant 0 : i32
    %broadcast_in_dim3A_376 = vector.broadcast %jit3A_375 : i32 to vector<16xi32>
    %select_n3A_377 = arith.select %eq3A_374, %get3A_371, %broadcast_in_dim3A_376 : vector<16xi1>, vector<16xi32>
    %reduce_sum3A_378 = arith.constant true
    %reduce_sum3A_379 = vector.broadcast %reduce_sum3A_378 : i1 to vector<16xi1>
    %reduce_sum3A_380 = tpu.scan <sum>, %select_n3A_377 masked %reduce_sum3A_379 : vector<16xi32>, vector<16xi1> -> vector<16xi32>
    %reduce_sum3A_381 = vector.extract %reduce_sum3A_380[15] : i32 from vector<16xi32>
    %dma_start3A_382 = arith.constant 0 : i32
    %dma_start3A_383 = arith.constant 0 : i32
    %dma_start3A_384 = tpu.memref_slice %arg9[%dma_start3A_382, %dma_start3A_383] : memref<512x64xf32, #tpu.memory_space<vmem>> -> memref<1x64xf32, #tpu.memory_space<vmem>>
    %dma_start3A_385 = tpu.memref_squeeze %dma_start3A_384 : memref<1x64xf32, #tpu.memory_space<vmem>> -> memref<64xf32, #tpu.memory_space<vmem>>
    %dma_start3A_386 = arith.constant 0 : i32
    %dma_start3A_387 = tpu.memref_slice %arg5[%reduce_sum3A_381, %dma_start3A_386] : memref<1000000x64xf32, #tpu.memory_space<hbm>> -> memref<1x64xf32, #tpu.memory_space<hbm>>
    %dma_start3A_388 = tpu.memref_squeeze %dma_start3A_387 : memref<1x64xf32, #tpu.memory_space<hbm>> -> memref<64xf32, #tpu.memory_space<hbm>>
    %dma_start3A_389 = arith.constant 0 : i32
    %dma_start3A_390 = tpu.memref_slice %arg9[%dma_start3A_382, %dma_start3A_389] : memref<512x64xf32, #tpu.memory_space<vmem>> -> memref<1x64xf32, #tpu.memory_space<vmem>>
    %dma_start3A_391 = tpu.memref_squeeze %dma_start3A_390 : memref<1x64xf32, #tpu.memory_space<vmem>> -> memref<64xf32, #tpu.memory_space<vmem>>
    %dma_start3A_392 = arith.constant 0 : i32
    %dma_start3A_393 = tpu.memref_slice %arg5[%reduce_sum3A_381, %dma_start3A_392] : memref<1000000x64xf32, #tpu.memory_space<hbm>> -> memref<1x64xf32, #tpu.memory_space<hbm>>
    %dma_start3A_394 = tpu.memref_squeeze %dma_start3A_393 : memref<1x64xf32, #tpu.memory_space<hbm>> -> memref<64xf32, #tpu.memory_space<hbm>>
    tpu.enqueue_dma source(%dma_start3A_394 : memref<64xf32, #tpu.memory_space<hbm>>) target(%dma_start3A_391 : memref<64xf32, #tpu.memory_space<vmem>>) target_semaphore(%arg10 : memref<!tpu.dma_semaphore, #tpu.memory_space<semaphore_mem>>)
    %eq3A_395 = arith.constant 1 : i32
    %eq3A_396 = vector.broadcast %eq3A_395 : i32 to vector<16xi32>
    %eq3A_397 = arith.cmpi eq, %iota3A, %eq3A_396 : vector<16xi32>
    %jit3A_398 = arith.constant 0 : i32
    %broadcast_in_dim3A_399 = vector.broadcast %jit3A_398 : i32 to vector<16xi32>
    %select_n3A_400 = arith.select %eq3A_397, %get3A_371, %broadcast_in_dim3A_399 : vector<16xi1>, vector<16xi32>
    %reduce_sum3A_401 = arith.constant true
    %reduce_sum3A_402 = vector.broadcast %reduce_sum3A_401 : i1 to vector<16xi1>
    %reduce_sum3A_403 = tpu.scan <sum>, %select_n3A_400 masked %reduce_sum3A_402 : vector<16xi32>, vector<16xi1> -> vector<16xi32>
    %reduce_sum3A_404 = vector.extract %reduce_sum3A_403[15] : i32 from vector<16xi32>
    %dma_start3A_405 = arith.constant 1 : i32
    %dma_start3A_406 = arith.constant 0 : i32
    %dma_start3A_407 = tpu.memref_slice %arg9[%dma_start3A_405, %dma_start3A_406] : memref<512x64xf32, #tpu.memory_space<vmem>> -> memref<1x64xf32, #tpu.memory_space<vmem>>
    %dma_start3A_408 = tpu.memref_squeeze %dma_start3A_407 : memref<1x64xf32, #tpu.memory_space<vmem>> -> memref<64xf32, #tpu.memory_space<vmem>>
    %dma_start3A_409 = arith.constant 0 : i32
    %dma_start3A_410 = tpu.memref_slice %arg5[%reduce_sum3A_404, %dma_start3A_409] : memref<1000000x64xf32, #tpu.memory_space<hbm>> -> memref<1x64xf32, #tpu.memory_space<hbm>>
    %dma_start3A_411 = tpu.memref_squeeze %dma_start3A_410 : memref<1x64xf32, #tpu.memory_space<hbm>> -> memref<64xf32, #tpu.memory_space<hbm>>
    %dma_start3A_412 = arith.constant 0 : i32
    %dma_start3A_413 = tpu.memref_slice %arg9[%dma_start3A_405, %dma_start3A_412] : memref<512x64xf32, #tpu.memory_space<vmem>> -> memref<1x64xf32, #tpu.memory_space<vmem>>
    %dma_start3A_414 = tpu.memref_squeeze %dma_start3A_413 : memref<1x64xf32, #tpu.memory_space<vmem>> -> memref<64xf32, #tpu.memory_space<vmem>>
    %dma_start3A_415 = arith.constant 0 : i32
    %dma_start3A_416 = tpu.memref_slice %arg5[%reduce_sum3A_404, %dma_start3A_415] : memref<1000000x64xf32, #tpu.memory_space<hbm>> -> memref<1x64xf32, #tpu.memory_space<hbm>>
    %dma_start3A_417 = tpu.memref_squeeze %dma_start3A_416 : memref<1x64xf32, #tpu.memory_space<hbm>> -> memref<64xf32, #tpu.memory_space<hbm>>
    tpu.enqueue_dma source(%dma_start3A_417 : memref<64xf32, #tpu.memory_space<hbm>>) target(%dma_start3A_414 : memref<64xf32, #tpu.memory_space<vmem>>) target_semaphore(%arg11 : memref<!tpu.dma_semaphore, #tpu.memory_space<semaphore_mem>>)
    %eq3A_418 = arith.constant 2 : i32
    %eq3A_419 = vector.broadcast %eq3A_418 : i32 to vector<16xi32>
    %eq3A_420 = arith.cmpi eq, %iota3A, %eq3A_419 : vector<16xi32>
    %jit3A_421 = arith.constant 0 : i32
    %broadcast_in_dim3A_422 = vector.broadcast %jit3A_421 : i32 to vector<16xi32>
    %select_n3A_423 = arith.select %eq3A_420, %get3A_371, %broadcast_in_dim3A_422 : vector<16xi1>, vector<16xi32>
    %reduce_sum3A_424 = arith.constant true
    %reduce_sum3A_425 = vector.broadcast %reduce_sum3A_424 : i1 to vector<16xi1>
    %reduce_sum3A_426 = tpu.scan <sum>, %select_n3A_423 masked %reduce_sum3A_425 : vector<16xi32>, vector<16xi1> -> vector<16xi32>
    %reduce_sum3A_427 = vector.extract %reduce_sum3A_426[15] : i32 from vector<16xi32>
    %dma_start3A_428 = arith.constant 2 : i32
    %dma_start3A_429 = arith.constant 0 : i32
    %dma_start3A_430 = tpu.memref_slice %arg9[%dma_start3A_428, %dma_start3A_429] : memref<512x64xf32, #tpu.memory_space<vmem>> -> memref<1x64xf32, #tpu.memory_space<vmem>>
    %dma_start3A_431 = tpu.memref_squeeze %dma_start3A_430 : memref<1x64xf32, #tpu.memory_space<vmem>> -> memref<64xf32, #tpu.memory_space<vmem>>
    %dma_start3A_432 = arith.constant 0 : i32
    %dma_start3A_433 = tpu.memref_slice %arg5[%reduce_sum3A_427, %dma_start3A_432] : memref<1000000x64xf32, #tpu.memory_space<hbm>> -> memref<1x64xf32, #tpu.memory_space<hbm>>
    %dma_start3A_434 = tpu.memref_squeeze %dma_start3A_433 : memref<1x64xf32, #tpu.memory_space<hbm>> -> memref<64xf32, #tpu.memory_space<hbm>>
    %dma_start3A_435 = arith.constant 0 : i32
    %dma_start3A_436 = tpu.memref_slice %arg9[%dma_start3A_428, %dma_start3A_435] : memref<512x64xf32, #tpu.memory_space<vmem>> -> memref<1x64xf32, #tpu.memory_space<vmem>>
    %dma_start3A_437 = tpu.memref_squeeze %dma_start3A_436 : memref<1x64xf32, #tpu.memory_space<vmem>> -> memref<64xf32, #tpu.memory_space<vmem>>
    %dma_start3A_438 = arith.constant 0 : i32
    %dma_start3A_439 = tpu.memref_slice %arg5[%reduce_sum3A_427, %dma_start3A_438] : memref<1000000x64xf32, #tpu.memory_space<hbm>> -> memref<1x64xf32, #tpu.memory_space<hbm>>
    %dma_start3A_440 = tpu.memref_squeeze %dma_start3A_439 : memref<1x64xf32, #tpu.memory_space<hbm>> -> memref<64xf32, #tpu.memory_space<hbm>>
    tpu.enqueue_dma source(%dma_start3A_440 : memref<64xf32, #tpu.memory_space<hbm>>) target(%dma_start3A_437 : memref<64xf32, #tpu.memory_space<vmem>>) target_semaphore(%arg12 : memref<!tpu.dma_semaphore, #tpu.memory_space<semaphore_mem>>)
    %eq3A_441 = arith.constant 3 : i32
    %eq3A_442 = vector.broadcast %eq3A_441 : i32 to vector<16xi32>
    %eq3A_443 = arith.cmpi eq, %iota3A, %eq3A_442 : vector<16xi32>
    %jit3A_444 = arith.constant 0 : i32
    %broadcast_in_dim3A_445 = vector.broadcast %jit3A_444 : i32 to vector<16xi32>
    %select_n3A_446 = arith.select %eq3A_443, %get3A_371, %broadcast_in_dim3A_445 : vector<16xi1>, vector<16xi32>
    %reduce_sum3A_447 = arith.constant true
    %reduce_sum3A_448 = vector.broadcast %reduce_sum3A_447 : i1 to vector<16xi1>
    %reduce_sum3A_449 = tpu.scan <sum>, %select_n3A_446 masked %reduce_sum3A_448 : vector<16xi32>, vector<16xi1> -> vector<16xi32>
    %reduce_sum3A_450 = vector.extract %reduce_sum3A_449[15] : i32 from vector<16xi32>
    %dma_start3A_451 = arith.constant 3 : i32
    %dma_start3A_452 = arith.constant 0 : i32
    %dma_start3A_453 = tpu.memref_slice %arg9[%dma_start3A_451, %dma_start3A_452] : memref<512x64xf32, #tpu.memory_space<vmem>> -> memref<1x64xf32, #tpu.memory_space<vmem>>
    %dma_start3A_454 = tpu.memref_squeeze %dma_start3A_453 : memref<1x64xf32, #tpu.memory_space<vmem>> -> memref<64xf32, #tpu.memory_space<vmem>>
    %dma_start3A_455 = arith.constant 0 : i32
    %dma_start3A_456 = tpu.memref_slice %arg5[%reduce_sum3A_450, %dma_start3A_455] : memref<1000000x64xf32, #tpu.memory_space<hbm>> -> memref<1x64xf32, #tpu.memory_space<hbm>>
    %dma_start3A_457 = tpu.memref_squeeze %dma_start3A_456 : memref<1x64xf32, #tpu.memory_space<hbm>> -> memref<64xf32, #tpu.memory_space<hbm>>
    %dma_start3A_458 = arith.constant 0 : i32
    %dma_start3A_459 = tpu.memref_slice %arg9[%dma_start3A_451, %dma_start3A_458] : memref<512x64xf32, #tpu.memory_space<vmem>> -> memref<1x64xf32, #tpu.memory_space<vmem>>
    %dma_start3A_460 = tpu.memref_squeeze %dma_start3A_459 : memref<1x64xf32, #tpu.memory_space<vmem>> -> memref<64xf32, #tpu.memory_space<vmem>>
    %dma_start3A_461 = arith.constant 0 : i32
    %dma_start3A_462 = tpu.memref_slice %arg5[%reduce_sum3A_450, %dma_start3A_461] : memref<1000000x64xf32, #tpu.memory_space<hbm>> -> memref<1x64xf32, #tpu.memory_space<hbm>>
    %dma_start3A_463 = tpu.memref_squeeze %dma_start3A_462 : memref<1x64xf32, #tpu.memory_space<hbm>> -> memref<64xf32, #tpu.memory_space<hbm>>
    tpu.enqueue_dma source(%dma_start3A_463 : memref<64xf32, #tpu.memory_space<hbm>>) target(%dma_start3A_460 : memref<64xf32, #tpu.memory_space<vmem>>) target_semaphore(%arg13 : memref<!tpu.dma_semaphore, #tpu.memory_space<semaphore_mem>>)
    %eq3A_464 = arith.constant 4 : i32
    %eq3A_465 = vector.broadcast %eq3A_464 : i32 to vector<16xi32>
    %eq3A_466 = arith.cmpi eq, %iota3A, %eq3A_465 : vector<16xi32>
    %jit3A_467 = arith.constant 0 : i32
    %broadcast_in_dim3A_468 = vector.broadcast %jit3A_467 : i32 to vector<16xi32>
    %select_n3A_469 = arith.select %eq3A_466, %get3A_371, %broadcast_in_dim3A_468 : vector<16xi1>, vector<16xi32>
    %reduce_sum3A_470 = arith.constant true
    %reduce_sum3A_471 = vector.broadcast %reduce_sum3A_470 : i1 to vector<16xi1>
    %reduce_sum3A_472 = tpu.scan <sum>, %select_n3A_469 masked %reduce_sum3A_471 : vector<16xi32>, vector<16xi1> -> vector<16xi32>
    %reduce_sum3A_473 = vector.extract %reduce_sum3A_472[15] : i32 from vector<16xi32>
    %dma_start3A_474 = arith.constant 4 : i32
    %dma_start3A_475 = arith.constant 0 : i32
    %dma_start3A_476 = tpu.memref_slice %arg9[%dma_start3A_474, %dma_start3A_475] : memref<512x64xf32, #tpu.memory_space<vmem>> -> memref<1x64xf32, #tpu.memory_space<vmem>>
    %dma_start3A_477 = tpu.memref_squeeze %dma_start3A_476 : memref<1x64xf32, #tpu.memory_space<vmem>> -> memref<64xf32, #tpu.memory_space<vmem>>
    %dma_start3A_478 = arith.constant 0 : i32
    %dma_start3A_479 = tpu.memref_slice %arg5[%reduce_sum3A_473, %dma_start3A_478] : memref<1000000x64xf32, #tpu.memory_space<hbm>> -> memref<1x64xf32, #tpu.memory_space<hbm>>
    %dma_start3A_480 = tpu.memref_squeeze %dma_start3A_479 : memref<1x64xf32, #tpu.memory_space<hbm>> -> memref<64xf32, #tpu.memory_space<hbm>>
    %dma_start3A_481 = arith.constant 0 : i32
    %dma_start3A_482 = tpu.memref_slice %arg9[%dma_start3A_474, %dma_start3A_481] : memref<512x64xf32, #tpu.memory_space<vmem>> -> memref<1x64xf32, #tpu.memory_space<vmem>>
    %dma_start3A_483 = tpu.memref_squeeze %dma_start3A_482 : memref<1x64xf32, #tpu.memory_space<vmem>> -> memref<64xf32, #tpu.memory_space<vmem>>
    %dma_start3A_484 = arith.constant 0 : i32
    %dma_start3A_485 = tpu.memref_slice %arg5[%reduce_sum3A_473, %dma_start3A_484] : memref<1000000x64xf32, #tpu.memory_space<hbm>> -> memref<1x64xf32, #tpu.memory_space<hbm>>
    %dma_start3A_486 = tpu.memref_squeeze %dma_start3A_485 : memref<1x64xf32, #tpu.memory_space<hbm>> -> memref<64xf32, #tpu.memory_space<hbm>>
    tpu.enqueue_dma source(%dma_start3A_486 : memref<64xf32, #tpu.memory_space<hbm>>) target(%dma_start3A_483 : memref<64xf32, #tpu.memory_space<vmem>>) target_semaphore(%arg14 : memref<!tpu.dma_semaphore, #tpu.memory_space<semaphore_mem>>)
    %eq3A_487 = arith.constant 5 : i32
    %eq3A_488 = vector.broadcast %eq3A_487 : i32 to vector<16xi32>
    %eq3A_489 = arith.cmpi eq, %iota3A, %eq3A_488 : vector<16xi32>
    %jit3A_490 = arith.constant 0 : i32
    %broadcast_in_dim3A_491 = vector.broadcast %jit3A_490 : i32 to vector<16xi32>
    %select_n3A_492 = arith.select %eq3A_489, %get3A_371, %broadcast_in_dim3A_491 : vector<16xi1>, vector<16xi32>
    %reduce_sum3A_493 = arith.constant true
    %reduce_sum3A_494 = vector.broadcast %reduce_sum3A_493 : i1 to vector<16xi1>
    %reduce_sum3A_495 = tpu.scan <sum>, %select_n3A_492 masked %reduce_sum3A_494 : vector<16xi32>, vector<16xi1> -> vector<16xi32>
    %reduce_sum3A_496 = vector.extract %reduce_sum3A_495[15] : i32 from vector<16xi32>
    %dma_start3A_497 = arith.constant 5 : i32
    %dma_start3A_498 = arith.constant 0 : i32
    %dma_start3A_499 = tpu.memref_slice %arg9[%dma_start3A_497, %dma_start3A_498] : memref<512x64xf32, #tpu.memory_space<vmem>> -> memref<1x64xf32, #tpu.memory_space<vmem>>
    %dma_start3A_500 = tpu.memref_squeeze %dma_start3A_499 : memref<1x64xf32, #tpu.memory_space<vmem>> -> memref<64xf32, #tpu.memory_space<vmem>>
    %dma_start3A_501 = arith.constant 0 : i32
    %dma_start3A_502 = tpu.memref_slice %arg5[%reduce_sum3A_496, %dma_start3A_501] : memref<1000000x64xf32, #tpu.memory_space<hbm>> -> memref<1x64xf32, #tpu.memory_space<hbm>>
    %dma_start3A_503 = tpu.memref_squeeze %dma_start3A_502 : memref<1x64xf32, #tpu.memory_space<hbm>> -> memref<64xf32, #tpu.memory_space<hbm>>
    %dma_start3A_504 = arith.constant 0 : i32
    %dma_start3A_505 = tpu.memref_slice %arg9[%dma_start3A_497, %dma_start3A_504] : memref<512x64xf32, #tpu.memory_space<vmem>> -> memref<1x64xf32, #tpu.memory_space<vmem>>
    %dma_start3A_506 = tpu.memref_squeeze %dma_start3A_505 : memref<1x64xf32, #tpu.memory_space<vmem>> -> memref<64xf32, #tpu.memory_space<vmem>>
    %dma_start3A_507 = arith.constant 0 : i32
    %dma_start3A_508 = tpu.memref_slice %arg5[%reduce_sum3A_496, %dma_start3A_507] : memref<1000000x64xf32, #tpu.memory_space<hbm>> -> memref<1x64xf32, #tpu.memory_space<hbm>>
    %dma_start3A_509 = tpu.memref_squeeze %dma_start3A_508 : memref<1x64xf32, #tpu.memory_space<hbm>> -> memref<64xf32, #tpu.memory_space<hbm>>
    tpu.enqueue_dma source(%dma_start3A_509 : memref<64xf32, #tpu.memory_space<hbm>>) target(%dma_start3A_506 : memref<64xf32, #tpu.memory_space<vmem>>) target_semaphore(%arg15 : memref<!tpu.dma_semaphore, #tpu.memory_space<semaphore_mem>>)
    %eq3A_510 = arith.constant 6 : i32
    %eq3A_511 = vector.broadcast %eq3A_510 : i32 to vector<16xi32>
    %eq3A_512 = arith.cmpi eq, %iota3A, %eq3A_511 : vector<16xi32>
    %jit3A_513 = arith.constant 0 : i32
    %broadcast_in_dim3A_514 = vector.broadcast %jit3A_513 : i32 to vector<16xi32>
    %select_n3A_515 = arith.select %eq3A_512, %get3A_371, %broadcast_in_dim3A_514 : vector<16xi1>, vector<16xi32>
    %reduce_sum3A_516 = arith.constant true
    %reduce_sum3A_517 = vector.broadcast %reduce_sum3A_516 : i1 to vector<16xi1>
    %reduce_sum3A_518 = tpu.scan <sum>, %select_n3A_515 masked %reduce_sum3A_517 : vector<16xi32>, vector<16xi1> -> vector<16xi32>
    %reduce_sum3A_519 = vector.extract %reduce_sum3A_518[15] : i32 from vector<16xi32>
    %dma_start3A_520 = arith.constant 6 : i32
    %dma_start3A_521 = arith.constant 0 : i32
    %dma_start3A_522 = tpu.memref_slice %arg9[%dma_start3A_520, %dma_start3A_521] : memref<512x64xf32, #tpu.memory_space<vmem>> -> memref<1x64xf32, #tpu.memory_space<vmem>>
    %dma_start3A_523 = tpu.memref_squeeze %dma_start3A_522 : memref<1x64xf32, #tpu.memory_space<vmem>> -> memref<64xf32, #tpu.memory_space<vmem>>
    %dma_start3A_524 = arith.constant 0 : i32
    %dma_start3A_525 = tpu.memref_slice %arg5[%reduce_sum3A_519, %dma_start3A_524] : memref<1000000x64xf32, #tpu.memory_space<hbm>> -> memref<1x64xf32, #tpu.memory_space<hbm>>
    %dma_start3A_526 = tpu.memref_squeeze %dma_start3A_525 : memref<1x64xf32, #tpu.memory_space<hbm>> -> memref<64xf32, #tpu.memory_space<hbm>>
    %dma_start3A_527 = arith.constant 0 : i32
    %dma_start3A_528 = tpu.memref_slice %arg9[%dma_start3A_520, %dma_start3A_527] : memref<512x64xf32, #tpu.memory_space<vmem>> -> memref<1x64xf32, #tpu.memory_space<vmem>>
    %dma_start3A_529 = tpu.memref_squeeze %dma_start3A_528 : memref<1x64xf32, #tpu.memory_space<vmem>> -> memref<64xf32, #tpu.memory_space<vmem>>
    %dma_start3A_530 = arith.constant 0 : i32
    %dma_start3A_531 = tpu.memref_slice %arg5[%reduce_sum3A_519, %dma_start3A_530] : memref<1000000x64xf32, #tpu.memory_space<hbm>> -> memref<1x64xf32, #tpu.memory_space<hbm>>
    %dma_start3A_532 = tpu.memref_squeeze %dma_start3A_531 : memref<1x64xf32, #tpu.memory_space<hbm>> -> memref<64xf32, #tpu.memory_space<hbm>>
    tpu.enqueue_dma source(%dma_start3A_532 : memref<64xf32, #tpu.memory_space<hbm>>) target(%dma_start3A_529 : memref<64xf32, #tpu.memory_space<vmem>>) target_semaphore(%arg16 : memref<!tpu.dma_semaphore, #tpu.memory_space<semaphore_mem>>)
    %eq3A_533 = arith.constant 7 : i32
    %eq3A_534 = vector.broadcast %eq3A_533 : i32 to vector<16xi32>
    %eq3A_535 = arith.cmpi eq, %iota3A, %eq3A_534 : vector<16xi32>
    %jit3A_536 = arith.constant 0 : i32
    %broadcast_in_dim3A_537 = vector.broadcast %jit3A_536 : i32 to vector<16xi32>
    %select_n3A_538 = arith.select %eq3A_535, %get3A_371, %broadcast_in_dim3A_537 : vector<16xi1>, vector<16xi32>
    %reduce_sum3A_539 = arith.constant true
    %reduce_sum3A_540 = vector.broadcast %reduce_sum3A_539 : i1 to vector<16xi1>
    %reduce_sum3A_541 = tpu.scan <sum>, %select_n3A_538 masked %reduce_sum3A_540 : vector<16xi32>, vector<16xi1> -> vector<16xi32>
    %reduce_sum3A_542 = vector.extract %reduce_sum3A_541[15] : i32 from vector<16xi32>
    %dma_start3A_543 = arith.constant 7 : i32
    %dma_start3A_544 = arith.constant 0 : i32
    %dma_start3A_545 = tpu.memref_slice %arg9[%dma_start3A_543, %dma_start3A_544] : memref<512x64xf32, #tpu.memory_space<vmem>> -> memref<1x64xf32, #tpu.memory_space<vmem>>
    %dma_start3A_546 = tpu.memref_squeeze %dma_start3A_545 : memref<1x64xf32, #tpu.memory_space<vmem>> -> memref<64xf32, #tpu.memory_space<vmem>>
    %dma_start3A_547 = arith.constant 0 : i32
    %dma_start3A_548 = tpu.memref_slice %arg5[%reduce_sum3A_542, %dma_start3A_547] : memref<1000000x64xf32, #tpu.memory_space<hbm>> -> memref<1x64xf32, #tpu.memory_space<hbm>>
    %dma_start3A_549 = tpu.memref_squeeze %dma_start3A_548 : memref<1x64xf32, #tpu.memory_space<hbm>> -> memref<64xf32, #tpu.memory_space<hbm>>
    %dma_start3A_550 = arith.constant 0 : i32
    %dma_start3A_551 = tpu.memref_slice %arg9[%dma_start3A_543, %dma_start3A_550] : memref<512x64xf32, #tpu.memory_space<vmem>> -> memref<1x64xf32, #tpu.memory_space<vmem>>
    %dma_start3A_552 = tpu.memref_squeeze %dma_start3A_551 : memref<1x64xf32, #tpu.memory_space<vmem>> -> memref<64xf32, #tpu.memory_space<vmem>>
    %dma_start3A_553 = arith.constant 0 : i32
    %dma_start3A_554 = tpu.memref_slice %arg5[%reduce_sum3A_542, %dma_start3A_553] : memref<1000000x64xf32, #tpu.memory_space<hbm>> -> memref<1x64xf32, #tpu.memory_space<hbm>>
    %dma_start3A_555 = tpu.memref_squeeze %dma_start3A_554 : memref<1x64xf32, #tpu.memory_space<hbm>> -> memref<64xf32, #tpu.memory_space<hbm>>
    tpu.enqueue_dma source(%dma_start3A_555 : memref<64xf32, #tpu.memory_space<hbm>>) target(%dma_start3A_552 : memref<64xf32, #tpu.memory_space<vmem>>) target_semaphore(%arg17 : memref<!tpu.dma_semaphore, #tpu.memory_space<semaphore_mem>>)
    %eq3A_556 = arith.constant 8 : i32
    %eq3A_557 = vector.broadcast %eq3A_556 : i32 to vector<16xi32>
    %eq3A_558 = arith.cmpi eq, %iota3A, %eq3A_557 : vector<16xi32>
    %jit3A_559 = arith.constant 0 : i32
    %broadcast_in_dim3A_560 = vector.broadcast %jit3A_559 : i32 to vector<16xi32>
    %select_n3A_561 = arith.select %eq3A_558, %get3A_371, %broadcast_in_dim3A_560 : vector<16xi1>, vector<16xi32>
    %reduce_sum3A_562 = arith.constant true
    %reduce_sum3A_563 = vector.broadcast %reduce_sum3A_562 : i1 to vector<16xi1>
    %reduce_sum3A_564 = tpu.scan <sum>, %select_n3A_561 masked %reduce_sum3A_563 : vector<16xi32>, vector<16xi1> -> vector<16xi32>
    %reduce_sum3A_565 = vector.extract %reduce_sum3A_564[15] : i32 from vector<16xi32>
    %dma_start3A_566 = arith.constant 8 : i32
    %dma_start3A_567 = arith.constant 0 : i32
    %dma_start3A_568 = tpu.memref_slice %arg9[%dma_start3A_566, %dma_start3A_567] : memref<512x64xf32, #tpu.memory_space<vmem>> -> memref<1x64xf32, #tpu.memory_space<vmem>>
    %dma_start3A_569 = tpu.memref_squeeze %dma_start3A_568 : memref<1x64xf32, #tpu.memory_space<vmem>> -> memref<64xf32, #tpu.memory_space<vmem>>
    %dma_start3A_570 = arith.constant 0 : i32
    %dma_start3A_571 = tpu.memref_slice %arg5[%reduce_sum3A_565, %dma_start3A_570] : memref<1000000x64xf32, #tpu.memory_space<hbm>> -> memref<1x64xf32, #tpu.memory_space<hbm>>
    %dma_start3A_572 = tpu.memref_squeeze %dma_start3A_571 : memref<1x64xf32, #tpu.memory_space<hbm>> -> memref<64xf32, #tpu.memory_space<hbm>>
    %dma_start3A_573 = arith.constant 0 : i32
    %dma_start3A_574 = tpu.memref_slice %arg9[%dma_start3A_566, %dma_start3A_573] : memref<512x64xf32, #tpu.memory_space<vmem>> -> memref<1x64xf32, #tpu.memory_space<vmem>>
    %dma_start3A_575 = tpu.memref_squeeze %dma_start3A_574 : memref<1x64xf32, #tpu.memory_space<vmem>> -> memref<64xf32, #tpu.memory_space<vmem>>
    %dma_start3A_576 = arith.constant 0 : i32
    %dma_start3A_577 = tpu.memref_slice %arg5[%reduce_sum3A_565, %dma_start3A_576] : memref<1000000x64xf32, #tpu.memory_space<hbm>> -> memref<1x64xf32, #tpu.memory_space<hbm>>
    %dma_start3A_578 = tpu.memref_squeeze %dma_start3A_577 : memref<1x64xf32, #tpu.memory_space<hbm>> -> memref<64xf32, #tpu.memory_space<hbm>>
    tpu.enqueue_dma source(%dma_start3A_578 : memref<64xf32, #tpu.memory_space<hbm>>) target(%dma_start3A_575 : memref<64xf32, #tpu.memory_space<vmem>>) target_semaphore(%arg10 : memref<!tpu.dma_semaphore, #tpu.memory_space<semaphore_mem>>)
    %eq3A_579 = arith.constant 9 : i32
    %eq3A_580 = vector.broadcast %eq3A_579 : i32 to vector<16xi32>
    %eq3A_581 = arith.cmpi eq, %iota3A, %eq3A_580 : vector<16xi32>
    %jit3A_582 = arith.constant 0 : i32
    %broadcast_in_dim3A_583 = vector.broadcast %jit3A_582 : i32 to vector<16xi32>
    %select_n3A_584 = arith.select %eq3A_581, %get3A_371, %broadcast_in_dim3A_583 : vector<16xi1>, vector<16xi32>
    %reduce_sum3A_585 = arith.constant true
    %reduce_sum3A_586 = vector.broadcast %reduce_sum3A_585 : i1 to vector<16xi1>
    %reduce_sum3A_587 = tpu.scan <sum>, %select_n3A_584 masked %reduce_sum3A_586 : vector<16xi32>, vector<16xi1> -> vector<16xi32>
    %reduce_sum3A_588 = vector.extract %reduce_sum3A_587[15] : i32 from vector<16xi32>
    %dma_start3A_589 = arith.constant 9 : i32
    %dma_start3A_590 = arith.constant 0 : i32
    %dma_start3A_591 = tpu.memref_slice %arg9[%dma_start3A_589, %dma_start3A_590] : memref<512x64xf32, #tpu.memory_space<vmem>> -> memref<1x64xf32, #tpu.memory_space<vmem>>
    %dma_start3A_592 = tpu.memref_squeeze %dma_start3A_591 : memref<1x64xf32, #tpu.memory_space<vmem>> -> memref<64xf32, #tpu.memory_space<vmem>>
    %dma_start3A_593 = arith.constant 0 : i32
    %dma_start3A_594 = tpu.memref_slice %arg5[%reduce_sum3A_588, %dma_start3A_593] : memref<1000000x64xf32, #tpu.memory_space<hbm>> -> memref<1x64xf32, #tpu.memory_space<hbm>>
    %dma_start3A_595 = tpu.memref_squeeze %dma_start3A_594 : memref<1x64xf32, #tpu.memory_space<hbm>> -> memref<64xf32, #tpu.memory_space<hbm>>
    %dma_start3A_596 = arith.constant 0 : i32
    %dma_start3A_597 = tpu.memref_slice %arg9[%dma_start3A_589, %dma_start3A_596] : memref<512x64xf32, #tpu.memory_space<vmem>> -> memref<1x64xf32, #tpu.memory_space<vmem>>
    %dma_start3A_598 = tpu.memref_squeeze %dma_start3A_597 : memref<1x64xf32, #tpu.memory_space<vmem>> -> memref<64xf32, #tpu.memory_space<vmem>>
    %dma_start3A_599 = arith.constant 0 : i32
    %dma_start3A_600 = tpu.memref_slice %arg5[%reduce_sum3A_588, %dma_start3A_599] : memref<1000000x64xf32, #tpu.memory_space<hbm>> -> memref<1x64xf32, #tpu.memory_space<hbm>>
    %dma_start3A_601 = tpu.memref_squeeze %dma_start3A_600 : memref<1x64xf32, #tpu.memory_space<hbm>> -> memref<64xf32, #tpu.memory_space<hbm>>
    tpu.enqueue_dma source(%dma_start3A_601 : memref<64xf32, #tpu.memory_space<hbm>>) target(%dma_start3A_598 : memref<64xf32, #tpu.memory_space<vmem>>) target_semaphore(%arg11 : memref<!tpu.dma_semaphore, #tpu.memory_space<semaphore_mem>>)
    %eq3A_602 = arith.constant 10 : i32
    %eq3A_603 = vector.broadcast %eq3A_602 : i32 to vector<16xi32>
    %eq3A_604 = arith.cmpi eq, %iota3A, %eq3A_603 : vector<16xi32>
    %jit3A_605 = arith.constant 0 : i32
    %broadcast_in_dim3A_606 = vector.broadcast %jit3A_605 : i32 to vector<16xi32>
    %select_n3A_607 = arith.select %eq3A_604, %get3A_371, %broadcast_in_dim3A_606 : vector<16xi1>, vector<16xi32>
    %reduce_sum3A_608 = arith.constant true
    %reduce_sum3A_609 = vector.broadcast %reduce_sum3A_608 : i1 to vector<16xi1>
    %reduce_sum3A_610 = tpu.scan <sum>, %select_n3A_607 masked %reduce_sum3A_609 : vector<16xi32>, vector<16xi1> -> vector<16xi32>
    %reduce_sum3A_611 = vector.extract %reduce_sum3A_610[15] : i32 from vector<16xi32>
    %dma_start3A_612 = arith.constant 10 : i32
    %dma_start3A_613 = arith.constant 0 : i32
    %dma_start3A_614 = tpu.memref_slice %arg9[%dma_start3A_612, %dma_start3A_613] : memref<512x64xf32, #tpu.memory_space<vmem>> -> memref<1x64xf32, #tpu.memory_space<vmem>>
    %dma_start3A_615 = tpu.memref_squeeze %dma_start3A_614 : memref<1x64xf32, #tpu.memory_space<vmem>> -> memref<64xf32, #tpu.memory_space<vmem>>
    %dma_start3A_616 = arith.constant 0 : i32
    %dma_start3A_617 = tpu.memref_slice %arg5[%reduce_sum3A_611, %dma_start3A_616] : memref<1000000x64xf32, #tpu.memory_space<hbm>> -> memref<1x64xf32, #tpu.memory_space<hbm>>
    %dma_start3A_618 = tpu.memref_squeeze %dma_start3A_617 : memref<1x64xf32, #tpu.memory_space<hbm>> -> memref<64xf32, #tpu.memory_space<hbm>>
    %dma_start3A_619 = arith.constant 0 : i32
    %dma_start3A_620 = tpu.memref_slice %arg9[%dma_start3A_612, %dma_start3A_619] : memref<512x64xf32, #tpu.memory_space<vmem>> -> memref<1x64xf32, #tpu.memory_space<vmem>>
    %dma_start3A_621 = tpu.memref_squeeze %dma_start3A_620 : memref<1x64xf32, #tpu.memory_space<vmem>> -> memref<64xf32, #tpu.memory_space<vmem>>
    %dma_start3A_622 = arith.constant 0 : i32
    %dma_start3A_623 = tpu.memref_slice %arg5[%reduce_sum3A_611, %dma_start3A_622] : memref<1000000x64xf32, #tpu.memory_space<hbm>> -> memref<1x64xf32, #tpu.memory_space<hbm>>
    %dma_start3A_624 = tpu.memref_squeeze %dma_start3A_623 : memref<1x64xf32, #tpu.memory_space<hbm>> -> memref<64xf32, #tpu.memory_space<hbm>>
    tpu.enqueue_dma source(%dma_start3A_624 : memref<64xf32, #tpu.memory_space<hbm>>) target(%dma_start3A_621 : memref<64xf32, #tpu.memory_space<vmem>>) target_semaphore(%arg12 : memref<!tpu.dma_semaphore, #tpu.memory_space<semaphore_mem>>)
    %eq3A_625 = arith.constant 11 : i32
    %eq3A_626 = vector.broadcast %eq3A_625 : i32 to vector<16xi32>
    %eq3A_627 = arith.cmpi eq, %iota3A, %eq3A_626 : vector<16xi32>
    %jit3A_628 = arith.constant 0 : i32
    %broadcast_in_dim3A_629 = vector.broadcast %jit3A_628 : i32 to vector<16xi32>
    %select_n3A_630 = arith.select %eq3A_627, %get3A_371, %broadcast_in_dim3A_629 : vector<16xi1>, vector<16xi32>
    %reduce_sum3A_631 = arith.constant true
    %reduce_sum3A_632 = vector.broadcast %reduce_sum3A_631 : i1 to vector<16xi1>
    %reduce_sum3A_633 = tpu.scan <sum>, %select_n3A_630 masked %reduce_sum3A_632 : vector<16xi32>, vector<16xi1> -> vector<16xi32>
    %reduce_sum3A_634 = vector.extract %reduce_sum3A_633[15] : i32 from vector<16xi32>
    %dma_start3A_635 = arith.constant 11 : i32
    %dma_start3A_636 = arith.constant 0 : i32
    %dma_start3A_637 = tpu.memref_slice %arg9[%dma_start3A_635, %dma_start3A_636] : memref<512x64xf32, #tpu.memory_space<vmem>> -> memref<1x64xf32, #tpu.memory_space<vmem>>
    %dma_start3A_638 = tpu.memref_squeeze %dma_start3A_637 : memref<1x64xf32, #tpu.memory_space<vmem>> -> memref<64xf32, #tpu.memory_space<vmem>>
    %dma_start3A_639 = arith.constant 0 : i32
    %dma_start3A_640 = tpu.memref_slice %arg5[%reduce_sum3A_634, %dma_start3A_639] : memref<1000000x64xf32, #tpu.memory_space<hbm>> -> memref<1x64xf32, #tpu.memory_space<hbm>>
    %dma_start3A_641 = tpu.memref_squeeze %dma_start3A_640 : memref<1x64xf32, #tpu.memory_space<hbm>> -> memref<64xf32, #tpu.memory_space<hbm>>
    %dma_start3A_642 = arith.constant 0 : i32
    %dma_start3A_643 = tpu.memref_slice %arg9[%dma_start3A_635, %dma_start3A_642] : memref<512x64xf32, #tpu.memory_space<vmem>> -> memref<1x64xf32, #tpu.memory_space<vmem>>
    %dma_start3A_644 = tpu.memref_squeeze %dma_start3A_643 : memref<1x64xf32, #tpu.memory_space<vmem>> -> memref<64xf32, #tpu.memory_space<vmem>>
    %dma_start3A_645 = arith.constant 0 : i32
    %dma_start3A_646 = tpu.memref_slice %arg5[%reduce_sum3A_634, %dma_start3A_645] : memref<1000000x64xf32, #tpu.memory_space<hbm>> -> memref<1x64xf32, #tpu.memory_space<hbm>>
    %dma_start3A_647 = tpu.memref_squeeze %dma_start3A_646 : memref<1x64xf32, #tpu.memory_space<hbm>> -> memref<64xf32, #tpu.memory_space<hbm>>
    tpu.enqueue_dma source(%dma_start3A_647 : memref<64xf32, #tpu.memory_space<hbm>>) target(%dma_start3A_644 : memref<64xf32, #tpu.memory_space<vmem>>) target_semaphore(%arg13 : memref<!tpu.dma_semaphore, #tpu.memory_space<semaphore_mem>>)
    %eq3A_648 = arith.constant 12 : i32
    %eq3A_649 = vector.broadcast %eq3A_648 : i32 to vector<16xi32>
    %eq3A_650 = arith.cmpi eq, %iota3A, %eq3A_649 : vector<16xi32>
    %jit3A_651 = arith.constant 0 : i32
    %broadcast_in_dim3A_652 = vector.broadcast %jit3A_651 : i32 to vector<16xi32>
    %select_n3A_653 = arith.select %eq3A_650, %get3A_371, %broadcast_in_dim3A_652 : vector<16xi1>, vector<16xi32>
    %reduce_sum3A_654 = arith.constant true
    %reduce_sum3A_655 = vector.broadcast %reduce_sum3A_654 : i1 to vector<16xi1>
    %reduce_sum3A_656 = tpu.scan <sum>, %select_n3A_653 masked %reduce_sum3A_655 : vector<16xi32>, vector<16xi1> -> vector<16xi32>
    %reduce_sum3A_657 = vector.extract %reduce_sum3A_656[15] : i32 from vector<16xi32>
    %dma_start3A_658 = arith.constant 12 : i32
    %dma_start3A_659 = arith.constant 0 : i32
    %dma_start3A_660 = tpu.memref_slice %arg9[%dma_start3A_658, %dma_start3A_659] : memref<512x64xf32, #tpu.memory_space<vmem>> -> memref<1x64xf32, #tpu.memory_space<vmem>>
    %dma_start3A_661 = tpu.memref_squeeze %dma_start3A_660 : memref<1x64xf32, #tpu.memory_space<vmem>> -> memref<64xf32, #tpu.memory_space<vmem>>
    %dma_start3A_662 = arith.constant 0 : i32
    %dma_start3A_663 = tpu.memref_slice %arg5[%reduce_sum3A_657, %dma_start3A_662] : memref<1000000x64xf32, #tpu.memory_space<hbm>> -> memref<1x64xf32, #tpu.memory_space<hbm>>
    %dma_start3A_664 = tpu.memref_squeeze %dma_start3A_663 : memref<1x64xf32, #tpu.memory_space<hbm>> -> memref<64xf32, #tpu.memory_space<hbm>>
    %dma_start3A_665 = arith.constant 0 : i32
    %dma_start3A_666 = tpu.memref_slice %arg9[%dma_start3A_658, %dma_start3A_665] : memref<512x64xf32, #tpu.memory_space<vmem>> -> memref<1x64xf32, #tpu.memory_space<vmem>>
    %dma_start3A_667 = tpu.memref_squeeze %dma_start3A_666 : memref<1x64xf32, #tpu.memory_space<vmem>> -> memref<64xf32, #tpu.memory_space<vmem>>
    %dma_start3A_668 = arith.constant 0 : i32
    %dma_start3A_669 = tpu.memref_slice %arg5[%reduce_sum3A_657, %dma_start3A_668] : memref<1000000x64xf32, #tpu.memory_space<hbm>> -> memref<1x64xf32, #tpu.memory_space<hbm>>
    %dma_start3A_670 = tpu.memref_squeeze %dma_start3A_669 : memref<1x64xf32, #tpu.memory_space<hbm>> -> memref<64xf32, #tpu.memory_space<hbm>>
    tpu.enqueue_dma source(%dma_start3A_670 : memref<64xf32, #tpu.memory_space<hbm>>) target(%dma_start3A_667 : memref<64xf32, #tpu.memory_space<vmem>>) target_semaphore(%arg14 : memref<!tpu.dma_semaphore, #tpu.memory_space<semaphore_mem>>)
    %eq3A_671 = arith.constant 13 : i32
    %eq3A_672 = vector.broadcast %eq3A_671 : i32 to vector<16xi32>
    %eq3A_673 = arith.cmpi eq, %iota3A, %eq3A_672 : vector<16xi32>
    %jit3A_674 = arith.constant 0 : i32
    %broadcast_in_dim3A_675 = vector.broadcast %jit3A_674 : i32 to vector<16xi32>
    %select_n3A_676 = arith.select %eq3A_673, %get3A_371, %broadcast_in_dim3A_675 : vector<16xi1>, vector<16xi32>
    %reduce_sum3A_677 = arith.constant true
    %reduce_sum3A_678 = vector.broadcast %reduce_sum3A_677 : i1 to vector<16xi1>
    %reduce_sum3A_679 = tpu.scan <sum>, %select_n3A_676 masked %reduce_sum3A_678 : vector<16xi32>, vector<16xi1> -> vector<16xi32>
    %reduce_sum3A_680 = vector.extract %reduce_sum3A_679[15] : i32 from vector<16xi32>
    %dma_start3A_681 = arith.constant 13 : i32
    %dma_start3A_682 = arith.constant 0 : i32
    %dma_start3A_683 = tpu.memref_slice %arg9[%dma_start3A_681, %dma_start3A_682] : memref<512x64xf32, #tpu.memory_space<vmem>> -> memref<1x64xf32, #tpu.memory_space<vmem>>
    %dma_start3A_684 = tpu.memref_squeeze %dma_start3A_683 : memref<1x64xf32, #tpu.memory_space<vmem>> -> memref<64xf32, #tpu.memory_space<vmem>>
    %dma_start3A_685 = arith.constant 0 : i32
    %dma_start3A_686 = tpu.memref_slice %arg5[%reduce_sum3A_680, %dma_start3A_685] : memref<1000000x64xf32, #tpu.memory_space<hbm>> -> memref<1x64xf32, #tpu.memory_space<hbm>>
    %dma_start3A_687 = tpu.memref_squeeze %dma_start3A_686 : memref<1x64xf32, #tpu.memory_space<hbm>> -> memref<64xf32, #tpu.memory_space<hbm>>
    %dma_start3A_688 = arith.constant 0 : i32
    %dma_start3A_689 = tpu.memref_slice %arg9[%dma_start3A_681, %dma_start3A_688] : memref<512x64xf32, #tpu.memory_space<vmem>> -> memref<1x64xf32, #tpu.memory_space<vmem>>
    %dma_start3A_690 = tpu.memref_squeeze %dma_start3A_689 : memref<1x64xf32, #tpu.memory_space<vmem>> -> memref<64xf32, #tpu.memory_space<vmem>>
    %dma_start3A_691 = arith.constant 0 : i32
    %dma_start3A_692 = tpu.memref_slice %arg5[%reduce_sum3A_680, %dma_start3A_691] : memref<1000000x64xf32, #tpu.memory_space<hbm>> -> memref<1x64xf32, #tpu.memory_space<hbm>>
    %dma_start3A_693 = tpu.memref_squeeze %dma_start3A_692 : memref<1x64xf32, #tpu.memory_space<hbm>> -> memref<64xf32, #tpu.memory_space<hbm>>
    tpu.enqueue_dma source(%dma_start3A_693 : memref<64xf32, #tpu.memory_space<hbm>>) target(%dma_start3A_690 : memref<64xf32, #tpu.memory_space<vmem>>) target_semaphore(%arg15 : memref<!tpu.dma_semaphore, #tpu.memory_space<semaphore_mem>>)
    %eq3A_694 = arith.constant 14 : i32
    %eq3A_695 = vector.broadcast %eq3A_694 : i32 to vector<16xi32>
    %eq3A_696 = arith.cmpi eq, %iota3A, %eq3A_695 : vector<16xi32>
    %jit3A_697 = arith.constant 0 : i32
    %broadcast_in_dim3A_698 = vector.broadcast %jit3A_697 : i32 to vector<16xi32>
    %select_n3A_699 = arith.select %eq3A_696, %get3A_371, %broadcast_in_dim3A_698 : vector<16xi1>, vector<16xi32>
    %reduce_sum3A_700 = arith.constant true
    %reduce_sum3A_701 = vector.broadcast %reduce_sum3A_700 : i1 to vector<16xi1>
    %reduce_sum3A_702 = tpu.scan <sum>, %select_n3A_699 masked %reduce_sum3A_701 : vector<16xi32>, vector<16xi1> -> vector<16xi32>
    %reduce_sum3A_703 = vector.extract %reduce_sum3A_702[15] : i32 from vector<16xi32>
    %dma_start3A_704 = arith.constant 14 : i32
    %dma_start3A_705 = arith.constant 0 : i32
    %dma_start3A_706 = tpu.memref_slice %arg9[%dma_start3A_704, %dma_start3A_705] : memref<512x64xf32, #tpu.memory_space<vmem>> -> memref<1x64xf32, #tpu.memory_space<vmem>>
    %dma_start3A_707 = tpu.memref_squeeze %dma_start3A_706 : memref<1x64xf32, #tpu.memory_space<vmem>> -> memref<64xf32, #tpu.memory_space<vmem>>
    %dma_start3A_708 = arith.constant 0 : i32
    %dma_start3A_709 = tpu.memref_slice %arg5[%reduce_sum3A_703, %dma_start3A_708] : memref<1000000x64xf32, #tpu.memory_space<hbm>> -> memref<1x64xf32, #tpu.memory_space<hbm>>
    %dma_start3A_710 = tpu.memref_squeeze %dma_start3A_709 : memref<1x64xf32, #tpu.memory_space<hbm>> -> memref<64xf32, #tpu.memory_space<hbm>>
    %dma_start3A_711 = arith.constant 0 : i32
    %dma_start3A_712 = tpu.memref_slice %arg9[%dma_start3A_704, %dma_start3A_711] : memref<512x64xf32, #tpu.memory_space<vmem>> -> memref<1x64xf32, #tpu.memory_space<vmem>>
    %dma_start3A_713 = tpu.memref_squeeze %dma_start3A_712 : memref<1x64xf32, #tpu.memory_space<vmem>> -> memref<64xf32, #tpu.memory_space<vmem>>
    %dma_start3A_714 = arith.constant 0 : i32
    %dma_start3A_715 = tpu.memref_slice %arg5[%reduce_sum3A_703, %dma_start3A_714] : memref<1000000x64xf32, #tpu.memory_space<hbm>> -> memref<1x64xf32, #tpu.memory_space<hbm>>
    %dma_start3A_716 = tpu.memref_squeeze %dma_start3A_715 : memref<1x64xf32, #tpu.memory_space<hbm>> -> memref<64xf32, #tpu.memory_space<hbm>>
    tpu.enqueue_dma source(%dma_start3A_716 : memref<64xf32, #tpu.memory_space<hbm>>) target(%dma_start3A_713 : memref<64xf32, #tpu.memory_space<vmem>>) target_semaphore(%arg16 : memref<!tpu.dma_semaphore, #tpu.memory_space<semaphore_mem>>)
    %eq3A_717 = arith.constant 15 : i32
    %eq3A_718 = vector.broadcast %eq3A_717 : i32 to vector<16xi32>
    %eq3A_719 = arith.cmpi eq, %iota3A, %eq3A_718 : vector<16xi32>
    %jit3A_720 = arith.constant 0 : i32
    %broadcast_in_dim3A_721 = vector.broadcast %jit3A_720 : i32 to vector<16xi32>
    %select_n3A_722 = arith.select %eq3A_719, %get3A_371, %broadcast_in_dim3A_721 : vector<16xi1>, vector<16xi32>
    %reduce_sum3A_723 = arith.constant true
    %reduce_sum3A_724 = vector.broadcast %reduce_sum3A_723 : i1 to vector<16xi1>
    %reduce_sum3A_725 = tpu.scan <sum>, %select_n3A_722 masked %reduce_sum3A_724 : vector<16xi32>, vector<16xi1> -> vector<16xi32>
    %reduce_sum3A_726 = vector.extract %reduce_sum3A_725[15] : i32 from vector<16xi32>
    %dma_start3A_727 = arith.constant 15 : i32
    %dma_start3A_728 = arith.constant 0 : i32
    %dma_start3A_729 = tpu.memref_slice %arg9[%dma_start3A_727, %dma_start3A_728] : memref<512x64xf32, #tpu.memory_space<vmem>> -> memref<1x64xf32, #tpu.memory_space<vmem>>
    %dma_start3A_730 = tpu.memref_squeeze %dma_start3A_729 : memref<1x64xf32, #tpu.memory_space<vmem>> -> memref<64xf32, #tpu.memory_space<vmem>>
    %dma_start3A_731 = arith.constant 0 : i32
    %dma_start3A_732 = tpu.memref_slice %arg5[%reduce_sum3A_726, %dma_start3A_731] : memref<1000000x64xf32, #tpu.memory_space<hbm>> -> memref<1x64xf32, #tpu.memory_space<hbm>>
    %dma_start3A_733 = tpu.memref_squeeze %dma_start3A_732 : memref<1x64xf32, #tpu.memory_space<hbm>> -> memref<64xf32, #tpu.memory_space<hbm>>
    %dma_start3A_734 = arith.constant 0 : i32
    %dma_start3A_735 = tpu.memref_slice %arg9[%dma_start3A_727, %dma_start3A_734] : memref<512x64xf32, #tpu.memory_space<vmem>> -> memref<1x64xf32, #tpu.memory_space<vmem>>
    %dma_start3A_736 = tpu.memref_squeeze %dma_start3A_735 : memref<1x64xf32, #tpu.memory_space<vmem>> -> memref<64xf32, #tpu.memory_space<vmem>>
    %dma_start3A_737 = arith.constant 0 : i32
    %dma_start3A_738 = tpu.memref_slice %arg5[%reduce_sum3A_726, %dma_start3A_737] : memref<1000000x64xf32, #tpu.memory_space<hbm>> -> memref<1x64xf32, #tpu.memory_space<hbm>>
    %dma_start3A_739 = tpu.memref_squeeze %dma_start3A_738 : memref<1x64xf32, #tpu.memory_space<hbm>> -> memref<64xf32, #tpu.memory_space<hbm>>
    tpu.enqueue_dma source(%dma_start3A_739 : memref<64xf32, #tpu.memory_space<hbm>>) target(%dma_start3A_736 : memref<64xf32, #tpu.memory_space<vmem>>) target_semaphore(%arg17 : memref<!tpu.dma_semaphore, #tpu.memory_space<semaphore_mem>>)
    %scan3A_740 = arith.constant 0 : i32
    %scan3A_741 = arith.constant 32 : i32
    %scan3A_742 = arith.addi %scan3A_740, %scan3A_741 : i32
    %scan3A_743 = arith.constant 1 : i32
    scf.for %scan3A_745 = %scan3A_740 to %scan3A_742 step %scan3A_743  : i32 {
      %mul3A_746 = arith.constant 1 : i32
      %mul3A_747 = arith.muli %scan3A_745, %mul3A_746 : i32
      %add3A_748 = arith.constant 0 : i32
      %add3A_749 = arith.addi %add3A_748, %mul3A_747 : i32
      %add3A_750 = arith.constant 1 : i32
      %add3A_751 = arith.addi %add3A_749, %add3A_750 : i32
      %lt3A = arith.constant 32 : i32
      %lt3A_752 = arith.cmpi slt, %add3A_751, %lt3A : i32
      %convert_element_type3A = arith.extui %lt3A_752 : i1 to i32
      %cond3A = arith.constant 0 : i32
      %cond3A_753 = arith.cmpi ne, %convert_element_type3A, %cond3A : i32
      scf.if %cond3A_753 {
        %add3A_865 = arith.constant 1 : i32
        %add3A_866 = arith.addi %add3A_749, %add3A_865 : i32
        %mul3A_867 = arith.constant 16 : i32
        %mul3A_868 = arith.muli %add3A_866, %mul3A_867 : i32
        %get3A_869 = arith.index_cast %mul3A_868 : i32 to index
        %get3A_870 = tpu.vector_load %arg8[%get3A_869] {strides = array<i32>} : memref<512xi32, #tpu.memory_space<vmem>>, vector<16xi32>,
        %eq3A_871 = arith.constant 0 : i32
        %eq3A_872 = vector.broadcast %eq3A_871 : i32 to vector<16xi32>
        %eq3A_873 = arith.cmpi eq, %iota3A, %eq3A_872 : vector<16xi32>
        %jit3A_874 = arith.constant 0 : i32
        %broadcast_in_dim3A_875 = vector.broadcast %jit3A_874 : i32 to vector<16xi32>
        %select_n3A_876 = arith.select %eq3A_873, %get3A_870, %broadcast_in_dim3A_875 : vector<16xi1>, vector<16xi32>
        %reduce_sum3A_877 = arith.constant true
        %reduce_sum3A_878 = vector.broadcast %reduce_sum3A_877 : i1 to vector<16xi1>
        %reduce_sum3A_879 = tpu.scan <sum>, %select_n3A_876 masked %reduce_sum3A_878 : vector<16xi32>, vector<16xi1> -> vector<16xi32>
        %reduce_sum3A_880 = vector.extract %reduce_sum3A_879[15] : i32 from vector<16xi32>
        %mul3A_881 = arith.constant 16 : i32
        %mul3A_882 = arith.muli %add3A_866, %mul3A_881 : i32
        %add3A_883 = arith.constant 0 : i32
        %add3A_884 = arith.addi %mul3A_882, %add3A_883 : i32
        %dma_start3A_885 = arith.constant 0 : i32
        %dma_start3A_886 = tpu.memref_slice %arg9[%add3A_884, %dma_start3A_885] : memref<512x64xf32, #tpu.memory_space<vmem>> -> memref<1x64xf32, #tpu.memory_space<vmem>>
        %dma_start3A_887 = tpu.memref_squeeze %dma_start3A_886 : memref<1x64xf32, #tpu.memory_space<vmem>> -> memref<64xf32, #tpu.memory_space<vmem>>
        %dma_start3A_888 = arith.constant 0 : i32
        %dma_start3A_889 = tpu.memref_slice %arg5[%reduce_sum3A_880, %dma_start3A_888] : memref<1000000x64xf32, #tpu.memory_space<hbm>> -> memref<1x64xf32, #tpu.memory_space<hbm>>
        %dma_start3A_890 = tpu.memref_squeeze %dma_start3A_889 : memref<1x64xf32, #tpu.memory_space<hbm>> -> memref<64xf32, #tpu.memory_space<hbm>>
        %dma_start3A_891 = arith.constant 0 : i32
        %dma_start3A_892 = tpu.memref_slice %arg9[%add3A_884, %dma_start3A_891] : memref<512x64xf32, #tpu.memory_space<vmem>> -> memref<1x64xf32, #tpu.memory_space<vmem>>
        %dma_start3A_893 = tpu.memref_squeeze %dma_start3A_892 : memref<1x64xf32, #tpu.memory_space<vmem>> -> memref<64xf32, #tpu.memory_space<vmem>>
        %dma_start3A_894 = arith.constant 0 : i32
        %dma_start3A_895 = tpu.memref_slice %arg5[%reduce_sum3A_880, %dma_start3A_894] : memref<1000000x64xf32, #tpu.memory_space<hbm>> -> memref<1x64xf32, #tpu.memory_space<hbm>>
        %dma_start3A_896 = tpu.memref_squeeze %dma_start3A_895 : memref<1x64xf32, #tpu.memory_space<hbm>> -> memref<64xf32, #tpu.memory_space<hbm>>
        tpu.enqueue_dma source(%dma_start3A_896 : memref<64xf32, #tpu.memory_space<hbm>>) target(%dma_start3A_893 : memref<64xf32, #tpu.memory_space<vmem>>) target_semaphore(%arg10 : memref<!tpu.dma_semaphore, #tpu.memory_space<semaphore_mem>>)
        %eq3A_897 = arith.constant 1 : i32
        %eq3A_898 = vector.broadcast %eq3A_897 : i32 to vector<16xi32>
        %eq3A_899 = arith.cmpi eq, %iota3A, %eq3A_898 : vector<16xi32>
        %jit3A_900 = arith.constant 0 : i32
        %broadcast_in_dim3A_901 = vector.broadcast %jit3A_900 : i32 to vector<16xi32>
        %select_n3A_902 = arith.select %eq3A_899, %get3A_870, %broadcast_in_dim3A_901 : vector<16xi1>, vector<16xi32>
        %reduce_sum3A_903 = arith.constant true
        %reduce_sum3A_904 = vector.broadcast %reduce_sum3A_903 : i1 to vector<16xi1>
        %reduce_sum3A_905 = tpu.scan <sum>, %select_n3A_902 masked %reduce_sum3A_904 : vector<16xi32>, vector<16xi1> -> vector<16xi32>
        %reduce_sum3A_906 = vector.extract %reduce_sum3A_905[15] : i32 from vector<16xi32>
        %mul3A_907 = arith.constant 16 : i32
        %mul3A_908 = arith.muli %add3A_866, %mul3A_907 : i32
        %add3A_909 = arith.constant 1 : i32
        %add3A_910 = arith.addi %mul3A_908, %add3A_909 : i32
        %dma_start3A_911 = arith.constant 0 : i32
        %dma_start3A_912 = tpu.memref_slice %arg9[%add3A_910, %dma_start3A_911] : memref<512x64xf32, #tpu.memory_space<vmem>> -> memref<1x64xf32, #tpu.memory_space<vmem>>
        %dma_start3A_913 = tpu.memref_squeeze %dma_start3A_912 : memref<1x64xf32, #tpu.memory_space<vmem>> -> memref<64xf32, #tpu.memory_space<vmem>>
        %dma_start3A_914 = arith.constant 0 : i32
        %dma_start3A_915 = tpu.memref_slice %arg5[%reduce_sum3A_906, %dma_start3A_914] : memref<1000000x64xf32, #tpu.memory_space<hbm>> -> memref<1x64xf32, #tpu.memory_space<hbm>>
        %dma_start3A_916 = tpu.memref_squeeze %dma_start3A_915 : memref<1x64xf32, #tpu.memory_space<hbm>> -> memref<64xf32, #tpu.memory_space<hbm>>
        %dma_start3A_917 = arith.constant 0 : i32
        %dma_start3A_918 = tpu.memref_slice %arg9[%add3A_910, %dma_start3A_917] : memref<512x64xf32, #tpu.memory_space<vmem>> -> memref<1x64xf32, #tpu.memory_space<vmem>>
        %dma_start3A_919 = tpu.memref_squeeze %dma_start3A_918 : memref<1x64xf32, #tpu.memory_space<vmem>> -> memref<64xf32, #tpu.memory_space<vmem>>
        %dma_start3A_920 = arith.constant 0 : i32
        %dma_start3A_921 = tpu.memref_slice %arg5[%reduce_sum3A_906, %dma_start3A_920] : memref<1000000x64xf32, #tpu.memory_space<hbm>> -> memref<1x64xf32, #tpu.memory_space<hbm>>
        %dma_start3A_922 = tpu.memref_squeeze %dma_start3A_921 : memref<1x64xf32, #tpu.memory_space<hbm>> -> memref<64xf32, #tpu.memory_space<hbm>>
        tpu.enqueue_dma source(%dma_start3A_922 : memref<64xf32, #tpu.memory_space<hbm>>) target(%dma_start3A_919 : memref<64xf32, #tpu.memory_space<vmem>>) target_semaphore(%arg11 : memref<!tpu.dma_semaphore, #tpu.memory_space<semaphore_mem>>)
        %eq3A_923 = arith.constant 2 : i32
        %eq3A_924 = vector.broadcast %eq3A_923 : i32 to vector<16xi32>
        %eq3A_925 = arith.cmpi eq, %iota3A, %eq3A_924 : vector<16xi32>
        %jit3A_926 = arith.constant 0 : i32
        %broadcast_in_dim3A_927 = vector.broadcast %jit3A_926 : i32 to vector<16xi32>
        %select_n3A_928 = arith.select %eq3A_925, %get3A_870, %broadcast_in_dim3A_927 : vector<16xi1>, vector<16xi32>
        %reduce_sum3A_929 = arith.constant true
        %reduce_sum3A_930 = vector.broadcast %reduce_sum3A_929 : i1 to vector<16xi1>
        %reduce_sum3A_931 = tpu.scan <sum>, %select_n3A_928 masked %reduce_sum3A_930 : vector<16xi32>, vector<16xi1> -> vector<16xi32>
        %reduce_sum3A_932 = vector.extract %reduce_sum3A_931[15] : i32 from vector<16xi32>
        %mul3A_933 = arith.constant 16 : i32
        %mul3A_934 = arith.muli %add3A_866, %mul3A_933 : i32
        %add3A_935 = arith.constant 2 : i32
        %add3A_936 = arith.addi %mul3A_934, %add3A_935 : i32
        %dma_start3A_937 = arith.constant 0 : i32
        %dma_start3A_938 = tpu.memref_slice %arg9[%add3A_936, %dma_start3A_937] : memref<512x64xf32, #tpu.memory_space<vmem>> -> memref<1x64xf32, #tpu.memory_space<vmem>>
        %dma_start3A_939 = tpu.memref_squeeze %dma_start3A_938 : memref<1x64xf32, #tpu.memory_space<vmem>> -> memref<64xf32, #tpu.memory_space<vmem>>
        %dma_start3A_940 = arith.constant 0 : i32
        %dma_start3A_941 = tpu.memref_slice %arg5[%reduce_sum3A_932, %dma_start3A_940] : memref<1000000x64xf32, #tpu.memory_space<hbm>> -> memref<1x64xf32, #tpu.memory_space<hbm>>
        %dma_start3A_942 = tpu.memref_squeeze %dma_start3A_941 : memref<1x64xf32, #tpu.memory_space<hbm>> -> memref<64xf32, #tpu.memory_space<hbm>>
        %dma_start3A_943 = arith.constant 0 : i32
        %dma_start3A_944 = tpu.memref_slice %arg9[%add3A_936, %dma_start3A_943] : memref<512x64xf32, #tpu.memory_space<vmem>> -> memref<1x64xf32, #tpu.memory_space<vmem>>
        %dma_start3A_945 = tpu.memref_squeeze %dma_start3A_944 : memref<1x64xf32, #tpu.memory_space<vmem>> -> memref<64xf32, #tpu.memory_space<vmem>>
        %dma_start3A_946 = arith.constant 0 : i32
        %dma_start3A_947 = tpu.memref_slice %arg5[%reduce_sum3A_932, %dma_start3A_946] : memref<1000000x64xf32, #tpu.memory_space<hbm>> -> memref<1x64xf32, #tpu.memory_space<hbm>>
        %dma_start3A_948 = tpu.memref_squeeze %dma_start3A_947 : memref<1x64xf32, #tpu.memory_space<hbm>> -> memref<64xf32, #tpu.memory_space<hbm>>
        tpu.enqueue_dma source(%dma_start3A_948 : memref<64xf32, #tpu.memory_space<hbm>>) target(%dma_start3A_945 : memref<64xf32, #tpu.memory_space<vmem>>) target_semaphore(%arg12 : memref<!tpu.dma_semaphore, #tpu.memory_space<semaphore_mem>>)
        %eq3A_949 = arith.constant 3 : i32
        %eq3A_950 = vector.broadcast %eq3A_949 : i32 to vector<16xi32>
        %eq3A_951 = arith.cmpi eq, %iota3A, %eq3A_950 : vector<16xi32>
        %jit3A_952 = arith.constant 0 : i32
        %broadcast_in_dim3A_953 = vector.broadcast %jit3A_952 : i32 to vector<16xi32>
        %select_n3A_954 = arith.select %eq3A_951, %get3A_870, %broadcast_in_dim3A_953 : vector<16xi1>, vector<16xi32>
        %reduce_sum3A_955 = arith.constant true
        %reduce_sum3A_956 = vector.broadcast %reduce_sum3A_955 : i1 to vector<16xi1>
        %reduce_sum3A_957 = tpu.scan <sum>, %select_n3A_954 masked %reduce_sum3A_956 : vector<16xi32>, vector<16xi1> -> vector<16xi32>
        %reduce_sum3A_958 = vector.extract %reduce_sum3A_957[15] : i32 from vector<16xi32>
        %mul3A_959 = arith.constant 16 : i32
        %mul3A_960 = arith.muli %add3A_866, %mul3A_959 : i32
        %add3A_961 = arith.constant 3 : i32
        %add3A_962 = arith.addi %mul3A_960, %add3A_961 : i32
        %dma_start3A_963 = arith.constant 0 : i32
        %dma_start3A_964 = tpu.memref_slice %arg9[%add3A_962, %dma_start3A_963] : memref<512x64xf32, #tpu.memory_space<vmem>> -> memref<1x64xf32, #tpu.memory_space<vmem>>
        %dma_start3A_965 = tpu.memref_squeeze %dma_start3A_964 : memref<1x64xf32, #tpu.memory_space<vmem>> -> memref<64xf32, #tpu.memory_space<vmem>>
        %dma_start3A_966 = arith.constant 0 : i32
        %dma_start3A_967 = tpu.memref_slice %arg5[%reduce_sum3A_958, %dma_start3A_966] : memref<1000000x64xf32, #tpu.memory_space<hbm>> -> memref<1x64xf32, #tpu.memory_space<hbm>>
        %dma_start3A_968 = tpu.memref_squeeze %dma_start3A_967 : memref<1x64xf32, #tpu.memory_space<hbm>> -> memref<64xf32, #tpu.memory_space<hbm>>
        %dma_start3A_969 = arith.constant 0 : i32
        %dma_start3A_970 = tpu.memref_slice %arg9[%add3A_962, %dma_start3A_969] : memref<512x64xf32, #tpu.memory_space<vmem>> -> memref<1x64xf32, #tpu.memory_space<vmem>>
        %dma_start3A_971 = tpu.memref_squeeze %dma_start3A_970 : memref<1x64xf32, #tpu.memory_space<vmem>> -> memref<64xf32, #tpu.memory_space<vmem>>
        %dma_start3A_972 = arith.constant 0 : i32
        %dma_start3A_973 = tpu.memref_slice %arg5[%reduce_sum3A_958, %dma_start3A_972] : memref<1000000x64xf32, #tpu.memory_space<hbm>> -> memref<1x64xf32, #tpu.memory_space<hbm>>
        %dma_start3A_974 = tpu.memref_squeeze %dma_start3A_973 : memref<1x64xf32, #tpu.memory_space<hbm>> -> memref<64xf32, #tpu.memory_space<hbm>>
        tpu.enqueue_dma source(%dma_start3A_974 : memref<64xf32, #tpu.memory_space<hbm>>) target(%dma_start3A_971 : memref<64xf32, #tpu.memory_space<vmem>>) target_semaphore(%arg13 : memref<!tpu.dma_semaphore, #tpu.memory_space<semaphore_mem>>)
        %eq3A_975 = arith.constant 4 : i32
        %eq3A_976 = vector.broadcast %eq3A_975 : i32 to vector<16xi32>
        %eq3A_977 = arith.cmpi eq, %iota3A, %eq3A_976 : vector<16xi32>
        %jit3A_978 = arith.constant 0 : i32
        %broadcast_in_dim3A_979 = vector.broadcast %jit3A_978 : i32 to vector<16xi32>
        %select_n3A_980 = arith.select %eq3A_977, %get3A_870, %broadcast_in_dim3A_979 : vector<16xi1>, vector<16xi32>
        %reduce_sum3A_981 = arith.constant true
        %reduce_sum3A_982 = vector.broadcast %reduce_sum3A_981 : i1 to vector<16xi1>
        %reduce_sum3A_983 = tpu.scan <sum>, %select_n3A_980 masked %reduce_sum3A_982 : vector<16xi32>, vector<16xi1> -> vector<16xi32>
        %reduce_sum3A_984 = vector.extract %reduce_sum3A_983[15] : i32 from vector<16xi32>
        %mul3A_985 = arith.constant 16 : i32
        %mul3A_986 = arith.muli %add3A_866, %mul3A_985 : i32
        %add3A_987 = arith.constant 4 : i32
        %add3A_988 = arith.addi %mul3A_986, %add3A_987 : i32
        %dma_start3A_989 = arith.constant 0 : i32
        %dma_start3A_990 = tpu.memref_slice %arg9[%add3A_988, %dma_start3A_989] : memref<512x64xf32, #tpu.memory_space<vmem>> -> memref<1x64xf32, #tpu.memory_space<vmem>>
        %dma_start3A_991 = tpu.memref_squeeze %dma_start3A_990 : memref<1x64xf32, #tpu.memory_space<vmem>> -> memref<64xf32, #tpu.memory_space<vmem>>
        %dma_start3A_992 = arith.constant 0 : i32
        %dma_start3A_993 = tpu.memref_slice %arg5[%reduce_sum3A_984, %dma_start3A_992] : memref<1000000x64xf32, #tpu.memory_space<hbm>> -> memref<1x64xf32, #tpu.memory_space<hbm>>
        %dma_start3A_994 = tpu.memref_squeeze %dma_start3A_993 : memref<1x64xf32, #tpu.memory_space<hbm>> -> memref<64xf32, #tpu.memory_space<hbm>>
        %dma_start3A_995 = arith.constant 0 : i32
        %dma_start3A_996 = tpu.memref_slice %arg9[%add3A_988, %dma_start3A_995] : memref<512x64xf32, #tpu.memory_space<vmem>> -> memref<1x64xf32, #tpu.memory_space<vmem>>
        %dma_start3A_997 = tpu.memref_squeeze %dma_start3A_996 : memref<1x64xf32, #tpu.memory_space<vmem>> -> memref<64xf32, #tpu.memory_space<vmem>>
        %dma_start3A_998 = arith.constant 0 : i32
        %dma_start3A_999 = tpu.memref_slice %arg5[%reduce_sum3A_984, %dma_start3A_998] : memref<1000000x64xf32, #tpu.memory_space<hbm>> -> memref<1x64xf32, #tpu.memory_space<hbm>>
        %dma_start3A_1000 = tpu.memref_squeeze %dma_start3A_999 : memref<1x64xf32, #tpu.memory_space<hbm>> -> memref<64xf32, #tpu.memory_space<hbm>>
        tpu.enqueue_dma source(%dma_start3A_1000 : memref<64xf32, #tpu.memory_space<hbm>>) target(%dma_start3A_997 : memref<64xf32, #tpu.memory_space<vmem>>) target_semaphore(%arg14 : memref<!tpu.dma_semaphore, #tpu.memory_space<semaphore_mem>>)
        %eq3A_1001 = arith.constant 5 : i32
        %eq3A_1002 = vector.broadcast %eq3A_1001 : i32 to vector<16xi32>
        %eq3A_1003 = arith.cmpi eq, %iota3A, %eq3A_1002 : vector<16xi32>
        %jit3A_1004 = arith.constant 0 : i32
        %broadcast_in_dim3A_1005 = vector.broadcast %jit3A_1004 : i32 to vector<16xi32>
        %select_n3A_1006 = arith.select %eq3A_1003, %get3A_870, %broadcast_in_dim3A_1005 : vector<16xi1>, vector<16xi32>
        %reduce_sum3A_1007 = arith.constant true
        %reduce_sum3A_1008 = vector.broadcast %reduce_sum3A_1007 : i1 to vector<16xi1>
        %reduce_sum3A_1009 = tpu.scan <sum>, %select_n3A_1006 masked %reduce_sum3A_1008 : vector<16xi32>, vector<16xi1> -> vector<16xi32>
        %reduce_sum3A_1010 = vector.extract %reduce_sum3A_1009[15] : i32 from vector<16xi32>
        %mul3A_1011 = arith.constant 16 : i32
        %mul3A_1012 = arith.muli %add3A_866, %mul3A_1011 : i32
        %add3A_1013 = arith.constant 5 : i32
        %add3A_1014 = arith.addi %mul3A_1012, %add3A_1013 : i32
        %dma_start3A_1015 = arith.constant 0 : i32
        %dma_start3A_1016 = tpu.memref_slice %arg9[%add3A_1014, %dma_start3A_1015] : memref<512x64xf32, #tpu.memory_space<vmem>> -> memref<1x64xf32, #tpu.memory_space<vmem>>
        %dma_start3A_1017 = tpu.memref_squeeze %dma_start3A_1016 : memref<1x64xf32, #tpu.memory_space<vmem>> -> memref<64xf32, #tpu.memory_space<vmem>>
        %dma_start3A_1018 = arith.constant 0 : i32
        %dma_start3A_1019 = tpu.memref_slice %arg5[%reduce_sum3A_1010, %dma_start3A_1018] : memref<1000000x64xf32, #tpu.memory_space<hbm>> -> memref<1x64xf32, #tpu.memory_space<hbm>>
        %dma_start3A_1020 = tpu.memref_squeeze %dma_start3A_1019 : memref<1x64xf32, #tpu.memory_space<hbm>> -> memref<64xf32, #tpu.memory_space<hbm>>
        %dma_start3A_1021 = arith.constant 0 : i32
        %dma_start3A_1022 = tpu.memref_slice %arg9[%add3A_1014, %dma_start3A_1021] : memref<512x64xf32, #tpu.memory_space<vmem>> -> memref<1x64xf32, #tpu.memory_space<vmem>>
        %dma_start3A_1023 = tpu.memref_squeeze %dma_start3A_1022 : memref<1x64xf32, #tpu.memory_space<vmem>> -> memref<64xf32, #tpu.memory_space<vmem>>
        %dma_start3A_1024 = arith.constant 0 : i32
        %dma_start3A_1025 = tpu.memref_slice %arg5[%reduce_sum3A_1010, %dma_start3A_1024] : memref<1000000x64xf32, #tpu.memory_space<hbm>> -> memref<1x64xf32, #tpu.memory_space<hbm>>
        %dma_start3A_1026 = tpu.memref_squeeze %dma_start3A_1025 : memref<1x64xf32, #tpu.memory_space<hbm>> -> memref<64xf32, #tpu.memory_space<hbm>>
        tpu.enqueue_dma source(%dma_start3A_1026 : memref<64xf32, #tpu.memory_space<hbm>>) target(%dma_start3A_1023 : memref<64xf32, #tpu.memory_space<vmem>>) target_semaphore(%arg15 : memref<!tpu.dma_semaphore, #tpu.memory_space<semaphore_mem>>)
        %eq3A_1027 = arith.constant 6 : i32
        %eq3A_1028 = vector.broadcast %eq3A_1027 : i32 to vector<16xi32>
        %eq3A_1029 = arith.cmpi eq, %iota3A, %eq3A_1028 : vector<16xi32>
        %jit3A_1030 = arith.constant 0 : i32
        %broadcast_in_dim3A_1031 = vector.broadcast %jit3A_1030 : i32 to vector<16xi32>
        %select_n3A_1032 = arith.select %eq3A_1029, %get3A_870, %broadcast_in_dim3A_1031 : vector<16xi1>, vector<16xi32>
        %reduce_sum3A_1033 = arith.constant true
        %reduce_sum3A_1034 = vector.broadcast %reduce_sum3A_1033 : i1 to vector<16xi1>
        %reduce_sum3A_1035 = tpu.scan <sum>, %select_n3A_1032 masked %reduce_sum3A_1034 : vector<16xi32>, vector<16xi1> -> vector<16xi32>
        %reduce_sum3A_1036 = vector.extract %reduce_sum3A_1035[15] : i32 from vector<16xi32>
        %mul3A_1037 = arith.constant 16 : i32
        %mul3A_1038 = arith.muli %add3A_866, %mul3A_1037 : i32
        %add3A_1039 = arith.constant 6 : i32
        %add3A_1040 = arith.addi %mul3A_1038, %add3A_1039 : i32
        %dma_start3A_1041 = arith.constant 0 : i32
        %dma_start3A_1042 = tpu.memref_slice %arg9[%add3A_1040, %dma_start3A_1041] : memref<512x64xf32, #tpu.memory_space<vmem>> -> memref<1x64xf32, #tpu.memory_space<vmem>>
        %dma_start3A_1043 = tpu.memref_squeeze %dma_start3A_1042 : memref<1x64xf32, #tpu.memory_space<vmem>> -> memref<64xf32, #tpu.memory_space<vmem>>
        %dma_start3A_1044 = arith.constant 0 : i32
        %dma_start3A_1045 = tpu.memref_slice %arg5[%reduce_sum3A_1036, %dma_start3A_1044] : memref<1000000x64xf32, #tpu.memory_space<hbm>> -> memref<1x64xf32, #tpu.memory_space<hbm>>
        %dma_start3A_1046 = tpu.memref_squeeze %dma_start3A_1045 : memref<1x64xf32, #tpu.memory_space<hbm>> -> memref<64xf32, #tpu.memory_space<hbm>>
        %dma_start3A_1047 = arith.constant 0 : i32
        %dma_start3A_1048 = tpu.memref_slice %arg9[%add3A_1040, %dma_start3A_1047] : memref<512x64xf32, #tpu.memory_space<vmem>> -> memref<1x64xf32, #tpu.memory_space<vmem>>
        %dma_start3A_1049 = tpu.memref_squeeze %dma_start3A_1048 : memref<1x64xf32, #tpu.memory_space<vmem>> -> memref<64xf32, #tpu.memory_space<vmem>>
        %dma_start3A_1050 = arith.constant 0 : i32
        %dma_start3A_1051 = tpu.memref_slice %arg5[%reduce_sum3A_1036, %dma_start3A_1050] : memref<1000000x64xf32, #tpu.memory_space<hbm>> -> memref<1x64xf32, #tpu.memory_space<hbm>>
        %dma_start3A_1052 = tpu.memref_squeeze %dma_start3A_1051 : memref<1x64xf32, #tpu.memory_space<hbm>> -> memref<64xf32, #tpu.memory_space<hbm>>
        tpu.enqueue_dma source(%dma_start3A_1052 : memref<64xf32, #tpu.memory_space<hbm>>) target(%dma_start3A_1049 : memref<64xf32, #tpu.memory_space<vmem>>) target_semaphore(%arg16 : memref<!tpu.dma_semaphore, #tpu.memory_space<semaphore_mem>>)
        %eq3A_1053 = arith.constant 7 : i32
        %eq3A_1054 = vector.broadcast %eq3A_1053 : i32 to vector<16xi32>
        %eq3A_1055 = arith.cmpi eq, %iota3A, %eq3A_1054 : vector<16xi32>
        %jit3A_1056 = arith.constant 0 : i32
        %broadcast_in_dim3A_1057 = vector.broadcast %jit3A_1056 : i32 to vector<16xi32>
        %select_n3A_1058 = arith.select %eq3A_1055, %get3A_870, %broadcast_in_dim3A_1057 : vector<16xi1>, vector<16xi32>
        %reduce_sum3A_1059 = arith.constant true
        %reduce_sum3A_1060 = vector.broadcast %reduce_sum3A_1059 : i1 to vector<16xi1>
        %reduce_sum3A_1061 = tpu.scan <sum>, %select_n3A_1058 masked %reduce_sum3A_1060 : vector<16xi32>, vector<16xi1> -> vector<16xi32>
        %reduce_sum3A_1062 = vector.extract %reduce_sum3A_1061[15] : i32 from vector<16xi32>
        %mul3A_1063 = arith.constant 16 : i32
        %mul3A_1064 = arith.muli %add3A_866, %mul3A_1063 : i32
        %add3A_1065 = arith.constant 7 : i32
        %add3A_1066 = arith.addi %mul3A_1064, %add3A_1065 : i32
        %dma_start3A_1067 = arith.constant 0 : i32
        %dma_start3A_1068 = tpu.memref_slice %arg9[%add3A_1066, %dma_start3A_1067] : memref<512x64xf32, #tpu.memory_space<vmem>> -> memref<1x64xf32, #tpu.memory_space<vmem>>
        %dma_start3A_1069 = tpu.memref_squeeze %dma_start3A_1068 : memref<1x64xf32, #tpu.memory_space<vmem>> -> memref<64xf32, #tpu.memory_space<vmem>>
        %dma_start3A_1070 = arith.constant 0 : i32
        %dma_start3A_1071 = tpu.memref_slice %arg5[%reduce_sum3A_1062, %dma_start3A_1070] : memref<1000000x64xf32, #tpu.memory_space<hbm>> -> memref<1x64xf32, #tpu.memory_space<hbm>>
        %dma_start3A_1072 = tpu.memref_squeeze %dma_start3A_1071 : memref<1x64xf32, #tpu.memory_space<hbm>> -> memref<64xf32, #tpu.memory_space<hbm>>
        %dma_start3A_1073 = arith.constant 0 : i32
        %dma_start3A_1074 = tpu.memref_slice %arg9[%add3A_1066, %dma_start3A_1073] : memref<512x64xf32, #tpu.memory_space<vmem>> -> memref<1x64xf32, #tpu.memory_space<vmem>>
        %dma_start3A_1075 = tpu.memref_squeeze %dma_start3A_1074 : memref<1x64xf32, #tpu.memory_space<vmem>> -> memref<64xf32, #tpu.memory_space<vmem>>
        %dma_start3A_1076 = arith.constant 0 : i32
        %dma_start3A_1077 = tpu.memref_slice %arg5[%reduce_sum3A_1062, %dma_start3A_1076] : memref<1000000x64xf32, #tpu.memory_space<hbm>> -> memref<1x64xf32, #tpu.memory_space<hbm>>
        %dma_start3A_1078 = tpu.memref_squeeze %dma_start3A_1077 : memref<1x64xf32, #tpu.memory_space<hbm>> -> memref<64xf32, #tpu.memory_space<hbm>>
        tpu.enqueue_dma source(%dma_start3A_1078 : memref<64xf32, #tpu.memory_space<hbm>>) target(%dma_start3A_1075 : memref<64xf32, #tpu.memory_space<vmem>>) target_semaphore(%arg17 : memref<!tpu.dma_semaphore, #tpu.memory_space<semaphore_mem>>)
        %eq3A_1079 = arith.constant 8 : i32
        %eq3A_1080 = vector.broadcast %eq3A_1079 : i32 to vector<16xi32>
        %eq3A_1081 = arith.cmpi eq, %iota3A, %eq3A_1080 : vector<16xi32>
        %jit3A_1082 = arith.constant 0 : i32
        %broadcast_in_dim3A_1083 = vector.broadcast %jit3A_1082 : i32 to vector<16xi32>
        %select_n3A_1084 = arith.select %eq3A_1081, %get3A_870, %broadcast_in_dim3A_1083 : vector<16xi1>, vector<16xi32>
        %reduce_sum3A_1085 = arith.constant true
        %reduce_sum3A_1086 = vector.broadcast %reduce_sum3A_1085 : i1 to vector<16xi1>
        %reduce_sum3A_1087 = tpu.scan <sum>, %select_n3A_1084 masked %reduce_sum3A_1086 : vector<16xi32>, vector<16xi1> -> vector<16xi32>
        %reduce_sum3A_1088 = vector.extract %reduce_sum3A_1087[15] : i32 from vector<16xi32>
        %mul3A_1089 = arith.constant 16 : i32
        %mul3A_1090 = arith.muli %add3A_866, %mul3A_1089 : i32
        %add3A_1091 = arith.constant 8 : i32
        %add3A_1092 = arith.addi %mul3A_1090, %add3A_1091 : i32
        %dma_start3A_1093 = arith.constant 0 : i32
        %dma_start3A_1094 = tpu.memref_slice %arg9[%add3A_1092, %dma_start3A_1093] : memref<512x64xf32, #tpu.memory_space<vmem>> -> memref<1x64xf32, #tpu.memory_space<vmem>>
        %dma_start3A_1095 = tpu.memref_squeeze %dma_start3A_1094 : memref<1x64xf32, #tpu.memory_space<vmem>> -> memref<64xf32, #tpu.memory_space<vmem>>
        %dma_start3A_1096 = arith.constant 0 : i32
        %dma_start3A_1097 = tpu.memref_slice %arg5[%reduce_sum3A_1088, %dma_start3A_1096] : memref<1000000x64xf32, #tpu.memory_space<hbm>> -> memref<1x64xf32, #tpu.memory_space<hbm>>
        %dma_start3A_1098 = tpu.memref_squeeze %dma_start3A_1097 : memref<1x64xf32, #tpu.memory_space<hbm>> -> memref<64xf32, #tpu.memory_space<hbm>>
        %dma_start3A_1099 = arith.constant 0 : i32
        %dma_start3A_1100 = tpu.memref_slice %arg9[%add3A_1092, %dma_start3A_1099] : memref<512x64xf32, #tpu.memory_space<vmem>> -> memref<1x64xf32, #tpu.memory_space<vmem>>
        %dma_start3A_1101 = tpu.memref_squeeze %dma_start3A_1100 : memref<1x64xf32, #tpu.memory_space<vmem>> -> memref<64xf32, #tpu.memory_space<vmem>>
        %dma_start3A_1102 = arith.constant 0 : i32
        %dma_start3A_1103 = tpu.memref_slice %arg5[%reduce_sum3A_1088, %dma_start3A_1102] : memref<1000000x64xf32, #tpu.memory_space<hbm>> -> memref<1x64xf32, #tpu.memory_space<hbm>>
        %dma_start3A_1104 = tpu.memref_squeeze %dma_start3A_1103 : memref<1x64xf32, #tpu.memory_space<hbm>> -> memref<64xf32, #tpu.memory_space<hbm>>
        tpu.enqueue_dma source(%dma_start3A_1104 : memref<64xf32, #tpu.memory_space<hbm>>) target(%dma_start3A_1101 : memref<64xf32, #tpu.memory_space<vmem>>) target_semaphore(%arg10 : memref<!tpu.dma_semaphore, #tpu.memory_space<semaphore_mem>>)
        %eq3A_1105 = arith.constant 9 : i32
        %eq3A_1106 = vector.broadcast %eq3A_1105 : i32 to vector<16xi32>
        %eq3A_1107 = arith.cmpi eq, %iota3A, %eq3A_1106 : vector<16xi32>
        %jit3A_1108 = arith.constant 0 : i32
        %broadcast_in_dim3A_1109 = vector.broadcast %jit3A_1108 : i32 to vector<16xi32>
        %select_n3A_1110 = arith.select %eq3A_1107, %get3A_870, %broadcast_in_dim3A_1109 : vector<16xi1>, vector<16xi32>
        %reduce_sum3A_1111 = arith.constant true
        %reduce_sum3A_1112 = vector.broadcast %reduce_sum3A_1111 : i1 to vector<16xi1>
        %reduce_sum3A_1113 = tpu.scan <sum>, %select_n3A_1110 masked %reduce_sum3A_1112 : vector<16xi32>, vector<16xi1> -> vector<16xi32>
        %reduce_sum3A_1114 = vector.extract %reduce_sum3A_1113[15] : i32 from vector<16xi32>
        %mul3A_1115 = arith.constant 16 : i32
        %mul3A_1116 = arith.muli %add3A_866, %mul3A_1115 : i32
        %add3A_1117 = arith.constant 9 : i32
        %add3A_1118 = arith.addi %mul3A_1116, %add3A_1117 : i32
        %dma_start3A_1119 = arith.constant 0 : i32
        %dma_start3A_1120 = tpu.memref_slice %arg9[%add3A_1118, %dma_start3A_1119] : memref<512x64xf32, #tpu.memory_space<vmem>> -> memref<1x64xf32, #tpu.memory_space<vmem>>
        %dma_start3A_1121 = tpu.memref_squeeze %dma_start3A_1120 : memref<1x64xf32, #tpu.memory_space<vmem>> -> memref<64xf32, #tpu.memory_space<vmem>>
        %dma_start3A_1122 = arith.constant 0 : i32
        %dma_start3A_1123 = tpu.memref_slice %arg5[%reduce_sum3A_1114, %dma_start3A_1122] : memref<1000000x64xf32, #tpu.memory_space<hbm>> -> memref<1x64xf32, #tpu.memory_space<hbm>>
        %dma_start3A_1124 = tpu.memref_squeeze %dma_start3A_1123 : memref<1x64xf32, #tpu.memory_space<hbm>> -> memref<64xf32, #tpu.memory_space<hbm>>
        %dma_start3A_1125 = arith.constant 0 : i32
        %dma_start3A_1126 = tpu.memref_slice %arg9[%add3A_1118, %dma_start3A_1125] : memref<512x64xf32, #tpu.memory_space<vmem>> -> memref<1x64xf32, #tpu.memory_space<vmem>>
        %dma_start3A_1127 = tpu.memref_squeeze %dma_start3A_1126 : memref<1x64xf32, #tpu.memory_space<vmem>> -> memref<64xf32, #tpu.memory_space<vmem>>
        %dma_start3A_1128 = arith.constant 0 : i32
        %dma_start3A_1129 = tpu.memref_slice %arg5[%reduce_sum3A_1114, %dma_start3A_1128] : memref<1000000x64xf32, #tpu.memory_space<hbm>> -> memref<1x64xf32, #tpu.memory_space<hbm>>
        %dma_start3A_1130 = tpu.memref_squeeze %dma_start3A_1129 : memref<1x64xf32, #tpu.memory_space<hbm>> -> memref<64xf32, #tpu.memory_space<hbm>>
        tpu.enqueue_dma source(%dma_start3A_1130 : memref<64xf32, #tpu.memory_space<hbm>>) target(%dma_start3A_1127 : memref<64xf32, #tpu.memory_space<vmem>>) target_semaphore(%arg11 : memref<!tpu.dma_semaphore, #tpu.memory_space<semaphore_mem>>)
        %eq3A_1131 = arith.constant 10 : i32
        %eq3A_1132 = vector.broadcast %eq3A_1131 : i32 to vector<16xi32>
        %eq3A_1133 = arith.cmpi eq, %iota3A, %eq3A_1132 : vector<16xi32>
        %jit3A_1134 = arith.constant 0 : i32
        %broadcast_in_dim3A_1135 = vector.broadcast %jit3A_1134 : i32 to vector<16xi32>
        %select_n3A_1136 = arith.select %eq3A_1133, %get3A_870, %broadcast_in_dim3A_1135 : vector<16xi1>, vector<16xi32>
        %reduce_sum3A_1137 = arith.constant true
        %reduce_sum3A_1138 = vector.broadcast %reduce_sum3A_1137 : i1 to vector<16xi1>
        %reduce_sum3A_1139 = tpu.scan <sum>, %select_n3A_1136 masked %reduce_sum3A_1138 : vector<16xi32>, vector<16xi1> -> vector<16xi32>
        %reduce_sum3A_1140 = vector.extract %reduce_sum3A_1139[15] : i32 from vector<16xi32>
        %mul3A_1141 = arith.constant 16 : i32
        %mul3A_1142 = arith.muli %add3A_866, %mul3A_1141 : i32
        %add3A_1143 = arith.constant 10 : i32
        %add3A_1144 = arith.addi %mul3A_1142, %add3A_1143 : i32
        %dma_start3A_1145 = arith.constant 0 : i32
        %dma_start3A_1146 = tpu.memref_slice %arg9[%add3A_1144, %dma_start3A_1145] : memref<512x64xf32, #tpu.memory_space<vmem>> -> memref<1x64xf32, #tpu.memory_space<vmem>>
        %dma_start3A_1147 = tpu.memref_squeeze %dma_start3A_1146 : memref<1x64xf32, #tpu.memory_space<vmem>> -> memref<64xf32, #tpu.memory_space<vmem>>
        %dma_start3A_1148 = arith.constant 0 : i32
        %dma_start3A_1149 = tpu.memref_slice %arg5[%reduce_sum3A_1140, %dma_start3A_1148] : memref<1000000x64xf32, #tpu.memory_space<hbm>> -> memref<1x64xf32, #tpu.memory_space<hbm>>
        %dma_start3A_1150 = tpu.memref_squeeze %dma_start3A_1149 : memref<1x64xf32, #tpu.memory_space<hbm>> -> memref<64xf32, #tpu.memory_space<hbm>>
        %dma_start3A_1151 = arith.constant 0 : i32
        %dma_start3A_1152 = tpu.memref_slice %arg9[%add3A_1144, %dma_start3A_1151] : memref<512x64xf32, #tpu.memory_space<vmem>> -> memref<1x64xf32, #tpu.memory_space<vmem>>
        %dma_start3A_1153 = tpu.memref_squeeze %dma_start3A_1152 : memref<1x64xf32, #tpu.memory_space<vmem>> -> memref<64xf32, #tpu.memory_space<vmem>>
        %dma_start3A_1154 = arith.constant 0 : i32
        %dma_start3A_1155 = tpu.memref_slice %arg5[%reduce_sum3A_1140, %dma_start3A_1154] : memref<1000000x64xf32, #tpu.memory_space<hbm>> -> memref<1x64xf32, #tpu.memory_space<hbm>>
        %dma_start3A_1156 = tpu.memref_squeeze %dma_start3A_1155 : memref<1x64xf32, #tpu.memory_space<hbm>> -> memref<64xf32, #tpu.memory_space<hbm>>
        tpu.enqueue_dma source(%dma_start3A_1156 : memref<64xf32, #tpu.memory_space<hbm>>) target(%dma_start3A_1153 : memref<64xf32, #tpu.memory_space<vmem>>) target_semaphore(%arg12 : memref<!tpu.dma_semaphore, #tpu.memory_space<semaphore_mem>>)
        %eq3A_1157 = arith.constant 11 : i32
        %eq3A_1158 = vector.broadcast %eq3A_1157 : i32 to vector<16xi32>
        %eq3A_1159 = arith.cmpi eq, %iota3A, %eq3A_1158 : vector<16xi32>
        %jit3A_1160 = arith.constant 0 : i32
        %broadcast_in_dim3A_1161 = vector.broadcast %jit3A_1160 : i32 to vector<16xi32>
        %select_n3A_1162 = arith.select %eq3A_1159, %get3A_870, %broadcast_in_dim3A_1161 : vector<16xi1>, vector<16xi32>
        %reduce_sum3A_1163 = arith.constant true
        %reduce_sum3A_1164 = vector.broadcast %reduce_sum3A_1163 : i1 to vector<16xi1>
        %reduce_sum3A_1165 = tpu.scan <sum>, %select_n3A_1162 masked %reduce_sum3A_1164 : vector<16xi32>, vector<16xi1> -> vector<16xi32>
        %reduce_sum3A_1166 = vector.extract %reduce_sum3A_1165[15] : i32 from vector<16xi32>
        %mul3A_1167 = arith.constant 16 : i32
        %mul3A_1168 = arith.muli %add3A_866, %mul3A_1167 : i32
        %add3A_1169 = arith.constant 11 : i32
        %add3A_1170 = arith.addi %mul3A_1168, %add3A_1169 : i32
        %dma_start3A_1171 = arith.constant 0 : i32
        %dma_start3A_1172 = tpu.memref_slice %arg9[%add3A_1170, %dma_start3A_1171] : memref<512x64xf32, #tpu.memory_space<vmem>> -> memref<1x64xf32, #tpu.memory_space<vmem>>
        %dma_start3A_1173 = tpu.memref_squeeze %dma_start3A_1172 : memref<1x64xf32, #tpu.memory_space<vmem>> -> memref<64xf32, #tpu.memory_space<vmem>>
        %dma_start3A_1174 = arith.constant 0 : i32
        %dma_start3A_1175 = tpu.memref_slice %arg5[%reduce_sum3A_1166, %dma_start3A_1174] : memref<1000000x64xf32, #tpu.memory_space<hbm>> -> memref<1x64xf32, #tpu.memory_space<hbm>>
        %dma_start3A_1176 = tpu.memref_squeeze %dma_start3A_1175 : memref<1x64xf32, #tpu.memory_space<hbm>> -> memref<64xf32, #tpu.memory_space<hbm>>
        %dma_start3A_1177 = arith.constant 0 : i32
        %dma_start3A_1178 = tpu.memref_slice %arg9[%add3A_1170, %dma_start3A_1177] : memref<512x64xf32, #tpu.memory_space<vmem>> -> memref<1x64xf32, #tpu.memory_space<vmem>>
        %dma_start3A_1179 = tpu.memref_squeeze %dma_start3A_1178 : memref<1x64xf32, #tpu.memory_space<vmem>> -> memref<64xf32, #tpu.memory_space<vmem>>
        %dma_start3A_1180 = arith.constant 0 : i32
        %dma_start3A_1181 = tpu.memref_slice %arg5[%reduce_sum3A_1166, %dma_start3A_1180] : memref<1000000x64xf32, #tpu.memory_space<hbm>> -> memref<1x64xf32, #tpu.memory_space<hbm>>
        %dma_start3A_1182 = tpu.memref_squeeze %dma_start3A_1181 : memref<1x64xf32, #tpu.memory_space<hbm>> -> memref<64xf32, #tpu.memory_space<hbm>>
        tpu.enqueue_dma source(%dma_start3A_1182 : memref<64xf32, #tpu.memory_space<hbm>>) target(%dma_start3A_1179 : memref<64xf32, #tpu.memory_space<vmem>>) target_semaphore(%arg13 : memref<!tpu.dma_semaphore, #tpu.memory_space<semaphore_mem>>)
        %eq3A_1183 = arith.constant 12 : i32
        %eq3A_1184 = vector.broadcast %eq3A_1183 : i32 to vector<16xi32>
        %eq3A_1185 = arith.cmpi eq, %iota3A, %eq3A_1184 : vector<16xi32>
        %jit3A_1186 = arith.constant 0 : i32
        %broadcast_in_dim3A_1187 = vector.broadcast %jit3A_1186 : i32 to vector<16xi32>
        %select_n3A_1188 = arith.select %eq3A_1185, %get3A_870, %broadcast_in_dim3A_1187 : vector<16xi1>, vector<16xi32>
        %reduce_sum3A_1189 = arith.constant true
        %reduce_sum3A_1190 = vector.broadcast %reduce_sum3A_1189 : i1 to vector<16xi1>
        %reduce_sum3A_1191 = tpu.scan <sum>, %select_n3A_1188 masked %reduce_sum3A_1190 : vector<16xi32>, vector<16xi1> -> vector<16xi32>
        %reduce_sum3A_1192 = vector.extract %reduce_sum3A_1191[15] : i32 from vector<16xi32>
        %mul3A_1193 = arith.constant 16 : i32
        %mul3A_1194 = arith.muli %add3A_866, %mul3A_1193 : i32
        %add3A_1195 = arith.constant 12 : i32
        %add3A_1196 = arith.addi %mul3A_1194, %add3A_1195 : i32
        %dma_start3A_1197 = arith.constant 0 : i32
        %dma_start3A_1198 = tpu.memref_slice %arg9[%add3A_1196, %dma_start3A_1197] : memref<512x64xf32, #tpu.memory_space<vmem>> -> memref<1x64xf32, #tpu.memory_space<vmem>>
        %dma_start3A_1199 = tpu.memref_squeeze %dma_start3A_1198 : memref<1x64xf32, #tpu.memory_space<vmem>> -> memref<64xf32, #tpu.memory_space<vmem>>
        %dma_start3A_1200 = arith.constant 0 : i32
        %dma_start3A_1201 = tpu.memref_slice %arg5[%reduce_sum3A_1192, %dma_start3A_1200] : memref<1000000x64xf32, #tpu.memory_space<hbm>> -> memref<1x64xf32, #tpu.memory_space<hbm>>
        %dma_start3A_1202 = tpu.memref_squeeze %dma_start3A_1201 : memref<1x64xf32, #tpu.memory_space<hbm>> -> memref<64xf32, #tpu.memory_space<hbm>>
        %dma_start3A_1203 = arith.constant 0 : i32
        %dma_start3A_1204 = tpu.memref_slice %arg9[%add3A_1196, %dma_start3A_1203] : memref<512x64xf32, #tpu.memory_space<vmem>> -> memref<1x64xf32, #tpu.memory_space<vmem>>
        %dma_start3A_1205 = tpu.memref_squeeze %dma_start3A_1204 : memref<1x64xf32, #tpu.memory_space<vmem>> -> memref<64xf32, #tpu.memory_space<vmem>>
        %dma_start3A_1206 = arith.constant 0 : i32
        %dma_start3A_1207 = tpu.memref_slice %arg5[%reduce_sum3A_1192, %dma_start3A_1206] : memref<1000000x64xf32, #tpu.memory_space<hbm>> -> memref<1x64xf32, #tpu.memory_space<hbm>>
        %dma_start3A_1208 = tpu.memref_squeeze %dma_start3A_1207 : memref<1x64xf32, #tpu.memory_space<hbm>> -> memref<64xf32, #tpu.memory_space<hbm>>
        tpu.enqueue_dma source(%dma_start3A_1208 : memref<64xf32, #tpu.memory_space<hbm>>) target(%dma_start3A_1205 : memref<64xf32, #tpu.memory_space<vmem>>) target_semaphore(%arg14 : memref<!tpu.dma_semaphore, #tpu.memory_space<semaphore_mem>>)
        %eq3A_1209 = arith.constant 13 : i32
        %eq3A_1210 = vector.broadcast %eq3A_1209 : i32 to vector<16xi32>
        %eq3A_1211 = arith.cmpi eq, %iota3A, %eq3A_1210 : vector<16xi32>
        %jit3A_1212 = arith.constant 0 : i32
        %broadcast_in_dim3A_1213 = vector.broadcast %jit3A_1212 : i32 to vector<16xi32>
        %select_n3A_1214 = arith.select %eq3A_1211, %get3A_870, %broadcast_in_dim3A_1213 : vector<16xi1>, vector<16xi32>
        %reduce_sum3A_1215 = arith.constant true
        %reduce_sum3A_1216 = vector.broadcast %reduce_sum3A_1215 : i1 to vector<16xi1>
        %reduce_sum3A_1217 = tpu.scan <sum>, %select_n3A_1214 masked %reduce_sum3A_1216 : vector<16xi32>, vector<16xi1> -> vector<16xi32>
        %reduce_sum3A_1218 = vector.extract %reduce_sum3A_1217[15] : i32 from vector<16xi32>
        %mul3A_1219 = arith.constant 16 : i32
        %mul3A_1220 = arith.muli %add3A_866, %mul3A_1219 : i32
        %add3A_1221 = arith.constant 13 : i32
        %add3A_1222 = arith.addi %mul3A_1220, %add3A_1221 : i32
        %dma_start3A_1223 = arith.constant 0 : i32
        %dma_start3A_1224 = tpu.memref_slice %arg9[%add3A_1222, %dma_start3A_1223] : memref<512x64xf32, #tpu.memory_space<vmem>> -> memref<1x64xf32, #tpu.memory_space<vmem>>
        %dma_start3A_1225 = tpu.memref_squeeze %dma_start3A_1224 : memref<1x64xf32, #tpu.memory_space<vmem>> -> memref<64xf32, #tpu.memory_space<vmem>>
        %dma_start3A_1226 = arith.constant 0 : i32
        %dma_start3A_1227 = tpu.memref_slice %arg5[%reduce_sum3A_1218, %dma_start3A_1226] : memref<1000000x64xf32, #tpu.memory_space<hbm>> -> memref<1x64xf32, #tpu.memory_space<hbm>>
        %dma_start3A_1228 = tpu.memref_squeeze %dma_start3A_1227 : memref<1x64xf32, #tpu.memory_space<hbm>> -> memref<64xf32, #tpu.memory_space<hbm>>
        %dma_start3A_1229 = arith.constant 0 : i32
        %dma_start3A_1230 = tpu.memref_slice %arg9[%add3A_1222, %dma_start3A_1229] : memref<512x64xf32, #tpu.memory_space<vmem>> -> memref<1x64xf32, #tpu.memory_space<vmem>>
        %dma_start3A_1231 = tpu.memref_squeeze %dma_start3A_1230 : memref<1x64xf32, #tpu.memory_space<vmem>> -> memref<64xf32, #tpu.memory_space<vmem>>
        %dma_start3A_1232 = arith.constant 0 : i32
        %dma_start3A_1233 = tpu.memref_slice %arg5[%reduce_sum3A_1218, %dma_start3A_1232] : memref<1000000x64xf32, #tpu.memory_space<hbm>> -> memref<1x64xf32, #tpu.memory_space<hbm>>
        %dma_start3A_1234 = tpu.memref_squeeze %dma_start3A_1233 : memref<1x64xf32, #tpu.memory_space<hbm>> -> memref<64xf32, #tpu.memory_space<hbm>>
        tpu.enqueue_dma source(%dma_start3A_1234 : memref<64xf32, #tpu.memory_space<hbm>>) target(%dma_start3A_1231 : memref<64xf32, #tpu.memory_space<vmem>>) target_semaphore(%arg15 : memref<!tpu.dma_semaphore, #tpu.memory_space<semaphore_mem>>)
        %eq3A_1235 = arith.constant 14 : i32
        %eq3A_1236 = vector.broadcast %eq3A_1235 : i32 to vector<16xi32>
        %eq3A_1237 = arith.cmpi eq, %iota3A, %eq3A_1236 : vector<16xi32>
        %jit3A_1238 = arith.constant 0 : i32
        %broadcast_in_dim3A_1239 = vector.broadcast %jit3A_1238 : i32 to vector<16xi32>
        %select_n3A_1240 = arith.select %eq3A_1237, %get3A_870, %broadcast_in_dim3A_1239 : vector<16xi1>, vector<16xi32>
        %reduce_sum3A_1241 = arith.constant true
        %reduce_sum3A_1242 = vector.broadcast %reduce_sum3A_1241 : i1 to vector<16xi1>
        %reduce_sum3A_1243 = tpu.scan <sum>, %select_n3A_1240 masked %reduce_sum3A_1242 : vector<16xi32>, vector<16xi1> -> vector<16xi32>
        %reduce_sum3A_1244 = vector.extract %reduce_sum3A_1243[15] : i32 from vector<16xi32>
        %mul3A_1245 = arith.constant 16 : i32
        %mul3A_1246 = arith.muli %add3A_866, %mul3A_1245 : i32
        %add3A_1247 = arith.constant 14 : i32
        %add3A_1248 = arith.addi %mul3A_1246, %add3A_1247 : i32
        %dma_start3A_1249 = arith.constant 0 : i32
        %dma_start3A_1250 = tpu.memref_slice %arg9[%add3A_1248, %dma_start3A_1249] : memref<512x64xf32, #tpu.memory_space<vmem>> -> memref<1x64xf32, #tpu.memory_space<vmem>>
        %dma_start3A_1251 = tpu.memref_squeeze %dma_start3A_1250 : memref<1x64xf32, #tpu.memory_space<vmem>> -> memref<64xf32, #tpu.memory_space<vmem>>
        %dma_start3A_1252 = arith.constant 0 : i32
        %dma_start3A_1253 = tpu.memref_slice %arg5[%reduce_sum3A_1244, %dma_start3A_1252] : memref<1000000x64xf32, #tpu.memory_space<hbm>> -> memref<1x64xf32, #tpu.memory_space<hbm>>
        %dma_start3A_1254 = tpu.memref_squeeze %dma_start3A_1253 : memref<1x64xf32, #tpu.memory_space<hbm>> -> memref<64xf32, #tpu.memory_space<hbm>>
        %dma_start3A_1255 = arith.constant 0 : i32
        %dma_start3A_1256 = tpu.memref_slice %arg9[%add3A_1248, %dma_start3A_1255] : memref<512x64xf32, #tpu.memory_space<vmem>> -> memref<1x64xf32, #tpu.memory_space<vmem>>
        %dma_start3A_1257 = tpu.memref_squeeze %dma_start3A_1256 : memref<1x64xf32, #tpu.memory_space<vmem>> -> memref<64xf32, #tpu.memory_space<vmem>>
        %dma_start3A_1258 = arith.constant 0 : i32
        %dma_start3A_1259 = tpu.memref_slice %arg5[%reduce_sum3A_1244, %dma_start3A_1258] : memref<1000000x64xf32, #tpu.memory_space<hbm>> -> memref<1x64xf32, #tpu.memory_space<hbm>>
        %dma_start3A_1260 = tpu.memref_squeeze %dma_start3A_1259 : memref<1x64xf32, #tpu.memory_space<hbm>> -> memref<64xf32, #tpu.memory_space<hbm>>
        tpu.enqueue_dma source(%dma_start3A_1260 : memref<64xf32, #tpu.memory_space<hbm>>) target(%dma_start3A_1257 : memref<64xf32, #tpu.memory_space<vmem>>) target_semaphore(%arg16 : memref<!tpu.dma_semaphore, #tpu.memory_space<semaphore_mem>>)
        %eq3A_1261 = arith.constant 15 : i32
        %eq3A_1262 = vector.broadcast %eq3A_1261 : i32 to vector<16xi32>
        %eq3A_1263 = arith.cmpi eq, %iota3A, %eq3A_1262 : vector<16xi32>
        %jit3A_1264 = arith.constant 0 : i32
        %broadcast_in_dim3A_1265 = vector.broadcast %jit3A_1264 : i32 to vector<16xi32>
        %select_n3A_1266 = arith.select %eq3A_1263, %get3A_870, %broadcast_in_dim3A_1265 : vector<16xi1>, vector<16xi32>
        %reduce_sum3A_1267 = arith.constant true
        %reduce_sum3A_1268 = vector.broadcast %reduce_sum3A_1267 : i1 to vector<16xi1>
        %reduce_sum3A_1269 = tpu.scan <sum>, %select_n3A_1266 masked %reduce_sum3A_1268 : vector<16xi32>, vector<16xi1> -> vector<16xi32>
        %reduce_sum3A_1270 = vector.extract %reduce_sum3A_1269[15] : i32 from vector<16xi32>
        %mul3A_1271 = arith.constant 16 : i32
        %mul3A_1272 = arith.muli %add3A_866, %mul3A_1271 : i32
        %add3A_1273 = arith.constant 15 : i32
        %add3A_1274 = arith.addi %mul3A_1272, %add3A_1273 : i32
        %dma_start3A_1275 = arith.constant 0 : i32
        %dma_start3A_1276 = tpu.memref_slice %arg9[%add3A_1274, %dma_start3A_1275] : memref<512x64xf32, #tpu.memory_space<vmem>> -> memref<1x64xf32, #tpu.memory_space<vmem>>
        %dma_start3A_1277 = tpu.memref_squeeze %dma_start3A_1276 : memref<1x64xf32, #tpu.memory_space<vmem>> -> memref<64xf32, #tpu.memory_space<vmem>>
        %dma_start3A_1278 = arith.constant 0 : i32
        %dma_start3A_1279 = tpu.memref_slice %arg5[%reduce_sum3A_1270, %dma_start3A_1278] : memref<1000000x64xf32, #tpu.memory_space<hbm>> -> memref<1x64xf32, #tpu.memory_space<hbm>>
        %dma_start3A_1280 = tpu.memref_squeeze %dma_start3A_1279 : memref<1x64xf32, #tpu.memory_space<hbm>> -> memref<64xf32, #tpu.memory_space<hbm>>
        %dma_start3A_1281 = arith.constant 0 : i32
        %dma_start3A_1282 = tpu.memref_slice %arg9[%add3A_1274, %dma_start3A_1281] : memref<512x64xf32, #tpu.memory_space<vmem>> -> memref<1x64xf32, #tpu.memory_space<vmem>>
        %dma_start3A_1283 = tpu.memref_squeeze %dma_start3A_1282 : memref<1x64xf32, #tpu.memory_space<vmem>> -> memref<64xf32, #tpu.memory_space<vmem>>
        %dma_start3A_1284 = arith.constant 0 : i32
        %dma_start3A_1285 = tpu.memref_slice %arg5[%reduce_sum3A_1270, %dma_start3A_1284] : memref<1000000x64xf32, #tpu.memory_space<hbm>> -> memref<1x64xf32, #tpu.memory_space<hbm>>
        %dma_start3A_1286 = tpu.memref_squeeze %dma_start3A_1285 : memref<1x64xf32, #tpu.memory_space<hbm>> -> memref<64xf32, #tpu.memory_space<hbm>>
        tpu.enqueue_dma source(%dma_start3A_1286 : memref<64xf32, #tpu.memory_space<hbm>>) target(%dma_start3A_1283 : memref<64xf32, #tpu.memory_space<vmem>>) target_semaphore(%arg17 : memref<!tpu.dma_semaphore, #tpu.memory_space<semaphore_mem>>)
      } else {
      }
      %mul3A_754 = arith.constant 16 : i32
      %mul3A_755 = arith.muli %add3A_749, %mul3A_754 : i32
      %add3A_756 = arith.constant 0 : i32
      %add3A_757 = arith.addi %mul3A_755, %add3A_756 : i32
      %dma_wait3A = arith.constant 0 : i32
      %dma_wait3A_758 = tpu.memref_slice %arg9[%add3A_757, %dma_wait3A] : memref<512x64xf32, #tpu.memory_space<vmem>> -> memref<2x64xf32, #tpu.memory_space<vmem>>
      %dma_wait3A_759 = arith.constant 0 : i32
      %dma_wait3A_760 = arith.constant 0 : i32
      %dma_wait3A_761 = tpu.memref_slice %arg5[%dma_wait3A_759, %dma_wait3A_760] : memref<1000000x64xf32, #tpu.memory_space<hbm>> -> memref<2x64xf32, #tpu.memory_space<hbm>>
      %dma_wait3A_762 = arith.constant 0 : i32
      %dma_wait3A_763 = tpu.memref_slice %arg9[%add3A_757, %dma_wait3A_762] : memref<512x64xf32, #tpu.memory_space<vmem>> -> memref<2x64xf32, #tpu.memory_space<vmem>>
      %dma_wait3A_764 = arith.constant 0 : i32
      %dma_wait3A_765 = arith.constant 0 : i32
      %dma_wait3A_766 = tpu.memref_slice %arg5[%dma_wait3A_764, %dma_wait3A_765] : memref<1000000x64xf32, #tpu.memory_space<hbm>> -> memref<2x64xf32, #tpu.memory_space<hbm>>
      tpu.wait_dma2 semaphore(%arg10 : memref<!tpu.dma_semaphore, #tpu.memory_space<semaphore_mem>>) src(%dma_wait3A_766 : memref<2x64xf32, #tpu.memory_space<hbm>>) dst(%dma_wait3A_763 : memref<2x64xf32, #tpu.memory_space<vmem>>)
      %mul3A_767 = arith.constant 16 : i32
      %mul3A_768 = arith.muli %add3A_749, %mul3A_767 : i32
      %add3A_769 = arith.constant 2 : i32
      %add3A_770 = arith.addi %mul3A_768, %add3A_769 : i32
      %dma_wait3A_771 = arith.constant 0 : i32
      %dma_wait3A_772 = tpu.memref_slice %arg9[%add3A_770, %dma_wait3A_771] : memref<512x64xf32, #tpu.memory_space<vmem>> -> memref<2x64xf32, #tpu.memory_space<vmem>>
      %dma_wait3A_773 = arith.constant 0 : i32
      %dma_wait3A_774 = arith.constant 0 : i32
      %dma_wait3A_775 = tpu.memref_slice %arg5[%dma_wait3A_773, %dma_wait3A_774] : memref<1000000x64xf32, #tpu.memory_space<hbm>> -> memref<2x64xf32, #tpu.memory_space<hbm>>
      %dma_wait3A_776 = arith.constant 0 : i32
      %dma_wait3A_777 = tpu.memref_slice %arg9[%add3A_770, %dma_wait3A_776] : memref<512x64xf32, #tpu.memory_space<vmem>> -> memref<2x64xf32, #tpu.memory_space<vmem>>
      %dma_wait3A_778 = arith.constant 0 : i32
      %dma_wait3A_779 = arith.constant 0 : i32
      %dma_wait3A_780 = tpu.memref_slice %arg5[%dma_wait3A_778, %dma_wait3A_779] : memref<1000000x64xf32, #tpu.memory_space<hbm>> -> memref<2x64xf32, #tpu.memory_space<hbm>>
      tpu.wait_dma2 semaphore(%arg11 : memref<!tpu.dma_semaphore, #tpu.memory_space<semaphore_mem>>) src(%dma_wait3A_780 : memref<2x64xf32, #tpu.memory_space<hbm>>) dst(%dma_wait3A_777 : memref<2x64xf32, #tpu.memory_space<vmem>>)
      %mul3A_781 = arith.constant 16 : i32
      %mul3A_782 = arith.muli %add3A_749, %mul3A_781 : i32
      %add3A_783 = arith.constant 4 : i32
      %add3A_784 = arith.addi %mul3A_782, %add3A_783 : i32
      %dma_wait3A_785 = arith.constant 0 : i32
      %dma_wait3A_786 = tpu.memref_slice %arg9[%add3A_784, %dma_wait3A_785] : memref<512x64xf32, #tpu.memory_space<vmem>> -> memref<2x64xf32, #tpu.memory_space<vmem>>
      %dma_wait3A_787 = arith.constant 0 : i32
      %dma_wait3A_788 = arith.constant 0 : i32
      %dma_wait3A_789 = tpu.memref_slice %arg5[%dma_wait3A_787, %dma_wait3A_788] : memref<1000000x64xf32, #tpu.memory_space<hbm>> -> memref<2x64xf32, #tpu.memory_space<hbm>>
      %dma_wait3A_790 = arith.constant 0 : i32
      %dma_wait3A_791 = tpu.memref_slice %arg9[%add3A_784, %dma_wait3A_790] : memref<512x64xf32, #tpu.memory_space<vmem>> -> memref<2x64xf32, #tpu.memory_space<vmem>>
      %dma_wait3A_792 = arith.constant 0 : i32
      %dma_wait3A_793 = arith.constant 0 : i32
      %dma_wait3A_794 = tpu.memref_slice %arg5[%dma_wait3A_792, %dma_wait3A_793] : memref<1000000x64xf32, #tpu.memory_space<hbm>> -> memref<2x64xf32, #tpu.memory_space<hbm>>
      tpu.wait_dma2 semaphore(%arg12 : memref<!tpu.dma_semaphore, #tpu.memory_space<semaphore_mem>>) src(%dma_wait3A_794 : memref<2x64xf32, #tpu.memory_space<hbm>>) dst(%dma_wait3A_791 : memref<2x64xf32, #tpu.memory_space<vmem>>)
      %mul3A_795 = arith.constant 16 : i32
      %mul3A_796 = arith.muli %add3A_749, %mul3A_795 : i32
      %add3A_797 = arith.constant 6 : i32
      %add3A_798 = arith.addi %mul3A_796, %add3A_797 : i32
      %dma_wait3A_799 = arith.constant 0 : i32
      %dma_wait3A_800 = tpu.memref_slice %arg9[%add3A_798, %dma_wait3A_799] : memref<512x64xf32, #tpu.memory_space<vmem>> -> memref<2x64xf32, #tpu.memory_space<vmem>>
      %dma_wait3A_801 = arith.constant 0 : i32
      %dma_wait3A_802 = arith.constant 0 : i32
      %dma_wait3A_803 = tpu.memref_slice %arg5[%dma_wait3A_801, %dma_wait3A_802] : memref<1000000x64xf32, #tpu.memory_space<hbm>> -> memref<2x64xf32, #tpu.memory_space<hbm>>
      %dma_wait3A_804 = arith.constant 0 : i32
      %dma_wait3A_805 = tpu.memref_slice %arg9[%add3A_798, %dma_wait3A_804] : memref<512x64xf32, #tpu.memory_space<vmem>> -> memref<2x64xf32, #tpu.memory_space<vmem>>
      %dma_wait3A_806 = arith.constant 0 : i32
      %dma_wait3A_807 = arith.constant 0 : i32
      %dma_wait3A_808 = tpu.memref_slice %arg5[%dma_wait3A_806, %dma_wait3A_807] : memref<1000000x64xf32, #tpu.memory_space<hbm>> -> memref<2x64xf32, #tpu.memory_space<hbm>>
      tpu.wait_dma2 semaphore(%arg13 : memref<!tpu.dma_semaphore, #tpu.memory_space<semaphore_mem>>) src(%dma_wait3A_808 : memref<2x64xf32, #tpu.memory_space<hbm>>) dst(%dma_wait3A_805 : memref<2x64xf32, #tpu.memory_space<vmem>>)
      %mul3A_809 = arith.constant 16 : i32
      %mul3A_810 = arith.muli %add3A_749, %mul3A_809 : i32
      %add3A_811 = arith.constant 8 : i32
      %add3A_812 = arith.addi %mul3A_810, %add3A_811 : i32
      %dma_wait3A_813 = arith.constant 0 : i32
      %dma_wait3A_814 = tpu.memref_slice %arg9[%add3A_812, %dma_wait3A_813] : memref<512x64xf32, #tpu.memory_space<vmem>> -> memref<2x64xf32, #tpu.memory_space<vmem>>
      %dma_wait3A_815 = arith.constant 0 : i32
      %dma_wait3A_816 = arith.constant 0 : i32
      %dma_wait3A_817 = tpu.memref_slice %arg5[%dma_wait3A_815, %dma_wait3A_816] : memref<1000000x64xf32, #tpu.memory_space<hbm>> -> memref<2x64xf32, #tpu.memory_space<hbm>>
      %dma_wait3A_818 = arith.constant 0 : i32
      %dma_wait3A_819 = tpu.memref_slice %arg9[%add3A_812, %dma_wait3A_818] : memref<512x64xf32, #tpu.memory_space<vmem>> -> memref<2x64xf32, #tpu.memory_space<vmem>>
      %dma_wait3A_820 = arith.constant 0 : i32
      %dma_wait3A_821 = arith.constant 0 : i32
      %dma_wait3A_822 = tpu.memref_slice %arg5[%dma_wait3A_820, %dma_wait3A_821] : memref<1000000x64xf32, #tpu.memory_space<hbm>> -> memref<2x64xf32, #tpu.memory_space<hbm>>
      tpu.wait_dma2 semaphore(%arg14 : memref<!tpu.dma_semaphore, #tpu.memory_space<semaphore_mem>>) src(%dma_wait3A_822 : memref<2x64xf32, #tpu.memory_space<hbm>>) dst(%dma_wait3A_819 : memref<2x64xf32, #tpu.memory_space<vmem>>)
      %mul3A_823 = arith.constant 16 : i32
      %mul3A_824 = arith.muli %add3A_749, %mul3A_823 : i32
      %add3A_825 = arith.constant 10 : i32
      %add3A_826 = arith.addi %mul3A_824, %add3A_825 : i32
      %dma_wait3A_827 = arith.constant 0 : i32
      %dma_wait3A_828 = tpu.memref_slice %arg9[%add3A_826, %dma_wait3A_827] : memref<512x64xf32, #tpu.memory_space<vmem>> -> memref<2x64xf32, #tpu.memory_space<vmem>>
      %dma_wait3A_829 = arith.constant 0 : i32
      %dma_wait3A_830 = arith.constant 0 : i32
      %dma_wait3A_831 = tpu.memref_slice %arg5[%dma_wait3A_829, %dma_wait3A_830] : memref<1000000x64xf32, #tpu.memory_space<hbm>> -> memref<2x64xf32, #tpu.memory_space<hbm>>
      %dma_wait3A_832 = arith.constant 0 : i32
      %dma_wait3A_833 = tpu.memref_slice %arg9[%add3A_826, %dma_wait3A_832] : memref<512x64xf32, #tpu.memory_space<vmem>> -> memref<2x64xf32, #tpu.memory_space<vmem>>
      %dma_wait3A_834 = arith.constant 0 : i32
      %dma_wait3A_835 = arith.constant 0 : i32
      %dma_wait3A_836 = tpu.memref_slice %arg5[%dma_wait3A_834, %dma_wait3A_835] : memref<1000000x64xf32, #tpu.memory_space<hbm>> -> memref<2x64xf32, #tpu.memory_space<hbm>>
      tpu.wait_dma2 semaphore(%arg15 : memref<!tpu.dma_semaphore, #tpu.memory_space<semaphore_mem>>) src(%dma_wait3A_836 : memref<2x64xf32, #tpu.memory_space<hbm>>) dst(%dma_wait3A_833 : memref<2x64xf32, #tpu.memory_space<vmem>>)
      %mul3A_837 = arith.constant 16 : i32
      %mul3A_838 = arith.muli %add3A_749, %mul3A_837 : i32
      %add3A_839 = arith.constant 12 : i32
      %add3A_840 = arith.addi %mul3A_838, %add3A_839 : i32
      %dma_wait3A_841 = arith.constant 0 : i32
      %dma_wait3A_842 = tpu.memref_slice %arg9[%add3A_840, %dma_wait3A_841] : memref<512x64xf32, #tpu.memory_space<vmem>> -> memref<2x64xf32, #tpu.memory_space<vmem>>
      %dma_wait3A_843 = arith.constant 0 : i32
      %dma_wait3A_844 = arith.constant 0 : i32
      %dma_wait3A_845 = tpu.memref_slice %arg5[%dma_wait3A_843, %dma_wait3A_844] : memref<1000000x64xf32, #tpu.memory_space<hbm>> -> memref<2x64xf32, #tpu.memory_space<hbm>>
      %dma_wait3A_846 = arith.constant 0 : i32
      %dma_wait3A_847 = tpu.memref_slice %arg9[%add3A_840, %dma_wait3A_846] : memref<512x64xf32, #tpu.memory_space<vmem>> -> memref<2x64xf32, #tpu.memory_space<vmem>>
      %dma_wait3A_848 = arith.constant 0 : i32
      %dma_wait3A_849 = arith.constant 0 : i32
      %dma_wait3A_850 = tpu.memref_slice %arg5[%dma_wait3A_848, %dma_wait3A_849] : memref<1000000x64xf32, #tpu.memory_space<hbm>> -> memref<2x64xf32, #tpu.memory_space<hbm>>
      tpu.wait_dma2 semaphore(%arg16 : memref<!tpu.dma_semaphore, #tpu.memory_space<semaphore_mem>>) src(%dma_wait3A_850 : memref<2x64xf32, #tpu.memory_space<hbm>>) dst(%dma_wait3A_847 : memref<2x64xf32, #tpu.memory_space<vmem>>)
      %mul3A_851 = arith.constant 16 : i32
      %mul3A_852 = arith.muli %add3A_749, %mul3A_851 : i32
      %add3A_853 = arith.constant 14 : i32
      %add3A_854 = arith.addi %mul3A_852, %add3A_853 : i32
      %dma_wait3A_855 = arith.constant 0 : i32
      %dma_wait3A_856 = tpu.memref_slice %arg9[%add3A_854, %dma_wait3A_855] : memref<512x64xf32, #tpu.memory_space<vmem>> -> memref<2x64xf32, #tpu.memory_space<vmem>>
      %dma_wait3A_857 = arith.constant 0 : i32
      %dma_wait3A_858 = arith.constant 0 : i32
      %dma_wait3A_859 = tpu.memref_slice %arg5[%dma_wait3A_857, %dma_wait3A_858] : memref<1000000x64xf32, #tpu.memory_space<hbm>> -> memref<2x64xf32, #tpu.memory_space<hbm>>
      %dma_wait3A_860 = arith.constant 0 : i32
      %dma_wait3A_861 = tpu.memref_slice %arg9[%add3A_854, %dma_wait3A_860] : memref<512x64xf32, #tpu.memory_space<vmem>> -> memref<2x64xf32, #tpu.memory_space<vmem>>
      %dma_wait3A_862 = arith.constant 0 : i32
      %dma_wait3A_863 = arith.constant 0 : i32
      %dma_wait3A_864 = tpu.memref_slice %arg5[%dma_wait3A_862, %dma_wait3A_863] : memref<1000000x64xf32, #tpu.memory_space<hbm>> -> memref<2x64xf32, #tpu.memory_space<hbm>>
      tpu.wait_dma2 semaphore(%arg17 : memref<!tpu.dma_semaphore, #tpu.memory_space<semaphore_mem>>) src(%dma_wait3A_864 : memref<2x64xf32, #tpu.memory_space<hbm>>) dst(%dma_wait3A_861 : memref<2x64xf32, #tpu.memory_space<vmem>>)
    }
    %scan3A_744 = arith.constant 32 : i32
    "tpu.region"() ({
      %run_scoped3A = tpu.sem_alloc : memref<!tpu.dma_semaphore, #tpu.memory_space<semaphore_mem>>
      %dma_start3A_745 = arith.constant 0 : i32
      %dma_start3A_746 = tpu.memref_slice %arg7[%mul3A_2, %dma_start3A_745] : memref<16384x64xf32, #tpu.memory_space<hbm>> -> memref<512x64xf32, #tpu.memory_space<hbm>>
      %dma_start3A_747 = arith.constant 0 : i32
      %dma_start3A_748 = tpu.memref_slice %arg7[%mul3A_2, %dma_start3A_747] : memref<16384x64xf32, #tpu.memory_space<hbm>> -> memref<512x64xf32, #tpu.memory_space<hbm>>
      tpu.enqueue_dma source(%arg9 : memref<512x64xf32, #tpu.memory_space<vmem>>) target(%dma_start3A_748 : memref<512x64xf32, #tpu.memory_space<hbm>>) target_semaphore(%run_scoped3A : memref<!tpu.dma_semaphore, #tpu.memory_space<semaphore_mem>>)
      %dma_wait3A = arith.constant 0 : i32
      %dma_wait3A_749 = tpu.memref_slice %arg7[%mul3A_2, %dma_wait3A] : memref<16384x64xf32, #tpu.memory_space<hbm>> -> memref<512x64xf32, #tpu.memory_space<hbm>>
      %dma_wait3A_750 = arith.constant 0 : i32
      %dma_wait3A_751 = tpu.memref_slice %arg7[%mul3A_2, %dma_wait3A_750] : memref<16384x64xf32, #tpu.memory_space<hbm>> -> memref<512x64xf32, #tpu.memory_space<hbm>>
      tpu.wait_dma2 semaphore(%run_scoped3A : memref<!tpu.dma_semaphore, #tpu.memory_space<semaphore_mem>>) src(%arg9 : memref<512x64xf32, #tpu.memory_space<vmem>>) dst(%dma_wait3A_751 : memref<512x64xf32, #tpu.memory_space<hbm>>)
      tpu.yield
    }) : () -> ()
    return
  }
}

module attributes {stable_mosaic.version = 14 : i64} {
  func.func @_tc_body(%arg0: i32, %arg1: memref<2048x64xf32, #tpu.memory_space<vmem>>, %arg2: memref<2048x64xf32, #tpu.memory_space<vmem>>, %arg3: memref<2048x64xf32, #tpu.memory_space<vmem>>, %arg4: memref<2048x64xf32, #tpu.memory_space<vmem>>, %arg5: memref<64x64xf32, #tpu.memory_space<vmem>>, %arg6: memref<64x64xf32, #tpu.memory_space<vmem>>, %arg7: memref<2048x1xf32, #tpu.memory_space<vmem>>, %arg8: memref<2048x1xf32, #tpu.memory_space<vmem>>) attributes {dimension_semantics = [#tpu.dimension_semantics<arbitrary>], iteration_bounds = array<i64: 8>, scalar_prefetch = 0 : i64, scratch_operands = 0 : i64, tpu.core_type = #tpu.core_type<tc>, window_params = [{transform_indices = @transform_0, window_bounds = array<i64: 2048, 64>}, {transform_indices = @transform_1, window_bounds = array<i64: 2048, 64>}, {transform_indices = @transform_2, window_bounds = array<i64: 2048, 64>}, {transform_indices = @transform_3, window_bounds = array<i64: 2048, 64>}, {pipeline_mode = #tpu.pipeline_mode<synchronous>, transform_indices = @transform_4, window_bounds = array<i64: 64, 64>}, {pipeline_mode = #tpu.pipeline_mode<synchronous>, transform_indices = @transform_5, window_bounds = array<i64: 64, 64>}, {transform_indices = @transform_6, window_bounds = array<i64: 2048, 1>}, {transform_indices = @transform_7, window_bounds = array<i64: 2048, 1>}]} {
    %get3A = arith.constant 0 : index
    %get3A_0 = arith.constant 0 : index
    %get3A_1 = vector.load %arg1[%get3A, %get3A_0] : memref<2048x64xf32, #tpu.memory_space<vmem>>, vector<2048x64xf32>
    %get3A_2 = arith.constant 0 : index
    %get3A_3 = arith.constant 0 : index
    %get3A_4 = vector.load %arg5[%get3A_2, %get3A_3] : memref<64x64xf32, #tpu.memory_space<vmem>>, vector<64x64xf32>
    %dot_general3A = arith.constant dense<0.000000e+00> : vector<2048x64xf32>
    %dot_general3A_5 = tpu.matmul %get3A_1, %get3A_4, %dot_general3A {dimension_numbers = #tpu.dot_dimension_numbers<[1], [0], [0], [1], [0, 0, 1, 1], [], []>, transpose_lhs_hint = false} : vector<2048x64xf32>, vector<64x64xf32>, vector<2048x64xf32> -> vector<2048x64xf32>
    %get3A_6 = arith.constant 0 : index
    %get3A_7 = arith.constant 0 : index
    %get3A_8 = vector.load %arg2[%get3A_6, %get3A_7] : memref<2048x64xf32, #tpu.memory_space<vmem>>, vector<2048x64xf32>
    %mul3A = arith.mulf %dot_general3A_5, %get3A_8 : vector<2048x64xf32>
    %reduce_sum3A = arith.constant dense<0.000000e+00> : vector<2048xf32>
    %reduce_sum3A_9 = vector.multi_reduction <add>, %mul3A, %reduce_sum3A [1] : vector<2048x64xf32> to vector<2048xf32>
    %broadcast_in_dim3A = vector.shape_cast %reduce_sum3A_9 : vector<2048xf32> to vector<2048x1xf32>
    %swap3A = arith.constant 0 : index
    %swap3A_10 = arith.constant 0 : index
    %swap3A_11 = vector.load %arg7[%swap3A, %swap3A_10] : memref<2048x1xf32, #tpu.memory_space<vmem>>, vector<2048x1xf32>
    tpu.vector_store %arg7[%swap3A, %swap3A_10], %broadcast_in_dim3A {strides = array<i32>} : memref<2048x1xf32, #tpu.memory_space<vmem>>, vector<2048x1xf32>,
    %get3A_12 = arith.constant 0 : index
    %get3A_13 = arith.constant 0 : index
    %get3A_14 = vector.load %arg3[%get3A_12, %get3A_13] : memref<2048x64xf32, #tpu.memory_space<vmem>>, vector<2048x64xf32>
    %get3A_15 = arith.constant 0 : index
    %get3A_16 = arith.constant 0 : index
    %get3A_17 = vector.load %arg6[%get3A_15, %get3A_16] : memref<64x64xf32, #tpu.memory_space<vmem>>, vector<64x64xf32>
    %dot_general3A_18 = arith.constant dense<0.000000e+00> : vector<2048x64xf32>
    %dot_general3A_19 = tpu.matmul %get3A_14, %get3A_17, %dot_general3A_18 {dimension_numbers = #tpu.dot_dimension_numbers<[1], [0], [0], [1], [0, 0, 1, 1], [], []>, transpose_lhs_hint = false} : vector<2048x64xf32>, vector<64x64xf32>, vector<2048x64xf32> -> vector<2048x64xf32>
    %get3A_20 = arith.constant 0 : index
    %get3A_21 = arith.constant 0 : index
    %get3A_22 = vector.load %arg4[%get3A_20, %get3A_21] : memref<2048x64xf32, #tpu.memory_space<vmem>>, vector<2048x64xf32>
    %mul3A_23 = arith.mulf %dot_general3A_19, %get3A_22 : vector<2048x64xf32>
    %reduce_sum3A_24 = arith.constant dense<0.000000e+00> : vector<2048xf32>
    %reduce_sum3A_25 = vector.multi_reduction <add>, %mul3A_23, %reduce_sum3A_24 [1] : vector<2048x64xf32> to vector<2048xf32>
    %broadcast_in_dim3A_26 = vector.shape_cast %reduce_sum3A_25 : vector<2048xf32> to vector<2048x1xf32>
    %swap3A_27 = arith.constant 0 : index
    %swap3A_28 = arith.constant 0 : index
    %swap3A_29 = vector.load %arg8[%swap3A_27, %swap3A_28] : memref<2048x1xf32, #tpu.memory_space<vmem>>, vector<2048x1xf32>
    tpu.vector_store %arg8[%swap3A_27, %swap3A_28], %broadcast_in_dim3A_26 {strides = array<i32>} : memref<2048x1xf32, #tpu.memory_space<vmem>>, vector<2048x1xf32>,
    return
  }
  func.func @transform_0(%arg0: i32) -> (i32, i32) {
    %c0_i32 = arith.constant 0 : i32
    %c0_i32_0 = arith.constant 0 : i32
    return %arg0, %c0_i32 : i32, i32
  }
  func.func @transform_1(%arg0: i32) -> (i32, i32) {
    %c0_i32 = arith.constant 0 : i32
    %c0_i32_0 = arith.constant 0 : i32
    return %arg0, %c0_i32 : i32, i32
  }
  func.func @transform_2(%arg0: i32) -> (i32, i32) {
    %c0_i32 = arith.constant 0 : i32
    %c0_i32_0 = arith.constant 0 : i32
    return %arg0, %c0_i32 : i32, i32
  }
  func.func @transform_3(%arg0: i32) -> (i32, i32) {
    %c0_i32 = arith.constant 0 : i32
    %c0_i32_0 = arith.constant 0 : i32
    return %arg0, %c0_i32 : i32, i32
  }
  func.func @transform_4(%arg0: i32) -> (i32, i32) {
    %c0_i32 = arith.constant 0 : i32
    %c0_i32_0 = arith.constant 0 : i32
    %c0_i32_1 = arith.constant 0 : i32
    return %c0_i32, %c0_i32_0 : i32, i32
  }
  func.func @transform_5(%arg0: i32) -> (i32, i32) {
    %c0_i32 = arith.constant 0 : i32
    %c0_i32_0 = arith.constant 0 : i32
    %c0_i32_1 = arith.constant 0 : i32
    return %c0_i32, %c0_i32_0 : i32, i32
  }
  func.func @transform_6(%arg0: i32) -> (i32, i32) {
    %c0_i32 = arith.constant 0 : i32
    %c0_i32_0 = arith.constant 0 : i32
    return %arg0, %c0_i32 : i32, i32
  }
  func.func @transform_7(%arg0: i32) -> (i32, i32) {
    %c0_i32 = arith.constant 0 : i32
    %c0_i32_0 = arith.constant 0 : i32
    return %arg0, %c0_i32 : i32, i32
  }
}

</mosaic_0001>

<sc_bundles>
// kernel: kernel.5.cloned.1.call-start
scs
__scs_entry_jumppad:
0x0: {  	(pc) =	sbr.rel $0x88, $3  }
0x1: {  	(tag) =	ssettag $0x0;
	lr =	simm.s32 $0x1  }
0x2: {  	[smem:$0x3F96] =	sst lr;
	_ =	strace $0xD0000000  }
0x3: {  	_ = 	snop  }
0x4: {  	_ = 	snop  }
0x5: {  	_ = 	snop  }
0x6: {  	_ = 	snop  }
0x7: {  	_ = 	snop  }
__scs_overlays_trampoline_lowered:
0x8: {  	[smem:$0x3FA5] =	sst s0  }
0x9: {  	[smem:$0x3FA6] =	sst s1  }
0xa: {  	[smem:$0x3FA7] =	sst s2  }
0xb: {  	[smem:$0x3FA8] =	sst s3  }
0xc: {  	[smem:$0x3FA9] =	sst s4  }
0xd: {  	[smem:$0x3FAA] =	sst s5  }
0xe: {  	[smem:$0x3FAB] =	sst s6  }
0xf: {  	[smem:$0x3FAC] =	sst s7  }
0x10: {  	[smem:$0x3FAD] =	sst s8  }
0x11: {  	[smem:$0x3FAE] =	sst s9;
	s0 =	simm.s32 @!p0 $0x0  }
0x12: {  	s1 =	sld [smem:$0x3F94];
	s0 =	simm.s32 @p0 $0x1  }
0x13: {  	[smem:$0x3FAF] =	sst s0;
	s0 =	simm.s32 @!p1 $0x0  }
0x14: {  	s2 =	sld [smem:$0x3F93];
	s0 =	simm.s32 @p1 $0x1  }
0x15: {  	[smem:$0x3FB0] =	sst s0;
	s0 =	simm.s32 @!p2 $0x0  }
0x16: {  	s3 =	sld [smem:$0x3FDB];
	s0 =	simm.s32 @p2 $0x1  }
0x17: {  	s4 =	simm.s32 $0x1BF5;
	[smem:$0x3FB2] =	sst s0  }
0x18: {  	s0 =	sld [smem:$0x3F95];
	_ =	swait.ge [sflag:s4], $0x0  }
0x19: {  	s7 =	sld [smem:$0x3F96]  }
0x1a: {  	s8 =	sadd.s32 $0xFFFFE003, lr  }
0x1b: {  	s9 =	sadd.s32 $0xFFFFFEF7, lr;
	s5 =	simm.s32 $0xFFFFFFFF;
	p2 =	slt.u32 s8, $0xFFFFF086  }
0x1c: {  	p1 =	slt.u32 s9, $0xF7A;
	s5 =	simm.s32 @!p2 $0x0  }
0x1d: {  	s5 =	simm.s32 @p1 $0x1;
	p0 =	seq.s32 s7, s2  }
0x1e: {  	s7 =	smul.u32 @!p0 $0xF7A, s2;
	p2 =	seq.s32 @!p0 s5, $0x0  }
0x1f: {  	s9 =	smul.u32 $0xF7A, s1;
	s8 =	simm.s32 @!p0 $0x1BF5;
	p2 =	por !p2, p0  }
0x20: {  	[sflag:s8] =	ssyncset.s32 @!p0 $0xFFFFF086;
	s6 =	sadd.s32 @!p0 s3, s7;
	s7 =	simm.s32 @!p0 $0x108  }
0x21: {  	s3 =	sadd.s32 s3, s9;
	s6 =	sadd.s32 @!p0 $0x88, s6;
	s7 =	simm.s32 @p2 $0x1082  }
0x22: {  	[simem:s7], [sflag:s8] =	dma.local @!p0 [hbm:s6], $0xF7A  }
0x23: {  	s9 =	sor.u32 $0xD0000000, s2;
	s6 =	simm.s32 $0x108;
	_ =	swait.ge @!p0 [sflag:s8], $0x0  }
0x24: {  	s3 =	sadd.s32 $0x88, s3;
	s6 =	simm.s32 @!p1 $0x1082;
	[sflag:s4] =	ssyncset.s32 $0xFFFFF086  }
0x25: {  	[simem:s6], [sflag:s4] =	dma.local [hbm:s3], $0xF7A  }
0x26: {  	[smem:$0x3F96] =	sst s1;
	(tag) =	ssettag s2;
	_ =	strace s9  }
0x27: {  	s1 =	sld [smem:$0x3FA6]  }
0x28: {  	s2 =	sld [smem:$0x3FA7]  }
0x29: {  	s4 =	sld [smem:$0x3FA9]  }
0x2a: {  	p0 =	seq.s32 s5, $0x0;
	s5 =	sld [smem:$0x3FAA]  }
0x2b: {  	s6 =	sld [smem:$0x3FAB]  }
0x2c: {  	s7 =	sld [smem:$0x3FAC]  }
0x2d: {  	s3 =	simm.s32 $0x108;
	s8 =	sld [smem:$0x3FAD]  }
0x2e: {  	s3 =	simm.s32 @!p0 $0x1082;
	s9 =	sld [smem:$0x3FAE]  }
0x2f: {  	lr =	sadd.s32 s0, s3;
	s0 =	sld [smem:$0x3FA5]  }
0x30: {  	s3 =	sld [smem:$0x3FA8]  }
0x31: {  	[smem:$0x3FB1] =	sst s10  }
0x32: {  	s10 =	sld [smem:$0x3FAF];
	_ =	sdelay $0x3  }
0x33: {  	p0 =	seq.s32 s10, $0x1;
	s10 =	sld [smem:$0x3FB1];
	_ =	sdelay $0x3  }
0x34: {  	[smem:$0x3FB1] =	sst s10  }
0x35: {  	s10 =	sld [smem:$0x3FB0];
	_ =	sdelay $0x3  }
0x36: {  	p1 =	seq.s32 s10, $0x1;
	s10 =	sld [smem:$0x3FB1];
	_ =	sdelay $0x3  }
0x37: {  	[smem:$0x3FB1] =	sst s10  }
0x38: {  	s10 =	sld [smem:$0x3FB2]  }
0x39: {  	_ = 	snop;
	(pc) =	sbr.ind lr, $3  }
0x3a: {  	_ = 	snop  }
0x3b: {  	_ = 	snop  }
0x3c: {  	p2 =	seq.s32 s10, $0x1;
	s10 =	sld [smem:$0x3FB1]  }
0x3d: {  	_ =	shalt  }
0x3e: {  	_ =	shalt  }
0x3f: {  	_ =	shalt  }
0x40: {  	_ =	shalt  }
0x41: {  	_ =	shalt  }
0x42: {  	_ =	shalt  }
0x43: {  	_ =	shalt  }
0x44: {  	_ =	shalt  }
0x45: {  	_ =	shalt  }
0x46: {  	_ =	shalt  }
0x47: {  	_ =	shalt  }
0x48: {  	_ =	shalt  }
0x49: {  	_ =	shalt  }
0x4a: {  	_ =	shalt  }
0x4b: {  	_ =	shalt  }
0x4c: {  	_ =	shalt  }
0x4d: {  	_ =	shalt  }
0x4e: {  	_ =	shalt  }
0x4f: {  	_ =	shalt  }
0x50: {  	_ =	shalt  }
0x51: {  	_ =	shalt  }
0x52: {  	_ =	shalt  }
0x53: {  	_ =	shalt  }
0x54: {  	_ =	shalt  }
0x55: {  	_ =	shalt  }
0x56: {  	_ =	shalt  }
0x57: {  	_ =	shalt  }
0x58: {  	_ =	shalt  }
0x59: {  	_ =	shalt  }
0x5a: {  	_ =	shalt  }
0x5b: {  	_ =	shalt  }
0x5c: {  	_ =	shalt  }
0x5d: {  	_ =	shalt  }
0x5e: {  	_ =	shalt  }
0x5f: {  	_ =	shalt  }
0x60: {  	_ =	shalt  }
0x61: {  	_ =	shalt  }
0x62: {  	_ =	shalt  }
0x63: {  	_ =	shalt  }
0x64: {  	_ =	shalt  }
0x65: {  	_ =	shalt  }
0x66: {  	_ =	shalt  }
0x67: {  	_ =	shalt  }
0x68: {  	_ =	shalt  }
0x69: {  	_ =	shalt  }
0x6a: {  	_ =	shalt  }
0x6b: {  	_ =	shalt  }
0x6c: {  	_ =	shalt  }
0x6d: {  	_ =	shalt  }
0x6e: {  	_ =	shalt  }
0x6f: {  	_ =	shalt  }
0x70: {  	_ =	shalt  }
0x71: {  	_ =	shalt  }
0x72: {  	_ =	shalt  }
0x73: {  	_ =	shalt  }
0x74: {  	_ =	shalt  }
0x75: {  	_ =	shalt  }
0x76: {  	_ =	shalt  }
0x77: {  	_ =	shalt  }
0x78: {  	_ =	shalt  }
0x79: {  	_ =	shalt  }
0x7a: {  	_ =	shalt  }
0x7b: {  	_ =	shalt  }
0x7c: {  	_ =	shalt  }
0x7d: {  	_ =	shalt  }
0x7e: {  	_ =	shalt  }
0x7f: {  	_ =	shalt  }
0x80: {  	_ =	shalt  }
0x81: {  	_ =	shalt  }
0x82: {  	_ =	shalt  }
0x83: {  	_ =	shalt  }
0x84: {  	_ =	shalt  }
0x85: {  	_ =	shalt  }
0x86: {  	_ =	shalt  }
0x87: {  	_ =	shalt  }
.Lfunc_end0:
.L_simem_size_0:
called_computation_lowered:
.L_overlay_start_0:
0x88: {  	s2 =	sld [smem:$0x3FD9]  }
0x89: {  	s3 =	sld [smem:$0x3FFE];
	_ =	sdelay $0x1  }
0x8a: {  	s1 =	srdreg.scid  }
0x8b: {  	s0 =	sand.u32 $0x1, s1  }
0x8c: {  	s17 =	sshll.u32 s0, $0xA;
	s2 =	sadd.s32 s3, s2  }
0x8d: {  	s2 =	sadd.s32 s2, s17  }
0x8e: {  	[smem:$0x3FBD] =	sst s2  }
0x8f: {  	_ = 	snop  }
0x90: {  	s18 =	sld [smem:$0x3FC9]  }
0x91: {  	s4 =	sld [smem:$0x3FC8];
	(tm) =	ssettm $0x1  }
0x92: {  	s19 =	sld [smem:$0x3FFB];
	_ =	sdelay $0x3  }
0x93: {  	_ =	strace s19  }
0x94: {  	s2 =	sld [smem:$0x3FFC];
	_ =	sdelay $0x3  }
0x95: {  	_ =	strace s2  }
0x96: {  	s2 =	sld [smem:$0x3FFD];
	_ =	sdelay $0x3  }
0x97: {  	_ =	strace s2  }
0x98: {  	_ =	strace $0x8FFFFFFF  }
0x99: {  	s20 =	sld [smem:$0x3FDB];
	_ =	sdelay $0x1  }
0x9a: {  	s5 =	simm.s32 $_scs_section_size  }
0x9b: {  	s6 =	simm.s32 $_size__tile_overlayer_lowered;
	s7 =	simm.s32 $_tile_overlayer_lowered  }
0x9c: {  	s8 =	simm.s32 $0x1BFF;
	s21 =	sshll.u32 s7, $0x1;
	s5 =	sadd.s32 s5, s20  }
0x9d: {  	s22 =	simm.s32 $0x0;
	s6 =	sshll.u32 s6, $0x1;
	s7 =	sadd.s32 s21, s5  }
0x9e: {  	[timem:s22], [sflag:s8] =	dma.local [hbm:s7], s6  }
0x9f: {  	_ =	swait.ge [sflag:s8], s6  }
0xa0: {  	s6 =	ssub.s32 $0x0, s6;
	[sflag:s8] =	ssyncset.done $0x0  }
0xa1: {  	[sflag:s8] =	ssyncadd.s32 s6;
	_ =	sdelay $0x1  }
0xa2: {  	s23 =	simm.s32 $0x1B8B  }
0xa3: {  	_ =	swait.ge [sflag:s23], $0x1  }
0xa4: {  	[sflag:s23] =	ssyncset.done $0x0  }
0xa5: {  	[sflag:s23] =	ssyncadd.s32 $0xFFFFFFFF  }
0xa6: {  	s6 =	sld [smem:$0x0]  }
0xa7: {  	s7 =	sand.u32 $0xFFFFFFFE, s1  }
0xa8: {  	p0 =	sne.s32 s1, s7  }
0xa9: {  	s7 =	sshll.u32 @p0 s7, $0xE  }
0xaa: {  	s7 =	sadd.s32 @p0 $0x11B8D, s7;
	s8 =	sshll.u32 @p0 s6, $0x11  }
0xab: {  	s7 =	sor.u32 @p0 s8, s7  }
0xac: {  	[sflag:s7] =	ssyncadd.remote.s32 @p0 $0x1;
	_ =	sdelay $0x1  }
0xad: {  	s7 =	simm.s32 @p0 $0x1B8D  }
0xae: {  	_ =	swait.eq @p0 [sflag:s7], $0x1  }
0xaf: {  	[sflag:s7] =	ssyncadd.s32 @p0 $0xFFFFFFFF  }
0xb0: {  	s8 =	sshll.u32 @!p0 s1, $0xE  }
0xb1: {  	s8 =	sor.u32 @!p0 $0x4000, s8;
	s7 =	simm.s32 @!p0 $0x1B8D  }
0xb2: {  	s6 =	sshll.u32 @!p0 s6, $0x11;
	s8 =	sadd.s32 @!p0 $0x11B8D, s8;
	_ =	swait.eq @!p0 [sflag:s7], $0x1  }
0xb3: {  	s6 =	sor.u32 @!p0 s6, s8;
	[sflag:s7] =	ssyncadd.s32 @!p0 $0xFFFFFFFF  }
0xb4: {  	s25 =	simm.s32 $0x1B8E;
	s24 =	sld [smem:$0x3FFE];
	[sflag:s6] =	ssyncadd.remote.s32 @!p0 $0x1  }
0xb5: {  	s26 =	simm.s32 $execute0_lowered;
	[smem:$0x3FD2] =	sst s25  }
0xb6: {  	s7 =	sshll.u32 s26, $0x1;
	_ =	strace $0x80000049;
	[dreg:$0x1] =	wrdreg $0xFFFFFFFF  }
0xb7: {  	s28 =	simm.s32 $_size_execute0_lowered;
	s5 =	sadd.s32 s5, s7;
	[dreg:$0x0] =	wrdreg $0x0  }
0xb8: {  	s7 =	sshll.u32 s28, $0x1;
	[dreg:$0x2] =	wrdreg s5  }
0xb9: {  	[dreg:$0x3] =	wrdreg s7  }
0xba: {  	[dreg:$0x4] =	wrdreg $0xC0  }
0xbb: {  	_ =	task [dreg:s22], $0x5FFFF  }
0xbc: {  	[dreg:$0x1] =	wrdreg $0xFFFFFFFF  }
0xbd: {  	[dreg:$0x0] =	wrdreg $0x60  }
0xbe: {  	[dreg:$0x2] =	wrdreg s18  }
0xbf: {  	[dreg:$0x3] =	wrdreg s4  }
0xc0: {  	[dreg:$0x4] =	wrdreg s24  }
0xc1: {  	[dreg:$0x5] =	wrdreg $0x9  }
0xc2: {  	_ =	task.clear_ibuf [dreg:s22], $0x6FFFF;
	_ =	strace $0x90000049  }
0xc3: {  	s29 =	simm.s32 $0x9;
	_ =	strace $0x8000004B  }
0xc4: {  	_ =	swait.ge [sflag:s29], $0x1  }
0xc5: {  	[sflag:s29] =	ssyncadd.s32 $0xFFFFFFFF  }
0xc6: {  	_ =	strace $0x9000004B  }
0xc7: {  	_ =	sfence  }
0xc8: {  	s30 =	sld [smem:$0x0];
	_ =	sdelay $0x2  }
0xc9: {  	s31 =	sshll.u32 s1, $0xD;
	s1 =	sshrl.u32 s1, $0x2  }
0xca: {  	s4 =	sand.u32 $0x4000, s31;
	s1 =	sadd.s32 s1, s30  }
0xcb: {  	s0 =	sor.u32 s4, s0;
	s1 =	sshll.u32 s1, $0x11  }
0xcc: {  	s0 =	sor.u32 s1, s0  }
0xcd: {  	s0 =	sadd.s32 $0x8F2B, s0  }
0xce: {  	[sflag:s0] =	ssyncadd.remote.s32 $0x1  }
0xcf: {  	_ =	sfence.sel $0xFFFF  }
0xd0: {  	[dreg:$0x0] =	wrdreg $0xFFFFFFFF;
	(pc) =	sbr.abs _section_cstart, $3  }
0xd1: {  	[dreg:$0x1] =	wrdreg $0xFFFFFFFF  }
0xd2: {  	_ =	task.clear_ibuf [dreg:s22], $0x2FFFF;
	_ =	strace $0x9FFFFFFF  }
0xd3: {  	(tm) =	ssettm $0x7FFFFFFF  }
tec
execute0_lowered:
.L_overlay_start_1:
0x0: {  	(tag) =	ssettag $0x1  }
0x1: {  	s0 =	rddreg [dreg:$0x0]  }
0x2: {  	s1 =	rddreg [dreg:$0x1]  }
0x3: {  	s5 =	rddreg [dreg:$0x2]  }
0x4: {  	s2 =	simm.s32 $0x0;
	s3 =	srdreg.scid;
	s4 =	stileid.u32  }
0x5: {  	s10 =	simm.s32 $0x9;
	s11 =	simm.s32 $0x200;
	s18 =	simm.s32 $0x580  }
0x6: {  	s19 =	simm.s32 $0x600;
	s20 =	simm.s32 $0x680;
	s21 =	simm.s32 $0x700  }
0x7: {  	s22 =	simm.s32 $0x780;
	s23 =	simm.s32 $0x800;
	s24 =	simm.s32 $0x880  }
0x8: {  	s25 =	simm.s32 $0x900;
	s28 =	simm.s32 $0x1;
	s29 =	simm.s32 $0x2  }
0x9: {  	s30 =	simm.s32 $0x3;
	s31 =	simm.s32 $0x4;
	s12 =	simm.s32 $0x7  }
0xa: {  	s13 =	simm.s32 $0x8;
	s14 =	simm.s32 $0x0;
	[smem:$0x7FF] =	sst s2  }
0xb: {  	s6 =	sand.u32 $0x1, s3;
	s3 =	sadd.s32 $0x1F05800, s5;
	s7 =	sshll.u32 s4, $0xA  }
0xc: {  	s4 =	sadd.s32 $0x2E47C00, s5;
	s8 =	sshll.u32 s6, $0x9;
	s6 =	ssub.s32 $0x2, s6  }
0xd: {  	vm0 =	vmmov $0x1;
	_ =	strace $0x8000004A;
	s7 =	sor.u32 s8, s7;
	s9 =	sshrl.u32 s6, $0x1  }
.Ltmp0:
0xe: {  	vm1 =	vcmask $0x308;
	vm2 =	vcmask $0x70C;
	vm3 =	vcmask $0xB10;
	s8 =	sshll.u32 s7, $0x4;
	s7 =	sshrl.u32 s7, $0x3;
	(pc) =	sbr.rel .LBB2_1-.Ltmp0, $4  }
0xf: {  	vm4 =	vcmask $0xF14;
	vm5 =	vcmask $0x1318;
	vm6 =	vcmask $0x171C;
	s9 =	ssub.s32 s6, s9;
	s5 =	sadd.s32 s8, s5;
	s0 =	sadd.s32 s0, s7  }
0x10: {  	vm7 =	vcmask $0x1B20;
	vm8 =	vcmask $0x1F24;
	vm9 =	vcmask $0x2328;
	s7 =	sadd.s32 s1, s7;
	s9 =	smax.u32 s9, $0x1;
	s1 =	simm.s32 $0x6  }
0x11: {  	vm10 =	vcmask $0x272C;
	vm11 =	vcmask $0x2B30;
	vm12 =	vcmask $0x2F34;
	[dreg:$0x4] =	wrdreg s0;
	s26 =	sadd.s32 $0x3D8A000, s5;
	s8 =	sadd.s32 $0x3DCA000, s5  }
0x12: {  	vm13 =	vcmask $0x3338;
	vm14 =	vcmask $0x373C;
	vm15 =	vmmov $0x7fff;
	s0 =	simm.s32 $0x5;
	[dreg:$0x5] =	wrdreg s26;
	s26 =	simm.s32 $0x980  }
.LBB2_9:
0x13: {  	s14 =	sadd.s32 $0x1, s14  }
0x14: {  	p0 =	sne.s32 s14, s9  }
.Ltmp1:
0x15: {  	_ = 	snop;
	(pc) =	sbr.rel @!p0 .LBB2_10-.Ltmp1, $4  }
0x16: {  	[hbm4b:s8+s2] =	stream.linear.scatter [tilespmem:s11], [sflag:$0x9], $0x10000, $0x38;
	[tilespmem:$0x10200] =	vst v63  }
0x17: {  	_ =	swait.ge [sflag:s10], $0x10000  }
0x18: {  	[sflag:s10] =	ssyncset.done $0x0  }
0x19: {  	[sflag:s10] =	ssyncadd.s32 $0xFFFF0000  }
.LBB2_1:
0x1a: {  	s5 =	rddreg [dreg:$0x4]  }
0x1b: {  	[tilespmem:s2], [sflag:$0x9] =	stream.linear.gather [hbm4b:s5+s2], $0x200, $0x38;
	[tilespmem:$0x10200] =	vst v63  }
0x1c: {  	_ =	swait.ge [sflag:s10], $0x200  }
0x1d: {  	[sflag:s10] =	ssyncset.done $0x0  }
0x1e: {  	[sflag:s10] =	ssyncadd.s32 $0xFFFFFE00  }
0x1f: {  	v0 =	vld [tilespmem:$0x0];
	_ =	sdelay $0x4  }
0x20: {  	v1 =	vnsel vm0, $0x0, v0  }
0x21: {  	(xrf0) =	vadd.scan.msk.s32 $0xffff, v1;
	_ =	sdelay $0x1  }
0x22: {  	v36 =	vsel vm1, $0x0, v0  }
0x23: {  	(xrf0) =	vadd.scan.msk.s32 $0xffff, v36;
	_ =	sdelay $0x2  }
0x24: {  	v37, _, _ =	vpop (xrf0)  }
0x25: {  	(v2sf) =	vpush v37, $0xF;
	_ =	sdelay $0x1  }
0x26: {  	v2, _, _ =	vpop (xrf0)  }
0x27: {  	(v2sf) =	vpush v2, $0xF  }
0x28: {  	v38 =	vsel vm2, $0x0, v0  }
0x29: {  	(xrf0) =	vadd.scan.msk.s32 $0xffff, v38;
	_ =	sdelay $0x1  }
0x2a: {  	v39 =	vsel vm3, $0x0, v0  }
0x2b: {  	(xrf0) =	vadd.scan.msk.s32 $0xffff, v39;
	_ =	sdelay $0x1  }
0x2c: {  	v41 =	vsel vm4, $0x0, v0  }
0x2d: {  	v40, _, _ =	vpop (xrf0);
	(xrf0) =	vadd.scan.msk.s32 $0xffff, v41;
	_ =	sdelay $0x1  }
0x2e: {  	(v2sf) =	vpush v40, $0xF  }
0x2f: {  	v42, _, _ =	vpop (xrf0)  }
0x30: {  	v43 =	vsel vm5, $0x0, v0;
	s6 =	spop (v2sf);
	(v2sf) =	vpush v42, $0xF  }
0x31: {  	(xrf0) =	vadd.scan.msk.s32 $0xffff, v43  }
0x32: {  	v44, _, _ =	vpop (xrf0)  }
0x33: {  	s15 =	spop (v2sf);
	(v2sf) =	vpush v44, $0xF  }
0x34: {  	v45 =	vsel vm6, $0x0, v0  }
0x35: {  	(xrf0) =	vadd.scan.msk.s32 $0xffff, v45;
	_ =	sdelay $0x1  }
0x36: {  	v46, _, _ =	vpop (xrf0);
	s5 =	sshll.u32 s6, $0x4  }
0x37: {  	s5 =	sand.u32 $0x1FFFFFF0, s5;
	(v2sf) =	vpush v46, $0xF  }
0x38: {  	s5 =	sadd.s32 s3, s5  }
0x39: {  	v47 =	vsel vm7, $0x0, v0;
	[tilespmem:s11], [sflag:$0x1] =	stream.linear.gather [hbm4b:s5+s2], $0x80, $0x38;
	[tilespmem:$0x10200] =	vst v63  }
0x3a: {  	v48, _, _ =	vpop (xrf0);
	(xrf0) =	vadd.scan.msk.s32 $0xffff, v47;
	s5 =	sshll.u32 s15, $0x4  }
0x3b: {  	s5 =	sand.u32 $0x1FFFFFF0, s5  }
0x3c: {  	s6 =	simm.s32 $0x280;
	s5 =	sadd.s32 s3, s5;
	s16 =	spop (v2sf)  }
0x3d: {  	[tilespmem:s6], [sflag:$0x2] =	stream.linear.gather [hbm4b:s5+s2], $0x80, $0x38;
	[tilespmem:$0x10200] =	vst v63  }
0x3e: {  	s6 =	spop (v2sf);
	(v2sf) =	vpush v48, $0xF  }
0x3f: {  	v49 =	vsel vm8, $0x0, v0  }
0x40: {  	(xrf0) =	vadd.scan.msk.s32 $0xffff, v49;
	s5 =	sshll.u32 s16, $0x4;
	v50, _, _ =	vpop (xrf0)  }
0x41: {  	s5 =	sand.u32 $0x1FFFFFF0, s5;
	s16 =	spop (v2sf);
	(v2sf) =	vpush v50, $0xF  }
0x42: {  	s17 =	simm.s32 $0x300;
	s5 =	sadd.s32 s3, s5  }
0x43: {  	[tilespmem:s17], [sflag:$0x3] =	stream.linear.gather [hbm4b:s5+s2], $0x80, $0x38;
	[tilespmem:$0x10200] =	vst v63  }
0x44: {  	s5 =	sshll.u32 s6, $0x4  }
0x45: {  	v51 =	vsel vm9, $0x0, v0;
	s5 =	sand.u32 $0x1FFFFFF0, s5  }
0x46: {  	s15 =	simm.s32 $0x380;
	(xrf0) =	vadd.scan.msk.s32 $0xffff, v51;
	v52, _, _ =	vpop (xrf0);
	s6 =	spop (v2sf);
	s5 =	sadd.s32 s3, s5  }
0x47: {  	(v2sf) =	vpush v52, $0xF;
	[tilespmem:s15], [sflag:$0x4] =	stream.linear.gather [hbm4b:s5+s2], $0x80, $0x38;
	[tilespmem:$0x10200] =	vst v63  }
0x48: {  	v53 =	vsel vm10, $0x0, v0;
	s5 =	sshll.u32 s16, $0x4  }
0x49: {  	(xrf0) =	vadd.scan.msk.s32 $0xffff, v53;
	s5 =	sand.u32 $0x1FFFFFF0, s5  }
0x4a: {  	s17 =	simm.s32 $0x400;
	s5 =	sadd.s32 s3, s5  }
0x4b: {  	[tilespmem:s17], [sflag:$0x5] =	stream.linear.gather [hbm4b:s5+s2], $0x80, $0x38;
	[tilespmem:$0x10200] =	vst v63  }
0x4c: {  	v55 =	vsel vm11, $0x0, v0;
	v54, _, _ =	vpop (xrf0);
	s5 =	sshll.u32 s6, $0x4  }
0x4d: {  	(xrf0) =	vadd.scan.msk.s32 $0xffff, v55;
	s5 =	sand.u32 $0x1FFFFFF0, s5;
	s16 =	spop (v2sf);
	(v2sf) =	vpush v54, $0xF  }
0x4e: {  	s15 =	simm.s32 $0x480;
	s5 =	sadd.s32 s3, s5  }
0x4f: {  	v57 =	vsel vm12, $0x0, v0;
	v56, _, _ =	vpop (xrf0);
	[tilespmem:s15], [sflag:$0x6] =	stream.linear.gather [hbm4b:s5+s2], $0x80, $0x38;
	[tilespmem:$0x10200] =	vst v63  }
0x50: {  	(xrf0) =	vadd.scan.msk.s32 $0xffff, v57;
	s5 =	sshll.u32 s16, $0x4;
	s6 =	spop (v2sf);
	(v2sf) =	vpush v56, $0xF  }
0x51: {  	s5 =	sand.u32 $0x1FFFFFF0, s5  }
0x52: {  	s17 =	simm.s32 $0x500;
	s5 =	sadd.s32 s3, s5  }
0x53: {  	v58, _, _ =	vpop (xrf0);
	[tilespmem:s17], [sflag:$0x7] =	stream.linear.gather [hbm4b:s5+s2], $0x80, $0x38;
	[tilespmem:$0x10200] =	vst v63  }
0x54: {  	(v2sf) =	vpush v58, $0xF;
	s5 =	sshll.u32 s6, $0x4  }
0x55: {  	v59 =	vsel vm13, $0x0, v0;
	s5 =	sand.u32 $0x1FFFFFF0, s5  }
0x56: {  	(xrf0) =	vadd.scan.msk.s32 $0xffff, v59;
	v60, _, _ =	vpop (xrf0);
	s15 =	spop (v2sf);
	s5 =	sadd.s32 s3, s5  }
0x57: {  	v61 =	vsel vm14, $0x0, v0;
	(v2sf) =	vpush v60, $0xF;
	[tilespmem:s18], [sflag:$0x8] =	stream.linear.gather [hbm4b:s5+s2], $0x80, $0x38;
	[tilespmem:$0x10200] =	vst v63  }
0x58: {  	(xrf0) =	vadd.scan.msk.s32 $0xffff, v61;
	s5 =	sshll.u32 s15, $0x4  }
0x59: {  	s5 =	sand.u32 $0x1FFFFFF0, s5  }
0x5a: {  	s5 =	sadd.s32 s3, s5  }
0x5b: {  	[tilespmem:s19], [sflag:$0x1] =	stream.linear.gather [hbm4b:s5+s2], $0x80, $0x38;
	[tilespmem:$0x10200] =	vst v63  }
0x5c: {  	v62, _, _ =	vpop (xrf0);
	s16 =	spop (v2sf)  }
0x5d: {  	v0 =	vsel vm15, $0x0, v0;
	(v2sf) =	vpush v62, $0xF;
	s5 =	sshll.u32 s16, $0x4  }
0x5e: {  	(xrf0) =	vadd.scan.msk.s32 $0xffff, v0;
	v63, _, _ =	vpop (xrf0);
	s5 =	sand.u32 $0x1FFFFFF0, s5  }
0x5f: {  	s17 =	spop (v2sf);
	(v2sf) =	vpush v63, $0xF;
	s5 =	sadd.s32 s3, s5  }
0x60: {  	[tilespmem:s20], [sflag:$0x2] =	stream.linear.gather [hbm4b:s5+s2], $0x80, $0x38;
	[tilespmem:$0x10200] =	vst v63  }
0x61: {  	s5 =	sshll.u32 s17, $0x4  }
0x62: {  	s5 =	sand.u32 $0x1FFFFFF0, s5  }
0x63: {  	s6 =	spop (v2sf);
	s5 =	sadd.s32 s3, s5  }
0x64: {  	v0, _, _ =	vpop (xrf0);
	[tilespmem:s21], [sflag:$0x3] =	stream.linear.gather [hbm4b:s5+s2], $0x80, $0x38;
	[tilespmem:$0x10200] =	vst v63  }
0x65: {  	(v2sf) =	vpush v0, $0xF;
	s5 =	sshll.u32 s6, $0x4  }
0x66: {  	s15 =	spop (v2sf);
	s5 =	sand.u32 $0x1FFFFFF0, s5  }
0x67: {  	s15 =	sshll.u32 s15, $0x4;
	s5 =	sadd.s32 s3, s5  }
0x68: {  	[tilespmem:s22], [sflag:$0x4] =	stream.linear.gather [hbm4b:s5+s2], $0x80, $0x38;
	[tilespmem:$0x10200] =	vst v63  }
0x69: {  	s5 =	sand.u32 $0x1FFFFFF0, s15  }
0x6a: {  	s5 =	sadd.s32 s3, s5  }
0x6b: {  	[tilespmem:s23], [sflag:$0x5] =	stream.linear.gather [hbm4b:s5+s2], $0x80, $0x38;
	[tilespmem:$0x10200] =	vst v63  }
0x6c: {  	s16 =	spop (v2sf)  }
0x6d: {  	s17 =	sshll.u32 s16, $0x4  }
0x6e: {  	s6 =	spop (v2sf);
	s5 =	sand.u32 $0x1FFFFFF0, s17  }
0x6f: {  	s16 =	sshll.u32 s6, $0x4;
	s5 =	sadd.s32 s3, s5  }
0x70: {  	[tilespmem:s24], [sflag:$0x6] =	stream.linear.gather [hbm4b:s5+s2], $0x80, $0x38;
	[tilespmem:$0x10200] =	vst v63  }
0x71: {  	s5 =	sand.u32 $0x1FFFFFF0, s16  }
0x72: {  	s5 =	sadd.s32 s3, s5  }
0x73: {  	[tilespmem:s25], [sflag:$0x7] =	stream.linear.gather [hbm4b:s5+s2], $0x80, $0x38;
	[tilespmem:$0x10200] =	vst v63  }
.Ltmp2:
0x74: {  	s17 =	spop (v2sf);
	(pc) =	sbr.rel .LBB2_2-.Ltmp2, $4  }
0x75: {  	s5 =	sshll.u32 s17, $0x4  }
0x76: {  	s5 =	sand.u32 $0x1FFFFFF0, s5  }
0x77: {  	s15 =	simm.s32 $0x10;
	s16 =	simm.s32 $0x0;
	s5 =	sadd.s32 s3, s5  }
0x78: {  	[tilespmem:s26], [sflag:$0x8] =	stream.linear.gather [hbm4b:s5+s2], $0x80, $0x38;
	[tilespmem:$0x10200] =	vst v63  }
.LBB2_4:
0x79: {  	_ =	swait.ge [sflag:s28], $0x100  }
0x7a: {  	[sflag:s28] =	ssyncset.done $0x0  }
0x7b: {  	[sflag:s28] =	ssyncadd.s32 $0xFFFFFF00  }
0x7c: {  	_ =	swait.ge [sflag:s29], $0x100  }
0x7d: {  	[sflag:s29] =	ssyncset.done $0x0  }
0x7e: {  	[sflag:s29] =	ssyncadd.s32 $0xFFFFFF00  }
0x7f: {  	_ =	swait.ge [sflag:s30], $0x100  }
0x80: {  	[sflag:s30] =	ssyncset.done $0x0  }
0x81: {  	[sflag:s30] =	ssyncadd.s32 $0xFFFFFF00  }
0x82: {  	_ =	swait.ge [sflag:s31], $0x100  }
0x83: {  	[sflag:s31] =	ssyncset.done $0x0  }
0x84: {  	[sflag:s31] =	ssyncadd.s32 $0xFFFFFF00  }
0x85: {  	_ =	swait.ge [sflag:s0], $0x100  }
0x86: {  	[sflag:s0] =	ssyncset.done $0x0  }
0x87: {  	[sflag:s0] =	ssyncadd.s32 $0xFFFFFF00  }
0x88: {  	_ =	swait.ge [sflag:s1], $0x100  }
0x89: {  	[sflag:s1] =	ssyncset.done $0x0  }
0x8a: {  	s16 =	sadd.s32 $0x2000, s16;
	[sflag:s1] =	ssyncadd.s32 $0xFFFFFF00  }
0x8b: {  	p0 =	sne.s32 s16, $0x40000;
	_ =	swait.ge [sflag:s12], $0x100  }
.Ltmp3:
0x8c: {  	[sflag:s12] =	ssyncset.done $0x0;
	(pc) =	sbr.rel @!p0 .LBB2_5-.Ltmp3, $4  }
0x8d: {  	[sflag:s12] =	ssyncadd.s32 $0xFFFFFF00  }
0x8e: {  	_ =	swait.ge [sflag:s13], $0x100  }
0x8f: {  	[sflag:s13] =	ssyncset.done $0x0  }
0x90: {  	s15 =	sadd.s32 $0x10, s15;
	[sflag:s13] =	ssyncadd.s32 $0xFFFFFF00  }
.LBB2_2:
0x91: {  	p0 =	seq.s32 s16, $0x3E000  }
.Ltmp4:
0x92: {  	_ = 	snop;
	(pc) =	sbr.rel @p0 .LBB2_4-.Ltmp4, $1  }
0x93: {  	_ =	sdelay $0x3  }
0x94: {  	v0 =	vld [tilespmem:s15+$0x0];
	_ =	sdelay $0x4  }
0x95: {  	v1 =	vnsel vm0, $0x0, v0  }
0x96: {  	(xrf0) =	vadd.scan.msk.s32 $0xffff, v1;
	_ =	sdelay $0x3  }
0x97: {  	v34 =	vsel vm1, $0x0, v0  }
0x98: {  	(xrf0) =	vadd.scan.msk.s32 $0xffff, v34  }
0x99: {  	v35, _, _ =	vpop (xrf0)  }
0x9a: {  	(v2sf) =	vpush v35, $0xF;
	_ =	sdelay $0x1  }
0x9b: {  	v36 =	vsel vm2, $0x0, v0  }
0x9c: {  	(xrf0) =	vadd.scan.msk.s32 $0xffff, v36  }
0x9d: {  	v37, _, _ =	vpop (xrf0)  }
0x9e: {  	(v2sf) =	vpush v37, $0xF;
	_ =	sdelay $0x1  }
0x9f: {  	v38 =	vsel vm3, $0x0, v0  }
0xa0: {  	(xrf0) =	vadd.scan.msk.s32 $0xffff, v38  }
0xa1: {  	v39, _, _ =	vpop (xrf0)  }
0xa2: {  	(v2sf) =	vpush v39, $0xF;
	_ =	sdelay $0x1  }
0xa3: {  	v40 =	vsel vm4, $0x0, v0  }
0xa4: {  	(xrf0) =	vadd.scan.msk.s32 $0xffff, v40  }
0xa5: {  	v41, _, _ =	vpop (xrf0)  }
0xa6: {  	s5 =	spop (v2sf);
	(v2sf) =	vpush v41, $0xF  }
0xa7: {  	s17 =	sshll.u32 s5, $0x4  }
0xa8: {  	v42 =	vsel vm5, $0x0, v0;
	s5 =	sshra.s32 s16, $0x2;
	s17 =	sand.u32 $0x1FFFFFF0, s17  }
0xa9: {  	(xrf0) =	vadd.scan.msk.s32 $0xffff, v42;
	s6 =	sadd.s32 $0xA00, s5;
	s17 =	sadd.s32 s3, s17  }
0xaa: {  	v43, _, _ =	vpop (xrf0);
	[tilespmem:s6], [sflag:$0x1] =	stream.linear.gather [hbm4b:s17+s2], $0x80, $0x38;
	[tilespmem:$0x10200] =	vst v63  }
0xab: {  	s17 =	spop (v2sf);
	(v2sf) =	vpush v43, $0xF  }
0xac: {  	s6 =	sshll.u32 s17, $0x4  }
0xad: {  	v44 =	vsel vm6, $0x0, v0;
	s6 =	sand.u32 $0x1FFFFFF0, s6  }
0xae: {  	(xrf0) =	vadd.scan.msk.s32 $0xffff, v44;
	s17 =	sadd.s32 $0xA80, s5;
	s6 =	sadd.s32 s3, s6  }
0xaf: {  	v45, _, _ =	vpop (xrf0);
	[tilespmem:s17], [sflag:$0x2] =	stream.linear.gather [hbm4b:s6+s2], $0x80, $0x38;
	[tilespmem:$0x10200] =	vst v63  }
0xb0: {  	s17 =	spop (v2sf);
	(v2sf) =	vpush v45, $0xF  }
0xb1: {  	s6 =	sshll.u32 s17, $0x4  }
0xb2: {  	v46 =	vsel vm7, $0x0, v0;
	s6 =	sand.u32 $0x1FFFFFF0, s6  }
0xb3: {  	(xrf0) =	vadd.scan.msk.s32 $0xffff, v46;
	s17 =	sadd.s32 $0xB00, s5;
	s6 =	sadd.s32 s3, s6  }
0xb4: {  	v47, _, _ =	vpop (xrf0);
	[tilespmem:s17], [sflag:$0x3] =	stream.linear.gather [hbm4b:s6+s2], $0x80, $0x38;
	[tilespmem:$0x10200] =	vst v63  }
0xb5: {  	s17 =	spop (v2sf);
	(v2sf) =	vpush v47, $0xF  }
0xb6: {  	s6 =	sshll.u32 s17, $0x4  }
0xb7: {  	v48 =	vsel vm8, $0x0, v0;
	s6 =	sand.u32 $0x1FFFFFF0, s6  }
0xb8: {  	(xrf0) =	vadd.scan.msk.s32 $0xffff, v48;
	s17 =	sadd.s32 $0xB80, s5;
	s6 =	sadd.s32 s3, s6  }
0xb9: {  	v49, _, _ =	vpop (xrf0);
	[tilespmem:s17], [sflag:$0x4] =	stream.linear.gather [hbm4b:s6+s2], $0x80, $0x38;
	[tilespmem:$0x10200] =	vst v63  }
0xba: {  	s17 =	spop (v2sf);
	(v2sf) =	vpush v49, $0xF  }
0xbb: {  	s6 =	sshll.u32 s17, $0x4  }
0xbc: {  	v50 =	vsel vm9, $0x0, v0;
	s6 =	sand.u32 $0x1FFFFFF0, s6  }
0xbd: {  	(xrf0) =	vadd.scan.msk.s32 $0xffff, v50;
	s17 =	sadd.s32 $0xC00, s5;
	s6 =	sadd.s32 s3, s6  }
0xbe: {  	v51, _, _ =	vpop (xrf0);
	[tilespmem:s17], [sflag:$0x5] =	stream.linear.gather [hbm4b:s6+s2], $0x80, $0x38;
	[tilespmem:$0x10200] =	vst v63  }
0xbf: {  	s17 =	spop (v2sf);
	(v2sf) =	vpush v51, $0xF  }
0xc0: {  	s6 =	sshll.u32 s17, $0x4  }
0xc1: {  	v52 =	vsel vm10, $0x0, v0;
	s6 =	sand.u32 $0x1FFFFFF0, s6  }
0xc2: {  	(xrf0) =	vadd.scan.msk.s32 $0xffff, v52;
	s17 =	sadd.s32 $0xC80, s5;
	s6 =	sadd.s32 s3, s6  }
0xc3: {  	v53, _, _ =	vpop (xrf0);
	[tilespmem:s17], [sflag:$0x6] =	stream.linear.gather [hbm4b:s6+s2], $0x80, $0x38;
	[tilespmem:$0x10200] =	vst v63  }
0xc4: {  	s17 =	spop (v2sf);
	(v2sf) =	vpush v53, $0xF  }
0xc5: {  	s6 =	sshll.u32 s17, $0x4  }
0xc6: {  	v54 =	vsel vm11, $0x0, v0;
	s6 =	sand.u32 $0x1FFFFFF0, s6  }
0xc7: {  	(xrf0) =	vadd.scan.msk.s32 $0xffff, v54;
	s17 =	sadd.s32 $0xD00, s5;
	s6 =	sadd.s32 s3, s6  }
0xc8: {  	v55, _, _ =	vpop (xrf0);
	[tilespmem:s17], [sflag:$0x7] =	stream.linear.gather [hbm4b:s6+s2], $0x80, $0x38;
	[tilespmem:$0x10200] =	vst v63  }
0xc9: {  	s17 =	spop (v2sf);
	(v2sf) =	vpush v55, $0xF  }
0xca: {  	s6 =	sshll.u32 s17, $0x4  }
0xcb: {  	v56 =	vsel vm12, $0x0, v0;
	s6 =	sand.u32 $0x1FFFFFF0, s6  }
0xcc: {  	(xrf0) =	vadd.scan.msk.s32 $0xffff, v56;
	s17 =	sadd.s32 $0xD80, s5;
	s6 =	sadd.s32 s3, s6  }
0xcd: {  	v57, _, _ =	vpop (xrf0);
	[tilespmem:s17], [sflag:$0x8] =	stream.linear.gather [hbm4b:s6+s2], $0x80, $0x38;
	[tilespmem:$0x10200] =	vst v63  }
0xce: {  	s17 =	spop (v2sf);
	(v2sf) =	vpush v57, $0xF  }
0xcf: {  	s6 =	sshll.u32 s17, $0x4  }
0xd0: {  	v58 =	vsel vm13, $0x0, v0;
	s6 =	sand.u32 $0x1FFFFFF0, s6  }
0xd1: {  	(xrf0) =	vadd.scan.msk.s32 $0xffff, v58;
	s17 =	sadd.s32 $0xE00, s5;
	s6 =	sadd.s32 s3, s6  }
0xd2: {  	v59, _, _ =	vpop (xrf0);
	[tilespmem:s17], [sflag:$0x1] =	stream.linear.gather [hbm4b:s6+s2], $0x80, $0x38;
	[tilespmem:$0x10200] =	vst v63  }
0xd3: {  	s17 =	spop (v2sf);
	(v2sf) =	vpush v59, $0xF  }
0xd4: {  	s6 =	sshll.u32 s17, $0x4  }
0xd5: {  	v60 =	vsel vm14, $0x0, v0;
	s6 =	sand.u32 $0x1FFFFFF0, s6  }
0xd6: {  	(xrf0) =	vadd.scan.msk.s32 $0xffff, v60;
	s17 =	sadd.s32 $0xE80, s5;
	s6 =	sadd.s32 s3, s6  }
0xd7: {  	v61, _, _ =	vpop (xrf0);
	[tilespmem:s17], [sflag:$0x2] =	stream.linear.gather [hbm4b:s6+s2], $0x80, $0x38;
	[tilespmem:$0x10200] =	vst v63  }
0xd8: {  	s17 =	spop (v2sf);
	(v2sf) =	vpush v61, $0xF  }
0xd9: {  	s6 =	sshll.u32 s17, $0x4  }
0xda: {  	v0 =	vsel vm15, $0x0, v0;
	s6 =	sand.u32 $0x1FFFFFF0, s6  }
0xdb: {  	(xrf0) =	vadd.scan.msk.s32 $0xffff, v0;
	s17 =	sadd.s32 $0xF00, s5;
	s6 =	sadd.s32 s3, s6  }
0xdc: {  	v62, _, _ =	vpop (xrf0);
	[tilespmem:s17], [sflag:$0x3] =	stream.linear.gather [hbm4b:s6+s2], $0x80, $0x38;
	[tilespmem:$0x10200] =	vst v63  }
0xdd: {  	s17 =	spop (v2sf);
	(v2sf) =	vpush v62, $0xF  }
0xde: {  	s6 =	sshll.u32 s17, $0x4  }
0xdf: {  	s6 =	sand.u32 $0x1FFFFFF0, s6  }
0xe0: {  	s17 =	sadd.s32 $0xF80, s5;
	s6 =	sadd.s32 s3, s6  }
0xe1: {  	v63, _, _ =	vpop (xrf0);
	[tilespmem:s17], [sflag:$0x4] =	stream.linear.gather [hbm4b:s6+s2], $0x80, $0x38;
	[tilespmem:$0x10200] =	vst v63  }
0xe2: {  	s17 =	spop (v2sf);
	(v2sf) =	vpush v63, $0xF  }
0xe3: {  	s6 =	sshll.u32 s17, $0x4  }
0xe4: {  	s6 =	sand.u32 $0x1FFFFFF0, s6  }
0xe5: {  	s17 =	sadd.s32 $0x1000, s5;
	s6 =	sadd.s32 s3, s6  }
0xe6: {  	[tilespmem:s17], [sflag:$0x5] =	stream.linear.gather [hbm4b:s6+s2], $0x80, $0x38;
	[tilespmem:$0x10200] =	vst v63  }
0xe7: {  	s17 =	spop (v2sf)  }
0xe8: {  	s6 =	sshll.u32 s17, $0x4  }
0xe9: {  	s6 =	sand.u32 $0x1FFFFFF0, s6  }
0xea: {  	s17 =	sadd.s32 $0x1080, s5;
	s6 =	sadd.s32 s3, s6  }
0xeb: {  	[tilespmem:s17], [sflag:$0x6] =	stream.linear.gather [hbm4b:s6+s2], $0x80, $0x38;
	[tilespmem:$0x10200] =	vst v63  }
0xec: {  	s17 =	spop (v2sf)  }
0xed: {  	s6 =	sshll.u32 s17, $0x4  }
0xee: {  	s6 =	sand.u32 $0x1FFFFFF0, s6  }
0xef: {  	s17 =	sadd.s32 $0x1100, s5;
	s6 =	sadd.s32 s3, s6  }
0xf0: {  	[tilespmem:s17], [sflag:$0x7] =	stream.linear.gather [hbm4b:s6+s2], $0x80, $0x38;
	[tilespmem:$0x10200] =	vst v63  }
.Ltmp5:
0xf1: {  	s17 =	spop (v2sf);
	(pc) =	sbr.rel .LBB2_4-.Ltmp5, $4  }
0xf2: {  	s6 =	sshll.u32 s17, $0x4  }
0xf3: {  	s6 =	sand.u32 $0x1FFFFFF0, s6  }
0xf4: {  	s5 =	sadd.s32 $0x1180, s5;
	s6 =	sadd.s32 s3, s6  }
0xf5: {  	[tilespmem:s5], [sflag:$0x8] =	stream.linear.gather [hbm4b:s6+s2], $0x80, $0x38;
	[tilespmem:$0x10200] =	vst v63  }
.LBB2_5:
0xf6: {  	s15 =	simm.s32 $0x0;
	s5 =	rddreg [dreg:$0x5]  }
0xf7: {  	[hbm4b:s5+s15] =	stream.linear.scatter [tilespmem:s11], [sflag:$0x9], $0x10000, $0x38;
	[tilespmem:$0x10200] =	vst v63  }
0xf8: {  	_ =	swait.ge [sflag:s10], $0x10000  }
0xf9: {  	[sflag:s10] =	ssyncset.done $0x0  }
0xfa: {  	[sflag:s10] =	ssyncadd.s32 $0xFFFF0000  }
0xfb: {  	[tilespmem:s15], [sflag:$0x9] =	stream.linear.gather [hbm4b:s7+s15], $0x200, $0x38;
	[tilespmem:$0x10200] =	vst v63  }
0xfc: {  	_ =	swait.ge [sflag:s10], $0x200  }
0xfd: {  	[sflag:s10] =	ssyncset.done $0x0  }
0xfe: {  	[sflag:s10] =	ssyncadd.s32 $0xFFFFFE00  }
0xff: {  	v0 =	vld [tilespmem:$0x0];
	_ =	sdelay $0x4  }
0x100: {  	v1 =	vnsel vm0, $0x0, v0  }
0x101: {  	(xrf0) =	vadd.scan.msk.s32 $0xffff, v1;
	_ =	sdelay $0x3  }
0x102: {  	v34 =	vsel vm1, $0x0, v0  }
0x103: {  	(xrf0) =	vadd.scan.msk.s32 $0xffff, v34  }
0x104: {  	v35, _, _ =	vpop (xrf0)  }
0x105: {  	(v2sf) =	vpush v35, $0xF  }
0x106: {  	v36 =	vsel vm2, $0x0, v0  }
0x107: {  	(xrf0) =	vadd.scan.msk.s32 $0xffff, v36;
	_ =	sdelay $0x1  }
0x108: {  	v37, _, _ =	vpop (xrf0)  }
0x109: {  	(v2sf) =	vpush v37, $0xF;
	_ =	sdelay $0x1  }
0x10a: {  	v38 =	vsel vm3, $0x0, v0  }
0x10b: {  	(xrf0) =	vadd.scan.msk.s32 $0xffff, v38;
	v39, _, _ =	vpop (xrf0)  }
0x10c: {  	(v2sf) =	vpush v39, $0xF;
	_ =	sdelay $0x2  }
0x10d: {  	v40 =	vsel vm4, $0x0, v0  }
0x10e: {  	(xrf0) =	vadd.scan.msk.s32 $0xffff, v40  }
0x10f: {  	v41, _, _ =	vpop (xrf0)  }
0x110: {  	s17 =	spop (v2sf);
	(v2sf) =	vpush v41, $0xF  }
0x111: {  	v42 =	vsel vm5, $0x0, v0  }
0x112: {  	(xrf0) =	vadd.scan.msk.s32 $0xffff, v42;
	_ =	sdelay $0x1  }
0x113: {  	v43, _, _ =	vpop (xrf0)  }
0x114: {  	s6 =	spop (v2sf);
	(v2sf) =	vpush v43, $0xF;
	_ =	sdelay $0x1  }
0x115: {  	v44 =	vsel vm6, $0x0, v0;
	s5 =	sshll.u32 s17, $0x4  }
0x116: {  	(xrf0) =	vadd.scan.msk.s32 $0xffff, v44;
	v45, _, _ =	vpop (xrf0);
	s5 =	sand.u32 $0x1FFFFFF0, s5  }
0x117: {  	s5 =	sadd.s32 s4, s5;
	s16 =	spop (v2sf);
	(v2sf) =	vpush v45, $0xF  }
0x118: {  	[tilespmem:s11], [sflag:$0x1] =	stream.linear.gather [hbm4b:s5+s15], $0x80, $0x38;
	[tilespmem:$0x10200] =	vst v63  }
0x119: {  	s5 =	sshll.u32 s6, $0x4  }
0x11a: {  	v46 =	vsel vm7, $0x0, v0;
	s5 =	sand.u32 $0x1FFFFFF0, s5  }
0x11b: {  	(xrf0) =	vadd.scan.msk.s32 $0xffff, v46;
	s6 =	simm.s32 $0x280;
	s5 =	sadd.s32 s4, s5  }
0x11c: {  	v47, _, _ =	vpop (xrf0);
	[tilespmem:s6], [sflag:$0x2] =	stream.linear.gather [hbm4b:s5+s15], $0x80, $0x38;
	[tilespmem:$0x10200] =	vst v63  }
0x11d: {  	s5 =	sshll.u32 s16, $0x4;
	s16 =	spop (v2sf);
	(v2sf) =	vpush v47, $0xF  }
0x11e: {  	v48 =	vsel vm8, $0x0, v0  }
0x11f: {  	(xrf0) =	vadd.scan.msk.s32 $0xffff, v48;
	s5 =	sand.u32 $0x1FFFFFF0, s5  }
0x120: {  	s17 =	simm.s32 $0x300;
	s5 =	sadd.s32 s4, s5  }
0x121: {  	v49, _, _ =	vpop (xrf0);
	[tilespmem:s17], [sflag:$0x3] =	stream.linear.gather [hbm4b:s5+s15], $0x80, $0x38;
	[tilespmem:$0x10200] =	vst v63  }
0x122: {  	s5 =	sshll.u32 s16, $0x4;
	s16 =	spop (v2sf);
	(v2sf) =	vpush v49, $0xF  }
0x123: {  	v50 =	vsel vm9, $0x0, v0;
	s5 =	sand.u32 $0x1FFFFFF0, s5  }
0x124: {  	(xrf0) =	vadd.scan.msk.s32 $0xffff, v50;
	s17 =	simm.s32 $0x380;
	s5 =	sadd.s32 s4, s5  }
0x125: {  	v51, _, _ =	vpop (xrf0);
	[tilespmem:s17], [sflag:$0x4] =	stream.linear.gather [hbm4b:s5+s15], $0x80, $0x38;
	[tilespmem:$0x10200] =	vst v63  }
0x126: {  	s5 =	sshll.u32 s16, $0x4;
	s16 =	spop (v2sf);
	(v2sf) =	vpush v51, $0xF;
	_ =	sdelay $0x2  }
0x127: {  	v52 =	vsel vm10, $0x0, v0;
	s5 =	sand.u32 $0x1FFFFFF0, s5  }
0x128: {  	(xrf0) =	vadd.scan.msk.s32 $0xffff, v52;
	s17 =	simm.s32 $0x400;
	s5 =	sadd.s32 s4, s5  }
0x129: {  	v53, _, _ =	vpop (xrf0);
	[tilespmem:s17], [sflag:$0x5] =	stream.linear.gather [hbm4b:s5+s15], $0x80, $0x38;
	[tilespmem:$0x10200] =	vst v63  }
0x12a: {  	s5 =	sshll.u32 s16, $0x4;
	s16 =	spop (v2sf);
	(v2sf) =	vpush v53, $0xF  }
0x12b: {  	v54 =	vsel vm11, $0x0, v0  }
0x12c: {  	(xrf0) =	vadd.scan.msk.s32 $0xffff, v54;
	_ =	sdelay $0x1  }
0x12d: {  	v55, _, _ =	vpop (xrf0);
	s5 =	sand.u32 $0x1FFFFFF0, s5  }
0x12e: {  	s17 =	simm.s32 $0x480;
	s5 =	sadd.s32 s4, s5;
	s6 =	spop (v2sf);
	(v2sf) =	vpush v55, $0xF  }
0x12f: {  	[tilespmem:s17], [sflag:$0x6] =	stream.linear.gather [hbm4b:s5+s15], $0x80, $0x38;
	[tilespmem:$0x10200] =	vst v63  }
0x130: {  	v56 =	vsel vm12, $0x0, v0;
	s5 =	sshll.u32 s16, $0x4  }
0x131: {  	(xrf0) =	vadd.scan.msk.s32 $0xffff, v56;
	v57, _, _ =	vpop (xrf0);
	s5 =	sand.u32 $0x1FFFFFF0, s5  }
0x132: {  	s17 =	simm.s32 $0x500;
	s5 =	sadd.s32 s4, s5;
	s16 =	spop (v2sf);
	(v2sf) =	vpush v57, $0xF  }
0x133: {  	[tilespmem:s17], [sflag:$0x7] =	stream.linear.gather [hbm4b:s5+s15], $0x80, $0x38;
	[tilespmem:$0x10200] =	vst v63  }
0x134: {  	s5 =	sshll.u32 s6, $0x4  }
0x135: {  	v58 =	vsel vm13, $0x0, v0;
	s5 =	sand.u32 $0x1FFFFFF0, s5  }
0x136: {  	(xrf0) =	vadd.scan.msk.s32 $0xffff, v58;
	s5 =	sadd.s32 s4, s5  }
0x137: {  	v59, _, _ =	vpop (xrf0);
	[tilespmem:s18], [sflag:$0x8] =	stream.linear.gather [hbm4b:s5+s15], $0x80, $0x38;
	[tilespmem:$0x10200] =	vst v63  }
0x138: {  	s17 =	spop (v2sf);
	(v2sf) =	vpush v59, $0xF  }
0x139: {  	v60 =	vsel vm14, $0x0, v0;
	s5 =	sshll.u32 s16, $0x4  }
0x13a: {  	(xrf0) =	vadd.scan.msk.s32 $0xffff, v60;
	s5 =	sand.u32 $0x1FFFFFF0, s5  }
0x13b: {  	s5 =	sadd.s32 s4, s5  }
0x13c: {  	v61, _, _ =	vpop (xrf0);
	[tilespmem:s19], [sflag:$0x1] =	stream.linear.gather [hbm4b:s5+s15], $0x80, $0x38;
	[tilespmem:$0x10200] =	vst v63  }
0x13d: {  	s5 =	sshll.u32 s17, $0x4;
	s6 =	spop (v2sf);
	(v2sf) =	vpush v61, $0xF  }
0x13e: {  	v0 =	vsel vm15, $0x0, v0;
	s5 =	sand.u32 $0x1FFFFFF0, s5  }
0x13f: {  	(xrf0) =	vadd.scan.msk.s32 $0xffff, v0;
	s5 =	sadd.s32 s4, s5  }
0x140: {  	v62, _, _ =	vpop (xrf0);
	[tilespmem:s20], [sflag:$0x2] =	stream.linear.gather [hbm4b:s5+s15], $0x80, $0x38;
	[tilespmem:$0x10200] =	vst v63  }
0x141: {  	s16 =	spop (v2sf);
	(v2sf) =	vpush v62, $0xF  }
0x142: {  	s5 =	sshll.u32 s6, $0x4  }
0x143: {  	s5 =	sand.u32 $0x1FFFFFF0, s5  }
0x144: {  	s5 =	sadd.s32 s4, s5  }
0x145: {  	[tilespmem:s21], [sflag:$0x3] =	stream.linear.gather [hbm4b:s5+s15], $0x80, $0x38;
	[tilespmem:$0x10200] =	vst v63  }
0x146: {  	v63, _, _ =	vpop (xrf0);
	s5 =	sshll.u32 s16, $0x4  }
0x147: {  	s5 =	sand.u32 $0x1FFFFFF0, s5;
	s17 =	spop (v2sf);
	(v2sf) =	vpush v63, $0xF  }
0x148: {  	s5 =	sadd.s32 s4, s5  }
0x149: {  	[tilespmem:s22], [sflag:$0x4] =	stream.linear.gather [hbm4b:s5+s15], $0x80, $0x38;
	[tilespmem:$0x10200] =	vst v63  }
0x14a: {  	s5 =	sshll.u32 s17, $0x4  }
0x14b: {  	s5 =	sand.u32 $0x1FFFFFF0, s5  }
0x14c: {  	s6 =	spop (v2sf);
	s5 =	sadd.s32 s4, s5  }
0x14d: {  	[tilespmem:s23], [sflag:$0x5] =	stream.linear.gather [hbm4b:s5+s15], $0x80, $0x38;
	[tilespmem:$0x10200] =	vst v63  }
0x14e: {  	s5 =	sshll.u32 s6, $0x4  }
0x14f: {  	s5 =	sand.u32 $0x1FFFFFF0, s5  }
0x150: {  	s5 =	sadd.s32 s4, s5;
	s16 =	spop (v2sf)  }
0x151: {  	[tilespmem:s24], [sflag:$0x6] =	stream.linear.gather [hbm4b:s5+s15], $0x80, $0x38;
	[tilespmem:$0x10200] =	vst v63  }
0x152: {  	s5 =	sshll.u32 s16, $0x4  }
0x153: {  	s5 =	sand.u32 $0x1FFFFFF0, s5  }
0x154: {  	s5 =	sadd.s32 s4, s5  }
0x155: {  	[tilespmem:s25], [sflag:$0x7] =	stream.linear.gather [hbm4b:s5+s15], $0x80, $0x38;
	[tilespmem:$0x10200] =	vst v63  }
.Ltmp6:
0x156: {  	s17 =	spop (v2sf);
	(pc) =	sbr.rel .LBB2_6-.Ltmp6, $4  }
0x157: {  	s5 =	sshll.u32 s17, $0x4  }
0x158: {  	s5 =	sand.u32 $0x1FFFFFF0, s5  }
0x159: {  	s16 =	simm.s32 $0x10;
	s5 =	sadd.s32 s4, s5  }
0x15a: {  	[tilespmem:s26], [sflag:$0x8] =	stream.linear.gather [hbm4b:s5+s15], $0x80, $0x38;
	[tilespmem:$0x10200] =	vst v63  }
.LBB2_8:
0x15b: {  	_ =	swait.ge [sflag:s28], $0x100  }
0x15c: {  	[sflag:s28] =	ssyncset.done $0x0  }
0x15d: {  	[sflag:s28] =	ssyncadd.s32 $0xFFFFFF00  }
0x15e: {  	_ =	swait.ge [sflag:s29], $0x100  }
0x15f: {  	[sflag:s29] =	ssyncset.done $0x0  }
0x160: {  	[sflag:s29] =	ssyncadd.s32 $0xFFFFFF00  }
0x161: {  	_ =	swait.ge [sflag:s30], $0x100  }
0x162: {  	[sflag:s30] =	ssyncset.done $0x0  }
0x163: {  	[sflag:s30] =	ssyncadd.s32 $0xFFFFFF00  }
0x164: {  	_ =	swait.ge [sflag:s31], $0x100  }
0x165: {  	[sflag:s31] =	ssyncset.done $0x0  }
0x166: {  	[sflag:s31] =	ssyncadd.s32 $0xFFFFFF00  }
0x167: {  	_ =	swait.ge [sflag:s0], $0x100  }
0x168: {  	[sflag:s0] =	ssyncset.done $0x0  }
0x169: {  	[sflag:s0] =	ssyncadd.s32 $0xFFFFFF00  }
0x16a: {  	_ =	swait.ge [sflag:s1], $0x100  }
0x16b: {  	[sflag:s1] =	ssyncset.done $0x0  }
0x16c: {  	s15 =	sadd.s32 $0x2000, s15;
	[sflag:s1] =	ssyncadd.s32 $0xFFFFFF00  }
0x16d: {  	p0 =	sne.s32 s15, $0x40000;
	_ =	swait.ge [sflag:s12], $0x100  }
.Ltmp7:
0x16e: {  	[sflag:s12] =	ssyncset.done $0x0;
	(pc) =	sbr.rel @!p0 .LBB2_9-.Ltmp7, $4  }
0x16f: {  	[sflag:s12] =	ssyncadd.s32 $0xFFFFFF00  }
0x170: {  	_ =	swait.ge [sflag:s13], $0x100  }
0x171: {  	[sflag:s13] =	ssyncset.done $0x0  }
0x172: {  	s16 =	sadd.s32 $0x10, s16;
	[sflag:s13] =	ssyncadd.s32 $0xFFFFFF00  }
.LBB2_6:
0x173: {  	p0 =	seq.s32 s15, $0x3E000  }
.Ltmp8:
0x174: {  	_ = 	snop;
	(pc) =	sbr.rel @p0 .LBB2_8-.Ltmp8, $1  }
0x175: {  	_ =	sdelay $0x3  }
0x176: {  	v0 =	vld [tilespmem:s16+$0x0];
	_ =	sdelay $0x4  }
0x177: {  	v1 =	vnsel vm0, $0x0, v0  }
0x178: {  	(xrf0) =	vadd.scan.msk.s32 $0xffff, v1;
	_ =	sdelay $0x3  }
0x179: {  	v34 =	vsel vm1, $0x0, v0  }
0x17a: {  	(xrf0) =	vadd.scan.msk.s32 $0xffff, v34  }
0x17b: {  	v35, _, _ =	vpop (xrf0)  }
0x17c: {  	(v2sf) =	vpush v35, $0xF;
	_ =	sdelay $0x1  }
0x17d: {  	v36 =	vsel vm2, $0x0, v0  }
0x17e: {  	(xrf0) =	vadd.scan.msk.s32 $0xffff, v36  }
0x17f: {  	v37, _, _ =	vpop (xrf0)  }
0x180: {  	(v2sf) =	vpush v37, $0xF;
	_ =	sdelay $0x1  }
0x181: {  	v38 =	vsel vm3, $0x0, v0  }
0x182: {  	(xrf0) =	vadd.scan.msk.s32 $0xffff, v38  }
0x183: {  	v39, _, _ =	vpop (xrf0)  }
0x184: {  	(v2sf) =	vpush v39, $0xF;
	_ =	sdelay $0x1  }
0x185: {  	v40 =	vsel vm4, $0x0, v0  }
0x186: {  	(xrf0) =	vadd.scan.msk.s32 $0xffff, v40  }
0x187: {  	v41, _, _ =	vpop (xrf0)  }
0x188: {  	s5 =	spop (v2sf);
	(v2sf) =	vpush v41, $0xF  }
0x189: {  	s6 =	sshll.u32 s5, $0x4  }
0x18a: {  	v42 =	vsel vm5, $0x0, v0;
	s5 =	sshra.s32 s15, $0x2;
	s6 =	sand.u32 $0x1FFFFFF0, s6  }
0x18b: {  	(xrf0) =	vadd.scan.msk.s32 $0xffff, v42;
	s17 =	sadd.s32 $0xA00, s5;
	s6 =	sadd.s32 s4, s6  }
0x18c: {  	v43, _, _ =	vpop (xrf0);
	[tilespmem:s17], [sflag:$0x1] =	stream.linear.gather [hbm4b:s6+s2], $0x80, $0x38;
	[tilespmem:$0x10200] =	vst v63  }
0x18d: {  	s17 =	spop (v2sf);
	(v2sf) =	vpush v43, $0xF  }
0x18e: {  	s6 =	sshll.u32 s17, $0x4  }
0x18f: {  	v44 =	vsel vm6, $0x0, v0;
	s6 =	sand.u32 $0x1FFFFFF0, s6  }
0x190: {  	(xrf0) =	vadd.scan.msk.s32 $0xffff, v44;
	s17 =	sadd.s32 $0xA80, s5;
	s6 =	sadd.s32 s4, s6  }
0x191: {  	v45, _, _ =	vpop (xrf0);
	[tilespmem:s17], [sflag:$0x2] =	stream.linear.gather [hbm4b:s6+s2], $0x80, $0x38;
	[tilespmem:$0x10200] =	vst v63  }
0x192: {  	s17 =	spop (v2sf);
	(v2sf) =	vpush v45, $0xF  }
0x193: {  	s6 =	sshll.u32 s17, $0x4  }
0x194: {  	v46 =	vsel vm7, $0x0, v0;
	s6 =	sand.u32 $0x1FFFFFF0, s6  }
0x195: {  	(xrf0) =	vadd.scan.msk.s32 $0xffff, v46;
	s17 =	sadd.s32 $0xB00, s5;
	s6 =	sadd.s32 s4, s6  }
0x196: {  	v47, _, _ =	vpop (xrf0);
	[tilespmem:s17], [sflag:$0x3] =	stream.linear.gather [hbm4b:s6+s2], $0x80, $0x38;
	[tilespmem:$0x10200] =	vst v63  }
0x197: {  	s17 =	spop (v2sf);
	(v2sf) =	vpush v47, $0xF  }
0x198: {  	s6 =	sshll.u32 s17, $0x4  }
0x199: {  	v48 =	vsel vm8, $0x0, v0;
	s6 =	sand.u32 $0x1FFFFFF0, s6  }
0x19a: {  	(xrf0) =	vadd.scan.msk.s32 $0xffff, v48;
	s17 =	sadd.s32 $0xB80, s5;
	s6 =	sadd.s32 s4, s6  }
0x19b: {  	v49, _, _ =	vpop (xrf0);
	[tilespmem:s17], [sflag:$0x4] =	stream.linear.gather [hbm4b:s6+s2], $0x80, $0x38;
	[tilespmem:$0x10200] =	vst v63  }
0x19c: {  	s17 =	spop (v2sf);
	(v2sf) =	vpush v49, $0xF  }
0x19d: {  	s6 =	sshll.u32 s17, $0x4  }
0x19e: {  	v50 =	vsel vm9, $0x0, v0;
	s6 =	sand.u32 $0x1FFFFFF0, s6  }
0x19f: {  	(xrf0) =	vadd.scan.msk.s32 $0xffff, v50;
	s17 =	sadd.s32 $0xC00, s5;
	s6 =	sadd.s32 s4, s6  }
0x1a0: {  	v51, _, _ =	vpop (xrf0);
	[tilespmem:s17], [sflag:$0x5] =	stream.linear.gather [hbm4b:s6+s2], $0x80, $0x38;
	[tilespmem:$0x10200] =	vst v63  }
0x1a1: {  	s17 =	spop (v2sf);
	(v2sf) =	vpush v51, $0xF  }
0x1a2: {  	s6 =	sshll.u32 s17, $0x4  }
0x1a3: {  	v52 =	vsel vm10, $0x0, v0;
	s6 =	sand.u32 $0x1FFFFFF0, s6  }
0x1a4: {  	(xrf0) =	vadd.scan.msk.s32 $0xffff, v52;
	s17 =	sadd.s32 $0xC80, s5;
	s6 =	sadd.s32 s4, s6  }
0x1a5: {  	v53, _, _ =	vpop (xrf0);
	[tilespmem:s17], [sflag:$0x6] =	stream.linear.gather [hbm4b:s6+s2], $0x80, $0x38;
	[tilespmem:$0x10200] =	vst v63  }
0x1a6: {  	s17 =	spop (v2sf);
	(v2sf) =	vpush v53, $0xF  }
0x1a7: {  	s6 =	sshll.u32 s17, $0x4  }
0x1a8: {  	v54 =	vsel vm11, $0x0, v0;
	s6 =	sand.u32 $0x1FFFFFF0, s6  }
0x1a9: {  	(xrf0) =	vadd.scan.msk.s32 $0xffff, v54;
	s17 =	sadd.s32 $0xD00, s5;
	s6 =	sadd.s32 s4, s6  }
0x1aa: {  	v55, _, _ =	vpop (xrf0);
	[tilespmem:s17], [sflag:$0x7] =	stream.linear.gather [hbm4b:s6+s2], $0x80, $0x38;
	[tilespmem:$0x10200] =	vst v63  }
0x1ab: {  	s17 =	spop (v2sf);
	(v2sf) =	vpush v55, $0xF  }
0x1ac: {  	s6 =	sshll.u32 s17, $0x4  }
0x1ad: {  	v56 =	vsel vm12, $0x0, v0;
	s6 =	sand.u32 $0x1FFFFFF0, s6  }
0x1ae: {  	(xrf0) =	vadd.scan.msk.s32 $0xffff, v56;
	s17 =	sadd.s32 $0xD80, s5;
	s6 =	sadd.s32 s4, s6  }
0x1af: {  	v57, _, _ =	vpop (xrf0);
	[tilespmem:s17], [sflag:$0x8] =	stream.linear.gather [hbm4b:s6+s2], $0x80, $0x38;
	[tilespmem:$0x10200] =	vst v63  }
0x1b0: {  	s17 =	spop (v2sf);
	(v2sf) =	vpush v57, $0xF  }
0x1b1: {  	s6 =	sshll.u32 s17, $0x4  }
0x1b2: {  	v58 =	vsel vm13, $0x0, v0;
	s6 =	sand.u32 $0x1FFFFFF0, s6  }
0x1b3: {  	(xrf0) =	vadd.scan.msk.s32 $0xffff, v58;
	s17 =	sadd.s32 $0xE00, s5;
	s6 =	sadd.s32 s4, s6  }
0x1b4: {  	v59, _, _ =	vpop (xrf0);
	[tilespmem:s17], [sflag:$0x1] =	stream.linear.gather [hbm4b:s6+s2], $0x80, $0x38;
	[tilespmem:$0x10200] =	vst v63  }
0x1b5: {  	s17 =	spop (v2sf);
	(v2sf) =	vpush v59, $0xF  }
0x1b6: {  	s6 =	sshll.u32 s17, $0x4  }
0x1b7: {  	v60 =	vsel vm14, $0x0, v0;
	s6 =	sand.u32 $0x1FFFFFF0, s6  }
0x1b8: {  	(xrf0) =	vadd.scan.msk.s32 $0xffff, v60;
	s17 =	sadd.s32 $0xE80, s5;
	s6 =	sadd.s32 s4, s6  }
0x1b9: {  	v61, _, _ =	vpop (xrf0);
	[tilespmem:s17], [sflag:$0x2] =	stream.linear.gather [hbm4b:s6+s2], $0x80, $0x38;
	[tilespmem:$0x10200] =	vst v63  }
0x1ba: {  	s17 =	spop (v2sf);
	(v2sf) =	vpush v61, $0xF  }
0x1bb: {  	s6 =	sshll.u32 s17, $0x4  }
0x1bc: {  	v0 =	vsel vm15, $0x0, v0;
	s6 =	sand.u32 $0x1FFFFFF0, s6  }
0x1bd: {  	(xrf0) =	vadd.scan.msk.s32 $0xffff, v0;
	s17 =	sadd.s32 $0xF00, s5;
	s6 =	sadd.s32 s4, s6  }
0x1be: {  	v62, _, _ =	vpop (xrf0);
	[tilespmem:s17], [sflag:$0x3] =	stream.linear.gather [hbm4b:s6+s2], $0x80, $0x38;
	[tilespmem:$0x10200] =	vst v63  }
0x1bf: {  	s17 =	spop (v2sf);
	(v2sf) =	vpush v62, $0xF  }
0x1c0: {  	s6 =	sshll.u32 s17, $0x4  }
0x1c1: {  	s6 =	sand.u32 $0x1FFFFFF0, s6  }
0x1c2: {  	s17 =	sadd.s32 $0xF80, s5;
	s6 =	sadd.s32 s4, s6  }
0x1c3: {  	v63, _, _ =	vpop (xrf0);
	[tilespmem:s17], [sflag:$0x4] =	stream.linear.gather [hbm4b:s6+s2], $0x80, $0x38;
	[tilespmem:$0x10200] =	vst v63  }
0x1c4: {  	s17 =	spop (v2sf);
	(v2sf) =	vpush v63, $0xF  }
0x1c5: {  	s6 =	sshll.u32 s17, $0x4  }
0x1c6: {  	s6 =	sand.u32 $0x1FFFFFF0, s6  }
0x1c7: {  	s17 =	sadd.s32 $0x1000, s5;
	s6 =	sadd.s32 s4, s6  }
0x1c8: {  	[tilespmem:s17], [sflag:$0x5] =	stream.linear.gather [hbm4b:s6+s2], $0x80, $0x38;
	[tilespmem:$0x10200] =	vst v63  }
0x1c9: {  	s17 =	spop (v2sf)  }
0x1ca: {  	s6 =	sshll.u32 s17, $0x4  }
0x1cb: {  	s6 =	sand.u32 $0x1FFFFFF0, s6  }
0x1cc: {  	s17 =	sadd.s32 $0x1080, s5;
	s6 =	sadd.s32 s4, s6  }
0x1cd: {  	[tilespmem:s17], [sflag:$0x6] =	stream.linear.gather [hbm4b:s6+s2], $0x80, $0x38;
	[tilespmem:$0x10200] =	vst v63  }
0x1ce: {  	s17 =	spop (v2sf)  }
0x1cf: {  	s6 =	sshll.u32 s17, $0x4  }
0x1d0: {  	s6 =	sand.u32 $0x1FFFFFF0, s6  }
0x1d1: {  	s17 =	sadd.s32 $0x1100, s5;
	s6 =	sadd.s32 s4, s6  }
0x1d2: {  	[tilespmem:s17], [sflag:$0x7] =	stream.linear.gather [hbm4b:s6+s2], $0x80, $0x38;
	[tilespmem:$0x10200] =	vst v63  }
.Ltmp9:
0x1d3: {  	s17 =	spop (v2sf);
	(pc) =	sbr.rel .LBB2_8-.Ltmp9, $4  }
0x1d4: {  	s6 =	sshll.u32 s17, $0x4  }
0x1d5: {  	s6 =	sand.u32 $0x1FFFFFF0, s6  }
0x1d6: {  	s5 =	sadd.s32 $0x1180, s5;
	s6 =	sadd.s32 s4, s6  }
0x1d7: {  	[tilespmem:s5], [sflag:$0x8] =	stream.linear.gather [hbm4b:s6+s2], $0x80, $0x38;
	[tilespmem:$0x10200] =	vst v63  }
.LBB2_10:
0x1d8: {  	_ =	sfence.sel $0x180000  }
0x1d9: {  	[bflag:$0x0] =	sbarrier.arrive $0xFFFF  }
0x1da: {  	_ =	strace $0x9000004A  }
0x1db: {  	s0 =	stileid.u32;
	[bflag:$0x2] =	sbarrier.arrive $0xFFFF  }
0x1dc: {  	p0 =	sne.s32 s0, $0x0;
	s0 =	rddreg [dreg:$0x3]  }
0x1dd: {  	s0 =	sadd.s32 @!p0 $0x100000, s0  }
0x1de: {  	[sflag:s0] =	ssyncadd.tile.s32 @!p0 $0x1;
	_ =	shalt  }
.Lfunc_end2:
_tile_overlayer_lowered:
.L_overlay_start_2:
0x1df: {  	(tag) =	ssettag $0x2  }
0x1e0: {  	s0 =	rddreg [dreg:$0x0];
	s2 =	stileid.u32  }
0x1e1: {  	s1 =	rddreg [dreg:$0x1];
	p0 =	sne.s32 s2, $0x0  }
0x1e2: {  	s3 =	rddreg [dreg:$0x2];
	[bflag:$0x3] =	sbarrier.arrive $0xFFFF;
	s2 =	simm.s32 @!p0 $0x1C09  }
0x1e3: {  	[timem:s3], [sflag:s2] =	dma.local @!p0 [hbm:s0], s1  }
0x1e4: {  	s0 =	simm.s32 @!p0 $0x9  }
0x1e5: {  	_ =	swait.ge @!p0 [sflag:s0], s1  }
0x1e6: {  	s1 =	ssub.s32 @!p0 $0x0, s1;
	[sflag:s0] =	ssyncset.done @!p0 $0x0  }
0x1e7: {  	[sflag:s0] =	ssyncadd.s32 @!p0 s1  }
0x1e8: {  	[bflag:$0x3] =	sbarrier.arrive $0xFFFF  }
0x1e9: {  	_ =	shalt  }

// kernel: kernel.8.cloned.1.call-start
scs
__scs_entry_jumppad:
0x0: {  	(pc) =	sbr.rel $0x88, $3  }
0x1: {  	(tag) =	ssettag $0x0;
	lr =	simm.s32 $0x1  }
0x2: {  	[smem:$0x3F96] =	sst lr;
	_ =	strace $0xD0000000  }
0x3: {  	_ = 	snop  }
0x4: {  	_ = 	snop  }
0x5: {  	_ = 	snop  }
0x6: {  	_ = 	snop  }
0x7: {  	_ = 	snop  }
__scs_overlays_trampoline_lowered:
0x8: {  	[smem:$0x3FA5] =	sst s0  }
0x9: {  	[smem:$0x3FA6] =	sst s1  }
0xa: {  	[smem:$0x3FA7] =	sst s2  }
0xb: {  	[smem:$0x3FA8] =	sst s3  }
0xc: {  	[smem:$0x3FA9] =	sst s4  }
0xd: {  	[smem:$0x3FAA] =	sst s5  }
0xe: {  	[smem:$0x3FAB] =	sst s6  }
0xf: {  	[smem:$0x3FAC] =	sst s7  }
0x10: {  	[smem:$0x3FAD] =	sst s8  }
0x11: {  	[smem:$0x3FAE] =	sst s9;
	s0 =	simm.s32 @!p0 $0x0  }
0x12: {  	s1 =	sld [smem:$0x3F94];
	s0 =	simm.s32 @p0 $0x1  }
0x13: {  	[smem:$0x3FAF] =	sst s0;
	s0 =	simm.s32 @!p1 $0x0  }
0x14: {  	s2 =	sld [smem:$0x3F93];
	s0 =	simm.s32 @p1 $0x1  }
0x15: {  	[smem:$0x3FB0] =	sst s0;
	s0 =	simm.s32 @!p2 $0x0  }
0x16: {  	s3 =	sld [smem:$0x3FDB];
	s0 =	simm.s32 @p2 $0x1  }
0x17: {  	s4 =	simm.s32 $0x1BF5;
	[smem:$0x3FB2] =	sst s0  }
0x18: {  	s0 =	sld [smem:$0x3F95];
	_ =	swait.ge [sflag:s4], $0x0  }
0x19: {  	s7 =	sld [smem:$0x3F96]  }
0x1a: {  	s8 =	sadd.s32 $0xFFFFE003, lr  }
0x1b: {  	s9 =	sadd.s32 $0xFFFFFEF7, lr;
	s5 =	simm.s32 $0xFFFFFFFF;
	p2 =	slt.u32 s8, $0xFFFFF086  }
0x1c: {  	p1 =	slt.u32 s9, $0xF7A;
	s5 =	simm.s32 @!p2 $0x0  }
0x1d: {  	s5 =	simm.s32 @p1 $0x1;
	p0 =	seq.s32 s7, s2  }
0x1e: {  	s7 =	smul.u32 @!p0 $0xF7A, s2;
	p2 =	seq.s32 @!p0 s5, $0x0  }
0x1f: {  	s9 =	smul.u32 $0xF7A, s1;
	s8 =	simm.s32 @!p0 $0x1BF5;
	p2 =	por !p2, p0  }
0x20: {  	[sflag:s8] =	ssyncset.s32 @!p0 $0xFFFFF086;
	s6 =	sadd.s32 @!p0 s3, s7;
	s7 =	simm.s32 @!p0 $0x108  }
0x21: {  	s3 =	sadd.s32 s3, s9;
	s6 =	sadd.s32 @!p0 $0x88, s6;
	s7 =	simm.s32 @p2 $0x1082  }
0x22: {  	[simem:s7], [sflag:s8] =	dma.local @!p0 [hbm:s6], $0xF7A  }
0x23: {  	s9 =	sor.u32 $0xD0000000, s2;
	s6 =	simm.s32 $0x108;
	_ =	swait.ge @!p0 [sflag:s8], $0x0  }
0x24: {  	s3 =	sadd.s32 $0x88, s3;
	s6 =	simm.s32 @!p1 $0x1082;
	[sflag:s4] =	ssyncset.s32 $0xFFFFF086  }
0x25: {  	[simem:s6], [sflag:s4] =	dma.local [hbm:s3], $0xF7A  }
0x26: {  	[smem:$0x3F96] =	sst s1;
	(tag) =	ssettag s2;
	_ =	strace s9  }
0x27: {  	s1 =	sld [smem:$0x3FA6]  }
0x28: {  	s2 =	sld [smem:$0x3FA7]  }
0x29: {  	s4 =	sld [smem:$0x3FA9]  }
0x2a: {  	p0 =	seq.s32 s5, $0x0;
	s5 =	sld [smem:$0x3FAA]  }
0x2b: {  	s6 =	sld [smem:$0x3FAB]  }
0x2c: {  	s7 =	sld [smem:$0x3FAC]  }
0x2d: {  	s3 =	simm.s32 $0x108;
	s8 =	sld [smem:$0x3FAD]  }
0x2e: {  	s3 =	simm.s32 @!p0 $0x1082;
	s9 =	sld [smem:$0x3FAE]  }
0x2f: {  	lr =	sadd.s32 s0, s3;
	s0 =	sld [smem:$0x3FA5]  }
0x30: {  	s3 =	sld [smem:$0x3FA8]  }
0x31: {  	[smem:$0x3FB1] =	sst s10  }
0x32: {  	s10 =	sld [smem:$0x3FAF];
	_ =	sdelay $0x3  }
0x33: {  	p0 =	seq.s32 s10, $0x1;
	s10 =	sld [smem:$0x3FB1];
	_ =	sdelay $0x3  }
0x34: {  	[smem:$0x3FB1] =	sst s10  }
0x35: {  	s10 =	sld [smem:$0x3FB0];
	_ =	sdelay $0x3  }
0x36: {  	p1 =	seq.s32 s10, $0x1;
	s10 =	sld [smem:$0x3FB1];
	_ =	sdelay $0x3  }
0x37: {  	[smem:$0x3FB1] =	sst s10  }
0x38: {  	s10 =	sld [smem:$0x3FB2]  }
0x39: {  	_ = 	snop;
	(pc) =	sbr.ind lr, $3  }
0x3a: {  	_ = 	snop  }
0x3b: {  	_ = 	snop  }
0x3c: {  	p2 =	seq.s32 s10, $0x1;
	s10 =	sld [smem:$0x3FB1]  }
0x3d: {  	_ =	shalt  }
0x3e: {  	_ =	shalt  }
0x3f: {  	_ =	shalt  }
0x40: {  	_ =	shalt  }
0x41: {  	_ =	shalt  }
0x42: {  	_ =	shalt  }
0x43: {  	_ =	shalt  }
0x44: {  	_ =	shalt  }
0x45: {  	_ =	shalt  }
0x46: {  	_ =	shalt  }
0x47: {  	_ =	shalt  }
0x48: {  	_ =	shalt  }
0x49: {  	_ =	shalt  }
0x4a: {  	_ =	shalt  }
0x4b: {  	_ =	shalt  }
0x4c: {  	_ =	shalt  }
0x4d: {  	_ =	shalt  }
0x4e: {  	_ =	shalt  }
0x4f: {  	_ =	shalt  }
0x50: {  	_ =	shalt  }
0x51: {  	_ =	shalt  }
0x52: {  	_ =	shalt  }
0x53: {  	_ =	shalt  }
0x54: {  	_ =	shalt  }
0x55: {  	_ =	shalt  }
0x56: {  	_ =	shalt  }
0x57: {  	_ =	shalt  }
0x58: {  	_ =	shalt  }
0x59: {  	_ =	shalt  }
0x5a: {  	_ =	shalt  }
0x5b: {  	_ =	shalt  }
0x5c: {  	_ =	shalt  }
0x5d: {  	_ =	shalt  }
0x5e: {  	_ =	shalt  }
0x5f: {  	_ =	shalt  }
0x60: {  	_ =	shalt  }
0x61: {  	_ =	shalt  }
0x62: {  	_ =	shalt  }
0x63: {  	_ =	shalt  }
0x64: {  	_ =	shalt  }
0x65: {  	_ =	shalt  }
0x66: {  	_ =	shalt  }
0x67: {  	_ =	shalt  }
0x68: {  	_ =	shalt  }
0x69: {  	_ =	shalt  }
0x6a: {  	_ =	shalt  }
0x6b: {  	_ =	shalt  }
0x6c: {  	_ =	shalt  }
0x6d: {  	_ =	shalt  }
0x6e: {  	_ =	shalt  }
0x6f: {  	_ =	shalt  }
0x70: {  	_ =	shalt  }
0x71: {  	_ =	shalt  }
0x72: {  	_ =	shalt  }
0x73: {  	_ =	shalt  }
0x74: {  	_ =	shalt  }
0x75: {  	_ =	shalt  }
0x76: {  	_ =	shalt  }
0x77: {  	_ =	shalt  }
0x78: {  	_ =	shalt  }
0x79: {  	_ =	shalt  }
0x7a: {  	_ =	shalt  }
0x7b: {  	_ =	shalt  }
0x7c: {  	_ =	shalt  }
0x7d: {  	_ =	shalt  }
0x7e: {  	_ =	shalt  }
0x7f: {  	_ =	shalt  }
0x80: {  	_ =	shalt  }
0x81: {  	_ =	shalt  }
0x82: {  	_ =	shalt  }
0x83: {  	_ =	shalt  }
0x84: {  	_ =	shalt  }
0x85: {  	_ =	shalt  }
0x86: {  	_ =	shalt  }
0x87: {  	_ =	shalt  }
.Lfunc_end0:
.L_simem_size_0:
called_computation.1_lowered:
.L_overlay_start_0:
0x88: {  	s2 =	sld [smem:$0x3FD9]  }
0x89: {  	s3 =	sld [smem:$0x3FFE];
	_ =	sdelay $0x1  }
0x8a: {  	s1 =	srdreg.scid  }
0x8b: {  	s0 =	sand.u32 $0x1, s1  }
0x8c: {  	s17 =	sshll.u32 s0, $0xA;
	s2 =	sadd.s32 s3, s2  }
0x8d: {  	s2 =	sadd.s32 s2, s17  }
0x8e: {  	[smem:$0x3FBD] =	sst s2  }
0x8f: {  	_ = 	snop  }
0x90: {  	s2 =	sld [smem:$0x3FC7]  }
0x91: {  	s18 =	sld [smem:$0x3FC6];
	(tm) =	ssettm $0x1  }
0x92: {  	s4 =	sld [smem:$0x3FFB];
	_ =	sdelay $0x3  }
0x93: {  	_ =	strace s4  }
0x94: {  	s4 =	sld [smem:$0x3FFC];
	_ =	sdelay $0x3  }
0x95: {  	_ =	strace s4  }
0x96: {  	s4 =	sld [smem:$0x3FFD];
	_ =	sdelay $0x3  }
0x97: {  	_ =	strace s4  }
0x98: {  	_ =	strace $0x8FFFFFFF  }
0x99: {  	s19 =	sld [smem:$0x3FDB];
	_ =	sdelay $0x1  }
0x9a: {  	s5 =	simm.s32 $_scs_section_size  }
0x9b: {  	s6 =	simm.s32 $_size__tile_overlayer_lowered;
	s7 =	simm.s32 $_tile_overlayer_lowered  }
0x9c: {  	s22 =	simm.s32 $0x1BFF;
	s21 =	sshll.u32 s7, $0x1;
	s4 =	sadd.s32 s5, s19  }
0x9d: {  	s8 =	simm.s32 $0x0;
	s20 =	sshll.u32 s6, $0x1;
	s6 =	sadd.s32 s21, s4  }
0x9e: {  	[timem:s8], [sflag:s22] =	dma.local [hbm:s6], s20  }
0x9f: {  	_ =	swait.ge [sflag:s22], s20  }
0xa0: {  	s5 =	ssub.s32 $0x0, s20;
	[sflag:s22] =	ssyncset.done $0x0  }
0xa1: {  	[sflag:s22] =	ssyncadd.s32 s5;
	_ =	sdelay $0x1  }
0xa2: {  	s23 =	simm.s32 $0x1B8B  }
0xa3: {  	_ =	swait.ge [sflag:s23], $0x1  }
0xa4: {  	[sflag:s23] =	ssyncset.done $0x0  }
0xa5: {  	s25 =	simm.s32 $0x1B8E;
	s24 =	sld [smem:$0x3FFE];
	[sflag:s23] =	ssyncadd.s32 $0xFFFFFFFF  }
0xa6: {  	s26 =	simm.s32 $execute0_lowered;
	[smem:$0x3FD2] =	sst s25  }
0xa7: {  	s6 =	sshll.u32 s26, $0x1;
	_ =	strace $0x80000046;
	[dreg:$0x1] =	wrdreg $0xFFFFFFFF  }
0xa8: {  	s28 =	simm.s32 $_size_execute0_lowered;
	s4 =	sadd.s32 s4, s6;
	[dreg:$0x0] =	wrdreg $0x0  }
0xa9: {  	s6 =	sshll.u32 s28, $0x1;
	[dreg:$0x2] =	wrdreg s4  }
0xaa: {  	[dreg:$0x3] =	wrdreg s6  }
0xab: {  	[dreg:$0x4] =	wrdreg $0xC0  }
0xac: {  	_ =	task [dreg:s8], $0x5FFFF  }
0xad: {  	[dreg:$0x1] =	wrdreg $0xFFFFFFFF  }
0xae: {  	[dreg:$0x0] =	wrdreg $0x60  }
0xaf: {  	[dreg:$0x2] =	wrdreg s2  }
0xb0: {  	[dreg:$0x3] =	wrdreg s18  }
0xb1: {  	[dreg:$0x4] =	wrdreg s24  }
0xb2: {  	[dreg:$0x5] =	wrdreg $0xA  }
0xb3: {  	_ =	task.clear_ibuf [dreg:s8], $0x6FFFF;
	_ =	strace $0x90000046  }
0xb4: {  	s29 =	simm.s32 $0xA;
	_ =	strace $0x80000048  }
0xb5: {  	_ =	swait.ge [sflag:s29], $0x1  }
0xb6: {  	[sflag:s29] =	ssyncadd.s32 $0xFFFFFFFF  }
0xb7: {  	_ =	strace $0x90000048  }
0xb8: {  	_ =	sfence  }
0xb9: {  	s30 =	sld [smem:$0x0];
	_ =	sdelay $0x2  }
0xba: {  	s31 =	sshll.u32 s1, $0xD;
	s1 =	sshrl.u32 s1, $0x2  }
0xbb: {  	s3 =	sand.u32 $0x4000, s31;
	s1 =	sadd.s32 s1, s30  }
0xbc: {  	s0 =	sor.u32 s3, s0;
	s1 =	sshll.u32 s1, $0x11  }
0xbd: {  	s0 =	sor.u32 s1, s0  }
0xbe: {  	s0 =	sadd.s32 $0x8F2B, s0  }
0xbf: {  	[sflag:s0] =	ssyncadd.remote.s32 $0x1  }
0xc0: {  	_ =	sfence.sel $0xFFFF  }
0xc1: {  	[dreg:$0x0] =	wrdreg $0xFFFFFFFF;
	(pc) =	sbr.abs _section_cstart, $3  }
0xc2: {  	[dreg:$0x1] =	wrdreg $0xFFFFFFFF  }
0xc3: {  	_ =	task.clear_ibuf [dreg:s8], $0x2FFFF;
	_ =	strace $0x9FFFFFFF  }
0xc4: {  	(tm) =	ssettm $0x7FFFFFFF  }
0xc5: {  	_ =	shalt  }
tec
execute0_lowered:
.L_overlay_start_1:
0x0: {  	(tag) =	ssettag $0x1  }
0x1: {  	s0 =	rddreg [dreg:$0x0]  }
0x2: {  	s1 =	rddreg [dreg:$0x1]  }
0x3: {  	s5 =	rddreg [dreg:$0x2]  }
0x4: {  	s2 =	simm.s32 $0x0;
	s3 =	srdreg.scid;
	s4 =	stileid.u32  }
0x5: {  	s10 =	simm.s32 $0x9;
	s11 =	simm.s32 $0x200;
	s18 =	simm.s32 $0x580  }
0x6: {  	s19 =	simm.s32 $0x600;
	s20 =	simm.s32 $0x680;
	s21 =	simm.s32 $0x700  }
0x7: {  	s22 =	simm.s32 $0x780;
	s23 =	simm.s32 $0x800;
	s24 =	simm.s32 $0x880  }
0x8: {  	s25 =	simm.s32 $0x900;
	s28 =	simm.s32 $0x1;
	s29 =	simm.s32 $0x2  }
0x9: {  	s30 =	simm.s32 $0x3;
	s31 =	simm.s32 $0x4;
	s12 =	simm.s32 $0x7  }
0xa: {  	s13 =	simm.s32 $0x8;
	s14 =	simm.s32 $0x0;
	[smem:$0x7FF] =	sst s2  }
0xb: {  	s6 =	sand.u32 $0x1, s3;
	s3 =	sadd.s32 $0x1000, s5;
	s7 =	sshll.u32 s4, $0xA  }
0xc: {  	s4 =	sadd.s32 $0xF43400, s5;
	s8 =	sshll.u32 s6, $0x9;
	s6 =	ssub.s32 $0x2, s6  }
0xd: {  	vm1 =	vcmask $0x308;
	_ =	strace $0x80000047;
	s7 =	sor.u32 s8, s7;
	s9 =	sshrl.u32 s6, $0x1  }
.Ltmp0:
0xe: {  	vm2 =	vcmask $0x70C;
	vm3 =	vcmask $0xB10;
	vm4 =	vcmask $0xF14;
	s8 =	sshll.u32 s7, $0x4;
	s7 =	sshrl.u32 s7, $0x3;
	(pc) =	sbr.rel .LBB2_1-.Ltmp0, $4  }
0xf: {  	vm5 =	vcmask $0x1318;
	vm6 =	vcmask $0x171C;
	vm7 =	vcmask $0x1B20;
	s9 =	ssub.s32 s6, s9;
	s5 =	sadd.s32 s8, s5;
	s0 =	sadd.s32 s0, s7  }
0x10: {  	vm8 =	vcmask $0x1F24;
	vm9 =	vcmask $0x2328;
	vm10 =	vcmask $0x272C;
	s7 =	sadd.s32 s1, s7;
	s9 =	smax.u32 s9, $0x1;
	s1 =	simm.s32 $0x6  }
0x11: {  	vm0 =	vmmov $0x1;
	vm11 =	vcmask $0x2B30;
	vm12 =	vcmask $0x2F34;
	[dreg:$0x4] =	wrdreg s0;
	s26 =	sadd.s32 $0x1E85800, s5;
	s8 =	sadd.s32 $0x1EC5800, s5  }
0x12: {  	vm13 =	vcmask $0x3338;
	vm14 =	vcmask $0x373C;
	vm15 =	vmmov $0x7fff;
	s0 =	simm.s32 $0x5;
	[dreg:$0x5] =	wrdreg s26;
	s26 =	simm.s32 $0x980  }
.LBB2_9:
0x13: {  	s14 =	sadd.s32 $0x1, s14  }
0x14: {  	p0 =	sne.s32 s14, s9  }
.Ltmp1:
0x15: {  	_ = 	snop;
	(pc) =	sbr.rel @!p0 .LBB2_10-.Ltmp1, $4  }
0x16: {  	[hbm4b:s8+s2] =	stream.linear.scatter [tilespmem:s11], [sflag:$0x9], $0x10000, $0x38;
	[tilespmem:$0x10200] =	vst v63  }
0x17: {  	_ =	swait.ge [sflag:s10], $0x10000  }
0x18: {  	[sflag:s10] =	ssyncset.done $0x0  }
0x19: {  	[sflag:s10] =	ssyncadd.s32 $0xFFFF0000  }
.LBB2_1:
0x1a: {  	s5 =	rddreg [dreg:$0x4]  }
0x1b: {  	[tilespmem:s2], [sflag:$0x9] =	stream.linear.gather [hbm4b:s5+s2], $0x200, $0x38;
	[tilespmem:$0x10200] =	vst v63  }
0x1c: {  	_ =	swait.ge [sflag:s10], $0x200  }
0x1d: {  	[sflag:s10] =	ssyncset.done $0x0  }
0x1e: {  	[sflag:s10] =	ssyncadd.s32 $0xFFFFFE00  }
0x1f: {  	v0 =	vld [tilespmem:$0x0];
	_ =	sdelay $0x4  }
0x20: {  	v1 =	vnsel vm0, $0x0, v0  }
0x21: {  	(xrf0) =	vadd.scan.msk.s32 $0xffff, v1;
	_ =	sdelay $0x1  }
0x22: {  	v36 =	vsel vm1, $0x0, v0  }
0x23: {  	(xrf0) =	vadd.scan.msk.s32 $0xffff, v36;
	_ =	sdelay $0x2  }
0x24: {  	v37, _, _ =	vpop (xrf0)  }
0x25: {  	(v2sf) =	vpush v37, $0xF;
	_ =	sdelay $0x1  }
0x26: {  	v2, _, _ =	vpop (xrf0)  }
0x27: {  	(v2sf) =	vpush v2, $0xF  }
0x28: {  	v38 =	vsel vm2, $0x0, v0  }
0x29: {  	(xrf0) =	vadd.scan.msk.s32 $0xffff, v38;
	_ =	sdelay $0x1  }
0x2a: {  	v39 =	vsel vm3, $0x0, v0  }
0x2b: {  	(xrf0) =	vadd.scan.msk.s32 $0xffff, v39;
	_ =	sdelay $0x1  }
0x2c: {  	v41 =	vsel vm4, $0x0, v0  }
0x2d: {  	v40, _, _ =	vpop (xrf0);
	(xrf0) =	vadd.scan.msk.s32 $0xffff, v41;
	_ =	sdelay $0x1  }
0x2e: {  	(v2sf) =	vpush v40, $0xF  }
0x2f: {  	v42, _, _ =	vpop (xrf0)  }
0x30: {  	v43 =	vsel vm5, $0x0, v0;
	s6 =	spop (v2sf);
	(v2sf) =	vpush v42, $0xF  }
0x31: {  	(xrf0) =	vadd.scan.msk.s32 $0xffff, v43  }
0x32: {  	v44, _, _ =	vpop (xrf0)  }
0x33: {  	s15 =	spop (v2sf);
	(v2sf) =	vpush v44, $0xF  }
0x34: {  	v45 =	vsel vm6, $0x0, v0  }
0x35: {  	(xrf0) =	vadd.scan.msk.s32 $0xffff, v45;
	_ =	sdelay $0x1  }
0x36: {  	v46, _, _ =	vpop (xrf0);
	s5 =	sshll.u32 s6, $0x4  }
0x37: {  	s5 =	sand.u32 $0x1FFFFFF0, s5;
	(v2sf) =	vpush v46, $0xF  }
0x38: {  	s5 =	sadd.s32 s3, s5  }
0x39: {  	v47 =	vsel vm7, $0x0, v0;
	[tilespmem:s11], [sflag:$0x1] =	stream.linear.gather [hbm4b:s5+s2], $0x80, $0x38;
	[tilespmem:$0x10200] =	vst v63  }
0x3a: {  	v48, _, _ =	vpop (xrf0);
	(xrf0) =	vadd.scan.msk.s32 $0xffff, v47;
	s5 =	sshll.u32 s15, $0x4  }
0x3b: {  	s5 =	sand.u32 $0x1FFFFFF0, s5  }
0x3c: {  	s6 =	simm.s32 $0x280;
	s5 =	sadd.s32 s3, s5;
	s16 =	spop (v2sf)  }
0x3d: {  	[tilespmem:s6], [sflag:$0x2] =	stream.linear.gather [hbm4b:s5+s2], $0x80, $0x38;
	[tilespmem:$0x10200] =	vst v63  }
0x3e: {  	s6 =	spop (v2sf);
	(v2sf) =	vpush v48, $0xF  }
0x3f: {  	v49 =	vsel vm8, $0x0, v0  }
0x40: {  	(xrf0) =	vadd.scan.msk.s32 $0xffff, v49;
	s5 =	sshll.u32 s16, $0x4;
	v50, _, _ =	vpop (xrf0)  }
0x41: {  	s5 =	sand.u32 $0x1FFFFFF0, s5;
	s16 =	spop (v2sf);
	(v2sf) =	vpush v50, $0xF  }
0x42: {  	s17 =	simm.s32 $0x300;
	s5 =	sadd.s32 s3, s5  }
0x43: {  	[tilespmem:s17], [sflag:$0x3] =	stream.linear.gather [hbm4b:s5+s2], $0x80, $0x38;
	[tilespmem:$0x10200] =	vst v63  }
0x44: {  	s5 =	sshll.u32 s6, $0x4  }
0x45: {  	v51 =	vsel vm9, $0x0, v0;
	s5 =	sand.u32 $0x1FFFFFF0, s5  }
0x46: {  	s15 =	simm.s32 $0x380;
	(xrf0) =	vadd.scan.msk.s32 $0xffff, v51;
	v52, _, _ =	vpop (xrf0);
	s6 =	spop (v2sf);
	s5 =	sadd.s32 s3, s5  }
0x47: {  	(v2sf) =	vpush v52, $0xF;
	[tilespmem:s15], [sflag:$0x4] =	stream.linear.gather [hbm4b:s5+s2], $0x80, $0x38;
	[tilespmem:$0x10200] =	vst v63  }
0x48: {  	v53 =	vsel vm10, $0x0, v0;
	s5 =	sshll.u32 s16, $0x4  }
0x49: {  	(xrf0) =	vadd.scan.msk.s32 $0xffff, v53;
	s5 =	sand.u32 $0x1FFFFFF0, s5  }
0x4a: {  	s17 =	simm.s32 $0x400;
	s5 =	sadd.s32 s3, s5  }
0x4b: {  	[tilespmem:s17], [sflag:$0x5] =	stream.linear.gather [hbm4b:s5+s2], $0x80, $0x38;
	[tilespmem:$0x10200] =	vst v63  }
0x4c: {  	v55 =	vsel vm11, $0x0, v0;
	v54, _, _ =	vpop (xrf0);
	s5 =	sshll.u32 s6, $0x4  }
0x4d: {  	(xrf0) =	vadd.scan.msk.s32 $0xffff, v55;
	s5 =	sand.u32 $0x1FFFFFF0, s5;
	s16 =	spop (v2sf);
	(v2sf) =	vpush v54, $0xF  }
0x4e: {  	s15 =	simm.s32 $0x480;
	s5 =	sadd.s32 s3, s5  }
0x4f: {  	v57 =	vsel vm12, $0x0, v0;
	v56, _, _ =	vpop (xrf0);
	[tilespmem:s15], [sflag:$0x6] =	stream.linear.gather [hbm4b:s5+s2], $0x80, $0x38;
	[tilespmem:$0x10200] =	vst v63  }
0x50: {  	(xrf0) =	vadd.scan.msk.s32 $0xffff, v57;
	s5 =	sshll.u32 s16, $0x4;
	s6 =	spop (v2sf);
	(v2sf) =	vpush v56, $0xF  }
0x51: {  	s5 =	sand.u32 $0x1FFFFFF0, s5  }
0x52: {  	s17 =	simm.s32 $0x500;
	s5 =	sadd.s32 s3, s5  }
0x53: {  	v58, _, _ =	vpop (xrf0);
	[tilespmem:s17], [sflag:$0x7] =	stream.linear.gather [hbm4b:s5+s2], $0x80, $0x38;
	[tilespmem:$0x10200] =	vst v63  }
0x54: {  	(v2sf) =	vpush v58, $0xF;
	s5 =	sshll.u32 s6, $0x4  }
0x55: {  	v59 =	vsel vm13, $0x0, v0;
	s5 =	sand.u32 $0x1FFFFFF0, s5  }
0x56: {  	(xrf0) =	vadd.scan.msk.s32 $0xffff, v59;
	v60, _, _ =	vpop (xrf0);
	s15 =	spop (v2sf);
	s5 =	sadd.s32 s3, s5  }
0x57: {  	v61 =	vsel vm14, $0x0, v0;
	(v2sf) =	vpush v60, $0xF;
	[tilespmem:s18], [sflag:$0x8] =	stream.linear.gather [hbm4b:s5+s2], $0x80, $0x38;
	[tilespmem:$0x10200] =	vst v63  }
0x58: {  	(xrf0) =	vadd.scan.msk.s32 $0xffff, v61;
	s5 =	sshll.u32 s15, $0x4  }
0x59: {  	s5 =	sand.u32 $0x1FFFFFF0, s5  }
0x5a: {  	s5 =	sadd.s32 s3, s5  }
0x5b: {  	[tilespmem:s19], [sflag:$0x1] =	stream.linear.gather [hbm4b:s5+s2], $0x80, $0x38;
	[tilespmem:$0x10200] =	vst v63  }
0x5c: {  	v62, _, _ =	vpop (xrf0);
	s16 =	spop (v2sf)  }
0x5d: {  	v0 =	vsel vm15, $0x0, v0;
	(v2sf) =	vpush v62, $0xF;
	s5 =	sshll.u32 s16, $0x4  }
0x5e: {  	(xrf0) =	vadd.scan.msk.s32 $0xffff, v0;
	v63, _, _ =	vpop (xrf0);
	s5 =	sand.u32 $0x1FFFFFF0, s5  }
0x5f: {  	s17 =	spop (v2sf);
	(v2sf) =	vpush v63, $0xF;
	s5 =	sadd.s32 s3, s5  }
0x60: {  	[tilespmem:s20], [sflag:$0x2] =	stream.linear.gather [hbm4b:s5+s2], $0x80, $0x38;
	[tilespmem:$0x10200] =	vst v63  }
0x61: {  	s5 =	sshll.u32 s17, $0x4  }
0x62: {  	s5 =	sand.u32 $0x1FFFFFF0, s5  }
0x63: {  	s6 =	spop (v2sf);
	s5 =	sadd.s32 s3, s5  }
0x64: {  	v0, _, _ =	vpop (xrf0);
	[tilespmem:s21], [sflag:$0x3] =	stream.linear.gather [hbm4b:s5+s2], $0x80, $0x38;
	[tilespmem:$0x10200] =	vst v63  }
0x65: {  	(v2sf) =	vpush v0, $0xF;
	s5 =	sshll.u32 s6, $0x4  }
0x66: {  	s15 =	spop (v2sf);
	s5 =	sand.u32 $0x1FFFFFF0, s5  }
0x67: {  	s15 =	sshll.u32 s15, $0x4;
	s5 =	sadd.s32 s3, s5  }
0x68: {  	[tilespmem:s22], [sflag:$0x4] =	stream.linear.gather [hbm4b:s5+s2], $0x80, $0x38;
	[tilespmem:$0x10200] =	vst v63  }
0x69: {  	s5 =	sand.u32 $0x1FFFFFF0, s15  }
0x6a: {  	s5 =	sadd.s32 s3, s5  }
0x6b: {  	[tilespmem:s23], [sflag:$0x5] =	stream.linear.gather [hbm4b:s5+s2], $0x80, $0x38;
	[tilespmem:$0x10200] =	vst v63  }
0x6c: {  	s16 =	spop (v2sf)  }
0x6d: {  	s17 =	sshll.u32 s16, $0x4  }
0x6e: {  	s6 =	spop (v2sf);
	s5 =	sand.u32 $0x1FFFFFF0, s17  }
0x6f: {  	s16 =	sshll.u32 s6, $0x4;
	s5 =	sadd.s32 s3, s5  }
0x70: {  	[tilespmem:s24], [sflag:$0x6] =	stream.linear.gather [hbm4b:s5+s2], $0x80, $0x38;
	[tilespmem:$0x10200] =	vst v63  }
0x71: {  	s5 =	sand.u32 $0x1FFFFFF0, s16  }
0x72: {  	s5 =	sadd.s32 s3, s5  }
0x73: {  	[tilespmem:s25], [sflag:$0x7] =	stream.linear.gather [hbm4b:s5+s2], $0x80, $0x38;
	[tilespmem:$0x10200] =	vst v63  }
.Ltmp2:
0x74: {  	s17 =	spop (v2sf);
	(pc) =	sbr.rel .LBB2_2-.Ltmp2, $4  }
0x75: {  	s5 =	sshll.u32 s17, $0x4  }
0x76: {  	s5 =	sand.u32 $0x1FFFFFF0, s5  }
0x77: {  	s15 =	simm.s32 $0x10;
	s16 =	simm.s32 $0x0;
	s5 =	sadd.s32 s3, s5  }
0x78: {  	[tilespmem:s26], [sflag:$0x8] =	stream.linear.gather [hbm4b:s5+s2], $0x80, $0x38;
	[tilespmem:$0x10200] =	vst v63  }
.LBB2_4:
0x79: {  	_ =	swait.ge [sflag:s28], $0x100  }
0x7a: {  	[sflag:s28] =	ssyncset.done $0x0  }
0x7b: {  	[sflag:s28] =	ssyncadd.s32 $0xFFFFFF00  }
0x7c: {  	_ =	swait.ge [sflag:s29], $0x100  }
0x7d: {  	[sflag:s29] =	ssyncset.done $0x0  }
0x7e: {  	[sflag:s29] =	ssyncadd.s32 $0xFFFFFF00  }
0x7f: {  	_ =	swait.ge [sflag:s30], $0x100  }
0x80: {  	[sflag:s30] =	ssyncset.done $0x0  }
0x81: {  	[sflag:s30] =	ssyncadd.s32 $0xFFFFFF00  }
0x82: {  	_ =	swait.ge [sflag:s31], $0x100  }
0x83: {  	[sflag:s31] =	ssyncset.done $0x0  }
0x84: {  	[sflag:s31] =	ssyncadd.s32 $0xFFFFFF00  }
0x85: {  	_ =	swait.ge [sflag:s0], $0x100  }
0x86: {  	[sflag:s0] =	ssyncset.done $0x0  }
0x87: {  	[sflag:s0] =	ssyncadd.s32 $0xFFFFFF00  }
0x88: {  	_ =	swait.ge [sflag:s1], $0x100  }
0x89: {  	[sflag:s1] =	ssyncset.done $0x0  }
0x8a: {  	s16 =	sadd.s32 $0x2000, s16;
	[sflag:s1] =	ssyncadd.s32 $0xFFFFFF00  }
0x8b: {  	p0 =	sne.s32 s16, $0x40000;
	_ =	swait.ge [sflag:s12], $0x100  }
.Ltmp3:
0x8c: {  	[sflag:s12] =	ssyncset.done $0x0;
	(pc) =	sbr.rel @!p0 .LBB2_5-.Ltmp3, $4  }
0x8d: {  	[sflag:s12] =	ssyncadd.s32 $0xFFFFFF00  }
0x8e: {  	_ =	swait.ge [sflag:s13], $0x100  }
0x8f: {  	[sflag:s13] =	ssyncset.done $0x0  }
0x90: {  	s15 =	sadd.s32 $0x10, s15;
	[sflag:s13] =	ssyncadd.s32 $0xFFFFFF00  }
.LBB2_2:
0x91: {  	p0 =	seq.s32 s16, $0x3E000  }
.Ltmp4:
0x92: {  	_ = 	snop;
	(pc) =	sbr.rel @p0 .LBB2_4-.Ltmp4, $1  }
0x93: {  	_ =	sdelay $0x3  }
0x94: {  	v0 =	vld [tilespmem:s15+$0x0];
	_ =	sdelay $0x4  }
0x95: {  	v1 =	vnsel vm0, $0x0, v0  }
0x96: {  	(xrf0) =	vadd.scan.msk.s32 $0xffff, v1;
	_ =	sdelay $0x3  }
0x97: {  	v34 =	vsel vm1, $0x0, v0  }
0x98: {  	(xrf0) =	vadd.scan.msk.s32 $0xffff, v34  }
0x99: {  	v35, _, _ =	vpop (xrf0)  }
0x9a: {  	(v2sf) =	vpush v35, $0xF;
	_ =	sdelay $0x1  }
0x9b: {  	v36 =	vsel vm2, $0x0, v0  }
0x9c: {  	(xrf0) =	vadd.scan.msk.s32 $0xffff, v36  }
0x9d: {  	v37, _, _ =	vpop (xrf0)  }
0x9e: {  	(v2sf) =	vpush v37, $0xF;
	_ =	sdelay $0x1  }
0x9f: {  	v38 =	vsel vm3, $0x0, v0  }
0xa0: {  	(xrf0) =	vadd.scan.msk.s32 $0xffff, v38  }
0xa1: {  	v39, _, _ =	vpop (xrf0)  }
0xa2: {  	(v2sf) =	vpush v39, $0xF;
	_ =	sdelay $0x1  }
0xa3: {  	v40 =	vsel vm4, $0x0, v0  }
0xa4: {  	(xrf0) =	vadd.scan.msk.s32 $0xffff, v40  }
0xa5: {  	v41, _, _ =	vpop (xrf0)  }
0xa6: {  	s5 =	spop (v2sf);
	(v2sf) =	vpush v41, $0xF  }
0xa7: {  	s17 =	sshll.u32 s5, $0x4  }
0xa8: {  	v42 =	vsel vm5, $0x0, v0;
	s5 =	sshra.s32 s16, $0x2;
	s17 =	sand.u32 $0x1FFFFFF0, s17  }
0xa9: {  	(xrf0) =	vadd.scan.msk.s32 $0xffff, v42;
	s6 =	sadd.s32 $0xA00, s5;
	s17 =	sadd.s32 s3, s17  }
0xaa: {  	v43, _, _ =	vpop (xrf0);
	[tilespmem:s6], [sflag:$0x1] =	stream.linear.gather [hbm4b:s17+s2], $0x80, $0x38;
	[tilespmem:$0x10200] =	vst v63  }
0xab: {  	s17 =	spop (v2sf);
	(v2sf) =	vpush v43, $0xF  }
0xac: {  	s6 =	sshll.u32 s17, $0x4  }
0xad: {  	v44 =	vsel vm6, $0x0, v0;
	s6 =	sand.u32 $0x1FFFFFF0, s6  }
0xae: {  	(xrf0) =	vadd.scan.msk.s32 $0xffff, v44;
	s17 =	sadd.s32 $0xA80, s5;
	s6 =	sadd.s32 s3, s6  }
0xaf: {  	v45, _, _ =	vpop (xrf0);
	[tilespmem:s17], [sflag:$0x2] =	stream.linear.gather [hbm4b:s6+s2], $0x80, $0x38;
	[tilespmem:$0x10200] =	vst v63  }
0xb0: {  	s17 =	spop (v2sf);
	(v2sf) =	vpush v45, $0xF  }
0xb1: {  	s6 =	sshll.u32 s17, $0x4  }
0xb2: {  	v46 =	vsel vm7, $0x0, v0;
	s6 =	sand.u32 $0x1FFFFFF0, s6  }
0xb3: {  	(xrf0) =	vadd.scan.msk.s32 $0xffff, v46;
	s17 =	sadd.s32 $0xB00, s5;
	s6 =	sadd.s32 s3, s6  }
0xb4: {  	v47, _, _ =	vpop (xrf0);
	[tilespmem:s17], [sflag:$0x3] =	stream.linear.gather [hbm4b:s6+s2], $0x80, $0x38;
	[tilespmem:$0x10200] =	vst v63  }
0xb5: {  	s17 =	spop (v2sf);
	(v2sf) =	vpush v47, $0xF  }
0xb6: {  	s6 =	sshll.u32 s17, $0x4  }
0xb7: {  	v48 =	vsel vm8, $0x0, v0;
	s6 =	sand.u32 $0x1FFFFFF0, s6  }
0xb8: {  	(xrf0) =	vadd.scan.msk.s32 $0xffff, v48;
	s17 =	sadd.s32 $0xB80, s5;
	s6 =	sadd.s32 s3, s6  }
0xb9: {  	v49, _, _ =	vpop (xrf0);
	[tilespmem:s17], [sflag:$0x4] =	stream.linear.gather [hbm4b:s6+s2], $0x80, $0x38;
	[tilespmem:$0x10200] =	vst v63  }
0xba: {  	s17 =	spop (v2sf);
	(v2sf) =	vpush v49, $0xF  }
0xbb: {  	s6 =	sshll.u32 s17, $0x4  }
0xbc: {  	v50 =	vsel vm9, $0x0, v0;
	s6 =	sand.u32 $0x1FFFFFF0, s6  }
0xbd: {  	(xrf0) =	vadd.scan.msk.s32 $0xffff, v50;
	s17 =	sadd.s32 $0xC00, s5;
	s6 =	sadd.s32 s3, s6  }
0xbe: {  	v51, _, _ =	vpop (xrf0);
	[tilespmem:s17], [sflag:$0x5] =	stream.linear.gather [hbm4b:s6+s2], $0x80, $0x38;
	[tilespmem:$0x10200] =	vst v63  }
0xbf: {  	s17 =	spop (v2sf);
	(v2sf) =	vpush v51, $0xF  }
0xc0: {  	s6 =	sshll.u32 s17, $0x4  }
0xc1: {  	v52 =	vsel vm10, $0x0, v0;
	s6 =	sand.u32 $0x1FFFFFF0, s6  }
0xc2: {  	(xrf0) =	vadd.scan.msk.s32 $0xffff, v52;
	s17 =	sadd.s32 $0xC80, s5;
	s6 =	sadd.s32 s3, s6  }
0xc3: {  	v53, _, _ =	vpop (xrf0);
	[tilespmem:s17], [sflag:$0x6] =	stream.linear.gather [hbm4b:s6+s2], $0x80, $0x38;
	[tilespmem:$0x10200] =	vst v63  }
0xc4: {  	s17 =	spop (v2sf);
	(v2sf) =	vpush v53, $0xF  }
0xc5: {  	s6 =	sshll.u32 s17, $0x4  }
0xc6: {  	v54 =	vsel vm11, $0x0, v0;
	s6 =	sand.u32 $0x1FFFFFF0, s6  }
0xc7: {  	(xrf0) =	vadd.scan.msk.s32 $0xffff, v54;
	s17 =	sadd.s32 $0xD00, s5;
	s6 =	sadd.s32 s3, s6  }
0xc8: {  	v55, _, _ =	vpop (xrf0);
	[tilespmem:s17], [sflag:$0x7] =	stream.linear.gather [hbm4b:s6+s2], $0x80, $0x38;
	[tilespmem:$0x10200] =	vst v63  }
0xc9: {  	s17 =	spop (v2sf);
	(v2sf) =	vpush v55, $0xF  }
0xca: {  	s6 =	sshll.u32 s17, $0x4  }
0xcb: {  	v56 =	vsel vm12, $0x0, v0;
	s6 =	sand.u32 $0x1FFFFFF0, s6  }
0xcc: {  	(xrf0) =	vadd.scan.msk.s32 $0xffff, v56;
	s17 =	sadd.s32 $0xD80, s5;
	s6 =	sadd.s32 s3, s6  }
0xcd: {  	v57, _, _ =	vpop (xrf0);
	[tilespmem:s17], [sflag:$0x8] =	stream.linear.gather [hbm4b:s6+s2], $0x80, $0x38;
	[tilespmem:$0x10200] =	vst v63  }
0xce: {  	s17 =	spop (v2sf);
	(v2sf) =	vpush v57, $0xF  }
0xcf: {  	s6 =	sshll.u32 s17, $0x4  }
0xd0: {  	v58 =	vsel vm13, $0x0, v0;
	s6 =	sand.u32 $0x1FFFFFF0, s6  }
0xd1: {  	(xrf0) =	vadd.scan.msk.s32 $0xffff, v58;
	s17 =	sadd.s32 $0xE00, s5;
	s6 =	sadd.s32 s3, s6  }
0xd2: {  	v59, _, _ =	vpop (xrf0);
	[tilespmem:s17], [sflag:$0x1] =	stream.linear.gather [hbm4b:s6+s2], $0x80, $0x38;
	[tilespmem:$0x10200] =	vst v63  }
0xd3: {  	s17 =	spop (v2sf);
	(v2sf) =	vpush v59, $0xF  }
0xd4: {  	s6 =	sshll.u32 s17, $0x4  }
0xd5: {  	v60 =	vsel vm14, $0x0, v0;
	s6 =	sand.u32 $0x1FFFFFF0, s6  }
0xd6: {  	(xrf0) =	vadd.scan.msk.s32 $0xffff, v60;
	s17 =	sadd.s32 $0xE80, s5;
	s6 =	sadd.s32 s3, s6  }
0xd7: {  	v61, _, _ =	vpop (xrf0);
	[tilespmem:s17], [sflag:$0x2] =	stream.linear.gather [hbm4b:s6+s2], $0x80, $0x38;
	[tilespmem:$0x10200] =	vst v63  }
0xd8: {  	s17 =	spop (v2sf);
	(v2sf) =	vpush v61, $0xF  }
0xd9: {  	s6 =	sshll.u32 s17, $0x4  }
0xda: {  	v0 =	vsel vm15, $0x0, v0;
	s6 =	sand.u32 $0x1FFFFFF0, s6  }
0xdb: {  	(xrf0) =	vadd.scan.msk.s32 $0xffff, v0;
	s17 =	sadd.s32 $0xF00, s5;
	s6 =	sadd.s32 s3, s6  }
0xdc: {  	v62, _, _ =	vpop (xrf0);
	[tilespmem:s17], [sflag:$0x3] =	stream.linear.gather [hbm4b:s6+s2], $0x80, $0x38;
	[tilespmem:$0x10200] =	vst v63  }
0xdd: {  	s17 =	spop (v2sf);
	(v2sf) =	vpush v62, $0xF  }
0xde: {  	s6 =	sshll.u32 s17, $0x4  }
0xdf: {  	s6 =	sand.u32 $0x1FFFFFF0, s6  }
0xe0: {  	s17 =	sadd.s32 $0xF80, s5;
	s6 =	sadd.s32 s3, s6  }
0xe1: {  	v63, _, _ =	vpop (xrf0);
	[tilespmem:s17], [sflag:$0x4] =	stream.linear.gather [hbm4b:s6+s2], $0x80, $0x38;
	[tilespmem:$0x10200] =	vst v63  }
0xe2: {  	s17 =	spop (v2sf);
	(v2sf) =	vpush v63, $0xF  }
0xe3: {  	s6 =	sshll.u32 s17, $0x4  }
0xe4: {  	s6 =	sand.u32 $0x1FFFFFF0, s6  }
0xe5: {  	s17 =	sadd.s32 $0x1000, s5;
	s6 =	sadd.s32 s3, s6  }
0xe6: {  	[tilespmem:s17], [sflag:$0x5] =	stream.linear.gather [hbm4b:s6+s2], $0x80, $0x38;
	[tilespmem:$0x10200] =	vst v63  }
0xe7: {  	s17 =	spop (v2sf)  }
0xe8: {  	s6 =	sshll.u32 s17, $0x4  }
0xe9: {  	s6 =	sand.u32 $0x1FFFFFF0, s6  }
0xea: {  	s17 =	sadd.s32 $0x1080, s5;
	s6 =	sadd.s32 s3, s6  }
0xeb: {  	[tilespmem:s17], [sflag:$0x6] =	stream.linear.gather [hbm4b:s6+s2], $0x80, $0x38;
	[tilespmem:$0x10200] =	vst v63  }
0xec: {  	s17 =	spop (v2sf)  }
0xed: {  	s6 =	sshll.u32 s17, $0x4  }
0xee: {  	s6 =	sand.u32 $0x1FFFFFF0, s6  }
0xef: {  	s17 =	sadd.s32 $0x1100, s5;
	s6 =	sadd.s32 s3, s6  }
0xf0: {  	[tilespmem:s17], [sflag:$0x7] =	stream.linear.gather [hbm4b:s6+s2], $0x80, $0x38;
	[tilespmem:$0x10200] =	vst v63  }
.Ltmp5:
0xf1: {  	s17 =	spop (v2sf);
	(pc) =	sbr.rel .LBB2_4-.Ltmp5, $4  }
0xf2: {  	s6 =	sshll.u32 s17, $0x4  }
0xf3: {  	s6 =	sand.u32 $0x1FFFFFF0, s6  }
0xf4: {  	s5 =	sadd.s32 $0x1180, s5;
	s6 =	sadd.s32 s3, s6  }
0xf5: {  	[tilespmem:s5], [sflag:$0x8] =	stream.linear.gather [hbm4b:s6+s2], $0x80, $0x38;
	[tilespmem:$0x10200] =	vst v63  }
.LBB2_5:
0xf6: {  	s15 =	simm.s32 $0x0;
	s5 =	rddreg [dreg:$0x5]  }
0xf7: {  	[hbm4b:s5+s15] =	stream.linear.scatter [tilespmem:s11], [sflag:$0x9], $0x10000, $0x38;
	[tilespmem:$0x10200] =	vst v63  }
0xf8: {  	_ =	swait.ge [sflag:s10], $0x10000  }
0xf9: {  	[sflag:s10] =	ssyncset.done $0x0  }
0xfa: {  	[sflag:s10] =	ssyncadd.s32 $0xFFFF0000  }
0xfb: {  	[tilespmem:s15], [sflag:$0x9] =	stream.linear.gather [hbm4b:s7+s15], $0x200, $0x38;
	[tilespmem:$0x10200] =	vst v63  }
0xfc: {  	_ =	swait.ge [sflag:s10], $0x200  }
0xfd: {  	[sflag:s10] =	ssyncset.done $0x0  }
0xfe: {  	[sflag:s10] =	ssyncadd.s32 $0xFFFFFE00  }
0xff: {  	v0 =	vld [tilespmem:$0x0];
	_ =	sdelay $0x4  }
0x100: {  	v1 =	vnsel vm0, $0x0, v0  }
0x101: {  	(xrf0) =	vadd.scan.msk.s32 $0xffff, v1;
	_ =	sdelay $0x3  }
0x102: {  	v34 =	vsel vm1, $0x0, v0  }
0x103: {  	(xrf0) =	vadd.scan.msk.s32 $0xffff, v34  }
0x104: {  	v35, _, _ =	vpop (xrf0)  }
0x105: {  	(v2sf) =	vpush v35, $0xF  }
0x106: {  	v36 =	vsel vm2, $0x0, v0  }
0x107: {  	(xrf0) =	vadd.scan.msk.s32 $0xffff, v36;
	_ =	sdelay $0x1  }
0x108: {  	v37, _, _ =	vpop (xrf0)  }
0x109: {  	(v2sf) =	vpush v37, $0xF;
	_ =	sdelay $0x1  }
0x10a: {  	v38 =	vsel vm3, $0x0, v0  }
0x10b: {  	(xrf0) =	vadd.scan.msk.s32 $0xffff, v38;
	v39, _, _ =	vpop (xrf0)  }
0x10c: {  	(v2sf) =	vpush v39, $0xF;
	_ =	sdelay $0x2  }
0x10d: {  	v40 =	vsel vm4, $0x0, v0  }
0x10e: {  	(xrf0) =	vadd.scan.msk.s32 $0xffff, v40  }
0x10f: {  	v41, _, _ =	vpop (xrf0)  }
0x110: {  	s17 =	spop (v2sf);
	(v2sf) =	vpush v41, $0xF  }
0x111: {  	v42 =	vsel vm5, $0x0, v0  }
0x112: {  	(xrf0) =	vadd.scan.msk.s32 $0xffff, v42;
	_ =	sdelay $0x1  }
0x113: {  	v43, _, _ =	vpop (xrf0)  }
0x114: {  	s6 =	spop (v2sf);
	(v2sf) =	vpush v43, $0xF;
	_ =	sdelay $0x1  }
0x115: {  	v44 =	vsel vm6, $0x0, v0;
	s5 =	sshll.u32 s17, $0x4  }
0x116: {  	(xrf0) =	vadd.scan.msk.s32 $0xffff, v44;
	v45, _, _ =	vpop (xrf0);
	s5 =	sand.u32 $0x1FFFFFF0, s5  }
0x117: {  	s5 =	sadd.s32 s4, s5;
	s16 =	spop (v2sf);
	(v2sf) =	vpush v45, $0xF  }
0x118: {  	[tilespmem:s11], [sflag:$0x1] =	stream.linear.gather [hbm4b:s5+s15], $0x80, $0x38;
	[tilespmem:$0x10200] =	vst v63  }
0x119: {  	s5 =	sshll.u32 s6, $0x4  }
0x11a: {  	v46 =	vsel vm7, $0x0, v0;
	s5 =	sand.u32 $0x1FFFFFF0, s5  }
0x11b: {  	(xrf0) =	vadd.scan.msk.s32 $0xffff, v46;
	s6 =	simm.s32 $0x280;
	s5 =	sadd.s32 s4, s5  }
0x11c: {  	v47, _, _ =	vpop (xrf0);
	[tilespmem:s6], [sflag:$0x2] =	stream.linear.gather [hbm4b:s5+s15], $0x80, $0x38;
	[tilespmem:$0x10200] =	vst v63  }
0x11d: {  	s5 =	sshll.u32 s16, $0x4;
	s16 =	spop (v2sf);
	(v2sf) =	vpush v47, $0xF  }
0x11e: {  	v48 =	vsel vm8, $0x0, v0  }
0x11f: {  	(xrf0) =	vadd.scan.msk.s32 $0xffff, v48;
	s5 =	sand.u32 $0x1FFFFFF0, s5  }
0x120: {  	s17 =	simm.s32 $0x300;
	s5 =	sadd.s32 s4, s5  }
0x121: {  	v49, _, _ =	vpop (xrf0);
	[tilespmem:s17], [sflag:$0x3] =	stream.linear.gather [hbm4b:s5+s15], $0x80, $0x38;
	[tilespmem:$0x10200] =	vst v63  }
0x122: {  	s5 =	sshll.u32 s16, $0x4;
	s16 =	spop (v2sf);
	(v2sf) =	vpush v49, $0xF  }
0x123: {  	v50 =	vsel vm9, $0x0, v0;
	s5 =	sand.u32 $0x1FFFFFF0, s5  }
0x124: {  	(xrf0) =	vadd.scan.msk.s32 $0xffff, v50;
	s17 =	simm.s32 $0x380;
	s5 =	sadd.s32 s4, s5  }
0x125: {  	v51, _, _ =	vpop (xrf0);
	[tilespmem:s17], [sflag:$0x4] =	stream.linear.gather [hbm4b:s5+s15], $0x80, $0x38;
	[tilespmem:$0x10200] =	vst v63  }
0x126: {  	s5 =	sshll.u32 s16, $0x4;
	s16 =	spop (v2sf);
	(v2sf) =	vpush v51, $0xF;
	_ =	sdelay $0x2  }
0x127: {  	v52 =	vsel vm10, $0x0, v0;
	s5 =	sand.u32 $0x1FFFFFF0, s5  }
0x128: {  	(xrf0) =	vadd.scan.msk.s32 $0xffff, v52;
	s17 =	simm.s32 $0x400;
	s5 =	sadd.s32 s4, s5  }
0x129: {  	v53, _, _ =	vpop (xrf0);
	[tilespmem:s17], [sflag:$0x5] =	stream.linear.gather [hbm4b:s5+s15], $0x80, $0x38;
	[tilespmem:$0x10200] =	vst v63  }
0x12a: {  	s5 =	sshll.u32 s16, $0x4;
	s16 =	spop (v2sf);
	(v2sf) =	vpush v53, $0xF  }
0x12b: {  	v54 =	vsel vm11, $0x0, v0  }
0x12c: {  	(xrf0) =	vadd.scan.msk.s32 $0xffff, v54;
	_ =	sdelay $0x1  }
0x12d: {  	v55, _, _ =	vpop (xrf0);
	s5 =	sand.u32 $0x1FFFFFF0, s5  }
0x12e: {  	s17 =	simm.s32 $0x480;
	s5 =	sadd.s32 s4, s5;
	s6 =	spop (v2sf);
	(v2sf) =	vpush v55, $0xF  }
0x12f: {  	[tilespmem:s17], [sflag:$0x6] =	stream.linear.gather [hbm4b:s5+s15], $0x80, $0x38;
	[tilespmem:$0x10200] =	vst v63  }
0x130: {  	v56 =	vsel vm12, $0x0, v0;
	s5 =	sshll.u32 s16, $0x4  }
0x131: {  	(xrf0) =	vadd.scan.msk.s32 $0xffff, v56;
	v57, _, _ =	vpop (xrf0);
	s5 =	sand.u32 $0x1FFFFFF0, s5  }
0x132: {  	s17 =	simm.s32 $0x500;
	s5 =	sadd.s32 s4, s5;
	s16 =	spop (v2sf);
	(v2sf) =	vpush v57, $0xF  }
0x133: {  	[tilespmem:s17], [sflag:$0x7] =	stream.linear.gather [hbm4b:s5+s15], $0x80, $0x38;
	[tilespmem:$0x10200] =	vst v63  }
0x134: {  	s5 =	sshll.u32 s6, $0x4  }
0x135: {  	v58 =	vsel vm13, $0x0, v0;
	s5 =	sand.u32 $0x1FFFFFF0, s5  }
0x136: {  	(xrf0) =	vadd.scan.msk.s32 $0xffff, v58;
	s5 =	sadd.s32 s4, s5  }
0x137: {  	v59, _, _ =	vpop (xrf0);
	[tilespmem:s18], [sflag:$0x8] =	stream.linear.gather [hbm4b:s5+s15], $0x80, $0x38;
	[tilespmem:$0x10200] =	vst v63  }
0x138: {  	s17 =	spop (v2sf);
	(v2sf) =	vpush v59, $0xF  }
0x139: {  	v60 =	vsel vm14, $0x0, v0;
	s5 =	sshll.u32 s16, $0x4  }
0x13a: {  	(xrf0) =	vadd.scan.msk.s32 $0xffff, v60;
	s5 =	sand.u32 $0x1FFFFFF0, s5  }
0x13b: {  	s5 =	sadd.s32 s4, s5  }
0x13c: {  	v61, _, _ =	vpop (xrf0);
	[tilespmem:s19], [sflag:$0x1] =	stream.linear.gather [hbm4b:s5+s15], $0x80, $0x38;
	[tilespmem:$0x10200] =	vst v63  }
0x13d: {  	s5 =	sshll.u32 s17, $0x4;
	s6 =	spop (v2sf);
	(v2sf) =	vpush v61, $0xF  }
0x13e: {  	v0 =	vsel vm15, $0x0, v0;
	s5 =	sand.u32 $0x1FFFFFF0, s5  }
0x13f: {  	(xrf0) =	vadd.scan.msk.s32 $0xffff, v0;
	s5 =	sadd.s32 s4, s5  }
0x140: {  	v62, _, _ =	vpop (xrf0);
	[tilespmem:s20], [sflag:$0x2] =	stream.linear.gather [hbm4b:s5+s15], $0x80, $0x38;
	[tilespmem:$0x10200] =	vst v63  }
0x141: {  	s16 =	spop (v2sf);
	(v2sf) =	vpush v62, $0xF  }
0x142: {  	s5 =	sshll.u32 s6, $0x4  }
0x143: {  	s5 =	sand.u32 $0x1FFFFFF0, s5  }
0x144: {  	s5 =	sadd.s32 s4, s5  }
0x145: {  	[tilespmem:s21], [sflag:$0x3] =	stream.linear.gather [hbm4b:s5+s15], $0x80, $0x38;
	[tilespmem:$0x10200] =	vst v63  }
0x146: {  	v63, _, _ =	vpop (xrf0);
	s5 =	sshll.u32 s16, $0x4  }
0x147: {  	s5 =	sand.u32 $0x1FFFFFF0, s5;
	s17 =	spop (v2sf);
	(v2sf) =	vpush v63, $0xF  }
0x148: {  	s5 =	sadd.s32 s4, s5  }
0x149: {  	[tilespmem:s22], [sflag:$0x4] =	stream.linear.gather [hbm4b:s5+s15], $0x80, $0x38;
	[tilespmem:$0x10200] =	vst v63  }
0x14a: {  	s5 =	sshll.u32 s17, $0x4  }
0x14b: {  	s5 =	sand.u32 $0x1FFFFFF0, s5  }
0x14c: {  	s6 =	spop (v2sf);
	s5 =	sadd.s32 s4, s5  }
0x14d: {  	[tilespmem:s23], [sflag:$0x5] =	stream.linear.gather [hbm4b:s5+s15], $0x80, $0x38;
	[tilespmem:$0x10200] =	vst v63  }
0x14e: {  	s5 =	sshll.u32 s6, $0x4  }
0x14f: {  	s5 =	sand.u32 $0x1FFFFFF0, s5  }
0x150: {  	s5 =	sadd.s32 s4, s5;
	s16 =	spop (v2sf)  }
0x151: {  	[tilespmem:s24], [sflag:$0x6] =	stream.linear.gather [hbm4b:s5+s15], $0x80, $0x38;
	[tilespmem:$0x10200] =	vst v63  }
0x152: {  	s5 =	sshll.u32 s16, $0x4  }
0x153: {  	s5 =	sand.u32 $0x1FFFFFF0, s5  }
0x154: {  	s5 =	sadd.s32 s4, s5  }
0x155: {  	[tilespmem:s25], [sflag:$0x7] =	stream.linear.gather [hbm4b:s5+s15], $0x80, $0x38;
	[tilespmem:$0x10200] =	vst v63  }
.Ltmp6:
0x156: {  	s17 =	spop (v2sf);
	(pc) =	sbr.rel .LBB2_6-.Ltmp6, $4  }
0x157: {  	s5 =	sshll.u32 s17, $0x4  }
0x158: {  	s5 =	sand.u32 $0x1FFFFFF0, s5  }
0x159: {  	s16 =	simm.s32 $0x10;
	s5 =	sadd.s32 s4, s5  }
0x15a: {  	[tilespmem:s26], [sflag:$0x8] =	stream.linear.gather [hbm4b:s5+s15], $0x80, $0x38;
	[tilespmem:$0x10200] =	vst v63  }
.LBB2_8:
0x15b: {  	_ =	swait.ge [sflag:s28], $0x100  }
0x15c: {  	[sflag:s28] =	ssyncset.done $0x0  }
0x15d: {  	[sflag:s28] =	ssyncadd.s32 $0xFFFFFF00  }
0x15e: {  	_ =	swait.ge [sflag:s29], $0x100  }
0x15f: {  	[sflag:s29] =	ssyncset.done $0x0  }
0x160: {  	[sflag:s29] =	ssyncadd.s32 $0xFFFFFF00  }
0x161: {  	_ =	swait.ge [sflag:s30], $0x100  }
0x162: {  	[sflag:s30] =	ssyncset.done $0x0  }
0x163: {  	[sflag:s30] =	ssyncadd.s32 $0xFFFFFF00  }
0x164: {  	_ =	swait.ge [sflag:s31], $0x100  }
0x165: {  	[sflag:s31] =	ssyncset.done $0x0  }
0x166: {  	[sflag:s31] =	ssyncadd.s32 $0xFFFFFF00  }
0x167: {  	_ =	swait.ge [sflag:s0], $0x100  }
0x168: {  	[sflag:s0] =	ssyncset.done $0x0  }
0x169: {  	[sflag:s0] =	ssyncadd.s32 $0xFFFFFF00  }
0x16a: {  	_ =	swait.ge [sflag:s1], $0x100  }
0x16b: {  	[sflag:s1] =	ssyncset.done $0x0  }
0x16c: {  	s15 =	sadd.s32 $0x2000, s15;
	[sflag:s1] =	ssyncadd.s32 $0xFFFFFF00  }
0x16d: {  	p0 =	sne.s32 s15, $0x40000;
	_ =	swait.ge [sflag:s12], $0x100  }
.Ltmp7:
0x16e: {  	[sflag:s12] =	ssyncset.done $0x0;
	(pc) =	sbr.rel @!p0 .LBB2_9-.Ltmp7, $4  }
0x16f: {  	[sflag:s12] =	ssyncadd.s32 $0xFFFFFF00  }
0x170: {  	_ =	swait.ge [sflag:s13], $0x100  }
0x171: {  	[sflag:s13] =	ssyncset.done $0x0  }
0x172: {  	s16 =	sadd.s32 $0x10, s16;
	[sflag:s13] =	ssyncadd.s32 $0xFFFFFF00  }
.LBB2_6:
0x173: {  	p0 =	seq.s32 s15, $0x3E000  }
.Ltmp8:
0x174: {  	_ = 	snop;
	(pc) =	sbr.rel @p0 .LBB2_8-.Ltmp8, $1  }
0x175: {  	_ =	sdelay $0x3  }
0x176: {  	v0 =	vld [tilespmem:s16+$0x0];
	_ =	sdelay $0x4  }
0x177: {  	v1 =	vnsel vm0, $0x0, v0  }
0x178: {  	(xrf0) =	vadd.scan.msk.s32 $0xffff, v1;
	_ =	sdelay $0x3  }
0x179: {  	v34 =	vsel vm1, $0x0, v0  }
0x17a: {  	(xrf0) =	vadd.scan.msk.s32 $0xffff, v34  }
0x17b: {  	v35, _, _ =	vpop (xrf0)  }
0x17c: {  	(v2sf) =	vpush v35, $0xF;
	_ =	sdelay $0x1  }
0x17d: {  	v36 =	vsel vm2, $0x0, v0  }
0x17e: {  	(xrf0) =	vadd.scan.msk.s32 $0xffff, v36  }
0x17f: {  	v37, _, _ =	vpop (xrf0)  }
0x180: {  	(v2sf) =	vpush v37, $0xF;
	_ =	sdelay $0x1  }
0x181: {  	v38 =	vsel vm3, $0x0, v0  }
0x182: {  	(xrf0) =	vadd.scan.msk.s32 $0xffff, v38  }
0x183: {  	v39, _, _ =	vpop (xrf0)  }
0x184: {  	(v2sf) =	vpush v39, $0xF;
	_ =	sdelay $0x1  }
0x185: {  	v40 =	vsel vm4, $0x0, v0  }
0x186: {  	(xrf0) =	vadd.scan.msk.s32 $0xffff, v40  }
0x187: {  	v41, _, _ =	vpop (xrf0)  }
0x188: {  	s5 =	spop (v2sf);
	(v2sf) =	vpush v41, $0xF  }
0x189: {  	s6 =	sshll.u32 s5, $0x4  }
0x18a: {  	v42 =	vsel vm5, $0x0, v0;
	s5 =	sshra.s32 s15, $0x2;
	s6 =	sand.u32 $0x1FFFFFF0, s6  }
0x18b: {  	(xrf0) =	vadd.scan.msk.s32 $0xffff, v42;
	s17 =	sadd.s32 $0xA00, s5;
	s6 =	sadd.s32 s4, s6  }
0x18c: {  	v43, _, _ =	vpop (xrf0);
	[tilespmem:s17], [sflag:$0x1] =	stream.linear.gather [hbm4b:s6+s2], $0x80, $0x38;
	[tilespmem:$0x10200] =	vst v63  }
0x18d: {  	s17 =	spop (v2sf);
	(v2sf) =	vpush v43, $0xF  }
0x18e: {  	s6 =	sshll.u32 s17, $0x4  }
0x18f: {  	v44 =	vsel vm6, $0x0, v0;
	s6 =	sand.u32 $0x1FFFFFF0, s6  }
0x190: {  	(xrf0) =	vadd.scan.msk.s32 $0xffff, v44;
	s17 =	sadd.s32 $0xA80, s5;
	s6 =	sadd.s32 s4, s6  }
0x191: {  	v45, _, _ =	vpop (xrf0);
	[tilespmem:s17], [sflag:$0x2] =	stream.linear.gather [hbm4b:s6+s2], $0x80, $0x38;
	[tilespmem:$0x10200] =	vst v63  }
0x192: {  	s17 =	spop (v2sf);
	(v2sf) =	vpush v45, $0xF  }
0x193: {  	s6 =	sshll.u32 s17, $0x4  }
0x194: {  	v46 =	vsel vm7, $0x0, v0;
	s6 =	sand.u32 $0x1FFFFFF0, s6  }
0x195: {  	(xrf0) =	vadd.scan.msk.s32 $0xffff, v46;
	s17 =	sadd.s32 $0xB00, s5;
	s6 =	sadd.s32 s4, s6  }
0x196: {  	v47, _, _ =	vpop (xrf0);
	[tilespmem:s17], [sflag:$0x3] =	stream.linear.gather [hbm4b:s6+s2], $0x80, $0x38;
	[tilespmem:$0x10200] =	vst v63  }
0x197: {  	s17 =	spop (v2sf);
	(v2sf) =	vpush v47, $0xF  }
0x198: {  	s6 =	sshll.u32 s17, $0x4  }
0x199: {  	v48 =	vsel vm8, $0x0, v0;
	s6 =	sand.u32 $0x1FFFFFF0, s6  }
0x19a: {  	(xrf0) =	vadd.scan.msk.s32 $0xffff, v48;
	s17 =	sadd.s32 $0xB80, s5;
	s6 =	sadd.s32 s4, s6  }
0x19b: {  	v49, _, _ =	vpop (xrf0);
	[tilespmem:s17], [sflag:$0x4] =	stream.linear.gather [hbm4b:s6+s2], $0x80, $0x38;
	[tilespmem:$0x10200] =	vst v63  }
0x19c: {  	s17 =	spop (v2sf);
	(v2sf) =	vpush v49, $0xF  }
0x19d: {  	s6 =	sshll.u32 s17, $0x4  }
0x19e: {  	v50 =	vsel vm9, $0x0, v0;
	s6 =	sand.u32 $0x1FFFFFF0, s6  }
0x19f: {  	(xrf0) =	vadd.scan.msk.s32 $0xffff, v50;
	s17 =	sadd.s32 $0xC00, s5;
	s6 =	sadd.s32 s4, s6  }
0x1a0: {  	v51, _, _ =	vpop (xrf0);
	[tilespmem:s17], [sflag:$0x5] =	stream.linear.gather [hbm4b:s6+s2], $0x80, $0x38;
	[tilespmem:$0x10200] =	vst v63  }
0x1a1: {  	s17 =	spop (v2sf);
	(v2sf) =	vpush v51, $0xF  }
0x1a2: {  	s6 =	sshll.u32 s17, $0x4  }
0x1a3: {  	v52 =	vsel vm10, $0x0, v0;
	s6 =	sand.u32 $0x1FFFFFF0, s6  }
0x1a4: {  	(xrf0) =	vadd.scan.msk.s32 $0xffff, v52;
	s17 =	sadd.s32 $0xC80, s5;
	s6 =	sadd.s32 s4, s6  }
0x1a5: {  	v53, _, _ =	vpop (xrf0);
	[tilespmem:s17], [sflag:$0x6] =	stream.linear.gather [hbm4b:s6+s2], $0x80, $0x38;
	[tilespmem:$0x10200] =	vst v63  }
0x1a6: {  	s17 =	spop (v2sf);
	(v2sf) =	vpush v53, $0xF  }
0x1a7: {  	s6 =	sshll.u32 s17, $0x4  }
0x1a8: {  	v54 =	vsel vm11, $0x0, v0;
	s6 =	sand.u32 $0x1FFFFFF0, s6  }
0x1a9: {  	(xrf0) =	vadd.scan.msk.s32 $0xffff, v54;
	s17 =	sadd.s32 $0xD00, s5;
	s6 =	sadd.s32 s4, s6  }
0x1aa: {  	v55, _, _ =	vpop (xrf0);
	[tilespmem:s17], [sflag:$0x7] =	stream.linear.gather [hbm4b:s6+s2], $0x80, $0x38;
	[tilespmem:$0x10200] =	vst v63  }
0x1ab: {  	s17 =	spop (v2sf);
	(v2sf) =	vpush v55, $0xF  }
0x1ac: {  	s6 =	sshll.u32 s17, $0x4  }
0x1ad: {  	v56 =	vsel vm12, $0x0, v0;
	s6 =	sand.u32 $0x1FFFFFF0, s6  }
0x1ae: {  	(xrf0) =	vadd.scan.msk.s32 $0xffff, v56;
	s17 =	sadd.s32 $0xD80, s5;
	s6 =	sadd.s32 s4, s6  }
0x1af: {  	v57, _, _ =	vpop (xrf0);
	[tilespmem:s17], [sflag:$0x8] =	stream.linear.gather [hbm4b:s6+s2], $0x80, $0x38;
	[tilespmem:$0x10200] =	vst v63  }
0x1b0: {  	s17 =	spop (v2sf);
	(v2sf) =	vpush v57, $0xF  }
0x1b1: {  	s6 =	sshll.u32 s17, $0x4  }
0x1b2: {  	v58 =	vsel vm13, $0x0, v0;
	s6 =	sand.u32 $0x1FFFFFF0, s6  }
0x1b3: {  	(xrf0) =	vadd.scan.msk.s32 $0xffff, v58;
	s17 =	sadd.s32 $0xE00, s5;
	s6 =	sadd.s32 s4, s6  }
0x1b4: {  	v59, _, _ =	vpop (xrf0);
	[tilespmem:s17], [sflag:$0x1] =	stream.linear.gather [hbm4b:s6+s2], $0x80, $0x38;
	[tilespmem:$0x10200] =	vst v63  }
0x1b5: {  	s17 =	spop (v2sf);
	(v2sf) =	vpush v59, $0xF  }
0x1b6: {  	s6 =	sshll.u32 s17, $0x4  }
0x1b7: {  	v60 =	vsel vm14, $0x0, v0;
	s6 =	sand.u32 $0x1FFFFFF0, s6  }
0x1b8: {  	(xrf0) =	vadd.scan.msk.s32 $0xffff, v60;
	s17 =	sadd.s32 $0xE80, s5;
	s6 =	sadd.s32 s4, s6  }
0x1b9: {  	v61, _, _ =	vpop (xrf0);
	[tilespmem:s17], [sflag:$0x2] =	stream.linear.gather [hbm4b:s6+s2], $0x80, $0x38;
	[tilespmem:$0x10200] =	vst v63  }
0x1ba: {  	s17 =	spop (v2sf);
	(v2sf) =	vpush v61, $0xF  }
0x1bb: {  	s6 =	sshll.u32 s17, $0x4  }
0x1bc: {  	v0 =	vsel vm15, $0x0, v0;
	s6 =	sand.u32 $0x1FFFFFF0, s6  }
0x1bd: {  	(xrf0) =	vadd.scan.msk.s32 $0xffff, v0;
	s17 =	sadd.s32 $0xF00, s5;
	s6 =	sadd.s32 s4, s6  }
0x1be: {  	v62, _, _ =	vpop (xrf0);
	[tilespmem:s17], [sflag:$0x3] =	stream.linear.gather [hbm4b:s6+s2], $0x80, $0x38;
	[tilespmem:$0x10200] =	vst v63  }
0x1bf: {  	s17 =	spop (v2sf);
	(v2sf) =	vpush v62, $0xF  }
0x1c0: {  	s6 =	sshll.u32 s17, $0x4  }
0x1c1: {  	s6 =	sand.u32 $0x1FFFFFF0, s6  }
0x1c2: {  	s17 =	sadd.s32 $0xF80, s5;
	s6 =	sadd.s32 s4, s6  }
0x1c3: {  	v63, _, _ =	vpop (xrf0);
	[tilespmem:s17], [sflag:$0x4] =	stream.linear.gather [hbm4b:s6+s2], $0x80, $0x38;
	[tilespmem:$0x10200] =	vst v63  }
0x1c4: {  	s17 =	spop (v2sf);
	(v2sf) =	vpush v63, $0xF  }
0x1c5: {  	s6 =	sshll.u32 s17, $0x4  }
0x1c6: {  	s6 =	sand.u32 $0x1FFFFFF0, s6  }
0x1c7: {  	s17 =	sadd.s32 $0x1000, s5;
	s6 =	sadd.s32 s4, s6  }
0x1c8: {  	[tilespmem:s17], [sflag:$0x5] =	stream.linear.gather [hbm4b:s6+s2], $0x80, $0x38;
	[tilespmem:$0x10200] =	vst v63  }
0x1c9: {  	s17 =	spop (v2sf)  }
0x1ca: {  	s6 =	sshll.u32 s17, $0x4  }
0x1cb: {  	s6 =	sand.u32 $0x1FFFFFF0, s6  }
0x1cc: {  	s17 =	sadd.s32 $0x1080, s5;
	s6 =	sadd.s32 s4, s6  }
0x1cd: {  	[tilespmem:s17], [sflag:$0x6] =	stream.linear.gather [hbm4b:s6+s2], $0x80, $0x38;
	[tilespmem:$0x10200] =	vst v63  }
0x1ce: {  	s17 =	spop (v2sf)  }
0x1cf: {  	s6 =	sshll.u32 s17, $0x4  }
0x1d0: {  	s6 =	sand.u32 $0x1FFFFFF0, s6  }
0x1d1: {  	s17 =	sadd.s32 $0x1100, s5;
	s6 =	sadd.s32 s4, s6  }
0x1d2: {  	[tilespmem:s17], [sflag:$0x7] =	stream.linear.gather [hbm4b:s6+s2], $0x80, $0x38;
	[tilespmem:$0x10200] =	vst v63  }
.Ltmp9:
0x1d3: {  	s17 =	spop (v2sf);
	(pc) =	sbr.rel .LBB2_8-.Ltmp9, $4  }
0x1d4: {  	s6 =	sshll.u32 s17, $0x4  }
0x1d5: {  	s6 =	sand.u32 $0x1FFFFFF0, s6  }
0x1d6: {  	s5 =	sadd.s32 $0x1180, s5;
	s6 =	sadd.s32 s4, s6  }
0x1d7: {  	[tilespmem:s5], [sflag:$0x8] =	stream.linear.gather [hbm4b:s6+s2], $0x80, $0x38;
	[tilespmem:$0x10200] =	vst v63  }
.LBB2_10:
0x1d8: {  	_ =	sfence.sel $0x180000  }
0x1d9: {  	[bflag:$0x0] =	sbarrier.arrive $0xFFFF  }
0x1da: {  	_ =	strace $0x90000047  }
0x1db: {  	s0 =	stileid.u32;
	[bflag:$0x2] =	sbarrier.arrive $0xFFFF  }
0x1dc: {  	p0 =	sne.s32 s0, $0x0;
	s0 =	rddreg [dreg:$0x3]  }
0x1dd: {  	s0 =	sadd.s32 @!p0 $0x100000, s0  }
0x1de: {  	[sflag:s0] =	ssyncadd.tile.s32 @!p0 $0x1;
	_ =	shalt  }
.Lfunc_end2:
_tile_overlayer_lowered:
.L_overlay_start_2:
0x1df: {  	(tag) =	ssettag $0x2  }
0x1e0: {  	s0 =	rddreg [dreg:$0x0];
	s2 =	stileid.u32  }
0x1e1: {  	s1 =	rddreg [dreg:$0x1];
	p0 =	sne.s32 s2, $0x0  }
0x1e2: {  	s3 =	rddreg [dreg:$0x2];
	[bflag:$0x3] =	sbarrier.arrive $0xFFFF;
	s2 =	simm.s32 @!p0 $0x1C09  }
0x1e3: {  	[timem:s3], [sflag:s2] =	dma.local @!p0 [hbm:s0], s1  }
0x1e4: {  	s0 =	simm.s32 @!p0 $0x9  }
0x1e5: {  	_ =	swait.ge @!p0 [sflag:s0], s1  }
0x1e6: {  	s1 =	ssub.s32 @!p0 $0x0, s1;
	[sflag:s0] =	ssyncset.done @!p0 $0x0  }
0x1e7: {  	[sflag:s0] =	ssyncadd.s32 @!p0 s1  }
0x1e8: {  	[bflag:$0x3] =	sbarrier.arrive $0xFFFF  }
0x1e9: {  	_ =	shalt  }

</sc_bundles>
